<compile_context>
chip_gen: v7x
topology: tpu7x:2x2x1
jax: 0.10.2.dev20260603
libtpu: 0.0.44.dev20260713+nightly
codegen_flags: <defaults>
</compile_context>

<pallas_src>
import functools

import jax
import jax.numpy as jnp
from jax import lax
from jax.experimental import pallas as pl
from jax.experimental.pallas import tpu as pltpu
from jax.experimental.pallas import tpu_sc as plsc

_N, _D = 128, 32768
_NC, _NS = 2, 16
_NW = _NC * _NS
_RPW = _N // _NW
_K = 8
_CHW = _D // _K
_NDMA = 4


def _sc_argmax_body(x_hbm, out_hbm, buf, accv, sem0, sem1):
    c = lax.axis_index("c")
    s = lax.axis_index("s")
    w = s * _NC + c
    row0 = w * _RPW
    sems = (sem0, sem1)
    lane = lax.iota(jnp.int32, 16)
    acc = jnp.zeros((16,), jnp.int32)

    def start_row(r, b):
        seg = _D // _NDMA
        return [
            pltpu.make_async_copy(
                x_hbm.at[row0 + r, pl.ds(j * seg, seg)],
                buf.at[b, pl.ds(j * seg, seg)],
                sems[b],
            )
            for j in range(_NDMA)
        ]

    def launch(copies):
        for cc in copies:
            cc.start()

    cp = start_row(0, 0)
    launch(cp)
    for r in range(_RPW):
        b = r % 2
        if r + 1 < _RPW:
            nxt = start_row(r + 1, (r + 1) % 2)
            launch(nxt)
        for cc in cp:
            cc.wait()

        def step(i, carry):
            vmaxs, vidxs = carry
            ib = jnp.full((16,), i, jnp.int32)
            nmaxs, nidxs = [], []
            for k in range(_K):
                v = buf[b, pl.ds(k * _CHW + i * 16, 16)]
                upd = v > vmaxs[k]
                nmaxs.append(jnp.where(upd, v, vmaxs[k]))
                nidxs.append(jnp.where(upd, ib, vidxs[k]))
            return tuple(nmaxs), tuple(nidxs)

        vmaxs, vidxs = lax.fori_loop(
            0,
            _D // 16 // _K,
            step,
            (
                tuple(jnp.full((16,), -jnp.inf, jnp.float32) for _ in range(_K)),
                tuple(jnp.zeros((16,), jnp.int32) for _ in range(_K)),
            ),
            unroll=4,
        )
        m16 = functools.reduce(jnp.maximum, vmaxs)
        m = jnp.max(m16)
        big = jnp.iinfo(jnp.int32).max
        cand = functools.reduce(
            jnp.minimum,
            [
                jnp.where(
                    vmaxs[k] == m,
                    (vidxs[k] + k * (_CHW // 16)) * 16 + lane,
                    big,
                )
                for k in range(_K)
            ],
        )
        g = jnp.min(cand)
        acc = jnp.where(lane == r, g, acc)
        if r + 1 < _RPW:
            cp = nxt
    accv[...] = acc
    pltpu.sync_copy(accv, out_hbm.at[w])


_sc_argmax = pl.kernel(
    _sc_argmax_body,
    out_type=jax.ShapeDtypeStruct((_NW, 16), jnp.int32),
    mesh=plsc.VectorSubcoreMesh(core_axis_name="c", subcore_axis_name="s"),
    compiler_params=pltpu.CompilerParams(needs_layout_passes=False),
    scratch_types=[
        pltpu.VMEM((2, _D), jnp.float32),
        pltpu.VMEM((16,), jnp.int32),
        pltpu.SemaphoreType.DMA,
        pltpu.SemaphoreType.DMA,
    ],
)


def kernel(logits):
    idx = _sc_argmax(logits)[:, :_RPW].reshape(_N)
    col = jnp.arange(_D, dtype=jnp.int32)[None, :]
    inf = jnp.float32(jnp.inf)
    return jnp.where(col == idx[:, None], inf, -inf)

# --- scband reference (transcript-rebuilt; emitter-appended) ---
"""Pipeline reference for scband-hard-max-map-9663676416215 (READ-ONLY COPY).

The authoritative reference and input builder live on the scoring server;
editing this copy changes nothing except your own understanding.
"""

import jax, jax.numpy as jnp
import numpy as np

# HardMaxMap forward: inputs built outside autograd have no grad_fn, so the
# torch module takes the forward_exact path: one_hot(argmax) then
# (probs - 1e-12) * inf (return_probs defaults to False).

def setup_inputs(seed: int = 0) -> dict:
    key = jax.random.key(seed)
    logits = jax.random.normal(key, (128, 32768), dtype=jnp.float32)
    return {"logits": logits}


def reference(logits):
    idx = jnp.argmax(logits, axis=1)
    probs = jax.nn.one_hot(idx, logits.shape[1], dtype=jnp.float32)
    mapped_output = (probs - 1e-12) * np.inf
    return mapped_output

if __name__ == "__main__":
    import jax
    _d = setup_inputs()
    print(jax.jit(kernel)(*tuple(_d.values())))

</pallas_src>

<mosaic_0001>
#map = affine_map<(d0, d1) -> (0, 0)>
module attributes {stable_mosaic.version = 14 : i64} {
  func.func @_sc_argmax_body(%arg0: i32, %arg1: i32, %arg2: memref<128x32768xf32, #tpu.memory_space<hbm>>, %arg3: memref<32x16xi32, #tpu.memory_space<hbm>>, %arg4: memref<2x32768xf32, #tpu.memory_space<vmem>>, %arg5: memref<16xi32, #tpu.memory_space<vmem>>, %arg6: memref<!tpu.dma_semaphore, #tpu.memory_space<semaphore_mem>>, %arg7: memref<!tpu.dma_semaphore, #tpu.memory_space<semaphore_mem>>) attributes {dimension_semantics = [#tpu.dimension_semantics<core_parallel>, #tpu.dimension_semantics<subcore_parallel>], iteration_bounds = array<i64: 2, 16>, scalar_prefetch = 0 : i64, scratch_operands = 4 : i64, tpu.core_type = #tpu.core_type<sc_vector_subcore>, window_params = [{transform_indices = #map}, {transform_indices = #map}]} {
    %mul3A = arith.constant 2 : i32
    %mul3A_0 = arith.muli %arg1, %mul3A : i32
    %add3A = arith.addi %mul3A_0, %arg0 : i32
    %mul3A_1 = arith.constant 4 : i32
    %mul3A_2 = arith.muli %add3A, %mul3A_1 : i32
    %iota3A = tpu.iota {dimensions = array<i32: 0>} : vector<16xi32>
    %broadcast_in_dim3A = arith.constant 0 : i32
    %broadcast_in_dim3A_3 = vector.broadcast %broadcast_in_dim3A : i32 to vector<16xi32>
    %add3A_4 = arith.constant 0 : i32
    %add3A_5 = arith.addi %mul3A_2, %add3A_4 : i32
    %add3A_6 = arith.constant 0 : i32
    %add3A_7 = arith.addi %mul3A_2, %add3A_6 : i32
    %add3A_8 = arith.constant 0 : i32
    %add3A_9 = arith.addi %mul3A_2, %add3A_8 : i32
    %add3A_10 = arith.constant 0 : i32
    %add3A_11 = arith.addi %mul3A_2, %add3A_10 : i32
    %dma_start3A = arith.constant 0 : i32
    %dma_start3A_12 = arith.constant 0 : i32
    %dma_start3A_13 = tpu.memref_slice %arg4[%dma_start3A, %dma_start3A_12] : memref<2x32768xf32, #tpu.memory_space<vmem>> -> memref<1x8192xf32, #tpu.memory_space<vmem>>
    %dma_start3A_14 = tpu.memref_squeeze %dma_start3A_13 : memref<1x8192xf32, #tpu.memory_space<vmem>> -> memref<8192xf32, #tpu.memory_space<vmem>>
    %dma_start3A_15 = arith.constant 0 : i32
    %dma_start3A_16 = tpu.memref_slice %arg2[%add3A_5, %dma_start3A_15] : memref<128x32768xf32, #tpu.memory_space<hbm>> -> memref<1x8192xf32, #tpu.memory_space<hbm>>
    %dma_start3A_17 = tpu.memref_squeeze %dma_start3A_16 : memref<1x8192xf32, #tpu.memory_space<hbm>> -> memref<8192xf32, #tpu.memory_space<hbm>>
    %dma_start3A_18 = arith.constant 0 : i32
    %dma_start3A_19 = tpu.memref_slice %arg4[%dma_start3A, %dma_start3A_18] : memref<2x32768xf32, #tpu.memory_space<vmem>> -> memref<1x8192xf32, #tpu.memory_space<vmem>>
    %dma_start3A_20 = tpu.memref_squeeze %dma_start3A_19 : memref<1x8192xf32, #tpu.memory_space<vmem>> -> memref<8192xf32, #tpu.memory_space<vmem>>
    %dma_start3A_21 = arith.constant 0 : i32
    %dma_start3A_22 = tpu.memref_slice %arg2[%add3A_5, %dma_start3A_21] : memref<128x32768xf32, #tpu.memory_space<hbm>> -> memref<1x8192xf32, #tpu.memory_space<hbm>>
    %dma_start3A_23 = tpu.memref_squeeze %dma_start3A_22 : memref<1x8192xf32, #tpu.memory_space<hbm>> -> memref<8192xf32, #tpu.memory_space<hbm>>
    tpu.enqueue_dma source(%dma_start3A_23 : memref<8192xf32, #tpu.memory_space<hbm>>) target(%dma_start3A_20 : memref<8192xf32, #tpu.memory_space<vmem>>) target_semaphore(%arg6 : memref<!tpu.dma_semaphore, #tpu.memory_space<semaphore_mem>>)
    %dma_start3A_24 = arith.constant 0 : i32
    %dma_start3A_25 = arith.constant 8192 : i32
    %dma_start3A_26 = tpu.memref_slice %arg4[%dma_start3A_24, %dma_start3A_25] : memref<2x32768xf32, #tpu.memory_space<vmem>> -> memref<1x8192xf32, #tpu.memory_space<vmem>>
    %dma_start3A_27 = tpu.memref_squeeze %dma_start3A_26 : memref<1x8192xf32, #tpu.memory_space<vmem>> -> memref<8192xf32, #tpu.memory_space<vmem>>
    %dma_start3A_28 = arith.constant 8192 : i32
    %dma_start3A_29 = tpu.memref_slice %arg2[%add3A_7, %dma_start3A_28] : memref<128x32768xf32, #tpu.memory_space<hbm>> -> memref<1x8192xf32, #tpu.memory_space<hbm>>
    %dma_start3A_30 = tpu.memref_squeeze %dma_start3A_29 : memref<1x8192xf32, #tpu.memory_space<hbm>> -> memref<8192xf32, #tpu.memory_space<hbm>>
    %dma_start3A_31 = arith.constant 8192 : i32
    %dma_start3A_32 = tpu.memref_slice %arg4[%dma_start3A_24, %dma_start3A_31] : memref<2x32768xf32, #tpu.memory_space<vmem>> -> memref<1x8192xf32, #tpu.memory_space<vmem>>
    %dma_start3A_33 = tpu.memref_squeeze %dma_start3A_32 : memref<1x8192xf32, #tpu.memory_space<vmem>> -> memref<8192xf32, #tpu.memory_space<vmem>>
    %dma_start3A_34 = arith.constant 8192 : i32
    %dma_start3A_35 = tpu.memref_slice %arg2[%add3A_7, %dma_start3A_34] : memref<128x32768xf32, #tpu.memory_space<hbm>> -> memref<1x8192xf32, #tpu.memory_space<hbm>>
    %dma_start3A_36 = tpu.memref_squeeze %dma_start3A_35 : memref<1x8192xf32, #tpu.memory_space<hbm>> -> memref<8192xf32, #tpu.memory_space<hbm>>
    tpu.enqueue_dma source(%dma_start3A_36 : memref<8192xf32, #tpu.memory_space<hbm>>) target(%dma_start3A_33 : memref<8192xf32, #tpu.memory_space<vmem>>) target_semaphore(%arg6 : memref<!tpu.dma_semaphore, #tpu.memory_space<semaphore_mem>>)
    %dma_start3A_37 = arith.constant 0 : i32
    %dma_start3A_38 = arith.constant 16384 : i32
    %dma_start3A_39 = tpu.memref_slice %arg4[%dma_start3A_37, %dma_start3A_38] : memref<2x32768xf32, #tpu.memory_space<vmem>> -> memref<1x8192xf32, #tpu.memory_space<vmem>>
    %dma_start3A_40 = tpu.memref_squeeze %dma_start3A_39 : memref<1x8192xf32, #tpu.memory_space<vmem>> -> memref<8192xf32, #tpu.memory_space<vmem>>
    %dma_start3A_41 = arith.constant 16384 : i32
    %dma_start3A_42 = tpu.memref_slice %arg2[%add3A_9, %dma_start3A_41] : memref<128x32768xf32, #tpu.memory_space<hbm>> -> memref<1x8192xf32, #tpu.memory_space<hbm>>
    %dma_start3A_43 = tpu.memref_squeeze %dma_start3A_42 : memref<1x8192xf32, #tpu.memory_space<hbm>> -> memref<8192xf32, #tpu.memory_space<hbm>>
    %dma_start3A_44 = arith.constant 16384 : i32
    %dma_start3A_45 = tpu.memref_slice %arg4[%dma_start3A_37, %dma_start3A_44] : memref<2x32768xf32, #tpu.memory_space<vmem>> -> memref<1x8192xf32, #tpu.memory_space<vmem>>
    %dma_start3A_46 = tpu.memref_squeeze %dma_start3A_45 : memref<1x8192xf32, #tpu.memory_space<vmem>> -> memref<8192xf32, #tpu.memory_space<vmem>>
    %dma_start3A_47 = arith.constant 16384 : i32
    %dma_start3A_48 = tpu.memref_slice %arg2[%add3A_9, %dma_start3A_47] : memref<128x32768xf32, #tpu.memory_space<hbm>> -> memref<1x8192xf32, #tpu.memory_space<hbm>>
    %dma_start3A_49 = tpu.memref_squeeze %dma_start3A_48 : memref<1x8192xf32, #tpu.memory_space<hbm>> -> memref<8192xf32, #tpu.memory_space<hbm>>
    tpu.enqueue_dma source(%dma_start3A_49 : memref<8192xf32, #tpu.memory_space<hbm>>) target(%dma_start3A_46 : memref<8192xf32, #tpu.memory_space<vmem>>) target_semaphore(%arg6 : memref<!tpu.dma_semaphore, #tpu.memory_space<semaphore_mem>>)
    %dma_start3A_50 = arith.constant 0 : i32
    %dma_start3A_51 = arith.constant 24576 : i32
    %dma_start3A_52 = tpu.memref_slice %arg4[%dma_start3A_50, %dma_start3A_51] : memref<2x32768xf32, #tpu.memory_space<vmem>> -> memref<1x8192xf32, #tpu.memory_space<vmem>>
    %dma_start3A_53 = tpu.memref_squeeze %dma_start3A_52 : memref<1x8192xf32, #tpu.memory_space<vmem>> -> memref<8192xf32, #tpu.memory_space<vmem>>
    %dma_start3A_54 = arith.constant 24576 : i32
    %dma_start3A_55 = tpu.memref_slice %arg2[%add3A_11, %dma_start3A_54] : memref<128x32768xf32, #tpu.memory_space<hbm>> -> memref<1x8192xf32, #tpu.memory_space<hbm>>
    %dma_start3A_56 = tpu.memref_squeeze %dma_start3A_55 : memref<1x8192xf32, #tpu.memory_space<hbm>> -> memref<8192xf32, #tpu.memory_space<hbm>>
    %dma_start3A_57 = arith.constant 24576 : i32
    %dma_start3A_58 = tpu.memref_slice %arg4[%dma_start3A_50, %dma_start3A_57] : memref<2x32768xf32, #tpu.memory_space<vmem>> -> memref<1x8192xf32, #tpu.memory_space<vmem>>
    %dma_start3A_59 = tpu.memref_squeeze %dma_start3A_58 : memref<1x8192xf32, #tpu.memory_space<vmem>> -> memref<8192xf32, #tpu.memory_space<vmem>>
    %dma_start3A_60 = arith.constant 24576 : i32
    %dma_start3A_61 = tpu.memref_slice %arg2[%add3A_11, %dma_start3A_60] : memref<128x32768xf32, #tpu.memory_space<hbm>> -> memref<1x8192xf32, #tpu.memory_space<hbm>>
    %dma_start3A_62 = tpu.memref_squeeze %dma_start3A_61 : memref<1x8192xf32, #tpu.memory_space<hbm>> -> memref<8192xf32, #tpu.memory_space<hbm>>
    tpu.enqueue_dma source(%dma_start3A_62 : memref<8192xf32, #tpu.memory_space<hbm>>) target(%dma_start3A_59 : memref<8192xf32, #tpu.memory_space<vmem>>) target_semaphore(%arg6 : memref<!tpu.dma_semaphore, #tpu.memory_space<semaphore_mem>>)
    %add3A_63 = arith.constant 1 : i32
    %add3A_64 = arith.addi %mul3A_2, %add3A_63 : i32
    %add3A_65 = arith.constant 1 : i32
    %add3A_66 = arith.addi %mul3A_2, %add3A_65 : i32
    %add3A_67 = arith.constant 1 : i32
    %add3A_68 = arith.addi %mul3A_2, %add3A_67 : i32
    %add3A_69 = arith.constant 1 : i32
    %add3A_70 = arith.addi %mul3A_2, %add3A_69 : i32
    %dma_start3A_71 = arith.constant 1 : i32
    %dma_start3A_72 = arith.constant 0 : i32
    %dma_start3A_73 = tpu.memref_slice %arg4[%dma_start3A_71, %dma_start3A_72] : memref<2x32768xf32, #tpu.memory_space<vmem>> -> memref<1x8192xf32, #tpu.memory_space<vmem>>
    %dma_start3A_74 = tpu.memref_squeeze %dma_start3A_73 : memref<1x8192xf32, #tpu.memory_space<vmem>> -> memref<8192xf32, #tpu.memory_space<vmem>>
    %dma_start3A_75 = arith.constant 0 : i32
    %dma_start3A_76 = tpu.memref_slice %arg2[%add3A_64, %dma_start3A_75] : memref<128x32768xf32, #tpu.memory_space<hbm>> -> memref<1x8192xf32, #tpu.memory_space<hbm>>
    %dma_start3A_77 = tpu.memref_squeeze %dma_start3A_76 : memref<1x8192xf32, #tpu.memory_space<hbm>> -> memref<8192xf32, #tpu.memory_space<hbm>>
    %dma_start3A_78 = arith.constant 0 : i32
    %dma_start3A_79 = tpu.memref_slice %arg4[%dma_start3A_71, %dma_start3A_78] : memref<2x32768xf32, #tpu.memory_space<vmem>> -> memref<1x8192xf32, #tpu.memory_space<vmem>>
    %dma_start3A_80 = tpu.memref_squeeze %dma_start3A_79 : memref<1x8192xf32, #tpu.memory_space<vmem>> -> memref<8192xf32, #tpu.memory_space<vmem>>
    %dma_start3A_81 = arith.constant 0 : i32
    %dma_start3A_82 = tpu.memref_slice %arg2[%add3A_64, %dma_start3A_81] : memref<128x32768xf32, #tpu.memory_space<hbm>> -> memref<1x8192xf32, #tpu.memory_space<hbm>>
    %dma_start3A_83 = tpu.memref_squeeze %dma_start3A_82 : memref<1x8192xf32, #tpu.memory_space<hbm>> -> memref<8192xf32, #tpu.memory_space<hbm>>
    tpu.enqueue_dma source(%dma_start3A_83 : memref<8192xf32, #tpu.memory_space<hbm>>) target(%dma_start3A_80 : memref<8192xf32, #tpu.memory_space<vmem>>) target_semaphore(%arg7 : memref<!tpu.dma_semaphore, #tpu.memory_space<semaphore_mem>>)
    %dma_start3A_84 = arith.constant 1 : i32
    %dma_start3A_85 = arith.constant 8192 : i32
    %dma_start3A_86 = tpu.memref_slice %arg4[%dma_start3A_84, %dma_start3A_85] : memref<2x32768xf32, #tpu.memory_space<vmem>> -> memref<1x8192xf32, #tpu.memory_space<vmem>>
    %dma_start3A_87 = tpu.memref_squeeze %dma_start3A_86 : memref<1x8192xf32, #tpu.memory_space<vmem>> -> memref<8192xf32, #tpu.memory_space<vmem>>
    %dma_start3A_88 = arith.constant 8192 : i32
    %dma_start3A_89 = tpu.memref_slice %arg2[%add3A_66, %dma_start3A_88] : memref<128x32768xf32, #tpu.memory_space<hbm>> -> memref<1x8192xf32, #tpu.memory_space<hbm>>
    %dma_start3A_90 = tpu.memref_squeeze %dma_start3A_89 : memref<1x8192xf32, #tpu.memory_space<hbm>> -> memref<8192xf32, #tpu.memory_space<hbm>>
    %dma_start3A_91 = arith.constant 8192 : i32
    %dma_start3A_92 = tpu.memref_slice %arg4[%dma_start3A_84, %dma_start3A_91] : memref<2x32768xf32, #tpu.memory_space<vmem>> -> memref<1x8192xf32, #tpu.memory_space<vmem>>
    %dma_start3A_93 = tpu.memref_squeeze %dma_start3A_92 : memref<1x8192xf32, #tpu.memory_space<vmem>> -> memref<8192xf32, #tpu.memory_space<vmem>>
    %dma_start3A_94 = arith.constant 8192 : i32
    %dma_start3A_95 = tpu.memref_slice %arg2[%add3A_66, %dma_start3A_94] : memref<128x32768xf32, #tpu.memory_space<hbm>> -> memref<1x8192xf32, #tpu.memory_space<hbm>>
    %dma_start3A_96 = tpu.memref_squeeze %dma_start3A_95 : memref<1x8192xf32, #tpu.memory_space<hbm>> -> memref<8192xf32, #tpu.memory_space<hbm>>
    tpu.enqueue_dma source(%dma_start3A_96 : memref<8192xf32, #tpu.memory_space<hbm>>) target(%dma_start3A_93 : memref<8192xf32, #tpu.memory_space<vmem>>) target_semaphore(%arg7 : memref<!tpu.dma_semaphore, #tpu.memory_space<semaphore_mem>>)
    %dma_start3A_97 = arith.constant 1 : i32
    %dma_start3A_98 = arith.constant 16384 : i32
    %dma_start3A_99 = tpu.memref_slice %arg4[%dma_start3A_97, %dma_start3A_98] : memref<2x32768xf32, #tpu.memory_space<vmem>> -> memref<1x8192xf32, #tpu.memory_space<vmem>>
    %dma_start3A_100 = tpu.memref_squeeze %dma_start3A_99 : memref<1x8192xf32, #tpu.memory_space<vmem>> -> memref<8192xf32, #tpu.memory_space<vmem>>
    %dma_start3A_101 = arith.constant 16384 : i32
    %dma_start3A_102 = tpu.memref_slice %arg2[%add3A_68, %dma_start3A_101] : memref<128x32768xf32, #tpu.memory_space<hbm>> -> memref<1x8192xf32, #tpu.memory_space<hbm>>
    %dma_start3A_103 = tpu.memref_squeeze %dma_start3A_102 : memref<1x8192xf32, #tpu.memory_space<hbm>> -> memref<8192xf32, #tpu.memory_space<hbm>>
    %dma_start3A_104 = arith.constant 16384 : i32
    %dma_start3A_105 = tpu.memref_slice %arg4[%dma_start3A_97, %dma_start3A_104] : memref<2x32768xf32, #tpu.memory_space<vmem>> -> memref<1x8192xf32, #tpu.memory_space<vmem>>
    %dma_start3A_106 = tpu.memref_squeeze %dma_start3A_105 : memref<1x8192xf32, #tpu.memory_space<vmem>> -> memref<8192xf32, #tpu.memory_space<vmem>>
    %dma_start3A_107 = arith.constant 16384 : i32
    %dma_start3A_108 = tpu.memref_slice %arg2[%add3A_68, %dma_start3A_107] : memref<128x32768xf32, #tpu.memory_space<hbm>> -> memref<1x8192xf32, #tpu.memory_space<hbm>>
    %dma_start3A_109 = tpu.memref_squeeze %dma_start3A_108 : memref<1x8192xf32, #tpu.memory_space<hbm>> -> memref<8192xf32, #tpu.memory_space<hbm>>
    tpu.enqueue_dma source(%dma_start3A_109 : memref<8192xf32, #tpu.memory_space<hbm>>) target(%dma_start3A_106 : memref<8192xf32, #tpu.memory_space<vmem>>) target_semaphore(%arg7 : memref<!tpu.dma_semaphore, #tpu.memory_space<semaphore_mem>>)
    %dma_start3A_110 = arith.constant 1 : i32
    %dma_start3A_111 = arith.constant 24576 : i32
    %dma_start3A_112 = tpu.memref_slice %arg4[%dma_start3A_110, %dma_start3A_111] : memref<2x32768xf32, #tpu.memory_space<vmem>> -> memref<1x8192xf32, #tpu.memory_space<vmem>>
    %dma_start3A_113 = tpu.memref_squeeze %dma_start3A_112 : memref<1x8192xf32, #tpu.memory_space<vmem>> -> memref<8192xf32, #tpu.memory_space<vmem>>
    %dma_start3A_114 = arith.constant 24576 : i32
    %dma_start3A_115 = tpu.memref_slice %arg2[%add3A_70, %dma_start3A_114] : memref<128x32768xf32, #tpu.memory_space<hbm>> -> memref<1x8192xf32, #tpu.memory_space<hbm>>
    %dma_start3A_116 = tpu.memref_squeeze %dma_start3A_115 : memref<1x8192xf32, #tpu.memory_space<hbm>> -> memref<8192xf32, #tpu.memory_space<hbm>>
    %dma_start3A_117 = arith.constant 24576 : i32
    %dma_start3A_118 = tpu.memref_slice %arg4[%dma_start3A_110, %dma_start3A_117] : memref<2x32768xf32, #tpu.memory_space<vmem>> -> memref<1x8192xf32, #tpu.memory_space<vmem>>
    %dma_start3A_119 = tpu.memref_squeeze %dma_start3A_118 : memref<1x8192xf32, #tpu.memory_space<vmem>> -> memref<8192xf32, #tpu.memory_space<vmem>>
    %dma_start3A_120 = arith.constant 24576 : i32
    %dma_start3A_121 = tpu.memref_slice %arg2[%add3A_70, %dma_start3A_120] : memref<128x32768xf32, #tpu.memory_space<hbm>> -> memref<1x8192xf32, #tpu.memory_space<hbm>>
    %dma_start3A_122 = tpu.memref_squeeze %dma_start3A_121 : memref<1x8192xf32, #tpu.memory_space<hbm>> -> memref<8192xf32, #tpu.memory_space<hbm>>
    tpu.enqueue_dma source(%dma_start3A_122 : memref<8192xf32, #tpu.memory_space<hbm>>) target(%dma_start3A_119 : memref<8192xf32, #tpu.memory_space<vmem>>) target_semaphore(%arg7 : memref<!tpu.dma_semaphore, #tpu.memory_space<semaphore_mem>>)
    %dma_wait3A = arith.constant 0 : i32
    %dma_wait3A_123 = arith.constant 0 : i32
    %dma_wait3A_124 = tpu.memref_slice %arg4[%dma_wait3A, %dma_wait3A_123] : memref<2x32768xf32, #tpu.memory_space<vmem>> -> memref<1x8192xf32, #tpu.memory_space<vmem>>
    %dma_wait3A_125 = tpu.memref_squeeze %dma_wait3A_124 : memref<1x8192xf32, #tpu.memory_space<vmem>> -> memref<8192xf32, #tpu.memory_space<vmem>>
    %dma_wait3A_126 = arith.constant 0 : i32
    %dma_wait3A_127 = tpu.memref_slice %arg2[%add3A_5, %dma_wait3A_126] : memref<128x32768xf32, #tpu.memory_space<hbm>> -> memref<1x8192xf32, #tpu.memory_space<hbm>>
    %dma_wait3A_128 = tpu.memref_squeeze %dma_wait3A_127 : memref<1x8192xf32, #tpu.memory_space<hbm>> -> memref<8192xf32, #tpu.memory_space<hbm>>
    %dma_wait3A_129 = arith.constant 0 : i32
    %dma_wait3A_130 = tpu.memref_slice %arg4[%dma_wait3A, %dma_wait3A_129] : memref<2x32768xf32, #tpu.memory_space<vmem>> -> memref<1x8192xf32, #tpu.memory_space<vmem>>
    %dma_wait3A_131 = tpu.memref_squeeze %dma_wait3A_130 : memref<1x8192xf32, #tpu.memory_space<vmem>> -> memref<8192xf32, #tpu.memory_space<vmem>>
    %dma_wait3A_132 = arith.constant 0 : i32
    %dma_wait3A_133 = tpu.memref_slice %arg2[%add3A_5, %dma_wait3A_132] : memref<128x32768xf32, #tpu.memory_space<hbm>> -> memref<1x8192xf32, #tpu.memory_space<hbm>>
    %dma_wait3A_134 = tpu.memref_squeeze %dma_wait3A_133 : memref<1x8192xf32, #tpu.memory_space<hbm>> -> memref<8192xf32, #tpu.memory_space<hbm>>
    tpu.wait_dma2 semaphore(%arg6 : memref<!tpu.dma_semaphore, #tpu.memory_space<semaphore_mem>>) src(%dma_wait3A_134 : memref<8192xf32, #tpu.memory_space<hbm>>) dst(%dma_wait3A_131 : memref<8192xf32, #tpu.memory_space<vmem>>)
    %dma_wait3A_135 = arith.constant 0 : i32
    %dma_wait3A_136 = arith.constant 8192 : i32
    %dma_wait3A_137 = tpu.memref_slice %arg4[%dma_wait3A_135, %dma_wait3A_136] : memref<2x32768xf32, #tpu.memory_space<vmem>> -> memref<1x8192xf32, #tpu.memory_space<vmem>>
    %dma_wait3A_138 = tpu.memref_squeeze %dma_wait3A_137 : memref<1x8192xf32, #tpu.memory_space<vmem>> -> memref<8192xf32, #tpu.memory_space<vmem>>
    %dma_wait3A_139 = arith.constant 8192 : i32
    %dma_wait3A_140 = tpu.memref_slice %arg2[%add3A_7, %dma_wait3A_139] : memref<128x32768xf32, #tpu.memory_space<hbm>> -> memref<1x8192xf32, #tpu.memory_space<hbm>>
    %dma_wait3A_141 = tpu.memref_squeeze %dma_wait3A_140 : memref<1x8192xf32, #tpu.memory_space<hbm>> -> memref<8192xf32, #tpu.memory_space<hbm>>
    %dma_wait3A_142 = arith.constant 8192 : i32
    %dma_wait3A_143 = tpu.memref_slice %arg4[%dma_wait3A_135, %dma_wait3A_142] : memref<2x32768xf32, #tpu.memory_space<vmem>> -> memref<1x8192xf32, #tpu.memory_space<vmem>>
    %dma_wait3A_144 = tpu.memref_squeeze %dma_wait3A_143 : memref<1x8192xf32, #tpu.memory_space<vmem>> -> memref<8192xf32, #tpu.memory_space<vmem>>
    %dma_wait3A_145 = arith.constant 8192 : i32
    %dma_wait3A_146 = tpu.memref_slice %arg2[%add3A_7, %dma_wait3A_145] : memref<128x32768xf32, #tpu.memory_space<hbm>> -> memref<1x8192xf32, #tpu.memory_space<hbm>>
    %dma_wait3A_147 = tpu.memref_squeeze %dma_wait3A_146 : memref<1x8192xf32, #tpu.memory_space<hbm>> -> memref<8192xf32, #tpu.memory_space<hbm>>
    tpu.wait_dma2 semaphore(%arg6 : memref<!tpu.dma_semaphore, #tpu.memory_space<semaphore_mem>>) src(%dma_wait3A_147 : memref<8192xf32, #tpu.memory_space<hbm>>) dst(%dma_wait3A_144 : memref<8192xf32, #tpu.memory_space<vmem>>)
    %dma_wait3A_148 = arith.constant 0 : i32
    %dma_wait3A_149 = arith.constant 16384 : i32
    %dma_wait3A_150 = tpu.memref_slice %arg4[%dma_wait3A_148, %dma_wait3A_149] : memref<2x32768xf32, #tpu.memory_space<vmem>> -> memref<1x8192xf32, #tpu.memory_space<vmem>>
    %dma_wait3A_151 = tpu.memref_squeeze %dma_wait3A_150 : memref<1x8192xf32, #tpu.memory_space<vmem>> -> memref<8192xf32, #tpu.memory_space<vmem>>
    %dma_wait3A_152 = arith.constant 16384 : i32
    %dma_wait3A_153 = tpu.memref_slice %arg2[%add3A_9, %dma_wait3A_152] : memref<128x32768xf32, #tpu.memory_space<hbm>> -> memref<1x8192xf32, #tpu.memory_space<hbm>>
    %dma_wait3A_154 = tpu.memref_squeeze %dma_wait3A_153 : memref<1x8192xf32, #tpu.memory_space<hbm>> -> memref<8192xf32, #tpu.memory_space<hbm>>
    %dma_wait3A_155 = arith.constant 16384 : i32
    %dma_wait3A_156 = tpu.memref_slice %arg4[%dma_wait3A_148, %dma_wait3A_155] : memref<2x32768xf32, #tpu.memory_space<vmem>> -> memref<1x8192xf32, #tpu.memory_space<vmem>>
    %dma_wait3A_157 = tpu.memref_squeeze %dma_wait3A_156 : memref<1x8192xf32, #tpu.memory_space<vmem>> -> memref<8192xf32, #tpu.memory_space<vmem>>
    %dma_wait3A_158 = arith.constant 16384 : i32
    %dma_wait3A_159 = tpu.memref_slice %arg2[%add3A_9, %dma_wait3A_158] : memref<128x32768xf32, #tpu.memory_space<hbm>> -> memref<1x8192xf32, #tpu.memory_space<hbm>>
    %dma_wait3A_160 = tpu.memref_squeeze %dma_wait3A_159 : memref<1x8192xf32, #tpu.memory_space<hbm>> -> memref<8192xf32, #tpu.memory_space<hbm>>
    tpu.wait_dma2 semaphore(%arg6 : memref<!tpu.dma_semaphore, #tpu.memory_space<semaphore_mem>>) src(%dma_wait3A_160 : memref<8192xf32, #tpu.memory_space<hbm>>) dst(%dma_wait3A_157 : memref<8192xf32, #tpu.memory_space<vmem>>)
    %dma_wait3A_161 = arith.constant 0 : i32
    %dma_wait3A_162 = arith.constant 24576 : i32
    %dma_wait3A_163 = tpu.memref_slice %arg4[%dma_wait3A_161, %dma_wait3A_162] : memref<2x32768xf32, #tpu.memory_space<vmem>> -> memref<1x8192xf32, #tpu.memory_space<vmem>>
    %dma_wait3A_164 = tpu.memref_squeeze %dma_wait3A_163 : memref<1x8192xf32, #tpu.memory_space<vmem>> -> memref<8192xf32, #tpu.memory_space<vmem>>
    %dma_wait3A_165 = arith.constant 24576 : i32
    %dma_wait3A_166 = tpu.memref_slice %arg2[%add3A_11, %dma_wait3A_165] : memref<128x32768xf32, #tpu.memory_space<hbm>> -> memref<1x8192xf32, #tpu.memory_space<hbm>>
    %dma_wait3A_167 = tpu.memref_squeeze %dma_wait3A_166 : memref<1x8192xf32, #tpu.memory_space<hbm>> -> memref<8192xf32, #tpu.memory_space<hbm>>
    %dma_wait3A_168 = arith.constant 24576 : i32
    %dma_wait3A_169 = tpu.memref_slice %arg4[%dma_wait3A_161, %dma_wait3A_168] : memref<2x32768xf32, #tpu.memory_space<vmem>> -> memref<1x8192xf32, #tpu.memory_space<vmem>>
    %dma_wait3A_170 = tpu.memref_squeeze %dma_wait3A_169 : memref<1x8192xf32, #tpu.memory_space<vmem>> -> memref<8192xf32, #tpu.memory_space<vmem>>
    %dma_wait3A_171 = arith.constant 24576 : i32
    %dma_wait3A_172 = tpu.memref_slice %arg2[%add3A_11, %dma_wait3A_171] : memref<128x32768xf32, #tpu.memory_space<hbm>> -> memref<1x8192xf32, #tpu.memory_space<hbm>>
    %dma_wait3A_173 = tpu.memref_squeeze %dma_wait3A_172 : memref<1x8192xf32, #tpu.memory_space<hbm>> -> memref<8192xf32, #tpu.memory_space<hbm>>
    tpu.wait_dma2 semaphore(%arg6 : memref<!tpu.dma_semaphore, #tpu.memory_space<semaphore_mem>>) src(%dma_wait3A_173 : memref<8192xf32, #tpu.memory_space<hbm>>) dst(%dma_wait3A_170 : memref<8192xf32, #tpu.memory_space<vmem>>)
    %broadcast_in_dim3A_174 = arith.constant 0xFF800000 : f32
    %broadcast_in_dim3A_175 = vector.broadcast %broadcast_in_dim3A_174 : f32 to vector<16xf32>
    %broadcast_in_dim3A_176 = arith.constant 0xFF800000 : f32
    %broadcast_in_dim3A_177 = vector.broadcast %broadcast_in_dim3A_176 : f32 to vector<16xf32>
    %broadcast_in_dim3A_178 = arith.constant 0xFF800000 : f32
    %broadcast_in_dim3A_179 = vector.broadcast %broadcast_in_dim3A_178 : f32 to vector<16xf32>
    %broadcast_in_dim3A_180 = arith.constant 0xFF800000 : f32
    %broadcast_in_dim3A_181 = vector.broadcast %broadcast_in_dim3A_180 : f32 to vector<16xf32>
    %broadcast_in_dim3A_182 = arith.constant 0xFF800000 : f32
    %broadcast_in_dim3A_183 = vector.broadcast %broadcast_in_dim3A_182 : f32 to vector<16xf32>
    %broadcast_in_dim3A_184 = arith.constant 0xFF800000 : f32
    %broadcast_in_dim3A_185 = vector.broadcast %broadcast_in_dim3A_184 : f32 to vector<16xf32>
    %broadcast_in_dim3A_186 = arith.constant 0xFF800000 : f32
    %broadcast_in_dim3A_187 = vector.broadcast %broadcast_in_dim3A_186 : f32 to vector<16xf32>
    %broadcast_in_dim3A_188 = arith.constant 0xFF800000 : f32
    %broadcast_in_dim3A_189 = vector.broadcast %broadcast_in_dim3A_188 : f32 to vector<16xf32>
    %broadcast_in_dim3A_190 = arith.constant 0 : i32
    %broadcast_in_dim3A_191 = vector.broadcast %broadcast_in_dim3A_190 : i32 to vector<16xi32>
    %broadcast_in_dim3A_192 = arith.constant 0 : i32
    %broadcast_in_dim3A_193 = vector.broadcast %broadcast_in_dim3A_192 : i32 to vector<16xi32>
    %broadcast_in_dim3A_194 = arith.constant 0 : i32
    %broadcast_in_dim3A_195 = vector.broadcast %broadcast_in_dim3A_194 : i32 to vector<16xi32>
    %broadcast_in_dim3A_196 = arith.constant 0 : i32
    %broadcast_in_dim3A_197 = vector.broadcast %broadcast_in_dim3A_196 : i32 to vector<16xi32>
    %broadcast_in_dim3A_198 = arith.constant 0 : i32
    %broadcast_in_dim3A_199 = vector.broadcast %broadcast_in_dim3A_198 : i32 to vector<16xi32>
    %broadcast_in_dim3A_200 = arith.constant 0 : i32
    %broadcast_in_dim3A_201 = vector.broadcast %broadcast_in_dim3A_200 : i32 to vector<16xi32>
    %broadcast_in_dim3A_202 = arith.constant 0 : i32
    %broadcast_in_dim3A_203 = vector.broadcast %broadcast_in_dim3A_202 : i32 to vector<16xi32>
    %broadcast_in_dim3A_204 = arith.constant 0 : i32
    %broadcast_in_dim3A_205 = vector.broadcast %broadcast_in_dim3A_204 : i32 to vector<16xi32>
    %scan3A = arith.constant 0 : i32
    %scan3A_206 = arith.constant 256 : i32
    %scan3A_207 = arith.addi %scan3A, %scan3A_206 : i32
    %scan3A_208 = arith.constant 4 : i32
    %scan3A_209:16 = scf.for %scan3A_1103 = %scan3A to %scan3A_207 step %scan3A_208 iter_args(%scan3A_1104 = %broadcast_in_dim3A_175, %scan3A_1105 = %broadcast_in_dim3A_177, %scan3A_1106 = %broadcast_in_dim3A_179, %scan3A_1107 = %broadcast_in_dim3A_181, %scan3A_1108 = %broadcast_in_dim3A_183, %scan3A_1109 = %broadcast_in_dim3A_185, %scan3A_1110 = %broadcast_in_dim3A_187, %scan3A_1111 = %broadcast_in_dim3A_189, %scan3A_1112 = %broadcast_in_dim3A_191, %scan3A_1113 = %broadcast_in_dim3A_193, %scan3A_1114 = %broadcast_in_dim3A_195, %scan3A_1115 = %broadcast_in_dim3A_197, %scan3A_1116 = %broadcast_in_dim3A_199, %scan3A_1117 = %broadcast_in_dim3A_201, %scan3A_1118 = %broadcast_in_dim3A_203, %scan3A_1119 = %broadcast_in_dim3A_205) -> (vector<16xf32>, vector<16xf32>, vector<16xf32>, vector<16xf32>, vector<16xf32>, vector<16xf32>, vector<16xf32>, vector<16xf32>, vector<16xi32>, vector<16xi32>, vector<16xi32>, vector<16xi32>, vector<16xi32>, vector<16xi32>, vector<16xi32>, vector<16xi32>)  : i32 {
      %broadcast_in_dim3A_1120 = vector.broadcast %scan3A_1103 : i32 to vector<16xi32>
      %mul3A_1121 = arith.constant 16 : i32
      %mul3A_1122 = arith.muli %scan3A_1103, %mul3A_1121 : i32
      %add3A_1123 = arith.constant 0 : i32
      %add3A_1124 = arith.addi %add3A_1123, %mul3A_1122 : i32
      %get3A = arith.constant 0 : i32
      %get3A_1125 = arith.index_cast %get3A : i32 to index
      %get3A_1126 = arith.index_cast %add3A_1124 : i32 to index
      %get3A_1127 = tpu.vector_load %arg4[%get3A_1125, %get3A_1126] {strides = array<i32>} : memref<2x32768xf32, #tpu.memory_space<vmem>>, vector<16xf32>,
      %gt3A = arith.cmpf ogt, %get3A_1127, %scan3A_1104 : vector<16xf32>
      %select_n3A_1128 = arith.select %gt3A, %get3A_1127, %scan3A_1104 : vector<16xi1>, vector<16xf32>
      %select_n3A_1129 = arith.select %gt3A, %broadcast_in_dim3A_1120, %scan3A_1112 : vector<16xi1>, vector<16xi32>
      %mul3A_1130 = arith.constant 16 : i32
      %mul3A_1131 = arith.muli %scan3A_1103, %mul3A_1130 : i32
      %add3A_1132 = arith.constant 4096 : i32
      %add3A_1133 = arith.addi %add3A_1132, %mul3A_1131 : i32
      %get3A_1134 = arith.constant 0 : i32
      %get3A_1135 = arith.index_cast %get3A_1134 : i32 to index
      %get3A_1136 = arith.index_cast %add3A_1133 : i32 to index
      %get3A_1137 = tpu.vector_load %arg4[%get3A_1135, %get3A_1136] {strides = array<i32>} : memref<2x32768xf32, #tpu.memory_space<vmem>>, vector<16xf32>,
      %gt3A_1138 = arith.cmpf ogt, %get3A_1137, %scan3A_1105 : vector<16xf32>
      %select_n3A_1139 = arith.select %gt3A_1138, %get3A_1137, %scan3A_1105 : vector<16xi1>, vector<16xf32>
      %select_n3A_1140 = arith.select %gt3A_1138, %broadcast_in_dim3A_1120, %scan3A_1113 : vector<16xi1>, vector<16xi32>
      %mul3A_1141 = arith.constant 16 : i32
      %mul3A_1142 = arith.muli %scan3A_1103, %mul3A_1141 : i32
      %add3A_1143 = arith.constant 8192 : i32
      %add3A_1144 = arith.addi %add3A_1143, %mul3A_1142 : i32
      %get3A_1145 = arith.constant 0 : i32
      %get3A_1146 = arith.index_cast %get3A_1145 : i32 to index
      %get3A_1147 = arith.index_cast %add3A_1144 : i32 to index
      %get3A_1148 = tpu.vector_load %arg4[%get3A_1146, %get3A_1147] {strides = array<i32>} : memref<2x32768xf32, #tpu.memory_space<vmem>>, vector<16xf32>,
      %gt3A_1149 = arith.cmpf ogt, %get3A_1148, %scan3A_1106 : vector<16xf32>
      %select_n3A_1150 = arith.select %gt3A_1149, %get3A_1148, %scan3A_1106 : vector<16xi1>, vector<16xf32>
      %select_n3A_1151 = arith.select %gt3A_1149, %broadcast_in_dim3A_1120, %scan3A_1114 : vector<16xi1>, vector<16xi32>
      %mul3A_1152 = arith.constant 16 : i32
      %mul3A_1153 = arith.muli %scan3A_1103, %mul3A_1152 : i32
      %add3A_1154 = arith.constant 12288 : i32
      %add3A_1155 = arith.addi %add3A_1154, %mul3A_1153 : i32
      %get3A_1156 = arith.constant 0 : i32
      %get3A_1157 = arith.index_cast %get3A_1156 : i32 to index
      %get3A_1158 = arith.index_cast %add3A_1155 : i32 to index
      %get3A_1159 = tpu.vector_load %arg4[%get3A_1157, %get3A_1158] {strides = array<i32>} : memref<2x32768xf32, #tpu.memory_space<vmem>>, vector<16xf32>,
      %gt3A_1160 = arith.cmpf ogt, %get3A_1159, %scan3A_1107 : vector<16xf32>
      %select_n3A_1161 = arith.select %gt3A_1160, %get3A_1159, %scan3A_1107 : vector<16xi1>, vector<16xf32>
      %select_n3A_1162 = arith.select %gt3A_1160, %broadcast_in_dim3A_1120, %scan3A_1115 : vector<16xi1>, vector<16xi32>
      %mul3A_1163 = arith.constant 16 : i32
      %mul3A_1164 = arith.muli %scan3A_1103, %mul3A_1163 : i32
      %add3A_1165 = arith.constant 16384 : i32
      %add3A_1166 = arith.addi %add3A_1165, %mul3A_1164 : i32
      %get3A_1167 = arith.constant 0 : i32
      %get3A_1168 = arith.index_cast %get3A_1167 : i32 to index
      %get3A_1169 = arith.index_cast %add3A_1166 : i32 to index
      %get3A_1170 = tpu.vector_load %arg4[%get3A_1168, %get3A_1169] {strides = array<i32>} : memref<2x32768xf32, #tpu.memory_space<vmem>>, vector<16xf32>,
      %gt3A_1171 = arith.cmpf ogt, %get3A_1170, %scan3A_1108 : vector<16xf32>
      %select_n3A_1172 = arith.select %gt3A_1171, %get3A_1170, %scan3A_1108 : vector<16xi1>, vector<16xf32>
      %select_n3A_1173 = arith.select %gt3A_1171, %broadcast_in_dim3A_1120, %scan3A_1116 : vector<16xi1>, vector<16xi32>
      %mul3A_1174 = arith.constant 16 : i32
      %mul3A_1175 = arith.muli %scan3A_1103, %mul3A_1174 : i32
      %add3A_1176 = arith.constant 20480 : i32
      %add3A_1177 = arith.addi %add3A_1176, %mul3A_1175 : i32
      %get3A_1178 = arith.constant 0 : i32
      %get3A_1179 = arith.index_cast %get3A_1178 : i32 to index
      %get3A_1180 = arith.index_cast %add3A_1177 : i32 to index
      %get3A_1181 = tpu.vector_load %arg4[%get3A_1179, %get3A_1180] {strides = array<i32>} : memref<2x32768xf32, #tpu.memory_space<vmem>>, vector<16xf32>,
      %gt3A_1182 = arith.cmpf ogt, %get3A_1181, %scan3A_1109 : vector<16xf32>
      %select_n3A_1183 = arith.select %gt3A_1182, %get3A_1181, %scan3A_1109 : vector<16xi1>, vector<16xf32>
      %select_n3A_1184 = arith.select %gt3A_1182, %broadcast_in_dim3A_1120, %scan3A_1117 : vector<16xi1>, vector<16xi32>
      %mul3A_1185 = arith.constant 16 : i32
      %mul3A_1186 = arith.muli %scan3A_1103, %mul3A_1185 : i32
      %add3A_1187 = arith.constant 24576 : i32
      %add3A_1188 = arith.addi %add3A_1187, %mul3A_1186 : i32
      %get3A_1189 = arith.constant 0 : i32
      %get3A_1190 = arith.index_cast %get3A_1189 : i32 to index
      %get3A_1191 = arith.index_cast %add3A_1188 : i32 to index
      %get3A_1192 = tpu.vector_load %arg4[%get3A_1190, %get3A_1191] {strides = array<i32>} : memref<2x32768xf32, #tpu.memory_space<vmem>>, vector<16xf32>,
      %gt3A_1193 = arith.cmpf ogt, %get3A_1192, %scan3A_1110 : vector<16xf32>
      %select_n3A_1194 = arith.select %gt3A_1193, %get3A_1192, %scan3A_1110 : vector<16xi1>, vector<16xf32>
      %select_n3A_1195 = arith.select %gt3A_1193, %broadcast_in_dim3A_1120, %scan3A_1118 : vector<16xi1>, vector<16xi32>
      %mul3A_1196 = arith.constant 16 : i32
      %mul3A_1197 = arith.muli %scan3A_1103, %mul3A_1196 : i32
      %add3A_1198 = arith.constant 28672 : i32
      %add3A_1199 = arith.addi %add3A_1198, %mul3A_1197 : i32
      %get3A_1200 = arith.constant 0 : i32
      %get3A_1201 = arith.index_cast %get3A_1200 : i32 to index
      %get3A_1202 = arith.index_cast %add3A_1199 : i32 to index
      %get3A_1203 = tpu.vector_load %arg4[%get3A_1201, %get3A_1202] {strides = array<i32>} : memref<2x32768xf32, #tpu.memory_space<vmem>>, vector<16xf32>,
      %gt3A_1204 = arith.cmpf ogt, %get3A_1203, %scan3A_1111 : vector<16xf32>
      %select_n3A_1205 = arith.select %gt3A_1204, %get3A_1203, %scan3A_1111 : vector<16xi1>, vector<16xf32>
      %select_n3A_1206 = arith.select %gt3A_1204, %broadcast_in_dim3A_1120, %scan3A_1119 : vector<16xi1>, vector<16xi32>
      %scan3A_1207 = arith.constant 1 : i32
      %scan3A_1208 = arith.addi %scan3A_1103, %scan3A_1207 : i32
      %broadcast_in_dim3A_1209 = vector.broadcast %scan3A_1208 : i32 to vector<16xi32>
      %mul3A_1210 = arith.constant 16 : i32
      %mul3A_1211 = arith.muli %scan3A_1208, %mul3A_1210 : i32
      %add3A_1212 = arith.constant 0 : i32
      %add3A_1213 = arith.addi %add3A_1212, %mul3A_1211 : i32
      %get3A_1214 = arith.constant 0 : i32
      %get3A_1215 = arith.index_cast %get3A_1214 : i32 to index
      %get3A_1216 = arith.index_cast %add3A_1213 : i32 to index
      %get3A_1217 = tpu.vector_load %arg4[%get3A_1215, %get3A_1216] {strides = array<i32>} : memref<2x32768xf32, #tpu.memory_space<vmem>>, vector<16xf32>,
      %gt3A_1218 = arith.cmpf ogt, %get3A_1217, %select_n3A_1128 : vector<16xf32>
      %select_n3A_1219 = arith.select %gt3A_1218, %get3A_1217, %select_n3A_1128 : vector<16xi1>, vector<16xf32>
      %select_n3A_1220 = arith.select %gt3A_1218, %broadcast_in_dim3A_1209, %select_n3A_1129 : vector<16xi1>, vector<16xi32>
      %mul3A_1221 = arith.constant 16 : i32
      %mul3A_1222 = arith.muli %scan3A_1208, %mul3A_1221 : i32
      %add3A_1223 = arith.constant 4096 : i32
      %add3A_1224 = arith.addi %add3A_1223, %mul3A_1222 : i32
      %get3A_1225 = arith.constant 0 : i32
      %get3A_1226 = arith.index_cast %get3A_1225 : i32 to index
      %get3A_1227 = arith.index_cast %add3A_1224 : i32 to index
      %get3A_1228 = tpu.vector_load %arg4[%get3A_1226, %get3A_1227] {strides = array<i32>} : memref<2x32768xf32, #tpu.memory_space<vmem>>, vector<16xf32>,
      %gt3A_1229 = arith.cmpf ogt, %get3A_1228, %select_n3A_1139 : vector<16xf32>
      %select_n3A_1230 = arith.select %gt3A_1229, %get3A_1228, %select_n3A_1139 : vector<16xi1>, vector<16xf32>
      %select_n3A_1231 = arith.select %gt3A_1229, %broadcast_in_dim3A_1209, %select_n3A_1140 : vector<16xi1>, vector<16xi32>
      %mul3A_1232 = arith.constant 16 : i32
      %mul3A_1233 = arith.muli %scan3A_1208, %mul3A_1232 : i32
      %add3A_1234 = arith.constant 8192 : i32
      %add3A_1235 = arith.addi %add3A_1234, %mul3A_1233 : i32
      %get3A_1236 = arith.constant 0 : i32
      %get3A_1237 = arith.index_cast %get3A_1236 : i32 to index
      %get3A_1238 = arith.index_cast %add3A_1235 : i32 to index
      %get3A_1239 = tpu.vector_load %arg4[%get3A_1237, %get3A_1238] {strides = array<i32>} : memref<2x32768xf32, #tpu.memory_space<vmem>>, vector<16xf32>,
      %gt3A_1240 = arith.cmpf ogt, %get3A_1239, %select_n3A_1150 : vector<16xf32>
      %select_n3A_1241 = arith.select %gt3A_1240, %get3A_1239, %select_n3A_1150 : vector<16xi1>, vector<16xf32>
      %select_n3A_1242 = arith.select %gt3A_1240, %broadcast_in_dim3A_1209, %select_n3A_1151 : vector<16xi1>, vector<16xi32>
      %mul3A_1243 = arith.constant 16 : i32
      %mul3A_1244 = arith.muli %scan3A_1208, %mul3A_1243 : i32
      %add3A_1245 = arith.constant 12288 : i32
      %add3A_1246 = arith.addi %add3A_1245, %mul3A_1244 : i32
      %get3A_1247 = arith.constant 0 : i32
      %get3A_1248 = arith.index_cast %get3A_1247 : i32 to index
      %get3A_1249 = arith.index_cast %add3A_1246 : i32 to index
      %get3A_1250 = tpu.vector_load %arg4[%get3A_1248, %get3A_1249] {strides = array<i32>} : memref<2x32768xf32, #tpu.memory_space<vmem>>, vector<16xf32>,
      %gt3A_1251 = arith.cmpf ogt, %get3A_1250, %select_n3A_1161 : vector<16xf32>
      %select_n3A_1252 = arith.select %gt3A_1251, %get3A_1250, %select_n3A_1161 : vector<16xi1>, vector<16xf32>
      %select_n3A_1253 = arith.select %gt3A_1251, %broadcast_in_dim3A_1209, %select_n3A_1162 : vector<16xi1>, vector<16xi32>
      %mul3A_1254 = arith.constant 16 : i32
      %mul3A_1255 = arith.muli %scan3A_1208, %mul3A_1254 : i32
      %add3A_1256 = arith.constant 16384 : i32
      %add3A_1257 = arith.addi %add3A_1256, %mul3A_1255 : i32
      %get3A_1258 = arith.constant 0 : i32
      %get3A_1259 = arith.index_cast %get3A_1258 : i32 to index
      %get3A_1260 = arith.index_cast %add3A_1257 : i32 to index
      %get3A_1261 = tpu.vector_load %arg4[%get3A_1259, %get3A_1260] {strides = array<i32>} : memref<2x32768xf32, #tpu.memory_space<vmem>>, vector<16xf32>,
      %gt3A_1262 = arith.cmpf ogt, %get3A_1261, %select_n3A_1172 : vector<16xf32>
      %select_n3A_1263 = arith.select %gt3A_1262, %get3A_1261, %select_n3A_1172 : vector<16xi1>, vector<16xf32>
      %select_n3A_1264 = arith.select %gt3A_1262, %broadcast_in_dim3A_1209, %select_n3A_1173 : vector<16xi1>, vector<16xi32>
      %mul3A_1265 = arith.constant 16 : i32
      %mul3A_1266 = arith.muli %scan3A_1208, %mul3A_1265 : i32
      %add3A_1267 = arith.constant 20480 : i32
      %add3A_1268 = arith.addi %add3A_1267, %mul3A_1266 : i32
      %get3A_1269 = arith.constant 0 : i32
      %get3A_1270 = arith.index_cast %get3A_1269 : i32 to index
      %get3A_1271 = arith.index_cast %add3A_1268 : i32 to index
      %get3A_1272 = tpu.vector_load %arg4[%get3A_1270, %get3A_1271] {strides = array<i32>} : memref<2x32768xf32, #tpu.memory_space<vmem>>, vector<16xf32>,
      %gt3A_1273 = arith.cmpf ogt, %get3A_1272, %select_n3A_1183 : vector<16xf32>
      %select_n3A_1274 = arith.select %gt3A_1273, %get3A_1272, %select_n3A_1183 : vector<16xi1>, vector<16xf32>
      %select_n3A_1275 = arith.select %gt3A_1273, %broadcast_in_dim3A_1209, %select_n3A_1184 : vector<16xi1>, vector<16xi32>
      %mul3A_1276 = arith.constant 16 : i32
      %mul3A_1277 = arith.muli %scan3A_1208, %mul3A_1276 : i32
      %add3A_1278 = arith.constant 24576 : i32
      %add3A_1279 = arith.addi %add3A_1278, %mul3A_1277 : i32
      %get3A_1280 = arith.constant 0 : i32
      %get3A_1281 = arith.index_cast %get3A_1280 : i32 to index
      %get3A_1282 = arith.index_cast %add3A_1279 : i32 to index
      %get3A_1283 = tpu.vector_load %arg4[%get3A_1281, %get3A_1282] {strides = array<i32>} : memref<2x32768xf32, #tpu.memory_space<vmem>>, vector<16xf32>,
      %gt3A_1284 = arith.cmpf ogt, %get3A_1283, %select_n3A_1194 : vector<16xf32>
      %select_n3A_1285 = arith.select %gt3A_1284, %get3A_1283, %select_n3A_1194 : vector<16xi1>, vector<16xf32>
      %select_n3A_1286 = arith.select %gt3A_1284, %broadcast_in_dim3A_1209, %select_n3A_1195 : vector<16xi1>, vector<16xi32>
      %mul3A_1287 = arith.constant 16 : i32
      %mul3A_1288 = arith.muli %scan3A_1208, %mul3A_1287 : i32
      %add3A_1289 = arith.constant 28672 : i32
      %add3A_1290 = arith.addi %add3A_1289, %mul3A_1288 : i32
      %get3A_1291 = arith.constant 0 : i32
      %get3A_1292 = arith.index_cast %get3A_1291 : i32 to index
      %get3A_1293 = arith.index_cast %add3A_1290 : i32 to index
      %get3A_1294 = tpu.vector_load %arg4[%get3A_1292, %get3A_1293] {strides = array<i32>} : memref<2x32768xf32, #tpu.memory_space<vmem>>, vector<16xf32>,
      %gt3A_1295 = arith.cmpf ogt, %get3A_1294, %select_n3A_1205 : vector<16xf32>
      %select_n3A_1296 = arith.select %gt3A_1295, %get3A_1294, %select_n3A_1205 : vector<16xi1>, vector<16xf32>
      %select_n3A_1297 = arith.select %gt3A_1295, %broadcast_in_dim3A_1209, %select_n3A_1206 : vector<16xi1>, vector<16xi32>
      %scan3A_1298 = arith.constant 2 : i32
      %scan3A_1299 = arith.addi %scan3A_1103, %scan3A_1298 : i32
      %broadcast_in_dim3A_1300 = vector.broadcast %scan3A_1299 : i32 to vector<16xi32>
      %mul3A_1301 = arith.constant 16 : i32
      %mul3A_1302 = arith.muli %scan3A_1299, %mul3A_1301 : i32
      %add3A_1303 = arith.constant 0 : i32
      %add3A_1304 = arith.addi %add3A_1303, %mul3A_1302 : i32
      %get3A_1305 = arith.constant 0 : i32
      %get3A_1306 = arith.index_cast %get3A_1305 : i32 to index
      %get3A_1307 = arith.index_cast %add3A_1304 : i32 to index
      %get3A_1308 = tpu.vector_load %arg4[%get3A_1306, %get3A_1307] {strides = array<i32>} : memref<2x32768xf32, #tpu.memory_space<vmem>>, vector<16xf32>,
      %gt3A_1309 = arith.cmpf ogt, %get3A_1308, %select_n3A_1219 : vector<16xf32>
      %select_n3A_1310 = arith.select %gt3A_1309, %get3A_1308, %select_n3A_1219 : vector<16xi1>, vector<16xf32>
      %select_n3A_1311 = arith.select %gt3A_1309, %broadcast_in_dim3A_1300, %select_n3A_1220 : vector<16xi1>, vector<16xi32>
      %mul3A_1312 = arith.constant 16 : i32
      %mul3A_1313 = arith.muli %scan3A_1299, %mul3A_1312 : i32
      %add3A_1314 = arith.constant 4096 : i32
      %add3A_1315 = arith.addi %add3A_1314, %mul3A_1313 : i32
      %get3A_1316 = arith.constant 0 : i32
      %get3A_1317 = arith.index_cast %get3A_1316 : i32 to index
      %get3A_1318 = arith.index_cast %add3A_1315 : i32 to index
      %get3A_1319 = tpu.vector_load %arg4[%get3A_1317, %get3A_1318] {strides = array<i32>} : memref<2x32768xf32, #tpu.memory_space<vmem>>, vector<16xf32>,
      %gt3A_1320 = arith.cmpf ogt, %get3A_1319, %select_n3A_1230 : vector<16xf32>
      %select_n3A_1321 = arith.select %gt3A_1320, %get3A_1319, %select_n3A_1230 : vector<16xi1>, vector<16xf32>
      %select_n3A_1322 = arith.select %gt3A_1320, %broadcast_in_dim3A_1300, %select_n3A_1231 : vector<16xi1>, vector<16xi32>
      %mul3A_1323 = arith.constant 16 : i32
      %mul3A_1324 = arith.muli %scan3A_1299, %mul3A_1323 : i32
      %add3A_1325 = arith.constant 8192 : i32
      %add3A_1326 = arith.addi %add3A_1325, %mul3A_1324 : i32
      %get3A_1327 = arith.constant 0 : i32
      %get3A_1328 = arith.index_cast %get3A_1327 : i32 to index
      %get3A_1329 = arith.index_cast %add3A_1326 : i32 to index
      %get3A_1330 = tpu.vector_load %arg4[%get3A_1328, %get3A_1329] {strides = array<i32>} : memref<2x32768xf32, #tpu.memory_space<vmem>>, vector<16xf32>,
      %gt3A_1331 = arith.cmpf ogt, %get3A_1330, %select_n3A_1241 : vector<16xf32>
      %select_n3A_1332 = arith.select %gt3A_1331, %get3A_1330, %select_n3A_1241 : vector<16xi1>, vector<16xf32>
      %select_n3A_1333 = arith.select %gt3A_1331, %broadcast_in_dim3A_1300, %select_n3A_1242 : vector<16xi1>, vector<16xi32>
      %mul3A_1334 = arith.constant 16 : i32
      %mul3A_1335 = arith.muli %scan3A_1299, %mul3A_1334 : i32
      %add3A_1336 = arith.constant 12288 : i32
      %add3A_1337 = arith.addi %add3A_1336, %mul3A_1335 : i32
      %get3A_1338 = arith.constant 0 : i32
      %get3A_1339 = arith.index_cast %get3A_1338 : i32 to index
      %get3A_1340 = arith.index_cast %add3A_1337 : i32 to index
      %get3A_1341 = tpu.vector_load %arg4[%get3A_1339, %get3A_1340] {strides = array<i32>} : memref<2x32768xf32, #tpu.memory_space<vmem>>, vector<16xf32>,
      %gt3A_1342 = arith.cmpf ogt, %get3A_1341, %select_n3A_1252 : vector<16xf32>
      %select_n3A_1343 = arith.select %gt3A_1342, %get3A_1341, %select_n3A_1252 : vector<16xi1>, vector<16xf32>
      %select_n3A_1344 = arith.select %gt3A_1342, %broadcast_in_dim3A_1300, %select_n3A_1253 : vector<16xi1>, vector<16xi32>
      %mul3A_1345 = arith.constant 16 : i32
      %mul3A_1346 = arith.muli %scan3A_1299, %mul3A_1345 : i32
      %add3A_1347 = arith.constant 16384 : i32
      %add3A_1348 = arith.addi %add3A_1347, %mul3A_1346 : i32
      %get3A_1349 = arith.constant 0 : i32
      %get3A_1350 = arith.index_cast %get3A_1349 : i32 to index
      %get3A_1351 = arith.index_cast %add3A_1348 : i32 to index
      %get3A_1352 = tpu.vector_load %arg4[%get3A_1350, %get3A_1351] {strides = array<i32>} : memref<2x32768xf32, #tpu.memory_space<vmem>>, vector<16xf32>,
      %gt3A_1353 = arith.cmpf ogt, %get3A_1352, %select_n3A_1263 : vector<16xf32>
      %select_n3A_1354 = arith.select %gt3A_1353, %get3A_1352, %select_n3A_1263 : vector<16xi1>, vector<16xf32>
      %select_n3A_1355 = arith.select %gt3A_1353, %broadcast_in_dim3A_1300, %select_n3A_1264 : vector<16xi1>, vector<16xi32>
      %mul3A_1356 = arith.constant 16 : i32
      %mul3A_1357 = arith.muli %scan3A_1299, %mul3A_1356 : i32
      %add3A_1358 = arith.constant 20480 : i32
      %add3A_1359 = arith.addi %add3A_1358, %mul3A_1357 : i32
      %get3A_1360 = arith.constant 0 : i32
      %get3A_1361 = arith.index_cast %get3A_1360 : i32 to index
      %get3A_1362 = arith.index_cast %add3A_1359 : i32 to index
      %get3A_1363 = tpu.vector_load %arg4[%get3A_1361, %get3A_1362] {strides = array<i32>} : memref<2x32768xf32, #tpu.memory_space<vmem>>, vector<16xf32>,
      %gt3A_1364 = arith.cmpf ogt, %get3A_1363, %select_n3A_1274 : vector<16xf32>
      %select_n3A_1365 = arith.select %gt3A_1364, %get3A_1363, %select_n3A_1274 : vector<16xi1>, vector<16xf32>
      %select_n3A_1366 = arith.select %gt3A_1364, %broadcast_in_dim3A_1300, %select_n3A_1275 : vector<16xi1>, vector<16xi32>
      %mul3A_1367 = arith.constant 16 : i32
      %mul3A_1368 = arith.muli %scan3A_1299, %mul3A_1367 : i32
      %add3A_1369 = arith.constant 24576 : i32
      %add3A_1370 = arith.addi %add3A_1369, %mul3A_1368 : i32
      %get3A_1371 = arith.constant 0 : i32
      %get3A_1372 = arith.index_cast %get3A_1371 : i32 to index
      %get3A_1373 = arith.index_cast %add3A_1370 : i32 to index
      %get3A_1374 = tpu.vector_load %arg4[%get3A_1372, %get3A_1373] {strides = array<i32>} : memref<2x32768xf32, #tpu.memory_space<vmem>>, vector<16xf32>,
      %gt3A_1375 = arith.cmpf ogt, %get3A_1374, %select_n3A_1285 : vector<16xf32>
      %select_n3A_1376 = arith.select %gt3A_1375, %get3A_1374, %select_n3A_1285 : vector<16xi1>, vector<16xf32>
      %select_n3A_1377 = arith.select %gt3A_1375, %broadcast_in_dim3A_1300, %select_n3A_1286 : vector<16xi1>, vector<16xi32>
      %mul3A_1378 = arith.constant 16 : i32
      %mul3A_1379 = arith.muli %scan3A_1299, %mul3A_1378 : i32
      %add3A_1380 = arith.constant 28672 : i32
      %add3A_1381 = arith.addi %add3A_1380, %mul3A_1379 : i32
      %get3A_1382 = arith.constant 0 : i32
      %get3A_1383 = arith.index_cast %get3A_1382 : i32 to index
      %get3A_1384 = arith.index_cast %add3A_1381 : i32 to index
      %get3A_1385 = tpu.vector_load %arg4[%get3A_1383, %get3A_1384] {strides = array<i32>} : memref<2x32768xf32, #tpu.memory_space<vmem>>, vector<16xf32>,
      %gt3A_1386 = arith.cmpf ogt, %get3A_1385, %select_n3A_1296 : vector<16xf32>
      %select_n3A_1387 = arith.select %gt3A_1386, %get3A_1385, %select_n3A_1296 : vector<16xi1>, vector<16xf32>
      %select_n3A_1388 = arith.select %gt3A_1386, %broadcast_in_dim3A_1300, %select_n3A_1297 : vector<16xi1>, vector<16xi32>
      %scan3A_1389 = arith.constant 3 : i32
      %scan3A_1390 = arith.addi %scan3A_1103, %scan3A_1389 : i32
      %broadcast_in_dim3A_1391 = vector.broadcast %scan3A_1390 : i32 to vector<16xi32>
      %mul3A_1392 = arith.constant 16 : i32
      %mul3A_1393 = arith.muli %scan3A_1390, %mul3A_1392 : i32
      %add3A_1394 = arith.constant 0 : i32
      %add3A_1395 = arith.addi %add3A_1394, %mul3A_1393 : i32
      %get3A_1396 = arith.constant 0 : i32
      %get3A_1397 = arith.index_cast %get3A_1396 : i32 to index
      %get3A_1398 = arith.index_cast %add3A_1395 : i32 to index
      %get3A_1399 = tpu.vector_load %arg4[%get3A_1397, %get3A_1398] {strides = array<i32>} : memref<2x32768xf32, #tpu.memory_space<vmem>>, vector<16xf32>,
      %gt3A_1400 = arith.cmpf ogt, %get3A_1399, %select_n3A_1310 : vector<16xf32>
      %select_n3A_1401 = arith.select %gt3A_1400, %get3A_1399, %select_n3A_1310 : vector<16xi1>, vector<16xf32>
      %select_n3A_1402 = arith.select %gt3A_1400, %broadcast_in_dim3A_1391, %select_n3A_1311 : vector<16xi1>, vector<16xi32>
      %mul3A_1403 = arith.constant 16 : i32
      %mul3A_1404 = arith.muli %scan3A_1390, %mul3A_1403 : i32
      %add3A_1405 = arith.constant 4096 : i32
      %add3A_1406 = arith.addi %add3A_1405, %mul3A_1404 : i32
      %get3A_1407 = arith.constant 0 : i32
      %get3A_1408 = arith.index_cast %get3A_1407 : i32 to index
      %get3A_1409 = arith.index_cast %add3A_1406 : i32 to index
      %get3A_1410 = tpu.vector_load %arg4[%get3A_1408, %get3A_1409] {strides = array<i32>} : memref<2x32768xf32, #tpu.memory_space<vmem>>, vector<16xf32>,
      %gt3A_1411 = arith.cmpf ogt, %get3A_1410, %select_n3A_1321 : vector<16xf32>
      %select_n3A_1412 = arith.select %gt3A_1411, %get3A_1410, %select_n3A_1321 : vector<16xi1>, vector<16xf32>
      %select_n3A_1413 = arith.select %gt3A_1411, %broadcast_in_dim3A_1391, %select_n3A_1322 : vector<16xi1>, vector<16xi32>
      %mul3A_1414 = arith.constant 16 : i32
      %mul3A_1415 = arith.muli %scan3A_1390, %mul3A_1414 : i32
      %add3A_1416 = arith.constant 8192 : i32
      %add3A_1417 = arith.addi %add3A_1416, %mul3A_1415 : i32
      %get3A_1418 = arith.constant 0 : i32
      %get3A_1419 = arith.index_cast %get3A_1418 : i32 to index
      %get3A_1420 = arith.index_cast %add3A_1417 : i32 to index
      %get3A_1421 = tpu.vector_load %arg4[%get3A_1419, %get3A_1420] {strides = array<i32>} : memref<2x32768xf32, #tpu.memory_space<vmem>>, vector<16xf32>,
      %gt3A_1422 = arith.cmpf ogt, %get3A_1421, %select_n3A_1332 : vector<16xf32>
      %select_n3A_1423 = arith.select %gt3A_1422, %get3A_1421, %select_n3A_1332 : vector<16xi1>, vector<16xf32>
      %select_n3A_1424 = arith.select %gt3A_1422, %broadcast_in_dim3A_1391, %select_n3A_1333 : vector<16xi1>, vector<16xi32>
      %mul3A_1425 = arith.constant 16 : i32
      %mul3A_1426 = arith.muli %scan3A_1390, %mul3A_1425 : i32
      %add3A_1427 = arith.constant 12288 : i32
      %add3A_1428 = arith.addi %add3A_1427, %mul3A_1426 : i32
      %get3A_1429 = arith.constant 0 : i32
      %get3A_1430 = arith.index_cast %get3A_1429 : i32 to index
      %get3A_1431 = arith.index_cast %add3A_1428 : i32 to index
      %get3A_1432 = tpu.vector_load %arg4[%get3A_1430, %get3A_1431] {strides = array<i32>} : memref<2x32768xf32, #tpu.memory_space<vmem>>, vector<16xf32>,
      %gt3A_1433 = arith.cmpf ogt, %get3A_1432, %select_n3A_1343 : vector<16xf32>
      %select_n3A_1434 = arith.select %gt3A_1433, %get3A_1432, %select_n3A_1343 : vector<16xi1>, vector<16xf32>
      %select_n3A_1435 = arith.select %gt3A_1433, %broadcast_in_dim3A_1391, %select_n3A_1344 : vector<16xi1>, vector<16xi32>
      %mul3A_1436 = arith.constant 16 : i32
      %mul3A_1437 = arith.muli %scan3A_1390, %mul3A_1436 : i32
      %add3A_1438 = arith.constant 16384 : i32
      %add3A_1439 = arith.addi %add3A_1438, %mul3A_1437 : i32
      %get3A_1440 = arith.constant 0 : i32
      %get3A_1441 = arith.index_cast %get3A_1440 : i32 to index
      %get3A_1442 = arith.index_cast %add3A_1439 : i32 to index
      %get3A_1443 = tpu.vector_load %arg4[%get3A_1441, %get3A_1442] {strides = array<i32>} : memref<2x32768xf32, #tpu.memory_space<vmem>>, vector<16xf32>,
      %gt3A_1444 = arith.cmpf ogt, %get3A_1443, %select_n3A_1354 : vector<16xf32>
      %select_n3A_1445 = arith.select %gt3A_1444, %get3A_1443, %select_n3A_1354 : vector<16xi1>, vector<16xf32>
      %select_n3A_1446 = arith.select %gt3A_1444, %broadcast_in_dim3A_1391, %select_n3A_1355 : vector<16xi1>, vector<16xi32>
      %mul3A_1447 = arith.constant 16 : i32
      %mul3A_1448 = arith.muli %scan3A_1390, %mul3A_1447 : i32
      %add3A_1449 = arith.constant 20480 : i32
      %add3A_1450 = arith.addi %add3A_1449, %mul3A_1448 : i32
      %get3A_1451 = arith.constant 0 : i32
      %get3A_1452 = arith.index_cast %get3A_1451 : i32 to index
      %get3A_1453 = arith.index_cast %add3A_1450 : i32 to index
      %get3A_1454 = tpu.vector_load %arg4[%get3A_1452, %get3A_1453] {strides = array<i32>} : memref<2x32768xf32, #tpu.memory_space<vmem>>, vector<16xf32>,
      %gt3A_1455 = arith.cmpf ogt, %get3A_1454, %select_n3A_1365 : vector<16xf32>
      %select_n3A_1456 = arith.select %gt3A_1455, %get3A_1454, %select_n3A_1365 : vector<16xi1>, vector<16xf32>
      %select_n3A_1457 = arith.select %gt3A_1455, %broadcast_in_dim3A_1391, %select_n3A_1366 : vector<16xi1>, vector<16xi32>
      %mul3A_1458 = arith.constant 16 : i32
      %mul3A_1459 = arith.muli %scan3A_1390, %mul3A_1458 : i32
      %add3A_1460 = arith.constant 24576 : i32
      %add3A_1461 = arith.addi %add3A_1460, %mul3A_1459 : i32
      %get3A_1462 = arith.constant 0 : i32
      %get3A_1463 = arith.index_cast %get3A_1462 : i32 to index
      %get3A_1464 = arith.index_cast %add3A_1461 : i32 to index
      %get3A_1465 = tpu.vector_load %arg4[%get3A_1463, %get3A_1464] {strides = array<i32>} : memref<2x32768xf32, #tpu.memory_space<vmem>>, vector<16xf32>,
      %gt3A_1466 = arith.cmpf ogt, %get3A_1465, %select_n3A_1376 : vector<16xf32>
      %select_n3A_1467 = arith.select %gt3A_1466, %get3A_1465, %select_n3A_1376 : vector<16xi1>, vector<16xf32>
      %select_n3A_1468 = arith.select %gt3A_1466, %broadcast_in_dim3A_1391, %select_n3A_1377 : vector<16xi1>, vector<16xi32>
      %mul3A_1469 = arith.constant 16 : i32
      %mul3A_1470 = arith.muli %scan3A_1390, %mul3A_1469 : i32
      %add3A_1471 = arith.constant 28672 : i32
      %add3A_1472 = arith.addi %add3A_1471, %mul3A_1470 : i32
      %get3A_1473 = arith.constant 0 : i32
      %get3A_1474 = arith.index_cast %get3A_1473 : i32 to index
      %get3A_1475 = arith.index_cast %add3A_1472 : i32 to index
      %get3A_1476 = tpu.vector_load %arg4[%get3A_1474, %get3A_1475] {strides = array<i32>} : memref<2x32768xf32, #tpu.memory_space<vmem>>, vector<16xf32>,
      %gt3A_1477 = arith.cmpf ogt, %get3A_1476, %select_n3A_1387 : vector<16xf32>
      %select_n3A_1478 = arith.select %gt3A_1477, %get3A_1476, %select_n3A_1387 : vector<16xi1>, vector<16xf32>
      %select_n3A_1479 = arith.select %gt3A_1477, %broadcast_in_dim3A_1391, %select_n3A_1388 : vector<16xi1>, vector<16xi32>
      scf.yield %select_n3A_1401, %select_n3A_1412, %select_n3A_1423, %select_n3A_1434, %select_n3A_1445, %select_n3A_1456, %select_n3A_1467, %select_n3A_1478, %select_n3A_1402, %select_n3A_1413, %select_n3A_1424, %select_n3A_1435, %select_n3A_1446, %select_n3A_1457, %select_n3A_1468, %select_n3A_1479 : vector<16xf32>, vector<16xf32>, vector<16xf32>, vector<16xf32>, vector<16xf32>, vector<16xf32>, vector<16xf32>, vector<16xf32>, vector<16xi32>, vector<16xi32>, vector<16xi32>, vector<16xi32>, vector<16xi32>, vector<16xi32>, vector<16xi32>, vector<16xi32>
    }
    %scan3A_210 = arith.constant 256 : i32
    %max3A = arith.maximumf %scan3A_209#0, %scan3A_209#1 : vector<16xf32>
    %max3A_211 = arith.maximumf %max3A, %scan3A_209#2 : vector<16xf32>
    %max3A_212 = arith.maximumf %max3A_211, %scan3A_209#3 : vector<16xf32>
    %max3A_213 = arith.maximumf %max3A_212, %scan3A_209#4 : vector<16xf32>
    %max3A_214 = arith.maximumf %max3A_213, %scan3A_209#5 : vector<16xf32>
    %max3A_215 = arith.maximumf %max3A_214, %scan3A_209#6 : vector<16xf32>
    %max3A_216 = arith.maximumf %max3A_215, %scan3A_209#7 : vector<16xf32>
    %reduce_max3A = arith.constant true
    %reduce_max3A_217 = vector.broadcast %reduce_max3A : i1 to vector<16xi1>
    %reduce_max3A_218 = tpu.scan <max>, %max3A_216 masked %reduce_max3A_217 : vector<16xf32>, vector<16xi1> -> vector<16xf32>
    %reduce_max3A_219 = vector.extract %reduce_max3A_218[15] : f32 from vector<16xf32>
    %eq3A = vector.broadcast %reduce_max3A_219 : f32 to vector<16xf32>
    %eq3A_220 = arith.cmpf oeq, %scan3A_209#0, %eq3A : vector<16xf32>
    %add3A_221 = arith.constant 0 : i32
    %add3A_222 = vector.broadcast %add3A_221 : i32 to vector<16xi32>
    %add3A_223 = arith.addi %scan3A_209#8, %add3A_222 : vector<16xi32>
    %mul3A_224 = arith.constant 16 : i32
    %mul3A_225 = vector.broadcast %mul3A_224 : i32 to vector<16xi32>
    %mul3A_226 = arith.muli %add3A_223, %mul3A_225 : vector<16xi32>
    %add3A_227 = arith.addi %mul3A_226, %iota3A : vector<16xi32>
    %jit3A = arith.constant 2147483647 : i32
    %broadcast_in_dim3A_228 = vector.broadcast %jit3A : i32 to vector<16xi32>
    %select_n3A = arith.select %eq3A_220, %add3A_227, %broadcast_in_dim3A_228 : vector<16xi1>, vector<16xi32>
    %eq3A_229 = vector.broadcast %reduce_max3A_219 : f32 to vector<16xf32>
    %eq3A_230 = arith.cmpf oeq, %scan3A_209#1, %eq3A_229 : vector<16xf32>
    %add3A_231 = arith.constant 256 : i32
    %add3A_232 = vector.broadcast %add3A_231 : i32 to vector<16xi32>
    %add3A_233 = arith.addi %scan3A_209#9, %add3A_232 : vector<16xi32>
    %mul3A_234 = arith.constant 16 : i32
    %mul3A_235 = vector.broadcast %mul3A_234 : i32 to vector<16xi32>
    %mul3A_236 = arith.muli %add3A_233, %mul3A_235 : vector<16xi32>
    %add3A_237 = arith.addi %mul3A_236, %iota3A : vector<16xi32>
    %jit3A_238 = arith.constant 2147483647 : i32
    %broadcast_in_dim3A_239 = vector.broadcast %jit3A_238 : i32 to vector<16xi32>
    %select_n3A_240 = arith.select %eq3A_230, %add3A_237, %broadcast_in_dim3A_239 : vector<16xi1>, vector<16xi32>
    %eq3A_241 = vector.broadcast %reduce_max3A_219 : f32 to vector<16xf32>
    %eq3A_242 = arith.cmpf oeq, %scan3A_209#2, %eq3A_241 : vector<16xf32>
    %add3A_243 = arith.constant 512 : i32
    %add3A_244 = vector.broadcast %add3A_243 : i32 to vector<16xi32>
    %add3A_245 = arith.addi %scan3A_209#10, %add3A_244 : vector<16xi32>
    %mul3A_246 = arith.constant 16 : i32
    %mul3A_247 = vector.broadcast %mul3A_246 : i32 to vector<16xi32>
    %mul3A_248 = arith.muli %add3A_245, %mul3A_247 : vector<16xi32>
    %add3A_249 = arith.addi %mul3A_248, %iota3A : vector<16xi32>
    %jit3A_250 = arith.constant 2147483647 : i32
    %broadcast_in_dim3A_251 = vector.broadcast %jit3A_250 : i32 to vector<16xi32>
    %select_n3A_252 = arith.select %eq3A_242, %add3A_249, %broadcast_in_dim3A_251 : vector<16xi1>, vector<16xi32>
    %eq3A_253 = vector.broadcast %reduce_max3A_219 : f32 to vector<16xf32>
    %eq3A_254 = arith.cmpf oeq, %scan3A_209#3, %eq3A_253 : vector<16xf32>
    %add3A_255 = arith.constant 768 : i32
    %add3A_256 = vector.broadcast %add3A_255 : i32 to vector<16xi32>
    %add3A_257 = arith.addi %scan3A_209#11, %add3A_256 : vector<16xi32>
    %mul3A_258 = arith.constant 16 : i32
    %mul3A_259 = vector.broadcast %mul3A_258 : i32 to vector<16xi32>
    %mul3A_260 = arith.muli %add3A_257, %mul3A_259 : vector<16xi32>
    %add3A_261 = arith.addi %mul3A_260, %iota3A : vector<16xi32>
    %jit3A_262 = arith.constant 2147483647 : i32
    %broadcast_in_dim3A_263 = vector.broadcast %jit3A_262 : i32 to vector<16xi32>
    %select_n3A_264 = arith.select %eq3A_254, %add3A_261, %broadcast_in_dim3A_263 : vector<16xi1>, vector<16xi32>
    %eq3A_265 = vector.broadcast %reduce_max3A_219 : f32 to vector<16xf32>
    %eq3A_266 = arith.cmpf oeq, %scan3A_209#4, %eq3A_265 : vector<16xf32>
    %add3A_267 = arith.constant 1024 : i32
    %add3A_268 = vector.broadcast %add3A_267 : i32 to vector<16xi32>
    %add3A_269 = arith.addi %scan3A_209#12, %add3A_268 : vector<16xi32>
    %mul3A_270 = arith.constant 16 : i32
    %mul3A_271 = vector.broadcast %mul3A_270 : i32 to vector<16xi32>
    %mul3A_272 = arith.muli %add3A_269, %mul3A_271 : vector<16xi32>
    %add3A_273 = arith.addi %mul3A_272, %iota3A : vector<16xi32>
    %jit3A_274 = arith.constant 2147483647 : i32
    %broadcast_in_dim3A_275 = vector.broadcast %jit3A_274 : i32 to vector<16xi32>
    %select_n3A_276 = arith.select %eq3A_266, %add3A_273, %broadcast_in_dim3A_275 : vector<16xi1>, vector<16xi32>
    %eq3A_277 = vector.broadcast %reduce_max3A_219 : f32 to vector<16xf32>
    %eq3A_278 = arith.cmpf oeq, %scan3A_209#5, %eq3A_277 : vector<16xf32>
    %add3A_279 = arith.constant 1280 : i32
    %add3A_280 = vector.broadcast %add3A_279 : i32 to vector<16xi32>
    %add3A_281 = arith.addi %scan3A_209#13, %add3A_280 : vector<16xi32>
    %mul3A_282 = arith.constant 16 : i32
    %mul3A_283 = vector.broadcast %mul3A_282 : i32 to vector<16xi32>
    %mul3A_284 = arith.muli %add3A_281, %mul3A_283 : vector<16xi32>
    %add3A_285 = arith.addi %mul3A_284, %iota3A : vector<16xi32>
    %jit3A_286 = arith.constant 2147483647 : i32
    %broadcast_in_dim3A_287 = vector.broadcast %jit3A_286 : i32 to vector<16xi32>
    %select_n3A_288 = arith.select %eq3A_278, %add3A_285, %broadcast_in_dim3A_287 : vector<16xi1>, vector<16xi32>
    %eq3A_289 = vector.broadcast %reduce_max3A_219 : f32 to vector<16xf32>
    %eq3A_290 = arith.cmpf oeq, %scan3A_209#6, %eq3A_289 : vector<16xf32>
    %add3A_291 = arith.constant 1536 : i32
    %add3A_292 = vector.broadcast %add3A_291 : i32 to vector<16xi32>
    %add3A_293 = arith.addi %scan3A_209#14, %add3A_292 : vector<16xi32>
    %mul3A_294 = arith.constant 16 : i32
    %mul3A_295 = vector.broadcast %mul3A_294 : i32 to vector<16xi32>
    %mul3A_296 = arith.muli %add3A_293, %mul3A_295 : vector<16xi32>
    %add3A_297 = arith.addi %mul3A_296, %iota3A : vector<16xi32>
    %jit3A_298 = arith.constant 2147483647 : i32
    %broadcast_in_dim3A_299 = vector.broadcast %jit3A_298 : i32 to vector<16xi32>
    %select_n3A_300 = arith.select %eq3A_290, %add3A_297, %broadcast_in_dim3A_299 : vector<16xi1>, vector<16xi32>
    %eq3A_301 = vector.broadcast %reduce_max3A_219 : f32 to vector<16xf32>
    %eq3A_302 = arith.cmpf oeq, %scan3A_209#7, %eq3A_301 : vector<16xf32>
    %add3A_303 = arith.constant 1792 : i32
    %add3A_304 = vector.broadcast %add3A_303 : i32 to vector<16xi32>
    %add3A_305 = arith.addi %scan3A_209#15, %add3A_304 : vector<16xi32>
    %mul3A_306 = arith.constant 16 : i32
    %mul3A_307 = vector.broadcast %mul3A_306 : i32 to vector<16xi32>
    %mul3A_308 = arith.muli %add3A_305, %mul3A_307 : vector<16xi32>
    %add3A_309 = arith.addi %mul3A_308, %iota3A : vector<16xi32>
    %jit3A_310 = arith.constant 2147483647 : i32
    %broadcast_in_dim3A_311 = vector.broadcast %jit3A_310 : i32 to vector<16xi32>
    %select_n3A_312 = arith.select %eq3A_302, %add3A_309, %broadcast_in_dim3A_311 : vector<16xi1>, vector<16xi32>
    %min3A = arith.minsi %select_n3A, %select_n3A_240 : vector<16xi32>
    %min3A_313 = arith.minsi %min3A, %select_n3A_252 : vector<16xi32>
    %min3A_314 = arith.minsi %min3A_313, %select_n3A_264 : vector<16xi32>
    %min3A_315 = arith.minsi %min3A_314, %select_n3A_276 : vector<16xi32>
    %min3A_316 = arith.minsi %min3A_315, %select_n3A_288 : vector<16xi32>
    %min3A_317 = arith.minsi %min3A_316, %select_n3A_300 : vector<16xi32>
    %min3A_318 = arith.minsi %min3A_317, %select_n3A_312 : vector<16xi32>
    %reduce_min3A = arith.constant true
    %reduce_min3A_319 = vector.broadcast %reduce_min3A : i1 to vector<16xi1>
    %reduce_min3A_320 = arith.constant -2147483648 : i32
    %reduce_min3A_321 = vector.broadcast %reduce_min3A_320 : i32 to vector<16xi32>
    %reduce_min3A_322 = arith.xori %min3A_318, %reduce_min3A_321 : vector<16xi32>
    %reduce_min3A_323 = tpu.scan <min>, %reduce_min3A_322 masked %reduce_min3A_319 : vector<16xi32>, vector<16xi1> -> vector<16xi32>
    %reduce_min3A_324 = arith.xori %reduce_min3A_323, %reduce_min3A_321 : vector<16xi32>
    %reduce_min3A_325 = vector.extract %reduce_min3A_324[15] : i32 from vector<16xi32>
    %eq3A_326 = arith.constant 0 : i32
    %eq3A_327 = vector.broadcast %eq3A_326 : i32 to vector<16xi32>
    %eq3A_328 = arith.cmpi eq, %iota3A, %eq3A_327 : vector<16xi32>
    %broadcast_in_dim3A_329 = vector.broadcast %reduce_min3A_325 : i32 to vector<16xi32>
    %select_n3A_330 = arith.select %eq3A_328, %broadcast_in_dim3A_329, %broadcast_in_dim3A_3 : vector<16xi1>, vector<16xi32>
    %add3A_331 = arith.constant 2 : i32
    %add3A_332 = arith.addi %mul3A_2, %add3A_331 : i32
    %add3A_333 = arith.constant 2 : i32
    %add3A_334 = arith.addi %mul3A_2, %add3A_333 : i32
    %add3A_335 = arith.constant 2 : i32
    %add3A_336 = arith.addi %mul3A_2, %add3A_335 : i32
    %add3A_337 = arith.constant 2 : i32
    %add3A_338 = arith.addi %mul3A_2, %add3A_337 : i32
    %dma_start3A_339 = arith.constant 0 : i32
    %dma_start3A_340 = arith.constant 0 : i32
    %dma_start3A_341 = tpu.memref_slice %arg4[%dma_start3A_339, %dma_start3A_340] : memref<2x32768xf32, #tpu.memory_space<vmem>> -> memref<1x8192xf32, #tpu.memory_space<vmem>>
    %dma_start3A_342 = tpu.memref_squeeze %dma_start3A_341 : memref<1x8192xf32, #tpu.memory_space<vmem>> -> memref<8192xf32, #tpu.memory_space<vmem>>
    %dma_start3A_343 = arith.constant 0 : i32
    %dma_start3A_344 = tpu.memref_slice %arg2[%add3A_332, %dma_start3A_343] : memref<128x32768xf32, #tpu.memory_space<hbm>> -> memref<1x8192xf32, #tpu.memory_space<hbm>>
    %dma_start3A_345 = tpu.memref_squeeze %dma_start3A_344 : memref<1x8192xf32, #tpu.memory_space<hbm>> -> memref<8192xf32, #tpu.memory_space<hbm>>
    %dma_start3A_346 = arith.constant 0 : i32
    %dma_start3A_347 = tpu.memref_slice %arg4[%dma_start3A_339, %dma_start3A_346] : memref<2x32768xf32, #tpu.memory_space<vmem>> -> memref<1x8192xf32, #tpu.memory_space<vmem>>
    %dma_start3A_348 = tpu.memref_squeeze %dma_start3A_347 : memref<1x8192xf32, #tpu.memory_space<vmem>> -> memref<8192xf32, #tpu.memory_space<vmem>>
    %dma_start3A_349 = arith.constant 0 : i32
    %dma_start3A_350 = tpu.memref_slice %arg2[%add3A_332, %dma_start3A_349] : memref<128x32768xf32, #tpu.memory_space<hbm>> -> memref<1x8192xf32, #tpu.memory_space<hbm>>
    %dma_start3A_351 = tpu.memref_squeeze %dma_start3A_350 : memref<1x8192xf32, #tpu.memory_space<hbm>> -> memref<8192xf32, #tpu.memory_space<hbm>>
    tpu.enqueue_dma source(%dma_start3A_351 : memref<8192xf32, #tpu.memory_space<hbm>>) target(%dma_start3A_348 : memref<8192xf32, #tpu.memory_space<vmem>>) target_semaphore(%arg6 : memref<!tpu.dma_semaphore, #tpu.memory_space<semaphore_mem>>)
    %dma_start3A_352 = arith.constant 0 : i32
    %dma_start3A_353 = arith.constant 8192 : i32
    %dma_start3A_354 = tpu.memref_slice %arg4[%dma_start3A_352, %dma_start3A_353] : memref<2x32768xf32, #tpu.memory_space<vmem>> -> memref<1x8192xf32, #tpu.memory_space<vmem>>
    %dma_start3A_355 = tpu.memref_squeeze %dma_start3A_354 : memref<1x8192xf32, #tpu.memory_space<vmem>> -> memref<8192xf32, #tpu.memory_space<vmem>>
    %dma_start3A_356 = arith.constant 8192 : i32
    %dma_start3A_357 = tpu.memref_slice %arg2[%add3A_334, %dma_start3A_356] : memref<128x32768xf32, #tpu.memory_space<hbm>> -> memref<1x8192xf32, #tpu.memory_space<hbm>>
    %dma_start3A_358 = tpu.memref_squeeze %dma_start3A_357 : memref<1x8192xf32, #tpu.memory_space<hbm>> -> memref<8192xf32, #tpu.memory_space<hbm>>
    %dma_start3A_359 = arith.constant 8192 : i32
    %dma_start3A_360 = tpu.memref_slice %arg4[%dma_start3A_352, %dma_start3A_359] : memref<2x32768xf32, #tpu.memory_space<vmem>> -> memref<1x8192xf32, #tpu.memory_space<vmem>>
    %dma_start3A_361 = tpu.memref_squeeze %dma_start3A_360 : memref<1x8192xf32, #tpu.memory_space<vmem>> -> memref<8192xf32, #tpu.memory_space<vmem>>
    %dma_start3A_362 = arith.constant 8192 : i32
    %dma_start3A_363 = tpu.memref_slice %arg2[%add3A_334, %dma_start3A_362] : memref<128x32768xf32, #tpu.memory_space<hbm>> -> memref<1x8192xf32, #tpu.memory_space<hbm>>
    %dma_start3A_364 = tpu.memref_squeeze %dma_start3A_363 : memref<1x8192xf32, #tpu.memory_space<hbm>> -> memref<8192xf32, #tpu.memory_space<hbm>>
    tpu.enqueue_dma source(%dma_start3A_364 : memref<8192xf32, #tpu.memory_space<hbm>>) target(%dma_start3A_361 : memref<8192xf32, #tpu.memory_space<vmem>>) target_semaphore(%arg6 : memref<!tpu.dma_semaphore, #tpu.memory_space<semaphore_mem>>)
    %dma_start3A_365 = arith.constant 0 : i32
    %dma_start3A_366 = arith.constant 16384 : i32
    %dma_start3A_367 = tpu.memref_slice %arg4[%dma_start3A_365, %dma_start3A_366] : memref<2x32768xf32, #tpu.memory_space<vmem>> -> memref<1x8192xf32, #tpu.memory_space<vmem>>
    %dma_start3A_368 = tpu.memref_squeeze %dma_start3A_367 : memref<1x8192xf32, #tpu.memory_space<vmem>> -> memref<8192xf32, #tpu.memory_space<vmem>>
    %dma_start3A_369 = arith.constant 16384 : i32
    %dma_start3A_370 = tpu.memref_slice %arg2[%add3A_336, %dma_start3A_369] : memref<128x32768xf32, #tpu.memory_space<hbm>> -> memref<1x8192xf32, #tpu.memory_space<hbm>>
    %dma_start3A_371 = tpu.memref_squeeze %dma_start3A_370 : memref<1x8192xf32, #tpu.memory_space<hbm>> -> memref<8192xf32, #tpu.memory_space<hbm>>
    %dma_start3A_372 = arith.constant 16384 : i32
    %dma_start3A_373 = tpu.memref_slice %arg4[%dma_start3A_365, %dma_start3A_372] : memref<2x32768xf32, #tpu.memory_space<vmem>> -> memref<1x8192xf32, #tpu.memory_space<vmem>>
    %dma_start3A_374 = tpu.memref_squeeze %dma_start3A_373 : memref<1x8192xf32, #tpu.memory_space<vmem>> -> memref<8192xf32, #tpu.memory_space<vmem>>
    %dma_start3A_375 = arith.constant 16384 : i32
    %dma_start3A_376 = tpu.memref_slice %arg2[%add3A_336, %dma_start3A_375] : memref<128x32768xf32, #tpu.memory_space<hbm>> -> memref<1x8192xf32, #tpu.memory_space<hbm>>
    %dma_start3A_377 = tpu.memref_squeeze %dma_start3A_376 : memref<1x8192xf32, #tpu.memory_space<hbm>> -> memref<8192xf32, #tpu.memory_space<hbm>>
    tpu.enqueue_dma source(%dma_start3A_377 : memref<8192xf32, #tpu.memory_space<hbm>>) target(%dma_start3A_374 : memref<8192xf32, #tpu.memory_space<vmem>>) target_semaphore(%arg6 : memref<!tpu.dma_semaphore, #tpu.memory_space<semaphore_mem>>)
    %dma_start3A_378 = arith.constant 0 : i32
    %dma_start3A_379 = arith.constant 24576 : i32
    %dma_start3A_380 = tpu.memref_slice %arg4[%dma_start3A_378, %dma_start3A_379] : memref<2x32768xf32, #tpu.memory_space<vmem>> -> memref<1x8192xf32, #tpu.memory_space<vmem>>
    %dma_start3A_381 = tpu.memref_squeeze %dma_start3A_380 : memref<1x8192xf32, #tpu.memory_space<vmem>> -> memref<8192xf32, #tpu.memory_space<vmem>>
    %dma_start3A_382 = arith.constant 24576 : i32
    %dma_start3A_383 = tpu.memref_slice %arg2[%add3A_338, %dma_start3A_382] : memref<128x32768xf32, #tpu.memory_space<hbm>> -> memref<1x8192xf32, #tpu.memory_space<hbm>>
    %dma_start3A_384 = tpu.memref_squeeze %dma_start3A_383 : memref<1x8192xf32, #tpu.memory_space<hbm>> -> memref<8192xf32, #tpu.memory_space<hbm>>
    %dma_start3A_385 = arith.constant 24576 : i32
    %dma_start3A_386 = tpu.memref_slice %arg4[%dma_start3A_378, %dma_start3A_385] : memref<2x32768xf32, #tpu.memory_space<vmem>> -> memref<1x8192xf32, #tpu.memory_space<vmem>>
    %dma_start3A_387 = tpu.memref_squeeze %dma_start3A_386 : memref<1x8192xf32, #tpu.memory_space<vmem>> -> memref<8192xf32, #tpu.memory_space<vmem>>
    %dma_start3A_388 = arith.constant 24576 : i32
    %dma_start3A_389 = tpu.memref_slice %arg2[%add3A_338, %dma_start3A_388] : memref<128x32768xf32, #tpu.memory_space<hbm>> -> memref<1x8192xf32, #tpu.memory_space<hbm>>
    %dma_start3A_390 = tpu.memref_squeeze %dma_start3A_389 : memref<1x8192xf32, #tpu.memory_space<hbm>> -> memref<8192xf32, #tpu.memory_space<hbm>>
    tpu.enqueue_dma source(%dma_start3A_390 : memref<8192xf32, #tpu.memory_space<hbm>>) target(%dma_start3A_387 : memref<8192xf32, #tpu.memory_space<vmem>>) target_semaphore(%arg6 : memref<!tpu.dma_semaphore, #tpu.memory_space<semaphore_mem>>)
    %dma_wait3A_391 = arith.constant 1 : i32
    %dma_wait3A_392 = arith.constant 0 : i32
    %dma_wait3A_393 = tpu.memref_slice %arg4[%dma_wait3A_391, %dma_wait3A_392] : memref<2x32768xf32, #tpu.memory_space<vmem>> -> memref<1x8192xf32, #tpu.memory_space<vmem>>
    %dma_wait3A_394 = tpu.memref_squeeze %dma_wait3A_393 : memref<1x8192xf32, #tpu.memory_space<vmem>> -> memref<8192xf32, #tpu.memory_space<vmem>>
    %dma_wait3A_395 = arith.constant 0 : i32
    %dma_wait3A_396 = tpu.memref_slice %arg2[%add3A_64, %dma_wait3A_395] : memref<128x32768xf32, #tpu.memory_space<hbm>> -> memref<1x8192xf32, #tpu.memory_space<hbm>>
    %dma_wait3A_397 = tpu.memref_squeeze %dma_wait3A_396 : memref<1x8192xf32, #tpu.memory_space<hbm>> -> memref<8192xf32, #tpu.memory_space<hbm>>
    %dma_wait3A_398 = arith.constant 0 : i32
    %dma_wait3A_399 = tpu.memref_slice %arg4[%dma_wait3A_391, %dma_wait3A_398] : memref<2x32768xf32, #tpu.memory_space<vmem>> -> memref<1x8192xf32, #tpu.memory_space<vmem>>
    %dma_wait3A_400 = tpu.memref_squeeze %dma_wait3A_399 : memref<1x8192xf32, #tpu.memory_space<vmem>> -> memref<8192xf32, #tpu.memory_space<vmem>>
    %dma_wait3A_401 = arith.constant 0 : i32
    %dma_wait3A_402 = tpu.memref_slice %arg2[%add3A_64, %dma_wait3A_401] : memref<128x32768xf32, #tpu.memory_space<hbm>> -> memref<1x8192xf32, #tpu.memory_space<hbm>>
    %dma_wait3A_403 = tpu.memref_squeeze %dma_wait3A_402 : memref<1x8192xf32, #tpu.memory_space<hbm>> -> memref<8192xf32, #tpu.memory_space<hbm>>
    tpu.wait_dma2 semaphore(%arg7 : memref<!tpu.dma_semaphore, #tpu.memory_space<semaphore_mem>>) src(%dma_wait3A_403 : memref<8192xf32, #tpu.memory_space<hbm>>) dst(%dma_wait3A_400 : memref<8192xf32, #tpu.memory_space<vmem>>)
    %dma_wait3A_404 = arith.constant 1 : i32
    %dma_wait3A_405 = arith.constant 8192 : i32
    %dma_wait3A_406 = tpu.memref_slice %arg4[%dma_wait3A_404, %dma_wait3A_405] : memref<2x32768xf32, #tpu.memory_space<vmem>> -> memref<1x8192xf32, #tpu.memory_space<vmem>>
    %dma_wait3A_407 = tpu.memref_squeeze %dma_wait3A_406 : memref<1x8192xf32, #tpu.memory_space<vmem>> -> memref<8192xf32, #tpu.memory_space<vmem>>
    %dma_wait3A_408 = arith.constant 8192 : i32
    %dma_wait3A_409 = tpu.memref_slice %arg2[%add3A_66, %dma_wait3A_408] : memref<128x32768xf32, #tpu.memory_space<hbm>> -> memref<1x8192xf32, #tpu.memory_space<hbm>>
    %dma_wait3A_410 = tpu.memref_squeeze %dma_wait3A_409 : memref<1x8192xf32, #tpu.memory_space<hbm>> -> memref<8192xf32, #tpu.memory_space<hbm>>
    %dma_wait3A_411 = arith.constant 8192 : i32
    %dma_wait3A_412 = tpu.memref_slice %arg4[%dma_wait3A_404, %dma_wait3A_411] : memref<2x32768xf32, #tpu.memory_space<vmem>> -> memref<1x8192xf32, #tpu.memory_space<vmem>>
    %dma_wait3A_413 = tpu.memref_squeeze %dma_wait3A_412 : memref<1x8192xf32, #tpu.memory_space<vmem>> -> memref<8192xf32, #tpu.memory_space<vmem>>
    %dma_wait3A_414 = arith.constant 8192 : i32
    %dma_wait3A_415 = tpu.memref_slice %arg2[%add3A_66, %dma_wait3A_414] : memref<128x32768xf32, #tpu.memory_space<hbm>> -> memref<1x8192xf32, #tpu.memory_space<hbm>>
    %dma_wait3A_416 = tpu.memref_squeeze %dma_wait3A_415 : memref<1x8192xf32, #tpu.memory_space<hbm>> -> memref<8192xf32, #tpu.memory_space<hbm>>
    tpu.wait_dma2 semaphore(%arg7 : memref<!tpu.dma_semaphore, #tpu.memory_space<semaphore_mem>>) src(%dma_wait3A_416 : memref<8192xf32, #tpu.memory_space<hbm>>) dst(%dma_wait3A_413 : memref<8192xf32, #tpu.memory_space<vmem>>)
    %dma_wait3A_417 = arith.constant 1 : i32
    %dma_wait3A_418 = arith.constant 16384 : i32
    %dma_wait3A_419 = tpu.memref_slice %arg4[%dma_wait3A_417, %dma_wait3A_418] : memref<2x32768xf32, #tpu.memory_space<vmem>> -> memref<1x8192xf32, #tpu.memory_space<vmem>>
    %dma_wait3A_420 = tpu.memref_squeeze %dma_wait3A_419 : memref<1x8192xf32, #tpu.memory_space<vmem>> -> memref<8192xf32, #tpu.memory_space<vmem>>
    %dma_wait3A_421 = arith.constant 16384 : i32
    %dma_wait3A_422 = tpu.memref_slice %arg2[%add3A_68, %dma_wait3A_421] : memref<128x32768xf32, #tpu.memory_space<hbm>> -> memref<1x8192xf32, #tpu.memory_space<hbm>>
    %dma_wait3A_423 = tpu.memref_squeeze %dma_wait3A_422 : memref<1x8192xf32, #tpu.memory_space<hbm>> -> memref<8192xf32, #tpu.memory_space<hbm>>
    %dma_wait3A_424 = arith.constant 16384 : i32
    %dma_wait3A_425 = tpu.memref_slice %arg4[%dma_wait3A_417, %dma_wait3A_424] : memref<2x32768xf32, #tpu.memory_space<vmem>> -> memref<1x8192xf32, #tpu.memory_space<vmem>>
    %dma_wait3A_426 = tpu.memref_squeeze %dma_wait3A_425 : memref<1x8192xf32, #tpu.memory_space<vmem>> -> memref<8192xf32, #tpu.memory_space<vmem>>
    %dma_wait3A_427 = arith.constant 16384 : i32
    %dma_wait3A_428 = tpu.memref_slice %arg2[%add3A_68, %dma_wait3A_427] : memref<128x32768xf32, #tpu.memory_space<hbm>> -> memref<1x8192xf32, #tpu.memory_space<hbm>>
    %dma_wait3A_429 = tpu.memref_squeeze %dma_wait3A_428 : memref<1x8192xf32, #tpu.memory_space<hbm>> -> memref<8192xf32, #tpu.memory_space<hbm>>
    tpu.wait_dma2 semaphore(%arg7 : memref<!tpu.dma_semaphore, #tpu.memory_space<semaphore_mem>>) src(%dma_wait3A_429 : memref<8192xf32, #tpu.memory_space<hbm>>) dst(%dma_wait3A_426 : memref<8192xf32, #tpu.memory_space<vmem>>)
    %dma_wait3A_430 = arith.constant 1 : i32
    %dma_wait3A_431 = arith.constant 24576 : i32
    %dma_wait3A_432 = tpu.memref_slice %arg4[%dma_wait3A_430, %dma_wait3A_431] : memref<2x32768xf32, #tpu.memory_space<vmem>> -> memref<1x8192xf32, #tpu.memory_space<vmem>>
    %dma_wait3A_433 = tpu.memref_squeeze %dma_wait3A_432 : memref<1x8192xf32, #tpu.memory_space<vmem>> -> memref<8192xf32, #tpu.memory_space<vmem>>
    %dma_wait3A_434 = arith.constant 24576 : i32
    %dma_wait3A_435 = tpu.memref_slice %arg2[%add3A_70, %dma_wait3A_434] : memref<128x32768xf32, #tpu.memory_space<hbm>> -> memref<1x8192xf32, #tpu.memory_space<hbm>>
    %dma_wait3A_436 = tpu.memref_squeeze %dma_wait3A_435 : memref<1x8192xf32, #tpu.memory_space<hbm>> -> memref<8192xf32, #tpu.memory_space<hbm>>
    %dma_wait3A_437 = arith.constant 24576 : i32
    %dma_wait3A_438 = tpu.memref_slice %arg4[%dma_wait3A_430, %dma_wait3A_437] : memref<2x32768xf32, #tpu.memory_space<vmem>> -> memref<1x8192xf32, #tpu.memory_space<vmem>>
    %dma_wait3A_439 = tpu.memref_squeeze %dma_wait3A_438 : memref<1x8192xf32, #tpu.memory_space<vmem>> -> memref<8192xf32, #tpu.memory_space<vmem>>
    %dma_wait3A_440 = arith.constant 24576 : i32
    %dma_wait3A_441 = tpu.memref_slice %arg2[%add3A_70, %dma_wait3A_440] : memref<128x32768xf32, #tpu.memory_space<hbm>> -> memref<1x8192xf32, #tpu.memory_space<hbm>>
    %dma_wait3A_442 = tpu.memref_squeeze %dma_wait3A_441 : memref<1x8192xf32, #tpu.memory_space<hbm>> -> memref<8192xf32, #tpu.memory_space<hbm>>
    tpu.wait_dma2 semaphore(%arg7 : memref<!tpu.dma_semaphore, #tpu.memory_space<semaphore_mem>>) src(%dma_wait3A_442 : memref<8192xf32, #tpu.memory_space<hbm>>) dst(%dma_wait3A_439 : memref<8192xf32, #tpu.memory_space<vmem>>)
    %broadcast_in_dim3A_443 = arith.constant 0xFF800000 : f32
    %broadcast_in_dim3A_444 = vector.broadcast %broadcast_in_dim3A_443 : f32 to vector<16xf32>
    %broadcast_in_dim3A_445 = arith.constant 0xFF800000 : f32
    %broadcast_in_dim3A_446 = vector.broadcast %broadcast_in_dim3A_445 : f32 to vector<16xf32>
    %broadcast_in_dim3A_447 = arith.constant 0xFF800000 : f32
    %broadcast_in_dim3A_448 = vector.broadcast %broadcast_in_dim3A_447 : f32 to vector<16xf32>
    %broadcast_in_dim3A_449 = arith.constant 0xFF800000 : f32
    %broadcast_in_dim3A_450 = vector.broadcast %broadcast_in_dim3A_449 : f32 to vector<16xf32>
    %broadcast_in_dim3A_451 = arith.constant 0xFF800000 : f32
    %broadcast_in_dim3A_452 = vector.broadcast %broadcast_in_dim3A_451 : f32 to vector<16xf32>
    %broadcast_in_dim3A_453 = arith.constant 0xFF800000 : f32
    %broadcast_in_dim3A_454 = vector.broadcast %broadcast_in_dim3A_453 : f32 to vector<16xf32>
    %broadcast_in_dim3A_455 = arith.constant 0xFF800000 : f32
    %broadcast_in_dim3A_456 = vector.broadcast %broadcast_in_dim3A_455 : f32 to vector<16xf32>
    %broadcast_in_dim3A_457 = arith.constant 0xFF800000 : f32
    %broadcast_in_dim3A_458 = vector.broadcast %broadcast_in_dim3A_457 : f32 to vector<16xf32>
    %broadcast_in_dim3A_459 = arith.constant 0 : i32
    %broadcast_in_dim3A_460 = vector.broadcast %broadcast_in_dim3A_459 : i32 to vector<16xi32>
    %broadcast_in_dim3A_461 = arith.constant 0 : i32
    %broadcast_in_dim3A_462 = vector.broadcast %broadcast_in_dim3A_461 : i32 to vector<16xi32>
    %broadcast_in_dim3A_463 = arith.constant 0 : i32
    %broadcast_in_dim3A_464 = vector.broadcast %broadcast_in_dim3A_463 : i32 to vector<16xi32>
    %broadcast_in_dim3A_465 = arith.constant 0 : i32
    %broadcast_in_dim3A_466 = vector.broadcast %broadcast_in_dim3A_465 : i32 to vector<16xi32>
    %broadcast_in_dim3A_467 = arith.constant 0 : i32
    %broadcast_in_dim3A_468 = vector.broadcast %broadcast_in_dim3A_467 : i32 to vector<16xi32>
    %broadcast_in_dim3A_469 = arith.constant 0 : i32
    %broadcast_in_dim3A_470 = vector.broadcast %broadcast_in_dim3A_469 : i32 to vector<16xi32>
    %broadcast_in_dim3A_471 = arith.constant 0 : i32
    %broadcast_in_dim3A_472 = vector.broadcast %broadcast_in_dim3A_471 : i32 to vector<16xi32>
    %broadcast_in_dim3A_473 = arith.constant 0 : i32
    %broadcast_in_dim3A_474 = vector.broadcast %broadcast_in_dim3A_473 : i32 to vector<16xi32>
    %scan3A_475 = arith.constant 0 : i32
    %scan3A_476 = arith.constant 256 : i32
    %scan3A_477 = arith.addi %scan3A_475, %scan3A_476 : i32
    %scan3A_478 = arith.constant 4 : i32
    %scan3A_479:16 = scf.for %scan3A_1103 = %scan3A_475 to %scan3A_477 step %scan3A_478 iter_args(%scan3A_1104 = %broadcast_in_dim3A_444, %scan3A_1105 = %broadcast_in_dim3A_446, %scan3A_1106 = %broadcast_in_dim3A_448, %scan3A_1107 = %broadcast_in_dim3A_450, %scan3A_1108 = %broadcast_in_dim3A_452, %scan3A_1109 = %broadcast_in_dim3A_454, %scan3A_1110 = %broadcast_in_dim3A_456, %scan3A_1111 = %broadcast_in_dim3A_458, %scan3A_1112 = %broadcast_in_dim3A_460, %scan3A_1113 = %broadcast_in_dim3A_462, %scan3A_1114 = %broadcast_in_dim3A_464, %scan3A_1115 = %broadcast_in_dim3A_466, %scan3A_1116 = %broadcast_in_dim3A_468, %scan3A_1117 = %broadcast_in_dim3A_470, %scan3A_1118 = %broadcast_in_dim3A_472, %scan3A_1119 = %broadcast_in_dim3A_474) -> (vector<16xf32>, vector<16xf32>, vector<16xf32>, vector<16xf32>, vector<16xf32>, vector<16xf32>, vector<16xf32>, vector<16xf32>, vector<16xi32>, vector<16xi32>, vector<16xi32>, vector<16xi32>, vector<16xi32>, vector<16xi32>, vector<16xi32>, vector<16xi32>)  : i32 {
      %broadcast_in_dim3A_1120 = vector.broadcast %scan3A_1103 : i32 to vector<16xi32>
      %mul3A_1121 = arith.constant 16 : i32
      %mul3A_1122 = arith.muli %scan3A_1103, %mul3A_1121 : i32
      %add3A_1123 = arith.constant 0 : i32
      %add3A_1124 = arith.addi %add3A_1123, %mul3A_1122 : i32
      %get3A = arith.constant 1 : i32
      %get3A_1125 = arith.index_cast %get3A : i32 to index
      %get3A_1126 = arith.index_cast %add3A_1124 : i32 to index
      %get3A_1127 = tpu.vector_load %arg4[%get3A_1125, %get3A_1126] {strides = array<i32>} : memref<2x32768xf32, #tpu.memory_space<vmem>>, vector<16xf32>,
      %gt3A = arith.cmpf ogt, %get3A_1127, %scan3A_1104 : vector<16xf32>
      %select_n3A_1128 = arith.select %gt3A, %get3A_1127, %scan3A_1104 : vector<16xi1>, vector<16xf32>
      %select_n3A_1129 = arith.select %gt3A, %broadcast_in_dim3A_1120, %scan3A_1112 : vector<16xi1>, vector<16xi32>
      %mul3A_1130 = arith.constant 16 : i32
      %mul3A_1131 = arith.muli %scan3A_1103, %mul3A_1130 : i32
      %add3A_1132 = arith.constant 4096 : i32
      %add3A_1133 = arith.addi %add3A_1132, %mul3A_1131 : i32
      %get3A_1134 = arith.constant 1 : i32
      %get3A_1135 = arith.index_cast %get3A_1134 : i32 to index
      %get3A_1136 = arith.index_cast %add3A_1133 : i32 to index
      %get3A_1137 = tpu.vector_load %arg4[%get3A_1135, %get3A_1136] {strides = array<i32>} : memref<2x32768xf32, #tpu.memory_space<vmem>>, vector<16xf32>,
      %gt3A_1138 = arith.cmpf ogt, %get3A_1137, %scan3A_1105 : vector<16xf32>
      %select_n3A_1139 = arith.select %gt3A_1138, %get3A_1137, %scan3A_1105 : vector<16xi1>, vector<16xf32>
      %select_n3A_1140 = arith.select %gt3A_1138, %broadcast_in_dim3A_1120, %scan3A_1113 : vector<16xi1>, vector<16xi32>
      %mul3A_1141 = arith.constant 16 : i32
      %mul3A_1142 = arith.muli %scan3A_1103, %mul3A_1141 : i32
      %add3A_1143 = arith.constant 8192 : i32
      %add3A_1144 = arith.addi %add3A_1143, %mul3A_1142 : i32
      %get3A_1145 = arith.constant 1 : i32
      %get3A_1146 = arith.index_cast %get3A_1145 : i32 to index
      %get3A_1147 = arith.index_cast %add3A_1144 : i32 to index
      %get3A_1148 = tpu.vector_load %arg4[%get3A_1146, %get3A_1147] {strides = array<i32>} : memref<2x32768xf32, #tpu.memory_space<vmem>>, vector<16xf32>,
      %gt3A_1149 = arith.cmpf ogt, %get3A_1148, %scan3A_1106 : vector<16xf32>
      %select_n3A_1150 = arith.select %gt3A_1149, %get3A_1148, %scan3A_1106 : vector<16xi1>, vector<16xf32>
      %select_n3A_1151 = arith.select %gt3A_1149, %broadcast_in_dim3A_1120, %scan3A_1114 : vector<16xi1>, vector<16xi32>
      %mul3A_1152 = arith.constant 16 : i32
      %mul3A_1153 = arith.muli %scan3A_1103, %mul3A_1152 : i32
      %add3A_1154 = arith.constant 12288 : i32
      %add3A_1155 = arith.addi %add3A_1154, %mul3A_1153 : i32
      %get3A_1156 = arith.constant 1 : i32
      %get3A_1157 = arith.index_cast %get3A_1156 : i32 to index
      %get3A_1158 = arith.index_cast %add3A_1155 : i32 to index
      %get3A_1159 = tpu.vector_load %arg4[%get3A_1157, %get3A_1158] {strides = array<i32>} : memref<2x32768xf32, #tpu.memory_space<vmem>>, vector<16xf32>,
      %gt3A_1160 = arith.cmpf ogt, %get3A_1159, %scan3A_1107 : vector<16xf32>
      %select_n3A_1161 = arith.select %gt3A_1160, %get3A_1159, %scan3A_1107 : vector<16xi1>, vector<16xf32>
      %select_n3A_1162 = arith.select %gt3A_1160, %broadcast_in_dim3A_1120, %scan3A_1115 : vector<16xi1>, vector<16xi32>
      %mul3A_1163 = arith.constant 16 : i32
      %mul3A_1164 = arith.muli %scan3A_1103, %mul3A_1163 : i32
      %add3A_1165 = arith.constant 16384 : i32
      %add3A_1166 = arith.addi %add3A_1165, %mul3A_1164 : i32
      %get3A_1167 = arith.constant 1 : i32
      %get3A_1168 = arith.index_cast %get3A_1167 : i32 to index
      %get3A_1169 = arith.index_cast %add3A_1166 : i32 to index
      %get3A_1170 = tpu.vector_load %arg4[%get3A_1168, %get3A_1169] {strides = array<i32>} : memref<2x32768xf32, #tpu.memory_space<vmem>>, vector<16xf32>,
      %gt3A_1171 = arith.cmpf ogt, %get3A_1170, %scan3A_1108 : vector<16xf32>
      %select_n3A_1172 = arith.select %gt3A_1171, %get3A_1170, %scan3A_1108 : vector<16xi1>, vector<16xf32>
      %select_n3A_1173 = arith.select %gt3A_1171, %broadcast_in_dim3A_1120, %scan3A_1116 : vector<16xi1>, vector<16xi32>
      %mul3A_1174 = arith.constant 16 : i32
      %mul3A_1175 = arith.muli %scan3A_1103, %mul3A_1174 : i32
      %add3A_1176 = arith.constant 20480 : i32
      %add3A_1177 = arith.addi %add3A_1176, %mul3A_1175 : i32
      %get3A_1178 = arith.constant 1 : i32
      %get3A_1179 = arith.index_cast %get3A_1178 : i32 to index
      %get3A_1180 = arith.index_cast %add3A_1177 : i32 to index
      %get3A_1181 = tpu.vector_load %arg4[%get3A_1179, %get3A_1180] {strides = array<i32>} : memref<2x32768xf32, #tpu.memory_space<vmem>>, vector<16xf32>,
      %gt3A_1182 = arith.cmpf ogt, %get3A_1181, %scan3A_1109 : vector<16xf32>
      %select_n3A_1183 = arith.select %gt3A_1182, %get3A_1181, %scan3A_1109 : vector<16xi1>, vector<16xf32>
      %select_n3A_1184 = arith.select %gt3A_1182, %broadcast_in_dim3A_1120, %scan3A_1117 : vector<16xi1>, vector<16xi32>
      %mul3A_1185 = arith.constant 16 : i32
      %mul3A_1186 = arith.muli %scan3A_1103, %mul3A_1185 : i32
      %add3A_1187 = arith.constant 24576 : i32
      %add3A_1188 = arith.addi %add3A_1187, %mul3A_1186 : i32
      %get3A_1189 = arith.constant 1 : i32
      %get3A_1190 = arith.index_cast %get3A_1189 : i32 to index
      %get3A_1191 = arith.index_cast %add3A_1188 : i32 to index
      %get3A_1192 = tpu.vector_load %arg4[%get3A_1190, %get3A_1191] {strides = array<i32>} : memref<2x32768xf32, #tpu.memory_space<vmem>>, vector<16xf32>,
      %gt3A_1193 = arith.cmpf ogt, %get3A_1192, %scan3A_1110 : vector<16xf32>
      %select_n3A_1194 = arith.select %gt3A_1193, %get3A_1192, %scan3A_1110 : vector<16xi1>, vector<16xf32>
      %select_n3A_1195 = arith.select %gt3A_1193, %broadcast_in_dim3A_1120, %scan3A_1118 : vector<16xi1>, vector<16xi32>
      %mul3A_1196 = arith.constant 16 : i32
      %mul3A_1197 = arith.muli %scan3A_1103, %mul3A_1196 : i32
      %add3A_1198 = arith.constant 28672 : i32
      %add3A_1199 = arith.addi %add3A_1198, %mul3A_1197 : i32
      %get3A_1200 = arith.constant 1 : i32
      %get3A_1201 = arith.index_cast %get3A_1200 : i32 to index
      %get3A_1202 = arith.index_cast %add3A_1199 : i32 to index
      %get3A_1203 = tpu.vector_load %arg4[%get3A_1201, %get3A_1202] {strides = array<i32>} : memref<2x32768xf32, #tpu.memory_space<vmem>>, vector<16xf32>,
      %gt3A_1204 = arith.cmpf ogt, %get3A_1203, %scan3A_1111 : vector<16xf32>
      %select_n3A_1205 = arith.select %gt3A_1204, %get3A_1203, %scan3A_1111 : vector<16xi1>, vector<16xf32>
      %select_n3A_1206 = arith.select %gt3A_1204, %broadcast_in_dim3A_1120, %scan3A_1119 : vector<16xi1>, vector<16xi32>
      %scan3A_1207 = arith.constant 1 : i32
      %scan3A_1208 = arith.addi %scan3A_1103, %scan3A_1207 : i32
      %broadcast_in_dim3A_1209 = vector.broadcast %scan3A_1208 : i32 to vector<16xi32>
      %mul3A_1210 = arith.constant 16 : i32
      %mul3A_1211 = arith.muli %scan3A_1208, %mul3A_1210 : i32
      %add3A_1212 = arith.constant 0 : i32
      %add3A_1213 = arith.addi %add3A_1212, %mul3A_1211 : i32
      %get3A_1214 = arith.constant 1 : i32
      %get3A_1215 = arith.index_cast %get3A_1214 : i32 to index
      %get3A_1216 = arith.index_cast %add3A_1213 : i32 to index
      %get3A_1217 = tpu.vector_load %arg4[%get3A_1215, %get3A_1216] {strides = array<i32>} : memref<2x32768xf32, #tpu.memory_space<vmem>>, vector<16xf32>,
      %gt3A_1218 = arith.cmpf ogt, %get3A_1217, %select_n3A_1128 : vector<16xf32>
      %select_n3A_1219 = arith.select %gt3A_1218, %get3A_1217, %select_n3A_1128 : vector<16xi1>, vector<16xf32>
      %select_n3A_1220 = arith.select %gt3A_1218, %broadcast_in_dim3A_1209, %select_n3A_1129 : vector<16xi1>, vector<16xi32>
      %mul3A_1221 = arith.constant 16 : i32
      %mul3A_1222 = arith.muli %scan3A_1208, %mul3A_1221 : i32
      %add3A_1223 = arith.constant 4096 : i32
      %add3A_1224 = arith.addi %add3A_1223, %mul3A_1222 : i32
      %get3A_1225 = arith.constant 1 : i32
      %get3A_1226 = arith.index_cast %get3A_1225 : i32 to index
      %get3A_1227 = arith.index_cast %add3A_1224 : i32 to index
      %get3A_1228 = tpu.vector_load %arg4[%get3A_1226, %get3A_1227] {strides = array<i32>} : memref<2x32768xf32, #tpu.memory_space<vmem>>, vector<16xf32>,
      %gt3A_1229 = arith.cmpf ogt, %get3A_1228, %select_n3A_1139 : vector<16xf32>
      %select_n3A_1230 = arith.select %gt3A_1229, %get3A_1228, %select_n3A_1139 : vector<16xi1>, vector<16xf32>
      %select_n3A_1231 = arith.select %gt3A_1229, %broadcast_in_dim3A_1209, %select_n3A_1140 : vector<16xi1>, vector<16xi32>
      %mul3A_1232 = arith.constant 16 : i32
      %mul3A_1233 = arith.muli %scan3A_1208, %mul3A_1232 : i32
      %add3A_1234 = arith.constant 8192 : i32
      %add3A_1235 = arith.addi %add3A_1234, %mul3A_1233 : i32
      %get3A_1236 = arith.constant 1 : i32
      %get3A_1237 = arith.index_cast %get3A_1236 : i32 to index
      %get3A_1238 = arith.index_cast %add3A_1235 : i32 to index
      %get3A_1239 = tpu.vector_load %arg4[%get3A_1237, %get3A_1238] {strides = array<i32>} : memref<2x32768xf32, #tpu.memory_space<vmem>>, vector<16xf32>,
      %gt3A_1240 = arith.cmpf ogt, %get3A_1239, %select_n3A_1150 : vector<16xf32>
      %select_n3A_1241 = arith.select %gt3A_1240, %get3A_1239, %select_n3A_1150 : vector<16xi1>, vector<16xf32>
      %select_n3A_1242 = arith.select %gt3A_1240, %broadcast_in_dim3A_1209, %select_n3A_1151 : vector<16xi1>, vector<16xi32>
      %mul3A_1243 = arith.constant 16 : i32
      %mul3A_1244 = arith.muli %scan3A_1208, %mul3A_1243 : i32
      %add3A_1245 = arith.constant 12288 : i32
      %add3A_1246 = arith.addi %add3A_1245, %mul3A_1244 : i32
      %get3A_1247 = arith.constant 1 : i32
      %get3A_1248 = arith.index_cast %get3A_1247 : i32 to index
      %get3A_1249 = arith.index_cast %add3A_1246 : i32 to index
      %get3A_1250 = tpu.vector_load %arg4[%get3A_1248, %get3A_1249] {strides = array<i32>} : memref<2x32768xf32, #tpu.memory_space<vmem>>, vector<16xf32>,
      %gt3A_1251 = arith.cmpf ogt, %get3A_1250, %select_n3A_1161 : vector<16xf32>
      %select_n3A_1252 = arith.select %gt3A_1251, %get3A_1250, %select_n3A_1161 : vector<16xi1>, vector<16xf32>
      %select_n3A_1253 = arith.select %gt3A_1251, %broadcast_in_dim3A_1209, %select_n3A_1162 : vector<16xi1>, vector<16xi32>
      %mul3A_1254 = arith.constant 16 : i32
      %mul3A_1255 = arith.muli %scan3A_1208, %mul3A_1254 : i32
      %add3A_1256 = arith.constant 16384 : i32
      %add3A_1257 = arith.addi %add3A_1256, %mul3A_1255 : i32
      %get3A_1258 = arith.constant 1 : i32
      %get3A_1259 = arith.index_cast %get3A_1258 : i32 to index
      %get3A_1260 = arith.index_cast %add3A_1257 : i32 to index
      %get3A_1261 = tpu.vector_load %arg4[%get3A_1259, %get3A_1260] {strides = array<i32>} : memref<2x32768xf32, #tpu.memory_space<vmem>>, vector<16xf32>,
      %gt3A_1262 = arith.cmpf ogt, %get3A_1261, %select_n3A_1172 : vector<16xf32>
      %select_n3A_1263 = arith.select %gt3A_1262, %get3A_1261, %select_n3A_1172 : vector<16xi1>, vector<16xf32>
      %select_n3A_1264 = arith.select %gt3A_1262, %broadcast_in_dim3A_1209, %select_n3A_1173 : vector<16xi1>, vector<16xi32>
      %mul3A_1265 = arith.constant 16 : i32
      %mul3A_1266 = arith.muli %scan3A_1208, %mul3A_1265 : i32
      %add3A_1267 = arith.constant 20480 : i32
      %add3A_1268 = arith.addi %add3A_1267, %mul3A_1266 : i32
      %get3A_1269 = arith.constant 1 : i32
      %get3A_1270 = arith.index_cast %get3A_1269 : i32 to index
      %get3A_1271 = arith.index_cast %add3A_1268 : i32 to index
      %get3A_1272 = tpu.vector_load %arg4[%get3A_1270, %get3A_1271] {strides = array<i32>} : memref<2x32768xf32, #tpu.memory_space<vmem>>, vector<16xf32>,
      %gt3A_1273 = arith.cmpf ogt, %get3A_1272, %select_n3A_1183 : vector<16xf32>
      %select_n3A_1274 = arith.select %gt3A_1273, %get3A_1272, %select_n3A_1183 : vector<16xi1>, vector<16xf32>
      %select_n3A_1275 = arith.select %gt3A_1273, %broadcast_in_dim3A_1209, %select_n3A_1184 : vector<16xi1>, vector<16xi32>
      %mul3A_1276 = arith.constant 16 : i32
      %mul3A_1277 = arith.muli %scan3A_1208, %mul3A_1276 : i32
      %add3A_1278 = arith.constant 24576 : i32
      %add3A_1279 = arith.addi %add3A_1278, %mul3A_1277 : i32
      %get3A_1280 = arith.constant 1 : i32
      %get3A_1281 = arith.index_cast %get3A_1280 : i32 to index
      %get3A_1282 = arith.index_cast %add3A_1279 : i32 to index
      %get3A_1283 = tpu.vector_load %arg4[%get3A_1281, %get3A_1282] {strides = array<i32>} : memref<2x32768xf32, #tpu.memory_space<vmem>>, vector<16xf32>,
      %gt3A_1284 = arith.cmpf ogt, %get3A_1283, %select_n3A_1194 : vector<16xf32>
      %select_n3A_1285 = arith.select %gt3A_1284, %get3A_1283, %select_n3A_1194 : vector<16xi1>, vector<16xf32>
      %select_n3A_1286 = arith.select %gt3A_1284, %broadcast_in_dim3A_1209, %select_n3A_1195 : vector<16xi1>, vector<16xi32>
      %mul3A_1287 = arith.constant 16 : i32
      %mul3A_1288 = arith.muli %scan3A_1208, %mul3A_1287 : i32
      %add3A_1289 = arith.constant 28672 : i32
      %add3A_1290 = arith.addi %add3A_1289, %mul3A_1288 : i32
      %get3A_1291 = arith.constant 1 : i32
      %get3A_1292 = arith.index_cast %get3A_1291 : i32 to index
      %get3A_1293 = arith.index_cast %add3A_1290 : i32 to index
      %get3A_1294 = tpu.vector_load %arg4[%get3A_1292, %get3A_1293] {strides = array<i32>} : memref<2x32768xf32, #tpu.memory_space<vmem>>, vector<16xf32>,
      %gt3A_1295 = arith.cmpf ogt, %get3A_1294, %select_n3A_1205 : vector<16xf32>
      %select_n3A_1296 = arith.select %gt3A_1295, %get3A_1294, %select_n3A_1205 : vector<16xi1>, vector<16xf32>
      %select_n3A_1297 = arith.select %gt3A_1295, %broadcast_in_dim3A_1209, %select_n3A_1206 : vector<16xi1>, vector<16xi32>
      %scan3A_1298 = arith.constant 2 : i32
      %scan3A_1299 = arith.addi %scan3A_1103, %scan3A_1298 : i32
      %broadcast_in_dim3A_1300 = vector.broadcast %scan3A_1299 : i32 to vector<16xi32>
      %mul3A_1301 = arith.constant 16 : i32
      %mul3A_1302 = arith.muli %scan3A_1299, %mul3A_1301 : i32
      %add3A_1303 = arith.constant 0 : i32
      %add3A_1304 = arith.addi %add3A_1303, %mul3A_1302 : i32
      %get3A_1305 = arith.constant 1 : i32
      %get3A_1306 = arith.index_cast %get3A_1305 : i32 to index
      %get3A_1307 = arith.index_cast %add3A_1304 : i32 to index
      %get3A_1308 = tpu.vector_load %arg4[%get3A_1306, %get3A_1307] {strides = array<i32>} : memref<2x32768xf32, #tpu.memory_space<vmem>>, vector<16xf32>,
      %gt3A_1309 = arith.cmpf ogt, %get3A_1308, %select_n3A_1219 : vector<16xf32>
      %select_n3A_1310 = arith.select %gt3A_1309, %get3A_1308, %select_n3A_1219 : vector<16xi1>, vector<16xf32>
      %select_n3A_1311 = arith.select %gt3A_1309, %broadcast_in_dim3A_1300, %select_n3A_1220 : vector<16xi1>, vector<16xi32>
      %mul3A_1312 = arith.constant 16 : i32
      %mul3A_1313 = arith.muli %scan3A_1299, %mul3A_1312 : i32
      %add3A_1314 = arith.constant 4096 : i32
      %add3A_1315 = arith.addi %add3A_1314, %mul3A_1313 : i32
      %get3A_1316 = arith.constant 1 : i32
      %get3A_1317 = arith.index_cast %get3A_1316 : i32 to index
      %get3A_1318 = arith.index_cast %add3A_1315 : i32 to index
      %get3A_1319 = tpu.vector_load %arg4[%get3A_1317, %get3A_1318] {strides = array<i32>} : memref<2x32768xf32, #tpu.memory_space<vmem>>, vector<16xf32>,
      %gt3A_1320 = arith.cmpf ogt, %get3A_1319, %select_n3A_1230 : vector<16xf32>
      %select_n3A_1321 = arith.select %gt3A_1320, %get3A_1319, %select_n3A_1230 : vector<16xi1>, vector<16xf32>
      %select_n3A_1322 = arith.select %gt3A_1320, %broadcast_in_dim3A_1300, %select_n3A_1231 : vector<16xi1>, vector<16xi32>
      %mul3A_1323 = arith.constant 16 : i32
      %mul3A_1324 = arith.muli %scan3A_1299, %mul3A_1323 : i32
      %add3A_1325 = arith.constant 8192 : i32
      %add3A_1326 = arith.addi %add3A_1325, %mul3A_1324 : i32
      %get3A_1327 = arith.constant 1 : i32
      %get3A_1328 = arith.index_cast %get3A_1327 : i32 to index
      %get3A_1329 = arith.index_cast %add3A_1326 : i32 to index
      %get3A_1330 = tpu.vector_load %arg4[%get3A_1328, %get3A_1329] {strides = array<i32>} : memref<2x32768xf32, #tpu.memory_space<vmem>>, vector<16xf32>,
      %gt3A_1331 = arith.cmpf ogt, %get3A_1330, %select_n3A_1241 : vector<16xf32>
      %select_n3A_1332 = arith.select %gt3A_1331, %get3A_1330, %select_n3A_1241 : vector<16xi1>, vector<16xf32>
      %select_n3A_1333 = arith.select %gt3A_1331, %broadcast_in_dim3A_1300, %select_n3A_1242 : vector<16xi1>, vector<16xi32>
      %mul3A_1334 = arith.constant 16 : i32
      %mul3A_1335 = arith.muli %scan3A_1299, %mul3A_1334 : i32
      %add3A_1336 = arith.constant 12288 : i32
      %add3A_1337 = arith.addi %add3A_1336, %mul3A_1335 : i32
      %get3A_1338 = arith.constant 1 : i32
      %get3A_1339 = arith.index_cast %get3A_1338 : i32 to index
      %get3A_1340 = arith.index_cast %add3A_1337 : i32 to index
      %get3A_1341 = tpu.vector_load %arg4[%get3A_1339, %get3A_1340] {strides = array<i32>} : memref<2x32768xf32, #tpu.memory_space<vmem>>, vector<16xf32>,
      %gt3A_1342 = arith.cmpf ogt, %get3A_1341, %select_n3A_1252 : vector<16xf32>
      %select_n3A_1343 = arith.select %gt3A_1342, %get3A_1341, %select_n3A_1252 : vector<16xi1>, vector<16xf32>
      %select_n3A_1344 = arith.select %gt3A_1342, %broadcast_in_dim3A_1300, %select_n3A_1253 : vector<16xi1>, vector<16xi32>
      %mul3A_1345 = arith.constant 16 : i32
      %mul3A_1346 = arith.muli %scan3A_1299, %mul3A_1345 : i32
      %add3A_1347 = arith.constant 16384 : i32
      %add3A_1348 = arith.addi %add3A_1347, %mul3A_1346 : i32
      %get3A_1349 = arith.constant 1 : i32
      %get3A_1350 = arith.index_cast %get3A_1349 : i32 to index
      %get3A_1351 = arith.index_cast %add3A_1348 : i32 to index
      %get3A_1352 = tpu.vector_load %arg4[%get3A_1350, %get3A_1351] {strides = array<i32>} : memref<2x32768xf32, #tpu.memory_space<vmem>>, vector<16xf32>,
      %gt3A_1353 = arith.cmpf ogt, %get3A_1352, %select_n3A_1263 : vector<16xf32>
      %select_n3A_1354 = arith.select %gt3A_1353, %get3A_1352, %select_n3A_1263 : vector<16xi1>, vector<16xf32>
      %select_n3A_1355 = arith.select %gt3A_1353, %broadcast_in_dim3A_1300, %select_n3A_1264 : vector<16xi1>, vector<16xi32>
      %mul3A_1356 = arith.constant 16 : i32
      %mul3A_1357 = arith.muli %scan3A_1299, %mul3A_1356 : i32
      %add3A_1358 = arith.constant 20480 : i32
      %add3A_1359 = arith.addi %add3A_1358, %mul3A_1357 : i32
      %get3A_1360 = arith.constant 1 : i32
      %get3A_1361 = arith.index_cast %get3A_1360 : i32 to index
      %get3A_1362 = arith.index_cast %add3A_1359 : i32 to index
      %get3A_1363 = tpu.vector_load %arg4[%get3A_1361, %get3A_1362] {strides = array<i32>} : memref<2x32768xf32, #tpu.memory_space<vmem>>, vector<16xf32>,
      %gt3A_1364 = arith.cmpf ogt, %get3A_1363, %select_n3A_1274 : vector<16xf32>
      %select_n3A_1365 = arith.select %gt3A_1364, %get3A_1363, %select_n3A_1274 : vector<16xi1>, vector<16xf32>
      %select_n3A_1366 = arith.select %gt3A_1364, %broadcast_in_dim3A_1300, %select_n3A_1275 : vector<16xi1>, vector<16xi32>
      %mul3A_1367 = arith.constant 16 : i32
      %mul3A_1368 = arith.muli %scan3A_1299, %mul3A_1367 : i32
      %add3A_1369 = arith.constant 24576 : i32
      %add3A_1370 = arith.addi %add3A_1369, %mul3A_1368 : i32
      %get3A_1371 = arith.constant 1 : i32
      %get3A_1372 = arith.index_cast %get3A_1371 : i32 to index
      %get3A_1373 = arith.index_cast %add3A_1370 : i32 to index
      %get3A_1374 = tpu.vector_load %arg4[%get3A_1372, %get3A_1373] {strides = array<i32>} : memref<2x32768xf32, #tpu.memory_space<vmem>>, vector<16xf32>,
      %gt3A_1375 = arith.cmpf ogt, %get3A_1374, %select_n3A_1285 : vector<16xf32>
      %select_n3A_1376 = arith.select %gt3A_1375, %get3A_1374, %select_n3A_1285 : vector<16xi1>, vector<16xf32>
      %select_n3A_1377 = arith.select %gt3A_1375, %broadcast_in_dim3A_1300, %select_n3A_1286 : vector<16xi1>, vector<16xi32>
      %mul3A_1378 = arith.constant 16 : i32
      %mul3A_1379 = arith.muli %scan3A_1299, %mul3A_1378 : i32
      %add3A_1380 = arith.constant 28672 : i32
      %add3A_1381 = arith.addi %add3A_1380, %mul3A_1379 : i32
      %get3A_1382 = arith.constant 1 : i32
      %get3A_1383 = arith.index_cast %get3A_1382 : i32 to index
      %get3A_1384 = arith.index_cast %add3A_1381 : i32 to index
      %get3A_1385 = tpu.vector_load %arg4[%get3A_1383, %get3A_1384] {strides = array<i32>} : memref<2x32768xf32, #tpu.memory_space<vmem>>, vector<16xf32>,
      %gt3A_1386 = arith.cmpf ogt, %get3A_1385, %select_n3A_1296 : vector<16xf32>
      %select_n3A_1387 = arith.select %gt3A_1386, %get3A_1385, %select_n3A_1296 : vector<16xi1>, vector<16xf32>
      %select_n3A_1388 = arith.select %gt3A_1386, %broadcast_in_dim3A_1300, %select_n3A_1297 : vector<16xi1>, vector<16xi32>
      %scan3A_1389 = arith.constant 3 : i32
      %scan3A_1390 = arith.addi %scan3A_1103, %scan3A_1389 : i32
      %broadcast_in_dim3A_1391 = vector.broadcast %scan3A_1390 : i32 to vector<16xi32>
      %mul3A_1392 = arith.constant 16 : i32
      %mul3A_1393 = arith.muli %scan3A_1390, %mul3A_1392 : i32
      %add3A_1394 = arith.constant 0 : i32
      %add3A_1395 = arith.addi %add3A_1394, %mul3A_1393 : i32
      %get3A_1396 = arith.constant 1 : i32
      %get3A_1397 = arith.index_cast %get3A_1396 : i32 to index
      %get3A_1398 = arith.index_cast %add3A_1395 : i32 to index
      %get3A_1399 = tpu.vector_load %arg4[%get3A_1397, %get3A_1398] {strides = array<i32>} : memref<2x32768xf32, #tpu.memory_space<vmem>>, vector<16xf32>,
      %gt3A_1400 = arith.cmpf ogt, %get3A_1399, %select_n3A_1310 : vector<16xf32>
      %select_n3A_1401 = arith.select %gt3A_1400, %get3A_1399, %select_n3A_1310 : vector<16xi1>, vector<16xf32>
      %select_n3A_1402 = arith.select %gt3A_1400, %broadcast_in_dim3A_1391, %select_n3A_1311 : vector<16xi1>, vector<16xi32>
      %mul3A_1403 = arith.constant 16 : i32
      %mul3A_1404 = arith.muli %scan3A_1390, %mul3A_1403 : i32
      %add3A_1405 = arith.constant 4096 : i32
      %add3A_1406 = arith.addi %add3A_1405, %mul3A_1404 : i32
      %get3A_1407 = arith.constant 1 : i32
      %get3A_1408 = arith.index_cast %get3A_1407 : i32 to index
      %get3A_1409 = arith.index_cast %add3A_1406 : i32 to index
      %get3A_1410 = tpu.vector_load %arg4[%get3A_1408, %get3A_1409] {strides = array<i32>} : memref<2x32768xf32, #tpu.memory_space<vmem>>, vector<16xf32>,
      %gt3A_1411 = arith.cmpf ogt, %get3A_1410, %select_n3A_1321 : vector<16xf32>
      %select_n3A_1412 = arith.select %gt3A_1411, %get3A_1410, %select_n3A_1321 : vector<16xi1>, vector<16xf32>
      %select_n3A_1413 = arith.select %gt3A_1411, %broadcast_in_dim3A_1391, %select_n3A_1322 : vector<16xi1>, vector<16xi32>
      %mul3A_1414 = arith.constant 16 : i32
      %mul3A_1415 = arith.muli %scan3A_1390, %mul3A_1414 : i32
      %add3A_1416 = arith.constant 8192 : i32
      %add3A_1417 = arith.addi %add3A_1416, %mul3A_1415 : i32
      %get3A_1418 = arith.constant 1 : i32
      %get3A_1419 = arith.index_cast %get3A_1418 : i32 to index
      %get3A_1420 = arith.index_cast %add3A_1417 : i32 to index
      %get3A_1421 = tpu.vector_load %arg4[%get3A_1419, %get3A_1420] {strides = array<i32>} : memref<2x32768xf32, #tpu.memory_space<vmem>>, vector<16xf32>,
      %gt3A_1422 = arith.cmpf ogt, %get3A_1421, %select_n3A_1332 : vector<16xf32>
      %select_n3A_1423 = arith.select %gt3A_1422, %get3A_1421, %select_n3A_1332 : vector<16xi1>, vector<16xf32>
      %select_n3A_1424 = arith.select %gt3A_1422, %broadcast_in_dim3A_1391, %select_n3A_1333 : vector<16xi1>, vector<16xi32>
      %mul3A_1425 = arith.constant 16 : i32
      %mul3A_1426 = arith.muli %scan3A_1390, %mul3A_1425 : i32
      %add3A_1427 = arith.constant 12288 : i32
      %add3A_1428 = arith.addi %add3A_1427, %mul3A_1426 : i32
      %get3A_1429 = arith.constant 1 : i32
      %get3A_1430 = arith.index_cast %get3A_1429 : i32 to index
      %get3A_1431 = arith.index_cast %add3A_1428 : i32 to index
      %get3A_1432 = tpu.vector_load %arg4[%get3A_1430, %get3A_1431] {strides = array<i32>} : memref<2x32768xf32, #tpu.memory_space<vmem>>, vector<16xf32>,
      %gt3A_1433 = arith.cmpf ogt, %get3A_1432, %select_n3A_1343 : vector<16xf32>
      %select_n3A_1434 = arith.select %gt3A_1433, %get3A_1432, %select_n3A_1343 : vector<16xi1>, vector<16xf32>
      %select_n3A_1435 = arith.select %gt3A_1433, %broadcast_in_dim3A_1391, %select_n3A_1344 : vector<16xi1>, vector<16xi32>
      %mul3A_1436 = arith.constant 16 : i32
      %mul3A_1437 = arith.muli %scan3A_1390, %mul3A_1436 : i32
      %add3A_1438 = arith.constant 16384 : i32
      %add3A_1439 = arith.addi %add3A_1438, %mul3A_1437 : i32
      %get3A_1440 = arith.constant 1 : i32
      %get3A_1441 = arith.index_cast %get3A_1440 : i32 to index
      %get3A_1442 = arith.index_cast %add3A_1439 : i32 to index
      %get3A_1443 = tpu.vector_load %arg4[%get3A_1441, %get3A_1442] {strides = array<i32>} : memref<2x32768xf32, #tpu.memory_space<vmem>>, vector<16xf32>,
      %gt3A_1444 = arith.cmpf ogt, %get3A_1443, %select_n3A_1354 : vector<16xf32>
      %select_n3A_1445 = arith.select %gt3A_1444, %get3A_1443, %select_n3A_1354 : vector<16xi1>, vector<16xf32>
      %select_n3A_1446 = arith.select %gt3A_1444, %broadcast_in_dim3A_1391, %select_n3A_1355 : vector<16xi1>, vector<16xi32>
      %mul3A_1447 = arith.constant 16 : i32
      %mul3A_1448 = arith.muli %scan3A_1390, %mul3A_1447 : i32
      %add3A_1449 = arith.constant 20480 : i32
      %add3A_1450 = arith.addi %add3A_1449, %mul3A_1448 : i32
      %get3A_1451 = arith.constant 1 : i32
      %get3A_1452 = arith.index_cast %get3A_1451 : i32 to index
      %get3A_1453 = arith.index_cast %add3A_1450 : i32 to index
      %get3A_1454 = tpu.vector_load %arg4[%get3A_1452, %get3A_1453] {strides = array<i32>} : memref<2x32768xf32, #tpu.memory_space<vmem>>, vector<16xf32>,
      %gt3A_1455 = arith.cmpf ogt, %get3A_1454, %select_n3A_1365 : vector<16xf32>
      %select_n3A_1456 = arith.select %gt3A_1455, %get3A_1454, %select_n3A_1365 : vector<16xi1>, vector<16xf32>
      %select_n3A_1457 = arith.select %gt3A_1455, %broadcast_in_dim3A_1391, %select_n3A_1366 : vector<16xi1>, vector<16xi32>
      %mul3A_1458 = arith.constant 16 : i32
      %mul3A_1459 = arith.muli %scan3A_1390, %mul3A_1458 : i32
      %add3A_1460 = arith.constant 24576 : i32
      %add3A_1461 = arith.addi %add3A_1460, %mul3A_1459 : i32
      %get3A_1462 = arith.constant 1 : i32
      %get3A_1463 = arith.index_cast %get3A_1462 : i32 to index
      %get3A_1464 = arith.index_cast %add3A_1461 : i32 to index
      %get3A_1465 = tpu.vector_load %arg4[%get3A_1463, %get3A_1464] {strides = array<i32>} : memref<2x32768xf32, #tpu.memory_space<vmem>>, vector<16xf32>,
      %gt3A_1466 = arith.cmpf ogt, %get3A_1465, %select_n3A_1376 : vector<16xf32>
      %select_n3A_1467 = arith.select %gt3A_1466, %get3A_1465, %select_n3A_1376 : vector<16xi1>, vector<16xf32>
      %select_n3A_1468 = arith.select %gt3A_1466, %broadcast_in_dim3A_1391, %select_n3A_1377 : vector<16xi1>, vector<16xi32>
      %mul3A_1469 = arith.constant 16 : i32
      %mul3A_1470 = arith.muli %scan3A_1390, %mul3A_1469 : i32
      %add3A_1471 = arith.constant 28672 : i32
      %add3A_1472 = arith.addi %add3A_1471, %mul3A_1470 : i32
      %get3A_1473 = arith.constant 1 : i32
      %get3A_1474 = arith.index_cast %get3A_1473 : i32 to index
      %get3A_1475 = arith.index_cast %add3A_1472 : i32 to index
      %get3A_1476 = tpu.vector_load %arg4[%get3A_1474, %get3A_1475] {strides = array<i32>} : memref<2x32768xf32, #tpu.memory_space<vmem>>, vector<16xf32>,
      %gt3A_1477 = arith.cmpf ogt, %get3A_1476, %select_n3A_1387 : vector<16xf32>
      %select_n3A_1478 = arith.select %gt3A_1477, %get3A_1476, %select_n3A_1387 : vector<16xi1>, vector<16xf32>
      %select_n3A_1479 = arith.select %gt3A_1477, %broadcast_in_dim3A_1391, %select_n3A_1388 : vector<16xi1>, vector<16xi32>
      scf.yield %select_n3A_1401, %select_n3A_1412, %select_n3A_1423, %select_n3A_1434, %select_n3A_1445, %select_n3A_1456, %select_n3A_1467, %select_n3A_1478, %select_n3A_1402, %select_n3A_1413, %select_n3A_1424, %select_n3A_1435, %select_n3A_1446, %select_n3A_1457, %select_n3A_1468, %select_n3A_1479 : vector<16xf32>, vector<16xf32>, vector<16xf32>, vector<16xf32>, vector<16xf32>, vector<16xf32>, vector<16xf32>, vector<16xf32>, vector<16xi32>, vector<16xi32>, vector<16xi32>, vector<16xi32>, vector<16xi32>, vector<16xi32>, vector<16xi32>, vector<16xi32>
    }
    %scan3A_480 = arith.constant 256 : i32
    %max3A_481 = arith.maximumf %scan3A_479#0, %scan3A_479#1 : vector<16xf32>
    %max3A_482 = arith.maximumf %max3A_481, %scan3A_479#2 : vector<16xf32>
    %max3A_483 = arith.maximumf %max3A_482, %scan3A_479#3 : vector<16xf32>
    %max3A_484 = arith.maximumf %max3A_483, %scan3A_479#4 : vector<16xf32>
    %max3A_485 = arith.maximumf %max3A_484, %scan3A_479#5 : vector<16xf32>
    %max3A_486 = arith.maximumf %max3A_485, %scan3A_479#6 : vector<16xf32>
    %max3A_487 = arith.maximumf %max3A_486, %scan3A_479#7 : vector<16xf32>
    %reduce_max3A_488 = arith.constant true
    %reduce_max3A_489 = vector.broadcast %reduce_max3A_488 : i1 to vector<16xi1>
    %reduce_max3A_490 = tpu.scan <max>, %max3A_487 masked %reduce_max3A_489 : vector<16xf32>, vector<16xi1> -> vector<16xf32>
    %reduce_max3A_491 = vector.extract %reduce_max3A_490[15] : f32 from vector<16xf32>
    %eq3A_492 = vector.broadcast %reduce_max3A_491 : f32 to vector<16xf32>
    %eq3A_493 = arith.cmpf oeq, %scan3A_479#0, %eq3A_492 : vector<16xf32>
    %add3A_494 = arith.constant 0 : i32
    %add3A_495 = vector.broadcast %add3A_494 : i32 to vector<16xi32>
    %add3A_496 = arith.addi %scan3A_479#8, %add3A_495 : vector<16xi32>
    %mul3A_497 = arith.constant 16 : i32
    %mul3A_498 = vector.broadcast %mul3A_497 : i32 to vector<16xi32>
    %mul3A_499 = arith.muli %add3A_496, %mul3A_498 : vector<16xi32>
    %add3A_500 = arith.addi %mul3A_499, %iota3A : vector<16xi32>
    %jit3A_501 = arith.constant 2147483647 : i32
    %broadcast_in_dim3A_502 = vector.broadcast %jit3A_501 : i32 to vector<16xi32>
    %select_n3A_503 = arith.select %eq3A_493, %add3A_500, %broadcast_in_dim3A_502 : vector<16xi1>, vector<16xi32>
    %eq3A_504 = vector.broadcast %reduce_max3A_491 : f32 to vector<16xf32>
    %eq3A_505 = arith.cmpf oeq, %scan3A_479#1, %eq3A_504 : vector<16xf32>
    %add3A_506 = arith.constant 256 : i32
    %add3A_507 = vector.broadcast %add3A_506 : i32 to vector<16xi32>
    %add3A_508 = arith.addi %scan3A_479#9, %add3A_507 : vector<16xi32>
    %mul3A_509 = arith.constant 16 : i32
    %mul3A_510 = vector.broadcast %mul3A_509 : i32 to vector<16xi32>
    %mul3A_511 = arith.muli %add3A_508, %mul3A_510 : vector<16xi32>
    %add3A_512 = arith.addi %mul3A_511, %iota3A : vector<16xi32>
    %jit3A_513 = arith.constant 2147483647 : i32
    %broadcast_in_dim3A_514 = vector.broadcast %jit3A_513 : i32 to vector<16xi32>
    %select_n3A_515 = arith.select %eq3A_505, %add3A_512, %broadcast_in_dim3A_514 : vector<16xi1>, vector<16xi32>
    %eq3A_516 = vector.broadcast %reduce_max3A_491 : f32 to vector<16xf32>
    %eq3A_517 = arith.cmpf oeq, %scan3A_479#2, %eq3A_516 : vector<16xf32>
    %add3A_518 = arith.constant 512 : i32
    %add3A_519 = vector.broadcast %add3A_518 : i32 to vector<16xi32>
    %add3A_520 = arith.addi %scan3A_479#10, %add3A_519 : vector<16xi32>
    %mul3A_521 = arith.constant 16 : i32
    %mul3A_522 = vector.broadcast %mul3A_521 : i32 to vector<16xi32>
    %mul3A_523 = arith.muli %add3A_520, %mul3A_522 : vector<16xi32>
    %add3A_524 = arith.addi %mul3A_523, %iota3A : vector<16xi32>
    %jit3A_525 = arith.constant 2147483647 : i32
    %broadcast_in_dim3A_526 = vector.broadcast %jit3A_525 : i32 to vector<16xi32>
    %select_n3A_527 = arith.select %eq3A_517, %add3A_524, %broadcast_in_dim3A_526 : vector<16xi1>, vector<16xi32>
    %eq3A_528 = vector.broadcast %reduce_max3A_491 : f32 to vector<16xf32>
    %eq3A_529 = arith.cmpf oeq, %scan3A_479#3, %eq3A_528 : vector<16xf32>
    %add3A_530 = arith.constant 768 : i32
    %add3A_531 = vector.broadcast %add3A_530 : i32 to vector<16xi32>
    %add3A_532 = arith.addi %scan3A_479#11, %add3A_531 : vector<16xi32>
    %mul3A_533 = arith.constant 16 : i32
    %mul3A_534 = vector.broadcast %mul3A_533 : i32 to vector<16xi32>
    %mul3A_535 = arith.muli %add3A_532, %mul3A_534 : vector<16xi32>
    %add3A_536 = arith.addi %mul3A_535, %iota3A : vector<16xi32>
    %jit3A_537 = arith.constant 2147483647 : i32
    %broadcast_in_dim3A_538 = vector.broadcast %jit3A_537 : i32 to vector<16xi32>
    %select_n3A_539 = arith.select %eq3A_529, %add3A_536, %broadcast_in_dim3A_538 : vector<16xi1>, vector<16xi32>
    %eq3A_540 = vector.broadcast %reduce_max3A_491 : f32 to vector<16xf32>
    %eq3A_541 = arith.cmpf oeq, %scan3A_479#4, %eq3A_540 : vector<16xf32>
    %add3A_542 = arith.constant 1024 : i32
    %add3A_543 = vector.broadcast %add3A_542 : i32 to vector<16xi32>
    %add3A_544 = arith.addi %scan3A_479#12, %add3A_543 : vector<16xi32>
    %mul3A_545 = arith.constant 16 : i32
    %mul3A_546 = vector.broadcast %mul3A_545 : i32 to vector<16xi32>
    %mul3A_547 = arith.muli %add3A_544, %mul3A_546 : vector<16xi32>
    %add3A_548 = arith.addi %mul3A_547, %iota3A : vector<16xi32>
    %jit3A_549 = arith.constant 2147483647 : i32
    %broadcast_in_dim3A_550 = vector.broadcast %jit3A_549 : i32 to vector<16xi32>
    %select_n3A_551 = arith.select %eq3A_541, %add3A_548, %broadcast_in_dim3A_550 : vector<16xi1>, vector<16xi32>
    %eq3A_552 = vector.broadcast %reduce_max3A_491 : f32 to vector<16xf32>
    %eq3A_553 = arith.cmpf oeq, %scan3A_479#5, %eq3A_552 : vector<16xf32>
    %add3A_554 = arith.constant 1280 : i32
    %add3A_555 = vector.broadcast %add3A_554 : i32 to vector<16xi32>
    %add3A_556 = arith.addi %scan3A_479#13, %add3A_555 : vector<16xi32>
    %mul3A_557 = arith.constant 16 : i32
    %mul3A_558 = vector.broadcast %mul3A_557 : i32 to vector<16xi32>
    %mul3A_559 = arith.muli %add3A_556, %mul3A_558 : vector<16xi32>
    %add3A_560 = arith.addi %mul3A_559, %iota3A : vector<16xi32>
    %jit3A_561 = arith.constant 2147483647 : i32
    %broadcast_in_dim3A_562 = vector.broadcast %jit3A_561 : i32 to vector<16xi32>
    %select_n3A_563 = arith.select %eq3A_553, %add3A_560, %broadcast_in_dim3A_562 : vector<16xi1>, vector<16xi32>
    %eq3A_564 = vector.broadcast %reduce_max3A_491 : f32 to vector<16xf32>
    %eq3A_565 = arith.cmpf oeq, %scan3A_479#6, %eq3A_564 : vector<16xf32>
    %add3A_566 = arith.constant 1536 : i32
    %add3A_567 = vector.broadcast %add3A_566 : i32 to vector<16xi32>
    %add3A_568 = arith.addi %scan3A_479#14, %add3A_567 : vector<16xi32>
    %mul3A_569 = arith.constant 16 : i32
    %mul3A_570 = vector.broadcast %mul3A_569 : i32 to vector<16xi32>
    %mul3A_571 = arith.muli %add3A_568, %mul3A_570 : vector<16xi32>
    %add3A_572 = arith.addi %mul3A_571, %iota3A : vector<16xi32>
    %jit3A_573 = arith.constant 2147483647 : i32
    %broadcast_in_dim3A_574 = vector.broadcast %jit3A_573 : i32 to vector<16xi32>
    %select_n3A_575 = arith.select %eq3A_565, %add3A_572, %broadcast_in_dim3A_574 : vector<16xi1>, vector<16xi32>
    %eq3A_576 = vector.broadcast %reduce_max3A_491 : f32 to vector<16xf32>
    %eq3A_577 = arith.cmpf oeq, %scan3A_479#7, %eq3A_576 : vector<16xf32>
    %add3A_578 = arith.constant 1792 : i32
    %add3A_579 = vector.broadcast %add3A_578 : i32 to vector<16xi32>
    %add3A_580 = arith.addi %scan3A_479#15, %add3A_579 : vector<16xi32>
    %mul3A_581 = arith.constant 16 : i32
    %mul3A_582 = vector.broadcast %mul3A_581 : i32 to vector<16xi32>
    %mul3A_583 = arith.muli %add3A_580, %mul3A_582 : vector<16xi32>
    %add3A_584 = arith.addi %mul3A_583, %iota3A : vector<16xi32>
    %jit3A_585 = arith.constant 2147483647 : i32
    %broadcast_in_dim3A_586 = vector.broadcast %jit3A_585 : i32 to vector<16xi32>
    %select_n3A_587 = arith.select %eq3A_577, %add3A_584, %broadcast_in_dim3A_586 : vector<16xi1>, vector<16xi32>
    %min3A_588 = arith.minsi %select_n3A_503, %select_n3A_515 : vector<16xi32>
    %min3A_589 = arith.minsi %min3A_588, %select_n3A_527 : vector<16xi32>
    %min3A_590 = arith.minsi %min3A_589, %select_n3A_539 : vector<16xi32>
    %min3A_591 = arith.minsi %min3A_590, %select_n3A_551 : vector<16xi32>
    %min3A_592 = arith.minsi %min3A_591, %select_n3A_563 : vector<16xi32>
    %min3A_593 = arith.minsi %min3A_592, %select_n3A_575 : vector<16xi32>
    %min3A_594 = arith.minsi %min3A_593, %select_n3A_587 : vector<16xi32>
    %reduce_min3A_595 = arith.constant true
    %reduce_min3A_596 = vector.broadcast %reduce_min3A_595 : i1 to vector<16xi1>
    %reduce_min3A_597 = arith.constant -2147483648 : i32
    %reduce_min3A_598 = vector.broadcast %reduce_min3A_597 : i32 to vector<16xi32>
    %reduce_min3A_599 = arith.xori %min3A_594, %reduce_min3A_598 : vector<16xi32>
    %reduce_min3A_600 = tpu.scan <min>, %reduce_min3A_599 masked %reduce_min3A_596 : vector<16xi32>, vector<16xi1> -> vector<16xi32>
    %reduce_min3A_601 = arith.xori %reduce_min3A_600, %reduce_min3A_598 : vector<16xi32>
    %reduce_min3A_602 = vector.extract %reduce_min3A_601[15] : i32 from vector<16xi32>
    %eq3A_603 = arith.constant 1 : i32
    %eq3A_604 = vector.broadcast %eq3A_603 : i32 to vector<16xi32>
    %eq3A_605 = arith.cmpi eq, %iota3A, %eq3A_604 : vector<16xi32>
    %broadcast_in_dim3A_606 = vector.broadcast %reduce_min3A_602 : i32 to vector<16xi32>
    %select_n3A_607 = arith.select %eq3A_605, %broadcast_in_dim3A_606, %select_n3A_330 : vector<16xi1>, vector<16xi32>
    %add3A_608 = arith.constant 3 : i32
    %add3A_609 = arith.addi %mul3A_2, %add3A_608 : i32
    %add3A_610 = arith.constant 3 : i32
    %add3A_611 = arith.addi %mul3A_2, %add3A_610 : i32
    %add3A_612 = arith.constant 3 : i32
    %add3A_613 = arith.addi %mul3A_2, %add3A_612 : i32
    %add3A_614 = arith.constant 3 : i32
    %add3A_615 = arith.addi %mul3A_2, %add3A_614 : i32
    %dma_start3A_616 = arith.constant 1 : i32
    %dma_start3A_617 = arith.constant 0 : i32
    %dma_start3A_618 = tpu.memref_slice %arg4[%dma_start3A_616, %dma_start3A_617] : memref<2x32768xf32, #tpu.memory_space<vmem>> -> memref<1x8192xf32, #tpu.memory_space<vmem>>
    %dma_start3A_619 = tpu.memref_squeeze %dma_start3A_618 : memref<1x8192xf32, #tpu.memory_space<vmem>> -> memref<8192xf32, #tpu.memory_space<vmem>>
    %dma_start3A_620 = arith.constant 0 : i32
    %dma_start3A_621 = tpu.memref_slice %arg2[%add3A_609, %dma_start3A_620] : memref<128x32768xf32, #tpu.memory_space<hbm>> -> memref<1x8192xf32, #tpu.memory_space<hbm>>
    %dma_start3A_622 = tpu.memref_squeeze %dma_start3A_621 : memref<1x8192xf32, #tpu.memory_space<hbm>> -> memref<8192xf32, #tpu.memory_space<hbm>>
    %dma_start3A_623 = arith.constant 0 : i32
    %dma_start3A_624 = tpu.memref_slice %arg4[%dma_start3A_616, %dma_start3A_623] : memref<2x32768xf32, #tpu.memory_space<vmem>> -> memref<1x8192xf32, #tpu.memory_space<vmem>>
    %dma_start3A_625 = tpu.memref_squeeze %dma_start3A_624 : memref<1x8192xf32, #tpu.memory_space<vmem>> -> memref<8192xf32, #tpu.memory_space<vmem>>
    %dma_start3A_626 = arith.constant 0 : i32
    %dma_start3A_627 = tpu.memref_slice %arg2[%add3A_609, %dma_start3A_626] : memref<128x32768xf32, #tpu.memory_space<hbm>> -> memref<1x8192xf32, #tpu.memory_space<hbm>>
    %dma_start3A_628 = tpu.memref_squeeze %dma_start3A_627 : memref<1x8192xf32, #tpu.memory_space<hbm>> -> memref<8192xf32, #tpu.memory_space<hbm>>
    tpu.enqueue_dma source(%dma_start3A_628 : memref<8192xf32, #tpu.memory_space<hbm>>) target(%dma_start3A_625 : memref<8192xf32, #tpu.memory_space<vmem>>) target_semaphore(%arg7 : memref<!tpu.dma_semaphore, #tpu.memory_space<semaphore_mem>>)
    %dma_start3A_629 = arith.constant 1 : i32
    %dma_start3A_630 = arith.constant 8192 : i32
    %dma_start3A_631 = tpu.memref_slice %arg4[%dma_start3A_629, %dma_start3A_630] : memref<2x32768xf32, #tpu.memory_space<vmem>> -> memref<1x8192xf32, #tpu.memory_space<vmem>>
    %dma_start3A_632 = tpu.memref_squeeze %dma_start3A_631 : memref<1x8192xf32, #tpu.memory_space<vmem>> -> memref<8192xf32, #tpu.memory_space<vmem>>
    %dma_start3A_633 = arith.constant 8192 : i32
    %dma_start3A_634 = tpu.memref_slice %arg2[%add3A_611, %dma_start3A_633] : memref<128x32768xf32, #tpu.memory_space<hbm>> -> memref<1x8192xf32, #tpu.memory_space<hbm>>
    %dma_start3A_635 = tpu.memref_squeeze %dma_start3A_634 : memref<1x8192xf32, #tpu.memory_space<hbm>> -> memref<8192xf32, #tpu.memory_space<hbm>>
    %dma_start3A_636 = arith.constant 8192 : i32
    %dma_start3A_637 = tpu.memref_slice %arg4[%dma_start3A_629, %dma_start3A_636] : memref<2x32768xf32, #tpu.memory_space<vmem>> -> memref<1x8192xf32, #tpu.memory_space<vmem>>
    %dma_start3A_638 = tpu.memref_squeeze %dma_start3A_637 : memref<1x8192xf32, #tpu.memory_space<vmem>> -> memref<8192xf32, #tpu.memory_space<vmem>>
    %dma_start3A_639 = arith.constant 8192 : i32
    %dma_start3A_640 = tpu.memref_slice %arg2[%add3A_611, %dma_start3A_639] : memref<128x32768xf32, #tpu.memory_space<hbm>> -> memref<1x8192xf32, #tpu.memory_space<hbm>>
    %dma_start3A_641 = tpu.memref_squeeze %dma_start3A_640 : memref<1x8192xf32, #tpu.memory_space<hbm>> -> memref<8192xf32, #tpu.memory_space<hbm>>
    tpu.enqueue_dma source(%dma_start3A_641 : memref<8192xf32, #tpu.memory_space<hbm>>) target(%dma_start3A_638 : memref<8192xf32, #tpu.memory_space<vmem>>) target_semaphore(%arg7 : memref<!tpu.dma_semaphore, #tpu.memory_space<semaphore_mem>>)
    %dma_start3A_642 = arith.constant 1 : i32
    %dma_start3A_643 = arith.constant 16384 : i32
    %dma_start3A_644 = tpu.memref_slice %arg4[%dma_start3A_642, %dma_start3A_643] : memref<2x32768xf32, #tpu.memory_space<vmem>> -> memref<1x8192xf32, #tpu.memory_space<vmem>>
    %dma_start3A_645 = tpu.memref_squeeze %dma_start3A_644 : memref<1x8192xf32, #tpu.memory_space<vmem>> -> memref<8192xf32, #tpu.memory_space<vmem>>
    %dma_start3A_646 = arith.constant 16384 : i32
    %dma_start3A_647 = tpu.memref_slice %arg2[%add3A_613, %dma_start3A_646] : memref<128x32768xf32, #tpu.memory_space<hbm>> -> memref<1x8192xf32, #tpu.memory_space<hbm>>
    %dma_start3A_648 = tpu.memref_squeeze %dma_start3A_647 : memref<1x8192xf32, #tpu.memory_space<hbm>> -> memref<8192xf32, #tpu.memory_space<hbm>>
    %dma_start3A_649 = arith.constant 16384 : i32
    %dma_start3A_650 = tpu.memref_slice %arg4[%dma_start3A_642, %dma_start3A_649] : memref<2x32768xf32, #tpu.memory_space<vmem>> -> memref<1x8192xf32, #tpu.memory_space<vmem>>
    %dma_start3A_651 = tpu.memref_squeeze %dma_start3A_650 : memref<1x8192xf32, #tpu.memory_space<vmem>> -> memref<8192xf32, #tpu.memory_space<vmem>>
    %dma_start3A_652 = arith.constant 16384 : i32
    %dma_start3A_653 = tpu.memref_slice %arg2[%add3A_613, %dma_start3A_652] : memref<128x32768xf32, #tpu.memory_space<hbm>> -> memref<1x8192xf32, #tpu.memory_space<hbm>>
    %dma_start3A_654 = tpu.memref_squeeze %dma_start3A_653 : memref<1x8192xf32, #tpu.memory_space<hbm>> -> memref<8192xf32, #tpu.memory_space<hbm>>
    tpu.enqueue_dma source(%dma_start3A_654 : memref<8192xf32, #tpu.memory_space<hbm>>) target(%dma_start3A_651 : memref<8192xf32, #tpu.memory_space<vmem>>) target_semaphore(%arg7 : memref<!tpu.dma_semaphore, #tpu.memory_space<semaphore_mem>>)
    %dma_start3A_655 = arith.constant 1 : i32
    %dma_start3A_656 = arith.constant 24576 : i32
    %dma_start3A_657 = tpu.memref_slice %arg4[%dma_start3A_655, %dma_start3A_656] : memref<2x32768xf32, #tpu.memory_space<vmem>> -> memref<1x8192xf32, #tpu.memory_space<vmem>>
    %dma_start3A_658 = tpu.memref_squeeze %dma_start3A_657 : memref<1x8192xf32, #tpu.memory_space<vmem>> -> memref<8192xf32, #tpu.memory_space<vmem>>
    %dma_start3A_659 = arith.constant 24576 : i32
    %dma_start3A_660 = tpu.memref_slice %arg2[%add3A_615, %dma_start3A_659] : memref<128x32768xf32, #tpu.memory_space<hbm>> -> memref<1x8192xf32, #tpu.memory_space<hbm>>
    %dma_start3A_661 = tpu.memref_squeeze %dma_start3A_660 : memref<1x8192xf32, #tpu.memory_space<hbm>> -> memref<8192xf32, #tpu.memory_space<hbm>>
    %dma_start3A_662 = arith.constant 24576 : i32
    %dma_start3A_663 = tpu.memref_slice %arg4[%dma_start3A_655, %dma_start3A_662] : memref<2x32768xf32, #tpu.memory_space<vmem>> -> memref<1x8192xf32, #tpu.memory_space<vmem>>
    %dma_start3A_664 = tpu.memref_squeeze %dma_start3A_663 : memref<1x8192xf32, #tpu.memory_space<vmem>> -> memref<8192xf32, #tpu.memory_space<vmem>>
    %dma_start3A_665 = arith.constant 24576 : i32
    %dma_start3A_666 = tpu.memref_slice %arg2[%add3A_615, %dma_start3A_665] : memref<128x32768xf32, #tpu.memory_space<hbm>> -> memref<1x8192xf32, #tpu.memory_space<hbm>>
    %dma_start3A_667 = tpu.memref_squeeze %dma_start3A_666 : memref<1x8192xf32, #tpu.memory_space<hbm>> -> memref<8192xf32, #tpu.memory_space<hbm>>
    tpu.enqueue_dma source(%dma_start3A_667 : memref<8192xf32, #tpu.memory_space<hbm>>) target(%dma_start3A_664 : memref<8192xf32, #tpu.memory_space<vmem>>) target_semaphore(%arg7 : memref<!tpu.dma_semaphore, #tpu.memory_space<semaphore_mem>>)
    %dma_wait3A_668 = arith.constant 0 : i32
    %dma_wait3A_669 = arith.constant 0 : i32
    %dma_wait3A_670 = tpu.memref_slice %arg4[%dma_wait3A_668, %dma_wait3A_669] : memref<2x32768xf32, #tpu.memory_space<vmem>> -> memref<1x8192xf32, #tpu.memory_space<vmem>>
    %dma_wait3A_671 = tpu.memref_squeeze %dma_wait3A_670 : memref<1x8192xf32, #tpu.memory_space<vmem>> -> memref<8192xf32, #tpu.memory_space<vmem>>
    %dma_wait3A_672 = arith.constant 0 : i32
    %dma_wait3A_673 = tpu.memref_slice %arg2[%add3A_332, %dma_wait3A_672] : memref<128x32768xf32, #tpu.memory_space<hbm>> -> memref<1x8192xf32, #tpu.memory_space<hbm>>
    %dma_wait3A_674 = tpu.memref_squeeze %dma_wait3A_673 : memref<1x8192xf32, #tpu.memory_space<hbm>> -> memref<8192xf32, #tpu.memory_space<hbm>>
    %dma_wait3A_675 = arith.constant 0 : i32
    %dma_wait3A_676 = tpu.memref_slice %arg4[%dma_wait3A_668, %dma_wait3A_675] : memref<2x32768xf32, #tpu.memory_space<vmem>> -> memref<1x8192xf32, #tpu.memory_space<vmem>>
    %dma_wait3A_677 = tpu.memref_squeeze %dma_wait3A_676 : memref<1x8192xf32, #tpu.memory_space<vmem>> -> memref<8192xf32, #tpu.memory_space<vmem>>
    %dma_wait3A_678 = arith.constant 0 : i32
    %dma_wait3A_679 = tpu.memref_slice %arg2[%add3A_332, %dma_wait3A_678] : memref<128x32768xf32, #tpu.memory_space<hbm>> -> memref<1x8192xf32, #tpu.memory_space<hbm>>
    %dma_wait3A_680 = tpu.memref_squeeze %dma_wait3A_679 : memref<1x8192xf32, #tpu.memory_space<hbm>> -> memref<8192xf32, #tpu.memory_space<hbm>>
    tpu.wait_dma2 semaphore(%arg6 : memref<!tpu.dma_semaphore, #tpu.memory_space<semaphore_mem>>) src(%dma_wait3A_680 : memref<8192xf32, #tpu.memory_space<hbm>>) dst(%dma_wait3A_677 : memref<8192xf32, #tpu.memory_space<vmem>>)
    %dma_wait3A_681 = arith.constant 0 : i32
    %dma_wait3A_682 = arith.constant 8192 : i32
    %dma_wait3A_683 = tpu.memref_slice %arg4[%dma_wait3A_681, %dma_wait3A_682] : memref<2x32768xf32, #tpu.memory_space<vmem>> -> memref<1x8192xf32, #tpu.memory_space<vmem>>
    %dma_wait3A_684 = tpu.memref_squeeze %dma_wait3A_683 : memref<1x8192xf32, #tpu.memory_space<vmem>> -> memref<8192xf32, #tpu.memory_space<vmem>>
    %dma_wait3A_685 = arith.constant 8192 : i32
    %dma_wait3A_686 = tpu.memref_slice %arg2[%add3A_334, %dma_wait3A_685] : memref<128x32768xf32, #tpu.memory_space<hbm>> -> memref<1x8192xf32, #tpu.memory_space<hbm>>
    %dma_wait3A_687 = tpu.memref_squeeze %dma_wait3A_686 : memref<1x8192xf32, #tpu.memory_space<hbm>> -> memref<8192xf32, #tpu.memory_space<hbm>>
    %dma_wait3A_688 = arith.constant 8192 : i32
    %dma_wait3A_689 = tpu.memref_slice %arg4[%dma_wait3A_681, %dma_wait3A_688] : memref<2x32768xf32, #tpu.memory_space<vmem>> -> memref<1x8192xf32, #tpu.memory_space<vmem>>
    %dma_wait3A_690 = tpu.memref_squeeze %dma_wait3A_689 : memref<1x8192xf32, #tpu.memory_space<vmem>> -> memref<8192xf32, #tpu.memory_space<vmem>>
    %dma_wait3A_691 = arith.constant 8192 : i32
    %dma_wait3A_692 = tpu.memref_slice %arg2[%add3A_334, %dma_wait3A_691] : memref<128x32768xf32, #tpu.memory_space<hbm>> -> memref<1x8192xf32, #tpu.memory_space<hbm>>
    %dma_wait3A_693 = tpu.memref_squeeze %dma_wait3A_692 : memref<1x8192xf32, #tpu.memory_space<hbm>> -> memref<8192xf32, #tpu.memory_space<hbm>>
    tpu.wait_dma2 semaphore(%arg6 : memref<!tpu.dma_semaphore, #tpu.memory_space<semaphore_mem>>) src(%dma_wait3A_693 : memref<8192xf32, #tpu.memory_space<hbm>>) dst(%dma_wait3A_690 : memref<8192xf32, #tpu.memory_space<vmem>>)
    %dma_wait3A_694 = arith.constant 0 : i32
    %dma_wait3A_695 = arith.constant 16384 : i32
    %dma_wait3A_696 = tpu.memref_slice %arg4[%dma_wait3A_694, %dma_wait3A_695] : memref<2x32768xf32, #tpu.memory_space<vmem>> -> memref<1x8192xf32, #tpu.memory_space<vmem>>
    %dma_wait3A_697 = tpu.memref_squeeze %dma_wait3A_696 : memref<1x8192xf32, #tpu.memory_space<vmem>> -> memref<8192xf32, #tpu.memory_space<vmem>>
    %dma_wait3A_698 = arith.constant 16384 : i32
    %dma_wait3A_699 = tpu.memref_slice %arg2[%add3A_336, %dma_wait3A_698] : memref<128x32768xf32, #tpu.memory_space<hbm>> -> memref<1x8192xf32, #tpu.memory_space<hbm>>
    %dma_wait3A_700 = tpu.memref_squeeze %dma_wait3A_699 : memref<1x8192xf32, #tpu.memory_space<hbm>> -> memref<8192xf32, #tpu.memory_space<hbm>>
    %dma_wait3A_701 = arith.constant 16384 : i32
    %dma_wait3A_702 = tpu.memref_slice %arg4[%dma_wait3A_694, %dma_wait3A_701] : memref<2x32768xf32, #tpu.memory_space<vmem>> -> memref<1x8192xf32, #tpu.memory_space<vmem>>
    %dma_wait3A_703 = tpu.memref_squeeze %dma_wait3A_702 : memref<1x8192xf32, #tpu.memory_space<vmem>> -> memref<8192xf32, #tpu.memory_space<vmem>>
    %dma_wait3A_704 = arith.constant 16384 : i32
    %dma_wait3A_705 = tpu.memref_slice %arg2[%add3A_336, %dma_wait3A_704] : memref<128x32768xf32, #tpu.memory_space<hbm>> -> memref<1x8192xf32, #tpu.memory_space<hbm>>
    %dma_wait3A_706 = tpu.memref_squeeze %dma_wait3A_705 : memref<1x8192xf32, #tpu.memory_space<hbm>> -> memref<8192xf32, #tpu.memory_space<hbm>>
    tpu.wait_dma2 semaphore(%arg6 : memref<!tpu.dma_semaphore, #tpu.memory_space<semaphore_mem>>) src(%dma_wait3A_706 : memref<8192xf32, #tpu.memory_space<hbm>>) dst(%dma_wait3A_703 : memref<8192xf32, #tpu.memory_space<vmem>>)
    %dma_wait3A_707 = arith.constant 0 : i32
    %dma_wait3A_708 = arith.constant 24576 : i32
    %dma_wait3A_709 = tpu.memref_slice %arg4[%dma_wait3A_707, %dma_wait3A_708] : memref<2x32768xf32, #tpu.memory_space<vmem>> -> memref<1x8192xf32, #tpu.memory_space<vmem>>
    %dma_wait3A_710 = tpu.memref_squeeze %dma_wait3A_709 : memref<1x8192xf32, #tpu.memory_space<vmem>> -> memref<8192xf32, #tpu.memory_space<vmem>>
    %dma_wait3A_711 = arith.constant 24576 : i32
    %dma_wait3A_712 = tpu.memref_slice %arg2[%add3A_338, %dma_wait3A_711] : memref<128x32768xf32, #tpu.memory_space<hbm>> -> memref<1x8192xf32, #tpu.memory_space<hbm>>
    %dma_wait3A_713 = tpu.memref_squeeze %dma_wait3A_712 : memref<1x8192xf32, #tpu.memory_space<hbm>> -> memref<8192xf32, #tpu.memory_space<hbm>>
    %dma_wait3A_714 = arith.constant 24576 : i32
    %dma_wait3A_715 = tpu.memref_slice %arg4[%dma_wait3A_707, %dma_wait3A_714] : memref<2x32768xf32, #tpu.memory_space<vmem>> -> memref<1x8192xf32, #tpu.memory_space<vmem>>
    %dma_wait3A_716 = tpu.memref_squeeze %dma_wait3A_715 : memref<1x8192xf32, #tpu.memory_space<vmem>> -> memref<8192xf32, #tpu.memory_space<vmem>>
    %dma_wait3A_717 = arith.constant 24576 : i32
    %dma_wait3A_718 = tpu.memref_slice %arg2[%add3A_338, %dma_wait3A_717] : memref<128x32768xf32, #tpu.memory_space<hbm>> -> memref<1x8192xf32, #tpu.memory_space<hbm>>
    %dma_wait3A_719 = tpu.memref_squeeze %dma_wait3A_718 : memref<1x8192xf32, #tpu.memory_space<hbm>> -> memref<8192xf32, #tpu.memory_space<hbm>>
    tpu.wait_dma2 semaphore(%arg6 : memref<!tpu.dma_semaphore, #tpu.memory_space<semaphore_mem>>) src(%dma_wait3A_719 : memref<8192xf32, #tpu.memory_space<hbm>>) dst(%dma_wait3A_716 : memref<8192xf32, #tpu.memory_space<vmem>>)
    %broadcast_in_dim3A_720 = arith.constant 0xFF800000 : f32
    %broadcast_in_dim3A_721 = vector.broadcast %broadcast_in_dim3A_720 : f32 to vector<16xf32>
    %broadcast_in_dim3A_722 = arith.constant 0xFF800000 : f32
    %broadcast_in_dim3A_723 = vector.broadcast %broadcast_in_dim3A_722 : f32 to vector<16xf32>
    %broadcast_in_dim3A_724 = arith.constant 0xFF800000 : f32
    %broadcast_in_dim3A_725 = vector.broadcast %broadcast_in_dim3A_724 : f32 to vector<16xf32>
    %broadcast_in_dim3A_726 = arith.constant 0xFF800000 : f32
    %broadcast_in_dim3A_727 = vector.broadcast %broadcast_in_dim3A_726 : f32 to vector<16xf32>
    %broadcast_in_dim3A_728 = arith.constant 0xFF800000 : f32
    %broadcast_in_dim3A_729 = vector.broadcast %broadcast_in_dim3A_728 : f32 to vector<16xf32>
    %broadcast_in_dim3A_730 = arith.constant 0xFF800000 : f32
    %broadcast_in_dim3A_731 = vector.broadcast %broadcast_in_dim3A_730 : f32 to vector<16xf32>
    %broadcast_in_dim3A_732 = arith.constant 0xFF800000 : f32
    %broadcast_in_dim3A_733 = vector.broadcast %broadcast_in_dim3A_732 : f32 to vector<16xf32>
    %broadcast_in_dim3A_734 = arith.constant 0xFF800000 : f32
    %broadcast_in_dim3A_735 = vector.broadcast %broadcast_in_dim3A_734 : f32 to vector<16xf32>
    %broadcast_in_dim3A_736 = arith.constant 0 : i32
    %broadcast_in_dim3A_737 = vector.broadcast %broadcast_in_dim3A_736 : i32 to vector<16xi32>
    %broadcast_in_dim3A_738 = arith.constant 0 : i32
    %broadcast_in_dim3A_739 = vector.broadcast %broadcast_in_dim3A_738 : i32 to vector<16xi32>
    %broadcast_in_dim3A_740 = arith.constant 0 : i32
    %broadcast_in_dim3A_741 = vector.broadcast %broadcast_in_dim3A_740 : i32 to vector<16xi32>
    %broadcast_in_dim3A_742 = arith.constant 0 : i32
    %broadcast_in_dim3A_743 = vector.broadcast %broadcast_in_dim3A_742 : i32 to vector<16xi32>
    %broadcast_in_dim3A_744 = arith.constant 0 : i32
    %broadcast_in_dim3A_745 = vector.broadcast %broadcast_in_dim3A_744 : i32 to vector<16xi32>
    %broadcast_in_dim3A_746 = arith.constant 0 : i32
    %broadcast_in_dim3A_747 = vector.broadcast %broadcast_in_dim3A_746 : i32 to vector<16xi32>
    %broadcast_in_dim3A_748 = arith.constant 0 : i32
    %broadcast_in_dim3A_749 = vector.broadcast %broadcast_in_dim3A_748 : i32 to vector<16xi32>
    %broadcast_in_dim3A_750 = arith.constant 0 : i32
    %broadcast_in_dim3A_751 = vector.broadcast %broadcast_in_dim3A_750 : i32 to vector<16xi32>
    %scan3A_752 = arith.constant 0 : i32
    %scan3A_753 = arith.constant 256 : i32
    %scan3A_754 = arith.addi %scan3A_752, %scan3A_753 : i32
    %scan3A_755 = arith.constant 4 : i32
    %scan3A_756:16 = scf.for %scan3A_1103 = %scan3A_752 to %scan3A_754 step %scan3A_755 iter_args(%scan3A_1104 = %broadcast_in_dim3A_721, %scan3A_1105 = %broadcast_in_dim3A_723, %scan3A_1106 = %broadcast_in_dim3A_725, %scan3A_1107 = %broadcast_in_dim3A_727, %scan3A_1108 = %broadcast_in_dim3A_729, %scan3A_1109 = %broadcast_in_dim3A_731, %scan3A_1110 = %broadcast_in_dim3A_733, %scan3A_1111 = %broadcast_in_dim3A_735, %scan3A_1112 = %broadcast_in_dim3A_737, %scan3A_1113 = %broadcast_in_dim3A_739, %scan3A_1114 = %broadcast_in_dim3A_741, %scan3A_1115 = %broadcast_in_dim3A_743, %scan3A_1116 = %broadcast_in_dim3A_745, %scan3A_1117 = %broadcast_in_dim3A_747, %scan3A_1118 = %broadcast_in_dim3A_749, %scan3A_1119 = %broadcast_in_dim3A_751) -> (vector<16xf32>, vector<16xf32>, vector<16xf32>, vector<16xf32>, vector<16xf32>, vector<16xf32>, vector<16xf32>, vector<16xf32>, vector<16xi32>, vector<16xi32>, vector<16xi32>, vector<16xi32>, vector<16xi32>, vector<16xi32>, vector<16xi32>, vector<16xi32>)  : i32 {
      %broadcast_in_dim3A_1120 = vector.broadcast %scan3A_1103 : i32 to vector<16xi32>
      %mul3A_1121 = arith.constant 16 : i32
      %mul3A_1122 = arith.muli %scan3A_1103, %mul3A_1121 : i32
      %add3A_1123 = arith.constant 0 : i32
      %add3A_1124 = arith.addi %add3A_1123, %mul3A_1122 : i32
      %get3A = arith.constant 0 : i32
      %get3A_1125 = arith.index_cast %get3A : i32 to index
      %get3A_1126 = arith.index_cast %add3A_1124 : i32 to index
      %get3A_1127 = tpu.vector_load %arg4[%get3A_1125, %get3A_1126] {strides = array<i32>} : memref<2x32768xf32, #tpu.memory_space<vmem>>, vector<16xf32>,
      %gt3A = arith.cmpf ogt, %get3A_1127, %scan3A_1104 : vector<16xf32>
      %select_n3A_1128 = arith.select %gt3A, %get3A_1127, %scan3A_1104 : vector<16xi1>, vector<16xf32>
      %select_n3A_1129 = arith.select %gt3A, %broadcast_in_dim3A_1120, %scan3A_1112 : vector<16xi1>, vector<16xi32>
      %mul3A_1130 = arith.constant 16 : i32
      %mul3A_1131 = arith.muli %scan3A_1103, %mul3A_1130 : i32
      %add3A_1132 = arith.constant 4096 : i32
      %add3A_1133 = arith.addi %add3A_1132, %mul3A_1131 : i32
      %get3A_1134 = arith.constant 0 : i32
      %get3A_1135 = arith.index_cast %get3A_1134 : i32 to index
      %get3A_1136 = arith.index_cast %add3A_1133 : i32 to index
      %get3A_1137 = tpu.vector_load %arg4[%get3A_1135, %get3A_1136] {strides = array<i32>} : memref<2x32768xf32, #tpu.memory_space<vmem>>, vector<16xf32>,
      %gt3A_1138 = arith.cmpf ogt, %get3A_1137, %scan3A_1105 : vector<16xf32>
      %select_n3A_1139 = arith.select %gt3A_1138, %get3A_1137, %scan3A_1105 : vector<16xi1>, vector<16xf32>
      %select_n3A_1140 = arith.select %gt3A_1138, %broadcast_in_dim3A_1120, %scan3A_1113 : vector<16xi1>, vector<16xi32>
      %mul3A_1141 = arith.constant 16 : i32
      %mul3A_1142 = arith.muli %scan3A_1103, %mul3A_1141 : i32
      %add3A_1143 = arith.constant 8192 : i32
      %add3A_1144 = arith.addi %add3A_1143, %mul3A_1142 : i32
      %get3A_1145 = arith.constant 0 : i32
      %get3A_1146 = arith.index_cast %get3A_1145 : i32 to index
      %get3A_1147 = arith.index_cast %add3A_1144 : i32 to index
      %get3A_1148 = tpu.vector_load %arg4[%get3A_1146, %get3A_1147] {strides = array<i32>} : memref<2x32768xf32, #tpu.memory_space<vmem>>, vector<16xf32>,
      %gt3A_1149 = arith.cmpf ogt, %get3A_1148, %scan3A_1106 : vector<16xf32>
      %select_n3A_1150 = arith.select %gt3A_1149, %get3A_1148, %scan3A_1106 : vector<16xi1>, vector<16xf32>
      %select_n3A_1151 = arith.select %gt3A_1149, %broadcast_in_dim3A_1120, %scan3A_1114 : vector<16xi1>, vector<16xi32>
      %mul3A_1152 = arith.constant 16 : i32
      %mul3A_1153 = arith.muli %scan3A_1103, %mul3A_1152 : i32
      %add3A_1154 = arith.constant 12288 : i32
      %add3A_1155 = arith.addi %add3A_1154, %mul3A_1153 : i32
      %get3A_1156 = arith.constant 0 : i32
      %get3A_1157 = arith.index_cast %get3A_1156 : i32 to index
      %get3A_1158 = arith.index_cast %add3A_1155 : i32 to index
      %get3A_1159 = tpu.vector_load %arg4[%get3A_1157, %get3A_1158] {strides = array<i32>} : memref<2x32768xf32, #tpu.memory_space<vmem>>, vector<16xf32>,
      %gt3A_1160 = arith.cmpf ogt, %get3A_1159, %scan3A_1107 : vector<16xf32>
      %select_n3A_1161 = arith.select %gt3A_1160, %get3A_1159, %scan3A_1107 : vector<16xi1>, vector<16xf32>
      %select_n3A_1162 = arith.select %gt3A_1160, %broadcast_in_dim3A_1120, %scan3A_1115 : vector<16xi1>, vector<16xi32>
      %mul3A_1163 = arith.constant 16 : i32
      %mul3A_1164 = arith.muli %scan3A_1103, %mul3A_1163 : i32
      %add3A_1165 = arith.constant 16384 : i32
      %add3A_1166 = arith.addi %add3A_1165, %mul3A_1164 : i32
      %get3A_1167 = arith.constant 0 : i32
      %get3A_1168 = arith.index_cast %get3A_1167 : i32 to index
      %get3A_1169 = arith.index_cast %add3A_1166 : i32 to index
      %get3A_1170 = tpu.vector_load %arg4[%get3A_1168, %get3A_1169] {strides = array<i32>} : memref<2x32768xf32, #tpu.memory_space<vmem>>, vector<16xf32>,
      %gt3A_1171 = arith.cmpf ogt, %get3A_1170, %scan3A_1108 : vector<16xf32>
      %select_n3A_1172 = arith.select %gt3A_1171, %get3A_1170, %scan3A_1108 : vector<16xi1>, vector<16xf32>
      %select_n3A_1173 = arith.select %gt3A_1171, %broadcast_in_dim3A_1120, %scan3A_1116 : vector<16xi1>, vector<16xi32>
      %mul3A_1174 = arith.constant 16 : i32
      %mul3A_1175 = arith.muli %scan3A_1103, %mul3A_1174 : i32
      %add3A_1176 = arith.constant 20480 : i32
      %add3A_1177 = arith.addi %add3A_1176, %mul3A_1175 : i32
      %get3A_1178 = arith.constant 0 : i32
      %get3A_1179 = arith.index_cast %get3A_1178 : i32 to index
      %get3A_1180 = arith.index_cast %add3A_1177 : i32 to index
      %get3A_1181 = tpu.vector_load %arg4[%get3A_1179, %get3A_1180] {strides = array<i32>} : memref<2x32768xf32, #tpu.memory_space<vmem>>, vector<16xf32>,
      %gt3A_1182 = arith.cmpf ogt, %get3A_1181, %scan3A_1109 : vector<16xf32>
      %select_n3A_1183 = arith.select %gt3A_1182, %get3A_1181, %scan3A_1109 : vector<16xi1>, vector<16xf32>
      %select_n3A_1184 = arith.select %gt3A_1182, %broadcast_in_dim3A_1120, %scan3A_1117 : vector<16xi1>, vector<16xi32>
      %mul3A_1185 = arith.constant 16 : i32
      %mul3A_1186 = arith.muli %scan3A_1103, %mul3A_1185 : i32
      %add3A_1187 = arith.constant 24576 : i32
      %add3A_1188 = arith.addi %add3A_1187, %mul3A_1186 : i32
      %get3A_1189 = arith.constant 0 : i32
      %get3A_1190 = arith.index_cast %get3A_1189 : i32 to index
      %get3A_1191 = arith.index_cast %add3A_1188 : i32 to index
      %get3A_1192 = tpu.vector_load %arg4[%get3A_1190, %get3A_1191] {strides = array<i32>} : memref<2x32768xf32, #tpu.memory_space<vmem>>, vector<16xf32>,
      %gt3A_1193 = arith.cmpf ogt, %get3A_1192, %scan3A_1110 : vector<16xf32>
      %select_n3A_1194 = arith.select %gt3A_1193, %get3A_1192, %scan3A_1110 : vector<16xi1>, vector<16xf32>
      %select_n3A_1195 = arith.select %gt3A_1193, %broadcast_in_dim3A_1120, %scan3A_1118 : vector<16xi1>, vector<16xi32>
      %mul3A_1196 = arith.constant 16 : i32
      %mul3A_1197 = arith.muli %scan3A_1103, %mul3A_1196 : i32
      %add3A_1198 = arith.constant 28672 : i32
      %add3A_1199 = arith.addi %add3A_1198, %mul3A_1197 : i32
      %get3A_1200 = arith.constant 0 : i32
      %get3A_1201 = arith.index_cast %get3A_1200 : i32 to index
      %get3A_1202 = arith.index_cast %add3A_1199 : i32 to index
      %get3A_1203 = tpu.vector_load %arg4[%get3A_1201, %get3A_1202] {strides = array<i32>} : memref<2x32768xf32, #tpu.memory_space<vmem>>, vector<16xf32>,
      %gt3A_1204 = arith.cmpf ogt, %get3A_1203, %scan3A_1111 : vector<16xf32>
      %select_n3A_1205 = arith.select %gt3A_1204, %get3A_1203, %scan3A_1111 : vector<16xi1>, vector<16xf32>
      %select_n3A_1206 = arith.select %gt3A_1204, %broadcast_in_dim3A_1120, %scan3A_1119 : vector<16xi1>, vector<16xi32>
      %scan3A_1207 = arith.constant 1 : i32
      %scan3A_1208 = arith.addi %scan3A_1103, %scan3A_1207 : i32
      %broadcast_in_dim3A_1209 = vector.broadcast %scan3A_1208 : i32 to vector<16xi32>
      %mul3A_1210 = arith.constant 16 : i32
      %mul3A_1211 = arith.muli %scan3A_1208, %mul3A_1210 : i32
      %add3A_1212 = arith.constant 0 : i32
      %add3A_1213 = arith.addi %add3A_1212, %mul3A_1211 : i32
      %get3A_1214 = arith.constant 0 : i32
      %get3A_1215 = arith.index_cast %get3A_1214 : i32 to index
      %get3A_1216 = arith.index_cast %add3A_1213 : i32 to index
      %get3A_1217 = tpu.vector_load %arg4[%get3A_1215, %get3A_1216] {strides = array<i32>} : memref<2x32768xf32, #tpu.memory_space<vmem>>, vector<16xf32>,
      %gt3A_1218 = arith.cmpf ogt, %get3A_1217, %select_n3A_1128 : vector<16xf32>
      %select_n3A_1219 = arith.select %gt3A_1218, %get3A_1217, %select_n3A_1128 : vector<16xi1>, vector<16xf32>
      %select_n3A_1220 = arith.select %gt3A_1218, %broadcast_in_dim3A_1209, %select_n3A_1129 : vector<16xi1>, vector<16xi32>
      %mul3A_1221 = arith.constant 16 : i32
      %mul3A_1222 = arith.muli %scan3A_1208, %mul3A_1221 : i32
      %add3A_1223 = arith.constant 4096 : i32
      %add3A_1224 = arith.addi %add3A_1223, %mul3A_1222 : i32
      %get3A_1225 = arith.constant 0 : i32
      %get3A_1226 = arith.index_cast %get3A_1225 : i32 to index
      %get3A_1227 = arith.index_cast %add3A_1224 : i32 to index
      %get3A_1228 = tpu.vector_load %arg4[%get3A_1226, %get3A_1227] {strides = array<i32>} : memref<2x32768xf32, #tpu.memory_space<vmem>>, vector<16xf32>,
      %gt3A_1229 = arith.cmpf ogt, %get3A_1228, %select_n3A_1139 : vector<16xf32>
      %select_n3A_1230 = arith.select %gt3A_1229, %get3A_1228, %select_n3A_1139 : vector<16xi1>, vector<16xf32>
      %select_n3A_1231 = arith.select %gt3A_1229, %broadcast_in_dim3A_1209, %select_n3A_1140 : vector<16xi1>, vector<16xi32>
      %mul3A_1232 = arith.constant 16 : i32
      %mul3A_1233 = arith.muli %scan3A_1208, %mul3A_1232 : i32
      %add3A_1234 = arith.constant 8192 : i32
      %add3A_1235 = arith.addi %add3A_1234, %mul3A_1233 : i32
      %get3A_1236 = arith.constant 0 : i32
      %get3A_1237 = arith.index_cast %get3A_1236 : i32 to index
      %get3A_1238 = arith.index_cast %add3A_1235 : i32 to index
      %get3A_1239 = tpu.vector_load %arg4[%get3A_1237, %get3A_1238] {strides = array<i32>} : memref<2x32768xf32, #tpu.memory_space<vmem>>, vector<16xf32>,
      %gt3A_1240 = arith.cmpf ogt, %get3A_1239, %select_n3A_1150 : vector<16xf32>
      %select_n3A_1241 = arith.select %gt3A_1240, %get3A_1239, %select_n3A_1150 : vector<16xi1>, vector<16xf32>
      %select_n3A_1242 = arith.select %gt3A_1240, %broadcast_in_dim3A_1209, %select_n3A_1151 : vector<16xi1>, vector<16xi32>
      %mul3A_1243 = arith.constant 16 : i32
      %mul3A_1244 = arith.muli %scan3A_1208, %mul3A_1243 : i32
      %add3A_1245 = arith.constant 12288 : i32
      %add3A_1246 = arith.addi %add3A_1245, %mul3A_1244 : i32
      %get3A_1247 = arith.constant 0 : i32
      %get3A_1248 = arith.index_cast %get3A_1247 : i32 to index
      %get3A_1249 = arith.index_cast %add3A_1246 : i32 to index
      %get3A_1250 = tpu.vector_load %arg4[%get3A_1248, %get3A_1249] {strides = array<i32>} : memref<2x32768xf32, #tpu.memory_space<vmem>>, vector<16xf32>,
      %gt3A_1251 = arith.cmpf ogt, %get3A_1250, %select_n3A_1161 : vector<16xf32>
      %select_n3A_1252 = arith.select %gt3A_1251, %get3A_1250, %select_n3A_1161 : vector<16xi1>, vector<16xf32>
      %select_n3A_1253 = arith.select %gt3A_1251, %broadcast_in_dim3A_1209, %select_n3A_1162 : vector<16xi1>, vector<16xi32>
      %mul3A_1254 = arith.constant 16 : i32
      %mul3A_1255 = arith.muli %scan3A_1208, %mul3A_1254 : i32
      %add3A_1256 = arith.constant 16384 : i32
      %add3A_1257 = arith.addi %add3A_1256, %mul3A_1255 : i32
      %get3A_1258 = arith.constant 0 : i32
      %get3A_1259 = arith.index_cast %get3A_1258 : i32 to index
      %get3A_1260 = arith.index_cast %add3A_1257 : i32 to index
      %get3A_1261 = tpu.vector_load %arg4[%get3A_1259, %get3A_1260] {strides = array<i32>} : memref<2x32768xf32, #tpu.memory_space<vmem>>, vector<16xf32>,
      %gt3A_1262 = arith.cmpf ogt, %get3A_1261, %select_n3A_1172 : vector<16xf32>
      %select_n3A_1263 = arith.select %gt3A_1262, %get3A_1261, %select_n3A_1172 : vector<16xi1>, vector<16xf32>
      %select_n3A_1264 = arith.select %gt3A_1262, %broadcast_in_dim3A_1209, %select_n3A_1173 : vector<16xi1>, vector<16xi32>
      %mul3A_1265 = arith.constant 16 : i32
      %mul3A_1266 = arith.muli %scan3A_1208, %mul3A_1265 : i32
      %add3A_1267 = arith.constant 20480 : i32
      %add3A_1268 = arith.addi %add3A_1267, %mul3A_1266 : i32
      %get3A_1269 = arith.constant 0 : i32
      %get3A_1270 = arith.index_cast %get3A_1269 : i32 to index
      %get3A_1271 = arith.index_cast %add3A_1268 : i32 to index
      %get3A_1272 = tpu.vector_load %arg4[%get3A_1270, %get3A_1271] {strides = array<i32>} : memref<2x32768xf32, #tpu.memory_space<vmem>>, vector<16xf32>,
      %gt3A_1273 = arith.cmpf ogt, %get3A_1272, %select_n3A_1183 : vector<16xf32>
      %select_n3A_1274 = arith.select %gt3A_1273, %get3A_1272, %select_n3A_1183 : vector<16xi1>, vector<16xf32>
      %select_n3A_1275 = arith.select %gt3A_1273, %broadcast_in_dim3A_1209, %select_n3A_1184 : vector<16xi1>, vector<16xi32>
      %mul3A_1276 = arith.constant 16 : i32
      %mul3A_1277 = arith.muli %scan3A_1208, %mul3A_1276 : i32
      %add3A_1278 = arith.constant 24576 : i32
      %add3A_1279 = arith.addi %add3A_1278, %mul3A_1277 : i32
      %get3A_1280 = arith.constant 0 : i32
      %get3A_1281 = arith.index_cast %get3A_1280 : i32 to index
      %get3A_1282 = arith.index_cast %add3A_1279 : i32 to index
      %get3A_1283 = tpu.vector_load %arg4[%get3A_1281, %get3A_1282] {strides = array<i32>} : memref<2x32768xf32, #tpu.memory_space<vmem>>, vector<16xf32>,
      %gt3A_1284 = arith.cmpf ogt, %get3A_1283, %select_n3A_1194 : vector<16xf32>
      %select_n3A_1285 = arith.select %gt3A_1284, %get3A_1283, %select_n3A_1194 : vector<16xi1>, vector<16xf32>
      %select_n3A_1286 = arith.select %gt3A_1284, %broadcast_in_dim3A_1209, %select_n3A_1195 : vector<16xi1>, vector<16xi32>
      %mul3A_1287 = arith.constant 16 : i32
      %mul3A_1288 = arith.muli %scan3A_1208, %mul3A_1287 : i32
      %add3A_1289 = arith.constant 28672 : i32
      %add3A_1290 = arith.addi %add3A_1289, %mul3A_1288 : i32
      %get3A_1291 = arith.constant 0 : i32
      %get3A_1292 = arith.index_cast %get3A_1291 : i32 to index
      %get3A_1293 = arith.index_cast %add3A_1290 : i32 to index
      %get3A_1294 = tpu.vector_load %arg4[%get3A_1292, %get3A_1293] {strides = array<i32>} : memref<2x32768xf32, #tpu.memory_space<vmem>>, vector<16xf32>,
      %gt3A_1295 = arith.cmpf ogt, %get3A_1294, %select_n3A_1205 : vector<16xf32>
      %select_n3A_1296 = arith.select %gt3A_1295, %get3A_1294, %select_n3A_1205 : vector<16xi1>, vector<16xf32>
      %select_n3A_1297 = arith.select %gt3A_1295, %broadcast_in_dim3A_1209, %select_n3A_1206 : vector<16xi1>, vector<16xi32>
      %scan3A_1298 = arith.constant 2 : i32
      %scan3A_1299 = arith.addi %scan3A_1103, %scan3A_1298 : i32
      %broadcast_in_dim3A_1300 = vector.broadcast %scan3A_1299 : i32 to vector<16xi32>
      %mul3A_1301 = arith.constant 16 : i32
      %mul3A_1302 = arith.muli %scan3A_1299, %mul3A_1301 : i32
      %add3A_1303 = arith.constant 0 : i32
      %add3A_1304 = arith.addi %add3A_1303, %mul3A_1302 : i32
      %get3A_1305 = arith.constant 0 : i32
      %get3A_1306 = arith.index_cast %get3A_1305 : i32 to index
      %get3A_1307 = arith.index_cast %add3A_1304 : i32 to index
      %get3A_1308 = tpu.vector_load %arg4[%get3A_1306, %get3A_1307] {strides = array<i32>} : memref<2x32768xf32, #tpu.memory_space<vmem>>, vector<16xf32>,
      %gt3A_1309 = arith.cmpf ogt, %get3A_1308, %select_n3A_1219 : vector<16xf32>
      %select_n3A_1310 = arith.select %gt3A_1309, %get3A_1308, %select_n3A_1219 : vector<16xi1>, vector<16xf32>
      %select_n3A_1311 = arith.select %gt3A_1309, %broadcast_in_dim3A_1300, %select_n3A_1220 : vector<16xi1>, vector<16xi32>
      %mul3A_1312 = arith.constant 16 : i32
      %mul3A_1313 = arith.muli %scan3A_1299, %mul3A_1312 : i32
      %add3A_1314 = arith.constant 4096 : i32
      %add3A_1315 = arith.addi %add3A_1314, %mul3A_1313 : i32
      %get3A_1316 = arith.constant 0 : i32
      %get3A_1317 = arith.index_cast %get3A_1316 : i32 to index
      %get3A_1318 = arith.index_cast %add3A_1315 : i32 to index
      %get3A_1319 = tpu.vector_load %arg4[%get3A_1317, %get3A_1318] {strides = array<i32>} : memref<2x32768xf32, #tpu.memory_space<vmem>>, vector<16xf32>,
      %gt3A_1320 = arith.cmpf ogt, %get3A_1319, %select_n3A_1230 : vector<16xf32>
      %select_n3A_1321 = arith.select %gt3A_1320, %get3A_1319, %select_n3A_1230 : vector<16xi1>, vector<16xf32>
      %select_n3A_1322 = arith.select %gt3A_1320, %broadcast_in_dim3A_1300, %select_n3A_1231 : vector<16xi1>, vector<16xi32>
      %mul3A_1323 = arith.constant 16 : i32
      %mul3A_1324 = arith.muli %scan3A_1299, %mul3A_1323 : i32
      %add3A_1325 = arith.constant 8192 : i32
      %add3A_1326 = arith.addi %add3A_1325, %mul3A_1324 : i32
      %get3A_1327 = arith.constant 0 : i32
      %get3A_1328 = arith.index_cast %get3A_1327 : i32 to index
      %get3A_1329 = arith.index_cast %add3A_1326 : i32 to index
      %get3A_1330 = tpu.vector_load %arg4[%get3A_1328, %get3A_1329] {strides = array<i32>} : memref<2x32768xf32, #tpu.memory_space<vmem>>, vector<16xf32>,
      %gt3A_1331 = arith.cmpf ogt, %get3A_1330, %select_n3A_1241 : vector<16xf32>
      %select_n3A_1332 = arith.select %gt3A_1331, %get3A_1330, %select_n3A_1241 : vector<16xi1>, vector<16xf32>
      %select_n3A_1333 = arith.select %gt3A_1331, %broadcast_in_dim3A_1300, %select_n3A_1242 : vector<16xi1>, vector<16xi32>
      %mul3A_1334 = arith.constant 16 : i32
      %mul3A_1335 = arith.muli %scan3A_1299, %mul3A_1334 : i32
      %add3A_1336 = arith.constant 12288 : i32
      %add3A_1337 = arith.addi %add3A_1336, %mul3A_1335 : i32
      %get3A_1338 = arith.constant 0 : i32
      %get3A_1339 = arith.index_cast %get3A_1338 : i32 to index
      %get3A_1340 = arith.index_cast %add3A_1337 : i32 to index
      %get3A_1341 = tpu.vector_load %arg4[%get3A_1339, %get3A_1340] {strides = array<i32>} : memref<2x32768xf32, #tpu.memory_space<vmem>>, vector<16xf32>,
      %gt3A_1342 = arith.cmpf ogt, %get3A_1341, %select_n3A_1252 : vector<16xf32>
      %select_n3A_1343 = arith.select %gt3A_1342, %get3A_1341, %select_n3A_1252 : vector<16xi1>, vector<16xf32>
      %select_n3A_1344 = arith.select %gt3A_1342, %broadcast_in_dim3A_1300, %select_n3A_1253 : vector<16xi1>, vector<16xi32>
      %mul3A_1345 = arith.constant 16 : i32
      %mul3A_1346 = arith.muli %scan3A_1299, %mul3A_1345 : i32
      %add3A_1347 = arith.constant 16384 : i32
      %add3A_1348 = arith.addi %add3A_1347, %mul3A_1346 : i32
      %get3A_1349 = arith.constant 0 : i32
      %get3A_1350 = arith.index_cast %get3A_1349 : i32 to index
      %get3A_1351 = arith.index_cast %add3A_1348 : i32 to index
      %get3A_1352 = tpu.vector_load %arg4[%get3A_1350, %get3A_1351] {strides = array<i32>} : memref<2x32768xf32, #tpu.memory_space<vmem>>, vector<16xf32>,
      %gt3A_1353 = arith.cmpf ogt, %get3A_1352, %select_n3A_1263 : vector<16xf32>
      %select_n3A_1354 = arith.select %gt3A_1353, %get3A_1352, %select_n3A_1263 : vector<16xi1>, vector<16xf32>
      %select_n3A_1355 = arith.select %gt3A_1353, %broadcast_in_dim3A_1300, %select_n3A_1264 : vector<16xi1>, vector<16xi32>
      %mul3A_1356 = arith.constant 16 : i32
      %mul3A_1357 = arith.muli %scan3A_1299, %mul3A_1356 : i32
      %add3A_1358 = arith.constant 20480 : i32
      %add3A_1359 = arith.addi %add3A_1358, %mul3A_1357 : i32
      %get3A_1360 = arith.constant 0 : i32
      %get3A_1361 = arith.index_cast %get3A_1360 : i32 to index
      %get3A_1362 = arith.index_cast %add3A_1359 : i32 to index
      %get3A_1363 = tpu.vector_load %arg4[%get3A_1361, %get3A_1362] {strides = array<i32>} : memref<2x32768xf32, #tpu.memory_space<vmem>>, vector<16xf32>,
      %gt3A_1364 = arith.cmpf ogt, %get3A_1363, %select_n3A_1274 : vector<16xf32>
      %select_n3A_1365 = arith.select %gt3A_1364, %get3A_1363, %select_n3A_1274 : vector<16xi1>, vector<16xf32>
      %select_n3A_1366 = arith.select %gt3A_1364, %broadcast_in_dim3A_1300, %select_n3A_1275 : vector<16xi1>, vector<16xi32>
      %mul3A_1367 = arith.constant 16 : i32
      %mul3A_1368 = arith.muli %scan3A_1299, %mul3A_1367 : i32
      %add3A_1369 = arith.constant 24576 : i32
      %add3A_1370 = arith.addi %add3A_1369, %mul3A_1368 : i32
      %get3A_1371 = arith.constant 0 : i32
      %get3A_1372 = arith.index_cast %get3A_1371 : i32 to index
      %get3A_1373 = arith.index_cast %add3A_1370 : i32 to index
      %get3A_1374 = tpu.vector_load %arg4[%get3A_1372, %get3A_1373] {strides = array<i32>} : memref<2x32768xf32, #tpu.memory_space<vmem>>, vector<16xf32>,
      %gt3A_1375 = arith.cmpf ogt, %get3A_1374, %select_n3A_1285 : vector<16xf32>
      %select_n3A_1376 = arith.select %gt3A_1375, %get3A_1374, %select_n3A_1285 : vector<16xi1>, vector<16xf32>
      %select_n3A_1377 = arith.select %gt3A_1375, %broadcast_in_dim3A_1300, %select_n3A_1286 : vector<16xi1>, vector<16xi32>
      %mul3A_1378 = arith.constant 16 : i32
      %mul3A_1379 = arith.muli %scan3A_1299, %mul3A_1378 : i32
      %add3A_1380 = arith.constant 28672 : i32
      %add3A_1381 = arith.addi %add3A_1380, %mul3A_1379 : i32
      %get3A_1382 = arith.constant 0 : i32
      %get3A_1383 = arith.index_cast %get3A_1382 : i32 to index
      %get3A_1384 = arith.index_cast %add3A_1381 : i32 to index
      %get3A_1385 = tpu.vector_load %arg4[%get3A_1383, %get3A_1384] {strides = array<i32>} : memref<2x32768xf32, #tpu.memory_space<vmem>>, vector<16xf32>,
      %gt3A_1386 = arith.cmpf ogt, %get3A_1385, %select_n3A_1296 : vector<16xf32>
      %select_n3A_1387 = arith.select %gt3A_1386, %get3A_1385, %select_n3A_1296 : vector<16xi1>, vector<16xf32>
      %select_n3A_1388 = arith.select %gt3A_1386, %broadcast_in_dim3A_1300, %select_n3A_1297 : vector<16xi1>, vector<16xi32>
      %scan3A_1389 = arith.constant 3 : i32
      %scan3A_1390 = arith.addi %scan3A_1103, %scan3A_1389 : i32
      %broadcast_in_dim3A_1391 = vector.broadcast %scan3A_1390 : i32 to vector<16xi32>
      %mul3A_1392 = arith.constant 16 : i32
      %mul3A_1393 = arith.muli %scan3A_1390, %mul3A_1392 : i32
      %add3A_1394 = arith.constant 0 : i32
      %add3A_1395 = arith.addi %add3A_1394, %mul3A_1393 : i32
      %get3A_1396 = arith.constant 0 : i32
      %get3A_1397 = arith.index_cast %get3A_1396 : i32 to index
      %get3A_1398 = arith.index_cast %add3A_1395 : i32 to index
      %get3A_1399 = tpu.vector_load %arg4[%get3A_1397, %get3A_1398] {strides = array<i32>} : memref<2x32768xf32, #tpu.memory_space<vmem>>, vector<16xf32>,
      %gt3A_1400 = arith.cmpf ogt, %get3A_1399, %select_n3A_1310 : vector<16xf32>
      %select_n3A_1401 = arith.select %gt3A_1400, %get3A_1399, %select_n3A_1310 : vector<16xi1>, vector<16xf32>
      %select_n3A_1402 = arith.select %gt3A_1400, %broadcast_in_dim3A_1391, %select_n3A_1311 : vector<16xi1>, vector<16xi32>
      %mul3A_1403 = arith.constant 16 : i32
      %mul3A_1404 = arith.muli %scan3A_1390, %mul3A_1403 : i32
      %add3A_1405 = arith.constant 4096 : i32
      %add3A_1406 = arith.addi %add3A_1405, %mul3A_1404 : i32
      %get3A_1407 = arith.constant 0 : i32
      %get3A_1408 = arith.index_cast %get3A_1407 : i32 to index
      %get3A_1409 = arith.index_cast %add3A_1406 : i32 to index
      %get3A_1410 = tpu.vector_load %arg4[%get3A_1408, %get3A_1409] {strides = array<i32>} : memref<2x32768xf32, #tpu.memory_space<vmem>>, vector<16xf32>,
      %gt3A_1411 = arith.cmpf ogt, %get3A_1410, %select_n3A_1321 : vector<16xf32>
      %select_n3A_1412 = arith.select %gt3A_1411, %get3A_1410, %select_n3A_1321 : vector<16xi1>, vector<16xf32>
      %select_n3A_1413 = arith.select %gt3A_1411, %broadcast_in_dim3A_1391, %select_n3A_1322 : vector<16xi1>, vector<16xi32>
      %mul3A_1414 = arith.constant 16 : i32
      %mul3A_1415 = arith.muli %scan3A_1390, %mul3A_1414 : i32
      %add3A_1416 = arith.constant 8192 : i32
      %add3A_1417 = arith.addi %add3A_1416, %mul3A_1415 : i32
      %get3A_1418 = arith.constant 0 : i32
      %get3A_1419 = arith.index_cast %get3A_1418 : i32 to index
      %get3A_1420 = arith.index_cast %add3A_1417 : i32 to index
      %get3A_1421 = tpu.vector_load %arg4[%get3A_1419, %get3A_1420] {strides = array<i32>} : memref<2x32768xf32, #tpu.memory_space<vmem>>, vector<16xf32>,
      %gt3A_1422 = arith.cmpf ogt, %get3A_1421, %select_n3A_1332 : vector<16xf32>
      %select_n3A_1423 = arith.select %gt3A_1422, %get3A_1421, %select_n3A_1332 : vector<16xi1>, vector<16xf32>
      %select_n3A_1424 = arith.select %gt3A_1422, %broadcast_in_dim3A_1391, %select_n3A_1333 : vector<16xi1>, vector<16xi32>
      %mul3A_1425 = arith.constant 16 : i32
      %mul3A_1426 = arith.muli %scan3A_1390, %mul3A_1425 : i32
      %add3A_1427 = arith.constant 12288 : i32
      %add3A_1428 = arith.addi %add3A_1427, %mul3A_1426 : i32
      %get3A_1429 = arith.constant 0 : i32
      %get3A_1430 = arith.index_cast %get3A_1429 : i32 to index
      %get3A_1431 = arith.index_cast %add3A_1428 : i32 to index
      %get3A_1432 = tpu.vector_load %arg4[%get3A_1430, %get3A_1431] {strides = array<i32>} : memref<2x32768xf32, #tpu.memory_space<vmem>>, vector<16xf32>,
      %gt3A_1433 = arith.cmpf ogt, %get3A_1432, %select_n3A_1343 : vector<16xf32>
      %select_n3A_1434 = arith.select %gt3A_1433, %get3A_1432, %select_n3A_1343 : vector<16xi1>, vector<16xf32>
      %select_n3A_1435 = arith.select %gt3A_1433, %broadcast_in_dim3A_1391, %select_n3A_1344 : vector<16xi1>, vector<16xi32>
      %mul3A_1436 = arith.constant 16 : i32
      %mul3A_1437 = arith.muli %scan3A_1390, %mul3A_1436 : i32
      %add3A_1438 = arith.constant 16384 : i32
      %add3A_1439 = arith.addi %add3A_1438, %mul3A_1437 : i32
      %get3A_1440 = arith.constant 0 : i32
      %get3A_1441 = arith.index_cast %get3A_1440 : i32 to index
      %get3A_1442 = arith.index_cast %add3A_1439 : i32 to index
      %get3A_1443 = tpu.vector_load %arg4[%get3A_1441, %get3A_1442] {strides = array<i32>} : memref<2x32768xf32, #tpu.memory_space<vmem>>, vector<16xf32>,
      %gt3A_1444 = arith.cmpf ogt, %get3A_1443, %select_n3A_1354 : vector<16xf32>
      %select_n3A_1445 = arith.select %gt3A_1444, %get3A_1443, %select_n3A_1354 : vector<16xi1>, vector<16xf32>
      %select_n3A_1446 = arith.select %gt3A_1444, %broadcast_in_dim3A_1391, %select_n3A_1355 : vector<16xi1>, vector<16xi32>
      %mul3A_1447 = arith.constant 16 : i32
      %mul3A_1448 = arith.muli %scan3A_1390, %mul3A_1447 : i32
      %add3A_1449 = arith.constant 20480 : i32
      %add3A_1450 = arith.addi %add3A_1449, %mul3A_1448 : i32
      %get3A_1451 = arith.constant 0 : i32
      %get3A_1452 = arith.index_cast %get3A_1451 : i32 to index
      %get3A_1453 = arith.index_cast %add3A_1450 : i32 to index
      %get3A_1454 = tpu.vector_load %arg4[%get3A_1452, %get3A_1453] {strides = array<i32>} : memref<2x32768xf32, #tpu.memory_space<vmem>>, vector<16xf32>,
      %gt3A_1455 = arith.cmpf ogt, %get3A_1454, %select_n3A_1365 : vector<16xf32>
      %select_n3A_1456 = arith.select %gt3A_1455, %get3A_1454, %select_n3A_1365 : vector<16xi1>, vector<16xf32>
      %select_n3A_1457 = arith.select %gt3A_1455, %broadcast_in_dim3A_1391, %select_n3A_1366 : vector<16xi1>, vector<16xi32>
      %mul3A_1458 = arith.constant 16 : i32
      %mul3A_1459 = arith.muli %scan3A_1390, %mul3A_1458 : i32
      %add3A_1460 = arith.constant 24576 : i32
      %add3A_1461 = arith.addi %add3A_1460, %mul3A_1459 : i32
      %get3A_1462 = arith.constant 0 : i32
      %get3A_1463 = arith.index_cast %get3A_1462 : i32 to index
      %get3A_1464 = arith.index_cast %add3A_1461 : i32 to index
      %get3A_1465 = tpu.vector_load %arg4[%get3A_1463, %get3A_1464] {strides = array<i32>} : memref<2x32768xf32, #tpu.memory_space<vmem>>, vector<16xf32>,
      %gt3A_1466 = arith.cmpf ogt, %get3A_1465, %select_n3A_1376 : vector<16xf32>
      %select_n3A_1467 = arith.select %gt3A_1466, %get3A_1465, %select_n3A_1376 : vector<16xi1>, vector<16xf32>
      %select_n3A_1468 = arith.select %gt3A_1466, %broadcast_in_dim3A_1391, %select_n3A_1377 : vector<16xi1>, vector<16xi32>
      %mul3A_1469 = arith.constant 16 : i32
      %mul3A_1470 = arith.muli %scan3A_1390, %mul3A_1469 : i32
      %add3A_1471 = arith.constant 28672 : i32
      %add3A_1472 = arith.addi %add3A_1471, %mul3A_1470 : i32
      %get3A_1473 = arith.constant 0 : i32
      %get3A_1474 = arith.index_cast %get3A_1473 : i32 to index
      %get3A_1475 = arith.index_cast %add3A_1472 : i32 to index
      %get3A_1476 = tpu.vector_load %arg4[%get3A_1474, %get3A_1475] {strides = array<i32>} : memref<2x32768xf32, #tpu.memory_space<vmem>>, vector<16xf32>,
      %gt3A_1477 = arith.cmpf ogt, %get3A_1476, %select_n3A_1387 : vector<16xf32>
      %select_n3A_1478 = arith.select %gt3A_1477, %get3A_1476, %select_n3A_1387 : vector<16xi1>, vector<16xf32>
      %select_n3A_1479 = arith.select %gt3A_1477, %broadcast_in_dim3A_1391, %select_n3A_1388 : vector<16xi1>, vector<16xi32>
      scf.yield %select_n3A_1401, %select_n3A_1412, %select_n3A_1423, %select_n3A_1434, %select_n3A_1445, %select_n3A_1456, %select_n3A_1467, %select_n3A_1478, %select_n3A_1402, %select_n3A_1413, %select_n3A_1424, %select_n3A_1435, %select_n3A_1446, %select_n3A_1457, %select_n3A_1468, %select_n3A_1479 : vector<16xf32>, vector<16xf32>, vector<16xf32>, vector<16xf32>, vector<16xf32>, vector<16xf32>, vector<16xf32>, vector<16xf32>, vector<16xi32>, vector<16xi32>, vector<16xi32>, vector<16xi32>, vector<16xi32>, vector<16xi32>, vector<16xi32>, vector<16xi32>
    }
    %scan3A_757 = arith.constant 256 : i32
    %max3A_758 = arith.maximumf %scan3A_756#0, %scan3A_756#1 : vector<16xf32>
    %max3A_759 = arith.maximumf %max3A_758, %scan3A_756#2 : vector<16xf32>
    %max3A_760 = arith.maximumf %max3A_759, %scan3A_756#3 : vector<16xf32>
    %max3A_761 = arith.maximumf %max3A_760, %scan3A_756#4 : vector<16xf32>
    %max3A_762 = arith.maximumf %max3A_761, %scan3A_756#5 : vector<16xf32>
    %max3A_763 = arith.maximumf %max3A_762, %scan3A_756#6 : vector<16xf32>
    %max3A_764 = arith.maximumf %max3A_763, %scan3A_756#7 : vector<16xf32>
    %reduce_max3A_765 = arith.constant true
    %reduce_max3A_766 = vector.broadcast %reduce_max3A_765 : i1 to vector<16xi1>
    %reduce_max3A_767 = tpu.scan <max>, %max3A_764 masked %reduce_max3A_766 : vector<16xf32>, vector<16xi1> -> vector<16xf32>
    %reduce_max3A_768 = vector.extract %reduce_max3A_767[15] : f32 from vector<16xf32>
    %eq3A_769 = vector.broadcast %reduce_max3A_768 : f32 to vector<16xf32>
    %eq3A_770 = arith.cmpf oeq, %scan3A_756#0, %eq3A_769 : vector<16xf32>
    %add3A_771 = arith.constant 0 : i32
    %add3A_772 = vector.broadcast %add3A_771 : i32 to vector<16xi32>
    %add3A_773 = arith.addi %scan3A_756#8, %add3A_772 : vector<16xi32>
    %mul3A_774 = arith.constant 16 : i32
    %mul3A_775 = vector.broadcast %mul3A_774 : i32 to vector<16xi32>
    %mul3A_776 = arith.muli %add3A_773, %mul3A_775 : vector<16xi32>
    %add3A_777 = arith.addi %mul3A_776, %iota3A : vector<16xi32>
    %jit3A_778 = arith.constant 2147483647 : i32
    %broadcast_in_dim3A_779 = vector.broadcast %jit3A_778 : i32 to vector<16xi32>
    %select_n3A_780 = arith.select %eq3A_770, %add3A_777, %broadcast_in_dim3A_779 : vector<16xi1>, vector<16xi32>
    %eq3A_781 = vector.broadcast %reduce_max3A_768 : f32 to vector<16xf32>
    %eq3A_782 = arith.cmpf oeq, %scan3A_756#1, %eq3A_781 : vector<16xf32>
    %add3A_783 = arith.constant 256 : i32
    %add3A_784 = vector.broadcast %add3A_783 : i32 to vector<16xi32>
    %add3A_785 = arith.addi %scan3A_756#9, %add3A_784 : vector<16xi32>
    %mul3A_786 = arith.constant 16 : i32
    %mul3A_787 = vector.broadcast %mul3A_786 : i32 to vector<16xi32>
    %mul3A_788 = arith.muli %add3A_785, %mul3A_787 : vector<16xi32>
    %add3A_789 = arith.addi %mul3A_788, %iota3A : vector<16xi32>
    %jit3A_790 = arith.constant 2147483647 : i32
    %broadcast_in_dim3A_791 = vector.broadcast %jit3A_790 : i32 to vector<16xi32>
    %select_n3A_792 = arith.select %eq3A_782, %add3A_789, %broadcast_in_dim3A_791 : vector<16xi1>, vector<16xi32>
    %eq3A_793 = vector.broadcast %reduce_max3A_768 : f32 to vector<16xf32>
    %eq3A_794 = arith.cmpf oeq, %scan3A_756#2, %eq3A_793 : vector<16xf32>
    %add3A_795 = arith.constant 512 : i32
    %add3A_796 = vector.broadcast %add3A_795 : i32 to vector<16xi32>
    %add3A_797 = arith.addi %scan3A_756#10, %add3A_796 : vector<16xi32>
    %mul3A_798 = arith.constant 16 : i32
    %mul3A_799 = vector.broadcast %mul3A_798 : i32 to vector<16xi32>
    %mul3A_800 = arith.muli %add3A_797, %mul3A_799 : vector<16xi32>
    %add3A_801 = arith.addi %mul3A_800, %iota3A : vector<16xi32>
    %jit3A_802 = arith.constant 2147483647 : i32
    %broadcast_in_dim3A_803 = vector.broadcast %jit3A_802 : i32 to vector<16xi32>
    %select_n3A_804 = arith.select %eq3A_794, %add3A_801, %broadcast_in_dim3A_803 : vector<16xi1>, vector<16xi32>
    %eq3A_805 = vector.broadcast %reduce_max3A_768 : f32 to vector<16xf32>
    %eq3A_806 = arith.cmpf oeq, %scan3A_756#3, %eq3A_805 : vector<16xf32>
    %add3A_807 = arith.constant 768 : i32
    %add3A_808 = vector.broadcast %add3A_807 : i32 to vector<16xi32>
    %add3A_809 = arith.addi %scan3A_756#11, %add3A_808 : vector<16xi32>
    %mul3A_810 = arith.constant 16 : i32
    %mul3A_811 = vector.broadcast %mul3A_810 : i32 to vector<16xi32>
    %mul3A_812 = arith.muli %add3A_809, %mul3A_811 : vector<16xi32>
    %add3A_813 = arith.addi %mul3A_812, %iota3A : vector<16xi32>
    %jit3A_814 = arith.constant 2147483647 : i32
    %broadcast_in_dim3A_815 = vector.broadcast %jit3A_814 : i32 to vector<16xi32>
    %select_n3A_816 = arith.select %eq3A_806, %add3A_813, %broadcast_in_dim3A_815 : vector<16xi1>, vector<16xi32>
    %eq3A_817 = vector.broadcast %reduce_max3A_768 : f32 to vector<16xf32>
    %eq3A_818 = arith.cmpf oeq, %scan3A_756#4, %eq3A_817 : vector<16xf32>
    %add3A_819 = arith.constant 1024 : i32
    %add3A_820 = vector.broadcast %add3A_819 : i32 to vector<16xi32>
    %add3A_821 = arith.addi %scan3A_756#12, %add3A_820 : vector<16xi32>
    %mul3A_822 = arith.constant 16 : i32
    %mul3A_823 = vector.broadcast %mul3A_822 : i32 to vector<16xi32>
    %mul3A_824 = arith.muli %add3A_821, %mul3A_823 : vector<16xi32>
    %add3A_825 = arith.addi %mul3A_824, %iota3A : vector<16xi32>
    %jit3A_826 = arith.constant 2147483647 : i32
    %broadcast_in_dim3A_827 = vector.broadcast %jit3A_826 : i32 to vector<16xi32>
    %select_n3A_828 = arith.select %eq3A_818, %add3A_825, %broadcast_in_dim3A_827 : vector<16xi1>, vector<16xi32>
    %eq3A_829 = vector.broadcast %reduce_max3A_768 : f32 to vector<16xf32>
    %eq3A_830 = arith.cmpf oeq, %scan3A_756#5, %eq3A_829 : vector<16xf32>
    %add3A_831 = arith.constant 1280 : i32
    %add3A_832 = vector.broadcast %add3A_831 : i32 to vector<16xi32>
    %add3A_833 = arith.addi %scan3A_756#13, %add3A_832 : vector<16xi32>
    %mul3A_834 = arith.constant 16 : i32
    %mul3A_835 = vector.broadcast %mul3A_834 : i32 to vector<16xi32>
    %mul3A_836 = arith.muli %add3A_833, %mul3A_835 : vector<16xi32>
    %add3A_837 = arith.addi %mul3A_836, %iota3A : vector<16xi32>
    %jit3A_838 = arith.constant 2147483647 : i32
    %broadcast_in_dim3A_839 = vector.broadcast %jit3A_838 : i32 to vector<16xi32>
    %select_n3A_840 = arith.select %eq3A_830, %add3A_837, %broadcast_in_dim3A_839 : vector<16xi1>, vector<16xi32>
    %eq3A_841 = vector.broadcast %reduce_max3A_768 : f32 to vector<16xf32>
    %eq3A_842 = arith.cmpf oeq, %scan3A_756#6, %eq3A_841 : vector<16xf32>
    %add3A_843 = arith.constant 1536 : i32
    %add3A_844 = vector.broadcast %add3A_843 : i32 to vector<16xi32>
    %add3A_845 = arith.addi %scan3A_756#14, %add3A_844 : vector<16xi32>
    %mul3A_846 = arith.constant 16 : i32
    %mul3A_847 = vector.broadcast %mul3A_846 : i32 to vector<16xi32>
    %mul3A_848 = arith.muli %add3A_845, %mul3A_847 : vector<16xi32>
    %add3A_849 = arith.addi %mul3A_848, %iota3A : vector<16xi32>
    %jit3A_850 = arith.constant 2147483647 : i32
    %broadcast_in_dim3A_851 = vector.broadcast %jit3A_850 : i32 to vector<16xi32>
    %select_n3A_852 = arith.select %eq3A_842, %add3A_849, %broadcast_in_dim3A_851 : vector<16xi1>, vector<16xi32>
    %eq3A_853 = vector.broadcast %reduce_max3A_768 : f32 to vector<16xf32>
    %eq3A_854 = arith.cmpf oeq, %scan3A_756#7, %eq3A_853 : vector<16xf32>
    %add3A_855 = arith.constant 1792 : i32
    %add3A_856 = vector.broadcast %add3A_855 : i32 to vector<16xi32>
    %add3A_857 = arith.addi %scan3A_756#15, %add3A_856 : vector<16xi32>
    %mul3A_858 = arith.constant 16 : i32
    %mul3A_859 = vector.broadcast %mul3A_858 : i32 to vector<16xi32>
    %mul3A_860 = arith.muli %add3A_857, %mul3A_859 : vector<16xi32>
    %add3A_861 = arith.addi %mul3A_860, %iota3A : vector<16xi32>
    %jit3A_862 = arith.constant 2147483647 : i32
    %broadcast_in_dim3A_863 = vector.broadcast %jit3A_862 : i32 to vector<16xi32>
    %select_n3A_864 = arith.select %eq3A_854, %add3A_861, %broadcast_in_dim3A_863 : vector<16xi1>, vector<16xi32>
    %min3A_865 = arith.minsi %select_n3A_780, %select_n3A_792 : vector<16xi32>
    %min3A_866 = arith.minsi %min3A_865, %select_n3A_804 : vector<16xi32>
    %min3A_867 = arith.minsi %min3A_866, %select_n3A_816 : vector<16xi32>
    %min3A_868 = arith.minsi %min3A_867, %select_n3A_828 : vector<16xi32>
    %min3A_869 = arith.minsi %min3A_868, %select_n3A_840 : vector<16xi32>
    %min3A_870 = arith.minsi %min3A_869, %select_n3A_852 : vector<16xi32>
    %min3A_871 = arith.minsi %min3A_870, %select_n3A_864 : vector<16xi32>
    %reduce_min3A_872 = arith.constant true
    %reduce_min3A_873 = vector.broadcast %reduce_min3A_872 : i1 to vector<16xi1>
    %reduce_min3A_874 = arith.constant -2147483648 : i32
    %reduce_min3A_875 = vector.broadcast %reduce_min3A_874 : i32 to vector<16xi32>
    %reduce_min3A_876 = arith.xori %min3A_871, %reduce_min3A_875 : vector<16xi32>
    %reduce_min3A_877 = tpu.scan <min>, %reduce_min3A_876 masked %reduce_min3A_873 : vector<16xi32>, vector<16xi1> -> vector<16xi32>
    %reduce_min3A_878 = arith.xori %reduce_min3A_877, %reduce_min3A_875 : vector<16xi32>
    %reduce_min3A_879 = vector.extract %reduce_min3A_878[15] : i32 from vector<16xi32>
    %eq3A_880 = arith.constant 2 : i32
    %eq3A_881 = vector.broadcast %eq3A_880 : i32 to vector<16xi32>
    %eq3A_882 = arith.cmpi eq, %iota3A, %eq3A_881 : vector<16xi32>
    %broadcast_in_dim3A_883 = vector.broadcast %reduce_min3A_879 : i32 to vector<16xi32>
    %select_n3A_884 = arith.select %eq3A_882, %broadcast_in_dim3A_883, %select_n3A_607 : vector<16xi1>, vector<16xi32>
    %dma_wait3A_885 = arith.constant 1 : i32
    %dma_wait3A_886 = arith.constant 0 : i32
    %dma_wait3A_887 = tpu.memref_slice %arg4[%dma_wait3A_885, %dma_wait3A_886] : memref<2x32768xf32, #tpu.memory_space<vmem>> -> memref<1x8192xf32, #tpu.memory_space<vmem>>
    %dma_wait3A_888 = tpu.memref_squeeze %dma_wait3A_887 : memref<1x8192xf32, #tpu.memory_space<vmem>> -> memref<8192xf32, #tpu.memory_space<vmem>>
    %dma_wait3A_889 = arith.constant 0 : i32
    %dma_wait3A_890 = tpu.memref_slice %arg2[%add3A_609, %dma_wait3A_889] : memref<128x32768xf32, #tpu.memory_space<hbm>> -> memref<1x8192xf32, #tpu.memory_space<hbm>>
    %dma_wait3A_891 = tpu.memref_squeeze %dma_wait3A_890 : memref<1x8192xf32, #tpu.memory_space<hbm>> -> memref<8192xf32, #tpu.memory_space<hbm>>
    %dma_wait3A_892 = arith.constant 0 : i32
    %dma_wait3A_893 = tpu.memref_slice %arg4[%dma_wait3A_885, %dma_wait3A_892] : memref<2x32768xf32, #tpu.memory_space<vmem>> -> memref<1x8192xf32, #tpu.memory_space<vmem>>
    %dma_wait3A_894 = tpu.memref_squeeze %dma_wait3A_893 : memref<1x8192xf32, #tpu.memory_space<vmem>> -> memref<8192xf32, #tpu.memory_space<vmem>>
    %dma_wait3A_895 = arith.constant 0 : i32
    %dma_wait3A_896 = tpu.memref_slice %arg2[%add3A_609, %dma_wait3A_895] : memref<128x32768xf32, #tpu.memory_space<hbm>> -> memref<1x8192xf32, #tpu.memory_space<hbm>>
    %dma_wait3A_897 = tpu.memref_squeeze %dma_wait3A_896 : memref<1x8192xf32, #tpu.memory_space<hbm>> -> memref<8192xf32, #tpu.memory_space<hbm>>
    tpu.wait_dma2 semaphore(%arg7 : memref<!tpu.dma_semaphore, #tpu.memory_space<semaphore_mem>>) src(%dma_wait3A_897 : memref<8192xf32, #tpu.memory_space<hbm>>) dst(%dma_wait3A_894 : memref<8192xf32, #tpu.memory_space<vmem>>)
    %dma_wait3A_898 = arith.constant 1 : i32
    %dma_wait3A_899 = arith.constant 8192 : i32
    %dma_wait3A_900 = tpu.memref_slice %arg4[%dma_wait3A_898, %dma_wait3A_899] : memref<2x32768xf32, #tpu.memory_space<vmem>> -> memref<1x8192xf32, #tpu.memory_space<vmem>>
    %dma_wait3A_901 = tpu.memref_squeeze %dma_wait3A_900 : memref<1x8192xf32, #tpu.memory_space<vmem>> -> memref<8192xf32, #tpu.memory_space<vmem>>
    %dma_wait3A_902 = arith.constant 8192 : i32
    %dma_wait3A_903 = tpu.memref_slice %arg2[%add3A_611, %dma_wait3A_902] : memref<128x32768xf32, #tpu.memory_space<hbm>> -> memref<1x8192xf32, #tpu.memory_space<hbm>>
    %dma_wait3A_904 = tpu.memref_squeeze %dma_wait3A_903 : memref<1x8192xf32, #tpu.memory_space<hbm>> -> memref<8192xf32, #tpu.memory_space<hbm>>
    %dma_wait3A_905 = arith.constant 8192 : i32
    %dma_wait3A_906 = tpu.memref_slice %arg4[%dma_wait3A_898, %dma_wait3A_905] : memref<2x32768xf32, #tpu.memory_space<vmem>> -> memref<1x8192xf32, #tpu.memory_space<vmem>>
    %dma_wait3A_907 = tpu.memref_squeeze %dma_wait3A_906 : memref<1x8192xf32, #tpu.memory_space<vmem>> -> memref<8192xf32, #tpu.memory_space<vmem>>
    %dma_wait3A_908 = arith.constant 8192 : i32
    %dma_wait3A_909 = tpu.memref_slice %arg2[%add3A_611, %dma_wait3A_908] : memref<128x32768xf32, #tpu.memory_space<hbm>> -> memref<1x8192xf32, #tpu.memory_space<hbm>>
    %dma_wait3A_910 = tpu.memref_squeeze %dma_wait3A_909 : memref<1x8192xf32, #tpu.memory_space<hbm>> -> memref<8192xf32, #tpu.memory_space<hbm>>
    tpu.wait_dma2 semaphore(%arg7 : memref<!tpu.dma_semaphore, #tpu.memory_space<semaphore_mem>>) src(%dma_wait3A_910 : memref<8192xf32, #tpu.memory_space<hbm>>) dst(%dma_wait3A_907 : memref<8192xf32, #tpu.memory_space<vmem>>)
    %dma_wait3A_911 = arith.constant 1 : i32
    %dma_wait3A_912 = arith.constant 16384 : i32
    %dma_wait3A_913 = tpu.memref_slice %arg4[%dma_wait3A_911, %dma_wait3A_912] : memref<2x32768xf32, #tpu.memory_space<vmem>> -> memref<1x8192xf32, #tpu.memory_space<vmem>>
    %dma_wait3A_914 = tpu.memref_squeeze %dma_wait3A_913 : memref<1x8192xf32, #tpu.memory_space<vmem>> -> memref<8192xf32, #tpu.memory_space<vmem>>
    %dma_wait3A_915 = arith.constant 16384 : i32
    %dma_wait3A_916 = tpu.memref_slice %arg2[%add3A_613, %dma_wait3A_915] : memref<128x32768xf32, #tpu.memory_space<hbm>> -> memref<1x8192xf32, #tpu.memory_space<hbm>>
    %dma_wait3A_917 = tpu.memref_squeeze %dma_wait3A_916 : memref<1x8192xf32, #tpu.memory_space<hbm>> -> memref<8192xf32, #tpu.memory_space<hbm>>
    %dma_wait3A_918 = arith.constant 16384 : i32
    %dma_wait3A_919 = tpu.memref_slice %arg4[%dma_wait3A_911, %dma_wait3A_918] : memref<2x32768xf32, #tpu.memory_space<vmem>> -> memref<1x8192xf32, #tpu.memory_space<vmem>>
    %dma_wait3A_920 = tpu.memref_squeeze %dma_wait3A_919 : memref<1x8192xf32, #tpu.memory_space<vmem>> -> memref<8192xf32, #tpu.memory_space<vmem>>
    %dma_wait3A_921 = arith.constant 16384 : i32
    %dma_wait3A_922 = tpu.memref_slice %arg2[%add3A_613, %dma_wait3A_921] : memref<128x32768xf32, #tpu.memory_space<hbm>> -> memref<1x8192xf32, #tpu.memory_space<hbm>>
    %dma_wait3A_923 = tpu.memref_squeeze %dma_wait3A_922 : memref<1x8192xf32, #tpu.memory_space<hbm>> -> memref<8192xf32, #tpu.memory_space<hbm>>
    tpu.wait_dma2 semaphore(%arg7 : memref<!tpu.dma_semaphore, #tpu.memory_space<semaphore_mem>>) src(%dma_wait3A_923 : memref<8192xf32, #tpu.memory_space<hbm>>) dst(%dma_wait3A_920 : memref<8192xf32, #tpu.memory_space<vmem>>)
    %dma_wait3A_924 = arith.constant 1 : i32
    %dma_wait3A_925 = arith.constant 24576 : i32
    %dma_wait3A_926 = tpu.memref_slice %arg4[%dma_wait3A_924, %dma_wait3A_925] : memref<2x32768xf32, #tpu.memory_space<vmem>> -> memref<1x8192xf32, #tpu.memory_space<vmem>>
    %dma_wait3A_927 = tpu.memref_squeeze %dma_wait3A_926 : memref<1x8192xf32, #tpu.memory_space<vmem>> -> memref<8192xf32, #tpu.memory_space<vmem>>
    %dma_wait3A_928 = arith.constant 24576 : i32
    %dma_wait3A_929 = tpu.memref_slice %arg2[%add3A_615, %dma_wait3A_928] : memref<128x32768xf32, #tpu.memory_space<hbm>> -> memref<1x8192xf32, #tpu.memory_space<hbm>>
    %dma_wait3A_930 = tpu.memref_squeeze %dma_wait3A_929 : memref<1x8192xf32, #tpu.memory_space<hbm>> -> memref<8192xf32, #tpu.memory_space<hbm>>
    %dma_wait3A_931 = arith.constant 24576 : i32
    %dma_wait3A_932 = tpu.memref_slice %arg4[%dma_wait3A_924, %dma_wait3A_931] : memref<2x32768xf32, #tpu.memory_space<vmem>> -> memref<1x8192xf32, #tpu.memory_space<vmem>>
    %dma_wait3A_933 = tpu.memref_squeeze %dma_wait3A_932 : memref<1x8192xf32, #tpu.memory_space<vmem>> -> memref<8192xf32, #tpu.memory_space<vmem>>
    %dma_wait3A_934 = arith.constant 24576 : i32
    %dma_wait3A_935 = tpu.memref_slice %arg2[%add3A_615, %dma_wait3A_934] : memref<128x32768xf32, #tpu.memory_space<hbm>> -> memref<1x8192xf32, #tpu.memory_space<hbm>>
    %dma_wait3A_936 = tpu.memref_squeeze %dma_wait3A_935 : memref<1x8192xf32, #tpu.memory_space<hbm>> -> memref<8192xf32, #tpu.memory_space<hbm>>
    tpu.wait_dma2 semaphore(%arg7 : memref<!tpu.dma_semaphore, #tpu.memory_space<semaphore_mem>>) src(%dma_wait3A_936 : memref<8192xf32, #tpu.memory_space<hbm>>) dst(%dma_wait3A_933 : memref<8192xf32, #tpu.memory_space<vmem>>)
    %broadcast_in_dim3A_937 = arith.constant 0xFF800000 : f32
    %broadcast_in_dim3A_938 = vector.broadcast %broadcast_in_dim3A_937 : f32 to vector<16xf32>
    %broadcast_in_dim3A_939 = arith.constant 0xFF800000 : f32
    %broadcast_in_dim3A_940 = vector.broadcast %broadcast_in_dim3A_939 : f32 to vector<16xf32>
    %broadcast_in_dim3A_941 = arith.constant 0xFF800000 : f32
    %broadcast_in_dim3A_942 = vector.broadcast %broadcast_in_dim3A_941 : f32 to vector<16xf32>
    %broadcast_in_dim3A_943 = arith.constant 0xFF800000 : f32
    %broadcast_in_dim3A_944 = vector.broadcast %broadcast_in_dim3A_943 : f32 to vector<16xf32>
    %broadcast_in_dim3A_945 = arith.constant 0xFF800000 : f32
    %broadcast_in_dim3A_946 = vector.broadcast %broadcast_in_dim3A_945 : f32 to vector<16xf32>
    %broadcast_in_dim3A_947 = arith.constant 0xFF800000 : f32
    %broadcast_in_dim3A_948 = vector.broadcast %broadcast_in_dim3A_947 : f32 to vector<16xf32>
    %broadcast_in_dim3A_949 = arith.constant 0xFF800000 : f32
    %broadcast_in_dim3A_950 = vector.broadcast %broadcast_in_dim3A_949 : f32 to vector<16xf32>
    %broadcast_in_dim3A_951 = arith.constant 0xFF800000 : f32
    %broadcast_in_dim3A_952 = vector.broadcast %broadcast_in_dim3A_951 : f32 to vector<16xf32>
    %broadcast_in_dim3A_953 = arith.constant 0 : i32
    %broadcast_in_dim3A_954 = vector.broadcast %broadcast_in_dim3A_953 : i32 to vector<16xi32>
    %broadcast_in_dim3A_955 = arith.constant 0 : i32
    %broadcast_in_dim3A_956 = vector.broadcast %broadcast_in_dim3A_955 : i32 to vector<16xi32>
    %broadcast_in_dim3A_957 = arith.constant 0 : i32
    %broadcast_in_dim3A_958 = vector.broadcast %broadcast_in_dim3A_957 : i32 to vector<16xi32>
    %broadcast_in_dim3A_959 = arith.constant 0 : i32
    %broadcast_in_dim3A_960 = vector.broadcast %broadcast_in_dim3A_959 : i32 to vector<16xi32>
    %broadcast_in_dim3A_961 = arith.constant 0 : i32
    %broadcast_in_dim3A_962 = vector.broadcast %broadcast_in_dim3A_961 : i32 to vector<16xi32>
    %broadcast_in_dim3A_963 = arith.constant 0 : i32
    %broadcast_in_dim3A_964 = vector.broadcast %broadcast_in_dim3A_963 : i32 to vector<16xi32>
    %broadcast_in_dim3A_965 = arith.constant 0 : i32
    %broadcast_in_dim3A_966 = vector.broadcast %broadcast_in_dim3A_965 : i32 to vector<16xi32>
    %broadcast_in_dim3A_967 = arith.constant 0 : i32
    %broadcast_in_dim3A_968 = vector.broadcast %broadcast_in_dim3A_967 : i32 to vector<16xi32>
    %scan3A_969 = arith.constant 0 : i32
    %scan3A_970 = arith.constant 256 : i32
    %scan3A_971 = arith.addi %scan3A_969, %scan3A_970 : i32
    %scan3A_972 = arith.constant 4 : i32
    %scan3A_973:16 = scf.for %scan3A_1103 = %scan3A_969 to %scan3A_971 step %scan3A_972 iter_args(%scan3A_1104 = %broadcast_in_dim3A_938, %scan3A_1105 = %broadcast_in_dim3A_940, %scan3A_1106 = %broadcast_in_dim3A_942, %scan3A_1107 = %broadcast_in_dim3A_944, %scan3A_1108 = %broadcast_in_dim3A_946, %scan3A_1109 = %broadcast_in_dim3A_948, %scan3A_1110 = %broadcast_in_dim3A_950, %scan3A_1111 = %broadcast_in_dim3A_952, %scan3A_1112 = %broadcast_in_dim3A_954, %scan3A_1113 = %broadcast_in_dim3A_956, %scan3A_1114 = %broadcast_in_dim3A_958, %scan3A_1115 = %broadcast_in_dim3A_960, %scan3A_1116 = %broadcast_in_dim3A_962, %scan3A_1117 = %broadcast_in_dim3A_964, %scan3A_1118 = %broadcast_in_dim3A_966, %scan3A_1119 = %broadcast_in_dim3A_968) -> (vector<16xf32>, vector<16xf32>, vector<16xf32>, vector<16xf32>, vector<16xf32>, vector<16xf32>, vector<16xf32>, vector<16xf32>, vector<16xi32>, vector<16xi32>, vector<16xi32>, vector<16xi32>, vector<16xi32>, vector<16xi32>, vector<16xi32>, vector<16xi32>)  : i32 {
      %broadcast_in_dim3A_1120 = vector.broadcast %scan3A_1103 : i32 to vector<16xi32>
      %mul3A_1121 = arith.constant 16 : i32
      %mul3A_1122 = arith.muli %scan3A_1103, %mul3A_1121 : i32
      %add3A_1123 = arith.constant 0 : i32
      %add3A_1124 = arith.addi %add3A_1123, %mul3A_1122 : i32
      %get3A = arith.constant 1 : i32
      %get3A_1125 = arith.index_cast %get3A : i32 to index
      %get3A_1126 = arith.index_cast %add3A_1124 : i32 to index
      %get3A_1127 = tpu.vector_load %arg4[%get3A_1125, %get3A_1126] {strides = array<i32>} : memref<2x32768xf32, #tpu.memory_space<vmem>>, vector<16xf32>,
      %gt3A = arith.cmpf ogt, %get3A_1127, %scan3A_1104 : vector<16xf32>
      %select_n3A_1128 = arith.select %gt3A, %get3A_1127, %scan3A_1104 : vector<16xi1>, vector<16xf32>
      %select_n3A_1129 = arith.select %gt3A, %broadcast_in_dim3A_1120, %scan3A_1112 : vector<16xi1>, vector<16xi32>
      %mul3A_1130 = arith.constant 16 : i32
      %mul3A_1131 = arith.muli %scan3A_1103, %mul3A_1130 : i32
      %add3A_1132 = arith.constant 4096 : i32
      %add3A_1133 = arith.addi %add3A_1132, %mul3A_1131 : i32
      %get3A_1134 = arith.constant 1 : i32
      %get3A_1135 = arith.index_cast %get3A_1134 : i32 to index
      %get3A_1136 = arith.index_cast %add3A_1133 : i32 to index
      %get3A_1137 = tpu.vector_load %arg4[%get3A_1135, %get3A_1136] {strides = array<i32>} : memref<2x32768xf32, #tpu.memory_space<vmem>>, vector<16xf32>,
      %gt3A_1138 = arith.cmpf ogt, %get3A_1137, %scan3A_1105 : vector<16xf32>
      %select_n3A_1139 = arith.select %gt3A_1138, %get3A_1137, %scan3A_1105 : vector<16xi1>, vector<16xf32>
      %select_n3A_1140 = arith.select %gt3A_1138, %broadcast_in_dim3A_1120, %scan3A_1113 : vector<16xi1>, vector<16xi32>
      %mul3A_1141 = arith.constant 16 : i32
      %mul3A_1142 = arith.muli %scan3A_1103, %mul3A_1141 : i32
      %add3A_1143 = arith.constant 8192 : i32
      %add3A_1144 = arith.addi %add3A_1143, %mul3A_1142 : i32
      %get3A_1145 = arith.constant 1 : i32
      %get3A_1146 = arith.index_cast %get3A_1145 : i32 to index
      %get3A_1147 = arith.index_cast %add3A_1144 : i32 to index
      %get3A_1148 = tpu.vector_load %arg4[%get3A_1146, %get3A_1147] {strides = array<i32>} : memref<2x32768xf32, #tpu.memory_space<vmem>>, vector<16xf32>,
      %gt3A_1149 = arith.cmpf ogt, %get3A_1148, %scan3A_1106 : vector<16xf32>
      %select_n3A_1150 = arith.select %gt3A_1149, %get3A_1148, %scan3A_1106 : vector<16xi1>, vector<16xf32>
      %select_n3A_1151 = arith.select %gt3A_1149, %broadcast_in_dim3A_1120, %scan3A_1114 : vector<16xi1>, vector<16xi32>
      %mul3A_1152 = arith.constant 16 : i32
      %mul3A_1153 = arith.muli %scan3A_1103, %mul3A_1152 : i32
      %add3A_1154 = arith.constant 12288 : i32
      %add3A_1155 = arith.addi %add3A_1154, %mul3A_1153 : i32
      %get3A_1156 = arith.constant 1 : i32
      %get3A_1157 = arith.index_cast %get3A_1156 : i32 to index
      %get3A_1158 = arith.index_cast %add3A_1155 : i32 to index
      %get3A_1159 = tpu.vector_load %arg4[%get3A_1157, %get3A_1158] {strides = array<i32>} : memref<2x32768xf32, #tpu.memory_space<vmem>>, vector<16xf32>,
      %gt3A_1160 = arith.cmpf ogt, %get3A_1159, %scan3A_1107 : vector<16xf32>
      %select_n3A_1161 = arith.select %gt3A_1160, %get3A_1159, %scan3A_1107 : vector<16xi1>, vector<16xf32>
      %select_n3A_1162 = arith.select %gt3A_1160, %broadcast_in_dim3A_1120, %scan3A_1115 : vector<16xi1>, vector<16xi32>
      %mul3A_1163 = arith.constant 16 : i32
      %mul3A_1164 = arith.muli %scan3A_1103, %mul3A_1163 : i32
      %add3A_1165 = arith.constant 16384 : i32
      %add3A_1166 = arith.addi %add3A_1165, %mul3A_1164 : i32
      %get3A_1167 = arith.constant 1 : i32
      %get3A_1168 = arith.index_cast %get3A_1167 : i32 to index
      %get3A_1169 = arith.index_cast %add3A_1166 : i32 to index
      %get3A_1170 = tpu.vector_load %arg4[%get3A_1168, %get3A_1169] {strides = array<i32>} : memref<2x32768xf32, #tpu.memory_space<vmem>>, vector<16xf32>,
      %gt3A_1171 = arith.cmpf ogt, %get3A_1170, %scan3A_1108 : vector<16xf32>
      %select_n3A_1172 = arith.select %gt3A_1171, %get3A_1170, %scan3A_1108 : vector<16xi1>, vector<16xf32>
      %select_n3A_1173 = arith.select %gt3A_1171, %broadcast_in_dim3A_1120, %scan3A_1116 : vector<16xi1>, vector<16xi32>
      %mul3A_1174 = arith.constant 16 : i32
      %mul3A_1175 = arith.muli %scan3A_1103, %mul3A_1174 : i32
      %add3A_1176 = arith.constant 20480 : i32
      %add3A_1177 = arith.addi %add3A_1176, %mul3A_1175 : i32
      %get3A_1178 = arith.constant 1 : i32
      %get3A_1179 = arith.index_cast %get3A_1178 : i32 to index
      %get3A_1180 = arith.index_cast %add3A_1177 : i32 to index
      %get3A_1181 = tpu.vector_load %arg4[%get3A_1179, %get3A_1180] {strides = array<i32>} : memref<2x32768xf32, #tpu.memory_space<vmem>>, vector<16xf32>,
      %gt3A_1182 = arith.cmpf ogt, %get3A_1181, %scan3A_1109 : vector<16xf32>
      %select_n3A_1183 = arith.select %gt3A_1182, %get3A_1181, %scan3A_1109 : vector<16xi1>, vector<16xf32>
      %select_n3A_1184 = arith.select %gt3A_1182, %broadcast_in_dim3A_1120, %scan3A_1117 : vector<16xi1>, vector<16xi32>
      %mul3A_1185 = arith.constant 16 : i32
      %mul3A_1186 = arith.muli %scan3A_1103, %mul3A_1185 : i32
      %add3A_1187 = arith.constant 24576 : i32
      %add3A_1188 = arith.addi %add3A_1187, %mul3A_1186 : i32
      %get3A_1189 = arith.constant 1 : i32
      %get3A_1190 = arith.index_cast %get3A_1189 : i32 to index
      %get3A_1191 = arith.index_cast %add3A_1188 : i32 to index
      %get3A_1192 = tpu.vector_load %arg4[%get3A_1190, %get3A_1191] {strides = array<i32>} : memref<2x32768xf32, #tpu.memory_space<vmem>>, vector<16xf32>,
      %gt3A_1193 = arith.cmpf ogt, %get3A_1192, %scan3A_1110 : vector<16xf32>
      %select_n3A_1194 = arith.select %gt3A_1193, %get3A_1192, %scan3A_1110 : vector<16xi1>, vector<16xf32>
      %select_n3A_1195 = arith.select %gt3A_1193, %broadcast_in_dim3A_1120, %scan3A_1118 : vector<16xi1>, vector<16xi32>
      %mul3A_1196 = arith.constant 16 : i32
      %mul3A_1197 = arith.muli %scan3A_1103, %mul3A_1196 : i32
      %add3A_1198 = arith.constant 28672 : i32
      %add3A_1199 = arith.addi %add3A_1198, %mul3A_1197 : i32
      %get3A_1200 = arith.constant 1 : i32
      %get3A_1201 = arith.index_cast %get3A_1200 : i32 to index
      %get3A_1202 = arith.index_cast %add3A_1199 : i32 to index
      %get3A_1203 = tpu.vector_load %arg4[%get3A_1201, %get3A_1202] {strides = array<i32>} : memref<2x32768xf32, #tpu.memory_space<vmem>>, vector<16xf32>,
      %gt3A_1204 = arith.cmpf ogt, %get3A_1203, %scan3A_1111 : vector<16xf32>
      %select_n3A_1205 = arith.select %gt3A_1204, %get3A_1203, %scan3A_1111 : vector<16xi1>, vector<16xf32>
      %select_n3A_1206 = arith.select %gt3A_1204, %broadcast_in_dim3A_1120, %scan3A_1119 : vector<16xi1>, vector<16xi32>
      %scan3A_1207 = arith.constant 1 : i32
      %scan3A_1208 = arith.addi %scan3A_1103, %scan3A_1207 : i32
      %broadcast_in_dim3A_1209 = vector.broadcast %scan3A_1208 : i32 to vector<16xi32>
      %mul3A_1210 = arith.constant 16 : i32
      %mul3A_1211 = arith.muli %scan3A_1208, %mul3A_1210 : i32
      %add3A_1212 = arith.constant 0 : i32
      %add3A_1213 = arith.addi %add3A_1212, %mul3A_1211 : i32
      %get3A_1214 = arith.constant 1 : i32
      %get3A_1215 = arith.index_cast %get3A_1214 : i32 to index
      %get3A_1216 = arith.index_cast %add3A_1213 : i32 to index
      %get3A_1217 = tpu.vector_load %arg4[%get3A_1215, %get3A_1216] {strides = array<i32>} : memref<2x32768xf32, #tpu.memory_space<vmem>>, vector<16xf32>,
      %gt3A_1218 = arith.cmpf ogt, %get3A_1217, %select_n3A_1128 : vector<16xf32>
      %select_n3A_1219 = arith.select %gt3A_1218, %get3A_1217, %select_n3A_1128 : vector<16xi1>, vector<16xf32>
      %select_n3A_1220 = arith.select %gt3A_1218, %broadcast_in_dim3A_1209, %select_n3A_1129 : vector<16xi1>, vector<16xi32>
      %mul3A_1221 = arith.constant 16 : i32
      %mul3A_1222 = arith.muli %scan3A_1208, %mul3A_1221 : i32
      %add3A_1223 = arith.constant 4096 : i32
      %add3A_1224 = arith.addi %add3A_1223, %mul3A_1222 : i32
      %get3A_1225 = arith.constant 1 : i32
      %get3A_1226 = arith.index_cast %get3A_1225 : i32 to index
      %get3A_1227 = arith.index_cast %add3A_1224 : i32 to index
      %get3A_1228 = tpu.vector_load %arg4[%get3A_1226, %get3A_1227] {strides = array<i32>} : memref<2x32768xf32, #tpu.memory_space<vmem>>, vector<16xf32>,
      %gt3A_1229 = arith.cmpf ogt, %get3A_1228, %select_n3A_1139 : vector<16xf32>
      %select_n3A_1230 = arith.select %gt3A_1229, %get3A_1228, %select_n3A_1139 : vector<16xi1>, vector<16xf32>
      %select_n3A_1231 = arith.select %gt3A_1229, %broadcast_in_dim3A_1209, %select_n3A_1140 : vector<16xi1>, vector<16xi32>
      %mul3A_1232 = arith.constant 16 : i32
      %mul3A_1233 = arith.muli %scan3A_1208, %mul3A_1232 : i32
      %add3A_1234 = arith.constant 8192 : i32
      %add3A_1235 = arith.addi %add3A_1234, %mul3A_1233 : i32
      %get3A_1236 = arith.constant 1 : i32
      %get3A_1237 = arith.index_cast %get3A_1236 : i32 to index
      %get3A_1238 = arith.index_cast %add3A_1235 : i32 to index
      %get3A_1239 = tpu.vector_load %arg4[%get3A_1237, %get3A_1238] {strides = array<i32>} : memref<2x32768xf32, #tpu.memory_space<vmem>>, vector<16xf32>,
      %gt3A_1240 = arith.cmpf ogt, %get3A_1239, %select_n3A_1150 : vector<16xf32>
      %select_n3A_1241 = arith.select %gt3A_1240, %get3A_1239, %select_n3A_1150 : vector<16xi1>, vector<16xf32>
      %select_n3A_1242 = arith.select %gt3A_1240, %broadcast_in_dim3A_1209, %select_n3A_1151 : vector<16xi1>, vector<16xi32>
      %mul3A_1243 = arith.constant 16 : i32
      %mul3A_1244 = arith.muli %scan3A_1208, %mul3A_1243 : i32
      %add3A_1245 = arith.constant 12288 : i32
      %add3A_1246 = arith.addi %add3A_1245, %mul3A_1244 : i32
      %get3A_1247 = arith.constant 1 : i32
      %get3A_1248 = arith.index_cast %get3A_1247 : i32 to index
      %get3A_1249 = arith.index_cast %add3A_1246 : i32 to index
      %get3A_1250 = tpu.vector_load %arg4[%get3A_1248, %get3A_1249] {strides = array<i32>} : memref<2x32768xf32, #tpu.memory_space<vmem>>, vector<16xf32>,
      %gt3A_1251 = arith.cmpf ogt, %get3A_1250, %select_n3A_1161 : vector<16xf32>
      %select_n3A_1252 = arith.select %gt3A_1251, %get3A_1250, %select_n3A_1161 : vector<16xi1>, vector<16xf32>
      %select_n3A_1253 = arith.select %gt3A_1251, %broadcast_in_dim3A_1209, %select_n3A_1162 : vector<16xi1>, vector<16xi32>
      %mul3A_1254 = arith.constant 16 : i32
      %mul3A_1255 = arith.muli %scan3A_1208, %mul3A_1254 : i32
      %add3A_1256 = arith.constant 16384 : i32
      %add3A_1257 = arith.addi %add3A_1256, %mul3A_1255 : i32
      %get3A_1258 = arith.constant 1 : i32
      %get3A_1259 = arith.index_cast %get3A_1258 : i32 to index
      %get3A_1260 = arith.index_cast %add3A_1257 : i32 to index
      %get3A_1261 = tpu.vector_load %arg4[%get3A_1259, %get3A_1260] {strides = array<i32>} : memref<2x32768xf32, #tpu.memory_space<vmem>>, vector<16xf32>,
      %gt3A_1262 = arith.cmpf ogt, %get3A_1261, %select_n3A_1172 : vector<16xf32>
      %select_n3A_1263 = arith.select %gt3A_1262, %get3A_1261, %select_n3A_1172 : vector<16xi1>, vector<16xf32>
      %select_n3A_1264 = arith.select %gt3A_1262, %broadcast_in_dim3A_1209, %select_n3A_1173 : vector<16xi1>, vector<16xi32>
      %mul3A_1265 = arith.constant 16 : i32
      %mul3A_1266 = arith.muli %scan3A_1208, %mul3A_1265 : i32
      %add3A_1267 = arith.constant 20480 : i32
      %add3A_1268 = arith.addi %add3A_1267, %mul3A_1266 : i32
      %get3A_1269 = arith.constant 1 : i32
      %get3A_1270 = arith.index_cast %get3A_1269 : i32 to index
      %get3A_1271 = arith.index_cast %add3A_1268 : i32 to index
      %get3A_1272 = tpu.vector_load %arg4[%get3A_1270, %get3A_1271] {strides = array<i32>} : memref<2x32768xf32, #tpu.memory_space<vmem>>, vector<16xf32>,
      %gt3A_1273 = arith.cmpf ogt, %get3A_1272, %select_n3A_1183 : vector<16xf32>
      %select_n3A_1274 = arith.select %gt3A_1273, %get3A_1272, %select_n3A_1183 : vector<16xi1>, vector<16xf32>
      %select_n3A_1275 = arith.select %gt3A_1273, %broadcast_in_dim3A_1209, %select_n3A_1184 : vector<16xi1>, vector<16xi32>
      %mul3A_1276 = arith.constant 16 : i32
      %mul3A_1277 = arith.muli %scan3A_1208, %mul3A_1276 : i32
      %add3A_1278 = arith.constant 24576 : i32
      %add3A_1279 = arith.addi %add3A_1278, %mul3A_1277 : i32
      %get3A_1280 = arith.constant 1 : i32
      %get3A_1281 = arith.index_cast %get3A_1280 : i32 to index
      %get3A_1282 = arith.index_cast %add3A_1279 : i32 to index
      %get3A_1283 = tpu.vector_load %arg4[%get3A_1281, %get3A_1282] {strides = array<i32>} : memref<2x32768xf32, #tpu.memory_space<vmem>>, vector<16xf32>,
      %gt3A_1284 = arith.cmpf ogt, %get3A_1283, %select_n3A_1194 : vector<16xf32>
      %select_n3A_1285 = arith.select %gt3A_1284, %get3A_1283, %select_n3A_1194 : vector<16xi1>, vector<16xf32>
      %select_n3A_1286 = arith.select %gt3A_1284, %broadcast_in_dim3A_1209, %select_n3A_1195 : vector<16xi1>, vector<16xi32>
      %mul3A_1287 = arith.constant 16 : i32
      %mul3A_1288 = arith.muli %scan3A_1208, %mul3A_1287 : i32
      %add3A_1289 = arith.constant 28672 : i32
      %add3A_1290 = arith.addi %add3A_1289, %mul3A_1288 : i32
      %get3A_1291 = arith.constant 1 : i32
      %get3A_1292 = arith.index_cast %get3A_1291 : i32 to index
      %get3A_1293 = arith.index_cast %add3A_1290 : i32 to index
      %get3A_1294 = tpu.vector_load %arg4[%get3A_1292, %get3A_1293] {strides = array<i32>} : memref<2x32768xf32, #tpu.memory_space<vmem>>, vector<16xf32>,
      %gt3A_1295 = arith.cmpf ogt, %get3A_1294, %select_n3A_1205 : vector<16xf32>
      %select_n3A_1296 = arith.select %gt3A_1295, %get3A_1294, %select_n3A_1205 : vector<16xi1>, vector<16xf32>
      %select_n3A_1297 = arith.select %gt3A_1295, %broadcast_in_dim3A_1209, %select_n3A_1206 : vector<16xi1>, vector<16xi32>
      %scan3A_1298 = arith.constant 2 : i32
      %scan3A_1299 = arith.addi %scan3A_1103, %scan3A_1298 : i32
      %broadcast_in_dim3A_1300 = vector.broadcast %scan3A_1299 : i32 to vector<16xi32>
      %mul3A_1301 = arith.constant 16 : i32
      %mul3A_1302 = arith.muli %scan3A_1299, %mul3A_1301 : i32
      %add3A_1303 = arith.constant 0 : i32
      %add3A_1304 = arith.addi %add3A_1303, %mul3A_1302 : i32
      %get3A_1305 = arith.constant 1 : i32
      %get3A_1306 = arith.index_cast %get3A_1305 : i32 to index
      %get3A_1307 = arith.index_cast %add3A_1304 : i32 to index
      %get3A_1308 = tpu.vector_load %arg4[%get3A_1306, %get3A_1307] {strides = array<i32>} : memref<2x32768xf32, #tpu.memory_space<vmem>>, vector<16xf32>,
      %gt3A_1309 = arith.cmpf ogt, %get3A_1308, %select_n3A_1219 : vector<16xf32>
      %select_n3A_1310 = arith.select %gt3A_1309, %get3A_1308, %select_n3A_1219 : vector<16xi1>, vector<16xf32>
      %select_n3A_1311 = arith.select %gt3A_1309, %broadcast_in_dim3A_1300, %select_n3A_1220 : vector<16xi1>, vector<16xi32>
      %mul3A_1312 = arith.constant 16 : i32
      %mul3A_1313 = arith.muli %scan3A_1299, %mul3A_1312 : i32
      %add3A_1314 = arith.constant 4096 : i32
      %add3A_1315 = arith.addi %add3A_1314, %mul3A_1313 : i32
      %get3A_1316 = arith.constant 1 : i32
      %get3A_1317 = arith.index_cast %get3A_1316 : i32 to index
      %get3A_1318 = arith.index_cast %add3A_1315 : i32 to index
      %get3A_1319 = tpu.vector_load %arg4[%get3A_1317, %get3A_1318] {strides = array<i32>} : memref<2x32768xf32, #tpu.memory_space<vmem>>, vector<16xf32>,
      %gt3A_1320 = arith.cmpf ogt, %get3A_1319, %select_n3A_1230 : vector<16xf32>
      %select_n3A_1321 = arith.select %gt3A_1320, %get3A_1319, %select_n3A_1230 : vector<16xi1>, vector<16xf32>
      %select_n3A_1322 = arith.select %gt3A_1320, %broadcast_in_dim3A_1300, %select_n3A_1231 : vector<16xi1>, vector<16xi32>
      %mul3A_1323 = arith.constant 16 : i32
      %mul3A_1324 = arith.muli %scan3A_1299, %mul3A_1323 : i32
      %add3A_1325 = arith.constant 8192 : i32
      %add3A_1326 = arith.addi %add3A_1325, %mul3A_1324 : i32
      %get3A_1327 = arith.constant 1 : i32
      %get3A_1328 = arith.index_cast %get3A_1327 : i32 to index
      %get3A_1329 = arith.index_cast %add3A_1326 : i32 to index
      %get3A_1330 = tpu.vector_load %arg4[%get3A_1328, %get3A_1329] {strides = array<i32>} : memref<2x32768xf32, #tpu.memory_space<vmem>>, vector<16xf32>,
      %gt3A_1331 = arith.cmpf ogt, %get3A_1330, %select_n3A_1241 : vector<16xf32>
      %select_n3A_1332 = arith.select %gt3A_1331, %get3A_1330, %select_n3A_1241 : vector<16xi1>, vector<16xf32>
      %select_n3A_1333 = arith.select %gt3A_1331, %broadcast_in_dim3A_1300, %select_n3A_1242 : vector<16xi1>, vector<16xi32>
      %mul3A_1334 = arith.constant 16 : i32
      %mul3A_1335 = arith.muli %scan3A_1299, %mul3A_1334 : i32
      %add3A_1336 = arith.constant 12288 : i32
      %add3A_1337 = arith.addi %add3A_1336, %mul3A_1335 : i32
      %get3A_1338 = arith.constant 1 : i32
      %get3A_1339 = arith.index_cast %get3A_1338 : i32 to index
      %get3A_1340 = arith.index_cast %add3A_1337 : i32 to index
      %get3A_1341 = tpu.vector_load %arg4[%get3A_1339, %get3A_1340] {strides = array<i32>} : memref<2x32768xf32, #tpu.memory_space<vmem>>, vector<16xf32>,
      %gt3A_1342 = arith.cmpf ogt, %get3A_1341, %select_n3A_1252 : vector<16xf32>
      %select_n3A_1343 = arith.select %gt3A_1342, %get3A_1341, %select_n3A_1252 : vector<16xi1>, vector<16xf32>
      %select_n3A_1344 = arith.select %gt3A_1342, %broadcast_in_dim3A_1300, %select_n3A_1253 : vector<16xi1>, vector<16xi32>
      %mul3A_1345 = arith.constant 16 : i32
      %mul3A_1346 = arith.muli %scan3A_1299, %mul3A_1345 : i32
      %add3A_1347 = arith.constant 16384 : i32
      %add3A_1348 = arith.addi %add3A_1347, %mul3A_1346 : i32
      %get3A_1349 = arith.constant 1 : i32
      %get3A_1350 = arith.index_cast %get3A_1349 : i32 to index
      %get3A_1351 = arith.index_cast %add3A_1348 : i32 to index
      %get3A_1352 = tpu.vector_load %arg4[%get3A_1350, %get3A_1351] {strides = array<i32>} : memref<2x32768xf32, #tpu.memory_space<vmem>>, vector<16xf32>,
      %gt3A_1353 = arith.cmpf ogt, %get3A_1352, %select_n3A_1263 : vector<16xf32>
      %select_n3A_1354 = arith.select %gt3A_1353, %get3A_1352, %select_n3A_1263 : vector<16xi1>, vector<16xf32>
      %select_n3A_1355 = arith.select %gt3A_1353, %broadcast_in_dim3A_1300, %select_n3A_1264 : vector<16xi1>, vector<16xi32>
      %mul3A_1356 = arith.constant 16 : i32
      %mul3A_1357 = arith.muli %scan3A_1299, %mul3A_1356 : i32
      %add3A_1358 = arith.constant 20480 : i32
      %add3A_1359 = arith.addi %add3A_1358, %mul3A_1357 : i32
      %get3A_1360 = arith.constant 1 : i32
      %get3A_1361 = arith.index_cast %get3A_1360 : i32 to index
      %get3A_1362 = arith.index_cast %add3A_1359 : i32 to index
      %get3A_1363 = tpu.vector_load %arg4[%get3A_1361, %get3A_1362] {strides = array<i32>} : memref<2x32768xf32, #tpu.memory_space<vmem>>, vector<16xf32>,
      %gt3A_1364 = arith.cmpf ogt, %get3A_1363, %select_n3A_1274 : vector<16xf32>
      %select_n3A_1365 = arith.select %gt3A_1364, %get3A_1363, %select_n3A_1274 : vector<16xi1>, vector<16xf32>
      %select_n3A_1366 = arith.select %gt3A_1364, %broadcast_in_dim3A_1300, %select_n3A_1275 : vector<16xi1>, vector<16xi32>
      %mul3A_1367 = arith.constant 16 : i32
      %mul3A_1368 = arith.muli %scan3A_1299, %mul3A_1367 : i32
      %add3A_1369 = arith.constant 24576 : i32
      %add3A_1370 = arith.addi %add3A_1369, %mul3A_1368 : i32
      %get3A_1371 = arith.constant 1 : i32
      %get3A_1372 = arith.index_cast %get3A_1371 : i32 to index
      %get3A_1373 = arith.index_cast %add3A_1370 : i32 to index
      %get3A_1374 = tpu.vector_load %arg4[%get3A_1372, %get3A_1373] {strides = array<i32>} : memref<2x32768xf32, #tpu.memory_space<vmem>>, vector<16xf32>,
      %gt3A_1375 = arith.cmpf ogt, %get3A_1374, %select_n3A_1285 : vector<16xf32>
      %select_n3A_1376 = arith.select %gt3A_1375, %get3A_1374, %select_n3A_1285 : vector<16xi1>, vector<16xf32>
      %select_n3A_1377 = arith.select %gt3A_1375, %broadcast_in_dim3A_1300, %select_n3A_1286 : vector<16xi1>, vector<16xi32>
      %mul3A_1378 = arith.constant 16 : i32
      %mul3A_1379 = arith.muli %scan3A_1299, %mul3A_1378 : i32
      %add3A_1380 = arith.constant 28672 : i32
      %add3A_1381 = arith.addi %add3A_1380, %mul3A_1379 : i32
      %get3A_1382 = arith.constant 1 : i32
      %get3A_1383 = arith.index_cast %get3A_1382 : i32 to index
      %get3A_1384 = arith.index_cast %add3A_1381 : i32 to index
      %get3A_1385 = tpu.vector_load %arg4[%get3A_1383, %get3A_1384] {strides = array<i32>} : memref<2x32768xf32, #tpu.memory_space<vmem>>, vector<16xf32>,
      %gt3A_1386 = arith.cmpf ogt, %get3A_1385, %select_n3A_1296 : vector<16xf32>
      %select_n3A_1387 = arith.select %gt3A_1386, %get3A_1385, %select_n3A_1296 : vector<16xi1>, vector<16xf32>
      %select_n3A_1388 = arith.select %gt3A_1386, %broadcast_in_dim3A_1300, %select_n3A_1297 : vector<16xi1>, vector<16xi32>
      %scan3A_1389 = arith.constant 3 : i32
      %scan3A_1390 = arith.addi %scan3A_1103, %scan3A_1389 : i32
      %broadcast_in_dim3A_1391 = vector.broadcast %scan3A_1390 : i32 to vector<16xi32>
      %mul3A_1392 = arith.constant 16 : i32
      %mul3A_1393 = arith.muli %scan3A_1390, %mul3A_1392 : i32
      %add3A_1394 = arith.constant 0 : i32
      %add3A_1395 = arith.addi %add3A_1394, %mul3A_1393 : i32
      %get3A_1396 = arith.constant 1 : i32
      %get3A_1397 = arith.index_cast %get3A_1396 : i32 to index
      %get3A_1398 = arith.index_cast %add3A_1395 : i32 to index
      %get3A_1399 = tpu.vector_load %arg4[%get3A_1397, %get3A_1398] {strides = array<i32>} : memref<2x32768xf32, #tpu.memory_space<vmem>>, vector<16xf32>,
      %gt3A_1400 = arith.cmpf ogt, %get3A_1399, %select_n3A_1310 : vector<16xf32>
      %select_n3A_1401 = arith.select %gt3A_1400, %get3A_1399, %select_n3A_1310 : vector<16xi1>, vector<16xf32>
      %select_n3A_1402 = arith.select %gt3A_1400, %broadcast_in_dim3A_1391, %select_n3A_1311 : vector<16xi1>, vector<16xi32>
      %mul3A_1403 = arith.constant 16 : i32
      %mul3A_1404 = arith.muli %scan3A_1390, %mul3A_1403 : i32
      %add3A_1405 = arith.constant 4096 : i32
      %add3A_1406 = arith.addi %add3A_1405, %mul3A_1404 : i32
      %get3A_1407 = arith.constant 1 : i32
      %get3A_1408 = arith.index_cast %get3A_1407 : i32 to index
      %get3A_1409 = arith.index_cast %add3A_1406 : i32 to index
      %get3A_1410 = tpu.vector_load %arg4[%get3A_1408, %get3A_1409] {strides = array<i32>} : memref<2x32768xf32, #tpu.memory_space<vmem>>, vector<16xf32>,
      %gt3A_1411 = arith.cmpf ogt, %get3A_1410, %select_n3A_1321 : vector<16xf32>
      %select_n3A_1412 = arith.select %gt3A_1411, %get3A_1410, %select_n3A_1321 : vector<16xi1>, vector<16xf32>
      %select_n3A_1413 = arith.select %gt3A_1411, %broadcast_in_dim3A_1391, %select_n3A_1322 : vector<16xi1>, vector<16xi32>
      %mul3A_1414 = arith.constant 16 : i32
      %mul3A_1415 = arith.muli %scan3A_1390, %mul3A_1414 : i32
      %add3A_1416 = arith.constant 8192 : i32
      %add3A_1417 = arith.addi %add3A_1416, %mul3A_1415 : i32
      %get3A_1418 = arith.constant 1 : i32
      %get3A_1419 = arith.index_cast %get3A_1418 : i32 to index
      %get3A_1420 = arith.index_cast %add3A_1417 : i32 to index
      %get3A_1421 = tpu.vector_load %arg4[%get3A_1419, %get3A_1420] {strides = array<i32>} : memref<2x32768xf32, #tpu.memory_space<vmem>>, vector<16xf32>,
      %gt3A_1422 = arith.cmpf ogt, %get3A_1421, %select_n3A_1332 : vector<16xf32>
      %select_n3A_1423 = arith.select %gt3A_1422, %get3A_1421, %select_n3A_1332 : vector<16xi1>, vector<16xf32>
      %select_n3A_1424 = arith.select %gt3A_1422, %broadcast_in_dim3A_1391, %select_n3A_1333 : vector<16xi1>, vector<16xi32>
      %mul3A_1425 = arith.constant 16 : i32
      %mul3A_1426 = arith.muli %scan3A_1390, %mul3A_1425 : i32
      %add3A_1427 = arith.constant 12288 : i32
      %add3A_1428 = arith.addi %add3A_1427, %mul3A_1426 : i32
      %get3A_1429 = arith.constant 1 : i32
      %get3A_1430 = arith.index_cast %get3A_1429 : i32 to index
      %get3A_1431 = arith.index_cast %add3A_1428 : i32 to index
      %get3A_1432 = tpu.vector_load %arg4[%get3A_1430, %get3A_1431] {strides = array<i32>} : memref<2x32768xf32, #tpu.memory_space<vmem>>, vector<16xf32>,
      %gt3A_1433 = arith.cmpf ogt, %get3A_1432, %select_n3A_1343 : vector<16xf32>
      %select_n3A_1434 = arith.select %gt3A_1433, %get3A_1432, %select_n3A_1343 : vector<16xi1>, vector<16xf32>
      %select_n3A_1435 = arith.select %gt3A_1433, %broadcast_in_dim3A_1391, %select_n3A_1344 : vector<16xi1>, vector<16xi32>
      %mul3A_1436 = arith.constant 16 : i32
      %mul3A_1437 = arith.muli %scan3A_1390, %mul3A_1436 : i32
      %add3A_1438 = arith.constant 16384 : i32
      %add3A_1439 = arith.addi %add3A_1438, %mul3A_1437 : i32
      %get3A_1440 = arith.constant 1 : i32
      %get3A_1441 = arith.index_cast %get3A_1440 : i32 to index
      %get3A_1442 = arith.index_cast %add3A_1439 : i32 to index
      %get3A_1443 = tpu.vector_load %arg4[%get3A_1441, %get3A_1442] {strides = array<i32>} : memref<2x32768xf32, #tpu.memory_space<vmem>>, vector<16xf32>,
      %gt3A_1444 = arith.cmpf ogt, %get3A_1443, %select_n3A_1354 : vector<16xf32>
      %select_n3A_1445 = arith.select %gt3A_1444, %get3A_1443, %select_n3A_1354 : vector<16xi1>, vector<16xf32>
      %select_n3A_1446 = arith.select %gt3A_1444, %broadcast_in_dim3A_1391, %select_n3A_1355 : vector<16xi1>, vector<16xi32>
      %mul3A_1447 = arith.constant 16 : i32
      %mul3A_1448 = arith.muli %scan3A_1390, %mul3A_1447 : i32
      %add3A_1449 = arith.constant 20480 : i32
      %add3A_1450 = arith.addi %add3A_1449, %mul3A_1448 : i32
      %get3A_1451 = arith.constant 1 : i32
      %get3A_1452 = arith.index_cast %get3A_1451 : i32 to index
      %get3A_1453 = arith.index_cast %add3A_1450 : i32 to index
      %get3A_1454 = tpu.vector_load %arg4[%get3A_1452, %get3A_1453] {strides = array<i32>} : memref<2x32768xf32, #tpu.memory_space<vmem>>, vector<16xf32>,
      %gt3A_1455 = arith.cmpf ogt, %get3A_1454, %select_n3A_1365 : vector<16xf32>
      %select_n3A_1456 = arith.select %gt3A_1455, %get3A_1454, %select_n3A_1365 : vector<16xi1>, vector<16xf32>
      %select_n3A_1457 = arith.select %gt3A_1455, %broadcast_in_dim3A_1391, %select_n3A_1366 : vector<16xi1>, vector<16xi32>
      %mul3A_1458 = arith.constant 16 : i32
      %mul3A_1459 = arith.muli %scan3A_1390, %mul3A_1458 : i32
      %add3A_1460 = arith.constant 24576 : i32
      %add3A_1461 = arith.addi %add3A_1460, %mul3A_1459 : i32
      %get3A_1462 = arith.constant 1 : i32
      %get3A_1463 = arith.index_cast %get3A_1462 : i32 to index
      %get3A_1464 = arith.index_cast %add3A_1461 : i32 to index
      %get3A_1465 = tpu.vector_load %arg4[%get3A_1463, %get3A_1464] {strides = array<i32>} : memref<2x32768xf32, #tpu.memory_space<vmem>>, vector<16xf32>,
      %gt3A_1466 = arith.cmpf ogt, %get3A_1465, %select_n3A_1376 : vector<16xf32>
      %select_n3A_1467 = arith.select %gt3A_1466, %get3A_1465, %select_n3A_1376 : vector<16xi1>, vector<16xf32>
      %select_n3A_1468 = arith.select %gt3A_1466, %broadcast_in_dim3A_1391, %select_n3A_1377 : vector<16xi1>, vector<16xi32>
      %mul3A_1469 = arith.constant 16 : i32
      %mul3A_1470 = arith.muli %scan3A_1390, %mul3A_1469 : i32
      %add3A_1471 = arith.constant 28672 : i32
      %add3A_1472 = arith.addi %add3A_1471, %mul3A_1470 : i32
      %get3A_1473 = arith.constant 1 : i32
      %get3A_1474 = arith.index_cast %get3A_1473 : i32 to index
      %get3A_1475 = arith.index_cast %add3A_1472 : i32 to index
      %get3A_1476 = tpu.vector_load %arg4[%get3A_1474, %get3A_1475] {strides = array<i32>} : memref<2x32768xf32, #tpu.memory_space<vmem>>, vector<16xf32>,
      %gt3A_1477 = arith.cmpf ogt, %get3A_1476, %select_n3A_1387 : vector<16xf32>
      %select_n3A_1478 = arith.select %gt3A_1477, %get3A_1476, %select_n3A_1387 : vector<16xi1>, vector<16xf32>
      %select_n3A_1479 = arith.select %gt3A_1477, %broadcast_in_dim3A_1391, %select_n3A_1388 : vector<16xi1>, vector<16xi32>
      scf.yield %select_n3A_1401, %select_n3A_1412, %select_n3A_1423, %select_n3A_1434, %select_n3A_1445, %select_n3A_1456, %select_n3A_1467, %select_n3A_1478, %select_n3A_1402, %select_n3A_1413, %select_n3A_1424, %select_n3A_1435, %select_n3A_1446, %select_n3A_1457, %select_n3A_1468, %select_n3A_1479 : vector<16xf32>, vector<16xf32>, vector<16xf32>, vector<16xf32>, vector<16xf32>, vector<16xf32>, vector<16xf32>, vector<16xf32>, vector<16xi32>, vector<16xi32>, vector<16xi32>, vector<16xi32>, vector<16xi32>, vector<16xi32>, vector<16xi32>, vector<16xi32>
    }
    %scan3A_974 = arith.constant 256 : i32
    %max3A_975 = arith.maximumf %scan3A_973#0, %scan3A_973#1 : vector<16xf32>
    %max3A_976 = arith.maximumf %max3A_975, %scan3A_973#2 : vector<16xf32>
    %max3A_977 = arith.maximumf %max3A_976, %scan3A_973#3 : vector<16xf32>
    %max3A_978 = arith.maximumf %max3A_977, %scan3A_973#4 : vector<16xf32>
    %max3A_979 = arith.maximumf %max3A_978, %scan3A_973#5 : vector<16xf32>
    %max3A_980 = arith.maximumf %max3A_979, %scan3A_973#6 : vector<16xf32>
    %max3A_981 = arith.maximumf %max3A_980, %scan3A_973#7 : vector<16xf32>
    %reduce_max3A_982 = arith.constant true
    %reduce_max3A_983 = vector.broadcast %reduce_max3A_982 : i1 to vector<16xi1>
    %reduce_max3A_984 = tpu.scan <max>, %max3A_981 masked %reduce_max3A_983 : vector<16xf32>, vector<16xi1> -> vector<16xf32>
    %reduce_max3A_985 = vector.extract %reduce_max3A_984[15] : f32 from vector<16xf32>
    %eq3A_986 = vector.broadcast %reduce_max3A_985 : f32 to vector<16xf32>
    %eq3A_987 = arith.cmpf oeq, %scan3A_973#0, %eq3A_986 : vector<16xf32>
    %add3A_988 = arith.constant 0 : i32
    %add3A_989 = vector.broadcast %add3A_988 : i32 to vector<16xi32>
    %add3A_990 = arith.addi %scan3A_973#8, %add3A_989 : vector<16xi32>
    %mul3A_991 = arith.constant 16 : i32
    %mul3A_992 = vector.broadcast %mul3A_991 : i32 to vector<16xi32>
    %mul3A_993 = arith.muli %add3A_990, %mul3A_992 : vector<16xi32>
    %add3A_994 = arith.addi %mul3A_993, %iota3A : vector<16xi32>
    %jit3A_995 = arith.constant 2147483647 : i32
    %broadcast_in_dim3A_996 = vector.broadcast %jit3A_995 : i32 to vector<16xi32>
    %select_n3A_997 = arith.select %eq3A_987, %add3A_994, %broadcast_in_dim3A_996 : vector<16xi1>, vector<16xi32>
    %eq3A_998 = vector.broadcast %reduce_max3A_985 : f32 to vector<16xf32>
    %eq3A_999 = arith.cmpf oeq, %scan3A_973#1, %eq3A_998 : vector<16xf32>
    %add3A_1000 = arith.constant 256 : i32
    %add3A_1001 = vector.broadcast %add3A_1000 : i32 to vector<16xi32>
    %add3A_1002 = arith.addi %scan3A_973#9, %add3A_1001 : vector<16xi32>
    %mul3A_1003 = arith.constant 16 : i32
    %mul3A_1004 = vector.broadcast %mul3A_1003 : i32 to vector<16xi32>
    %mul3A_1005 = arith.muli %add3A_1002, %mul3A_1004 : vector<16xi32>
    %add3A_1006 = arith.addi %mul3A_1005, %iota3A : vector<16xi32>
    %jit3A_1007 = arith.constant 2147483647 : i32
    %broadcast_in_dim3A_1008 = vector.broadcast %jit3A_1007 : i32 to vector<16xi32>
    %select_n3A_1009 = arith.select %eq3A_999, %add3A_1006, %broadcast_in_dim3A_1008 : vector<16xi1>, vector<16xi32>
    %eq3A_1010 = vector.broadcast %reduce_max3A_985 : f32 to vector<16xf32>
    %eq3A_1011 = arith.cmpf oeq, %scan3A_973#2, %eq3A_1010 : vector<16xf32>
    %add3A_1012 = arith.constant 512 : i32
    %add3A_1013 = vector.broadcast %add3A_1012 : i32 to vector<16xi32>
    %add3A_1014 = arith.addi %scan3A_973#10, %add3A_1013 : vector<16xi32>
    %mul3A_1015 = arith.constant 16 : i32
    %mul3A_1016 = vector.broadcast %mul3A_1015 : i32 to vector<16xi32>
    %mul3A_1017 = arith.muli %add3A_1014, %mul3A_1016 : vector<16xi32>
    %add3A_1018 = arith.addi %mul3A_1017, %iota3A : vector<16xi32>
    %jit3A_1019 = arith.constant 2147483647 : i32
    %broadcast_in_dim3A_1020 = vector.broadcast %jit3A_1019 : i32 to vector<16xi32>
    %select_n3A_1021 = arith.select %eq3A_1011, %add3A_1018, %broadcast_in_dim3A_1020 : vector<16xi1>, vector<16xi32>
    %eq3A_1022 = vector.broadcast %reduce_max3A_985 : f32 to vector<16xf32>
    %eq3A_1023 = arith.cmpf oeq, %scan3A_973#3, %eq3A_1022 : vector<16xf32>
    %add3A_1024 = arith.constant 768 : i32
    %add3A_1025 = vector.broadcast %add3A_1024 : i32 to vector<16xi32>
    %add3A_1026 = arith.addi %scan3A_973#11, %add3A_1025 : vector<16xi32>
    %mul3A_1027 = arith.constant 16 : i32
    %mul3A_1028 = vector.broadcast %mul3A_1027 : i32 to vector<16xi32>
    %mul3A_1029 = arith.muli %add3A_1026, %mul3A_1028 : vector<16xi32>
    %add3A_1030 = arith.addi %mul3A_1029, %iota3A : vector<16xi32>
    %jit3A_1031 = arith.constant 2147483647 : i32
    %broadcast_in_dim3A_1032 = vector.broadcast %jit3A_1031 : i32 to vector<16xi32>
    %select_n3A_1033 = arith.select %eq3A_1023, %add3A_1030, %broadcast_in_dim3A_1032 : vector<16xi1>, vector<16xi32>
    %eq3A_1034 = vector.broadcast %reduce_max3A_985 : f32 to vector<16xf32>
    %eq3A_1035 = arith.cmpf oeq, %scan3A_973#4, %eq3A_1034 : vector<16xf32>
    %add3A_1036 = arith.constant 1024 : i32
    %add3A_1037 = vector.broadcast %add3A_1036 : i32 to vector<16xi32>
    %add3A_1038 = arith.addi %scan3A_973#12, %add3A_1037 : vector<16xi32>
    %mul3A_1039 = arith.constant 16 : i32
    %mul3A_1040 = vector.broadcast %mul3A_1039 : i32 to vector<16xi32>
    %mul3A_1041 = arith.muli %add3A_1038, %mul3A_1040 : vector<16xi32>
    %add3A_1042 = arith.addi %mul3A_1041, %iota3A : vector<16xi32>
    %jit3A_1043 = arith.constant 2147483647 : i32
    %broadcast_in_dim3A_1044 = vector.broadcast %jit3A_1043 : i32 to vector<16xi32>
    %select_n3A_1045 = arith.select %eq3A_1035, %add3A_1042, %broadcast_in_dim3A_1044 : vector<16xi1>, vector<16xi32>
    %eq3A_1046 = vector.broadcast %reduce_max3A_985 : f32 to vector<16xf32>
    %eq3A_1047 = arith.cmpf oeq, %scan3A_973#5, %eq3A_1046 : vector<16xf32>
    %add3A_1048 = arith.constant 1280 : i32
    %add3A_1049 = vector.broadcast %add3A_1048 : i32 to vector<16xi32>
    %add3A_1050 = arith.addi %scan3A_973#13, %add3A_1049 : vector<16xi32>
    %mul3A_1051 = arith.constant 16 : i32
    %mul3A_1052 = vector.broadcast %mul3A_1051 : i32 to vector<16xi32>
    %mul3A_1053 = arith.muli %add3A_1050, %mul3A_1052 : vector<16xi32>
    %add3A_1054 = arith.addi %mul3A_1053, %iota3A : vector<16xi32>
    %jit3A_1055 = arith.constant 2147483647 : i32
    %broadcast_in_dim3A_1056 = vector.broadcast %jit3A_1055 : i32 to vector<16xi32>
    %select_n3A_1057 = arith.select %eq3A_1047, %add3A_1054, %broadcast_in_dim3A_1056 : vector<16xi1>, vector<16xi32>
    %eq3A_1058 = vector.broadcast %reduce_max3A_985 : f32 to vector<16xf32>
    %eq3A_1059 = arith.cmpf oeq, %scan3A_973#6, %eq3A_1058 : vector<16xf32>
    %add3A_1060 = arith.constant 1536 : i32
    %add3A_1061 = vector.broadcast %add3A_1060 : i32 to vector<16xi32>
    %add3A_1062 = arith.addi %scan3A_973#14, %add3A_1061 : vector<16xi32>
    %mul3A_1063 = arith.constant 16 : i32
    %mul3A_1064 = vector.broadcast %mul3A_1063 : i32 to vector<16xi32>
    %mul3A_1065 = arith.muli %add3A_1062, %mul3A_1064 : vector<16xi32>
    %add3A_1066 = arith.addi %mul3A_1065, %iota3A : vector<16xi32>
    %jit3A_1067 = arith.constant 2147483647 : i32
    %broadcast_in_dim3A_1068 = vector.broadcast %jit3A_1067 : i32 to vector<16xi32>
    %select_n3A_1069 = arith.select %eq3A_1059, %add3A_1066, %broadcast_in_dim3A_1068 : vector<16xi1>, vector<16xi32>
    %eq3A_1070 = vector.broadcast %reduce_max3A_985 : f32 to vector<16xf32>
    %eq3A_1071 = arith.cmpf oeq, %scan3A_973#7, %eq3A_1070 : vector<16xf32>
    %add3A_1072 = arith.constant 1792 : i32
    %add3A_1073 = vector.broadcast %add3A_1072 : i32 to vector<16xi32>
    %add3A_1074 = arith.addi %scan3A_973#15, %add3A_1073 : vector<16xi32>
    %mul3A_1075 = arith.constant 16 : i32
    %mul3A_1076 = vector.broadcast %mul3A_1075 : i32 to vector<16xi32>
    %mul3A_1077 = arith.muli %add3A_1074, %mul3A_1076 : vector<16xi32>
    %add3A_1078 = arith.addi %mul3A_1077, %iota3A : vector<16xi32>
    %jit3A_1079 = arith.constant 2147483647 : i32
    %broadcast_in_dim3A_1080 = vector.broadcast %jit3A_1079 : i32 to vector<16xi32>
    %select_n3A_1081 = arith.select %eq3A_1071, %add3A_1078, %broadcast_in_dim3A_1080 : vector<16xi1>, vector<16xi32>
    %min3A_1082 = arith.minsi %select_n3A_997, %select_n3A_1009 : vector<16xi32>
    %min3A_1083 = arith.minsi %min3A_1082, %select_n3A_1021 : vector<16xi32>
    %min3A_1084 = arith.minsi %min3A_1083, %select_n3A_1033 : vector<16xi32>
    %min3A_1085 = arith.minsi %min3A_1084, %select_n3A_1045 : vector<16xi32>
    %min3A_1086 = arith.minsi %min3A_1085, %select_n3A_1057 : vector<16xi32>
    %min3A_1087 = arith.minsi %min3A_1086, %select_n3A_1069 : vector<16xi32>
    %min3A_1088 = arith.minsi %min3A_1087, %select_n3A_1081 : vector<16xi32>
    %reduce_min3A_1089 = arith.constant true
    %reduce_min3A_1090 = vector.broadcast %reduce_min3A_1089 : i1 to vector<16xi1>
    %reduce_min3A_1091 = arith.constant -2147483648 : i32
    %reduce_min3A_1092 = vector.broadcast %reduce_min3A_1091 : i32 to vector<16xi32>
    %reduce_min3A_1093 = arith.xori %min3A_1088, %reduce_min3A_1092 : vector<16xi32>
    %reduce_min3A_1094 = tpu.scan <min>, %reduce_min3A_1093 masked %reduce_min3A_1090 : vector<16xi32>, vector<16xi1> -> vector<16xi32>
    %reduce_min3A_1095 = arith.xori %reduce_min3A_1094, %reduce_min3A_1092 : vector<16xi32>
    %reduce_min3A_1096 = vector.extract %reduce_min3A_1095[15] : i32 from vector<16xi32>
    %eq3A_1097 = arith.constant 3 : i32
    %eq3A_1098 = vector.broadcast %eq3A_1097 : i32 to vector<16xi32>
    %eq3A_1099 = arith.cmpi eq, %iota3A, %eq3A_1098 : vector<16xi32>
    %broadcast_in_dim3A_1100 = vector.broadcast %reduce_min3A_1096 : i32 to vector<16xi32>
    %select_n3A_1101 = arith.select %eq3A_1099, %broadcast_in_dim3A_1100, %select_n3A_884 : vector<16xi1>, vector<16xi32>
    %swap3A = arith.constant 0 : index
    %swap3A_1102 = tpu.vector_load %arg5[%swap3A] {strides = array<i32>} : memref<16xi32, #tpu.memory_space<vmem>>, vector<16xi32>,
    tpu.vector_store %arg5[%swap3A], %select_n3A_1101 {strides = array<i32>} : memref<16xi32, #tpu.memory_space<vmem>>, vector<16xi32>,
    "tpu.region"() ({
      %run_scoped3A = tpu.sem_alloc : memref<!tpu.dma_semaphore, #tpu.memory_space<semaphore_mem>>
      %dma_start3A_1103 = arith.constant 0 : i32
      %dma_start3A_1104 = tpu.memref_slice %arg3[%add3A, %dma_start3A_1103] : memref<32x16xi32, #tpu.memory_space<hbm>> -> memref<1x16xi32, #tpu.memory_space<hbm>>
      %dma_start3A_1105 = tpu.memref_squeeze %dma_start3A_1104 : memref<1x16xi32, #tpu.memory_space<hbm>> -> memref<16xi32, #tpu.memory_space<hbm>>
      %dma_start3A_1106 = arith.constant 0 : i32
      %dma_start3A_1107 = tpu.memref_slice %arg3[%add3A, %dma_start3A_1106] : memref<32x16xi32, #tpu.memory_space<hbm>> -> memref<1x16xi32, #tpu.memory_space<hbm>>
      %dma_start3A_1108 = tpu.memref_squeeze %dma_start3A_1107 : memref<1x16xi32, #tpu.memory_space<hbm>> -> memref<16xi32, #tpu.memory_space<hbm>>
      tpu.enqueue_dma source(%arg5 : memref<16xi32, #tpu.memory_space<vmem>>) target(%dma_start3A_1108 : memref<16xi32, #tpu.memory_space<hbm>>) target_semaphore(%run_scoped3A : memref<!tpu.dma_semaphore, #tpu.memory_space<semaphore_mem>>)
      %dma_wait3A_1109 = arith.constant 0 : i32
      %dma_wait3A_1110 = tpu.memref_slice %arg3[%add3A, %dma_wait3A_1109] : memref<32x16xi32, #tpu.memory_space<hbm>> -> memref<1x16xi32, #tpu.memory_space<hbm>>
      %dma_wait3A_1111 = tpu.memref_squeeze %dma_wait3A_1110 : memref<1x16xi32, #tpu.memory_space<hbm>> -> memref<16xi32, #tpu.memory_space<hbm>>
      %dma_wait3A_1112 = arith.constant 0 : i32
      %dma_wait3A_1113 = tpu.memref_slice %arg3[%add3A, %dma_wait3A_1112] : memref<32x16xi32, #tpu.memory_space<hbm>> -> memref<1x16xi32, #tpu.memory_space<hbm>>
      %dma_wait3A_1114 = tpu.memref_squeeze %dma_wait3A_1113 : memref<1x16xi32, #tpu.memory_space<hbm>> -> memref<16xi32, #tpu.memory_space<hbm>>
      tpu.wait_dma2 semaphore(%run_scoped3A : memref<!tpu.dma_semaphore, #tpu.memory_space<semaphore_mem>>) src(%arg5 : memref<16xi32, #tpu.memory_space<vmem>>) dst(%dma_wait3A_1114 : memref<16xi32, #tpu.memory_space<hbm>>)
      tpu.yield
    }) : () -> ()
    return
  }
}

</mosaic_0001>

<sc_bundles>
// kernel: kernel.3.cloned.1.call-start
scs
__scs_entry_jumppad:
0x0: {  	(pc) =	sbr.rel $0x88, $3  }
0x1: {  	(tag) =	ssettag $0x0;
	lr =	simm.s32 $0x1  }
0x2: {  	[smem:$0x3FA0] =	sst lr;
	_ =	strace $0xD0000000  }
0x3: {  	_ = 	snop  }
0x4: {  	_ = 	snop  }
0x5: {  	_ = 	snop  }
0x6: {  	_ = 	snop  }
0x7: {  	_ = 	snop  }
__scs_overlays_trampoline_lowered:
0x8: {  	[smem:$0x3FAF] =	sst s0  }
0x9: {  	[smem:$0x3FB0] =	sst s1  }
0xa: {  	[smem:$0x3FB1] =	sst s2  }
0xb: {  	[smem:$0x3FB2] =	sst s3  }
0xc: {  	[smem:$0x3FB3] =	sst s4  }
0xd: {  	[smem:$0x3FB4] =	sst s5  }
0xe: {  	[smem:$0x3FB5] =	sst s6  }
0xf: {  	[smem:$0x3FB6] =	sst s7  }
0x10: {  	[smem:$0x3FB7] =	sst s8  }
0x11: {  	[smem:$0x3FB8] =	sst s9;
	s0 =	simm.s32 @!p0 $0x0  }
0x12: {  	s1 =	sld [smem:$0x3F9E];
	s0 =	simm.s32 @p0 $0x1  }
0x13: {  	[smem:$0x3FB9] =	sst s0;
	s0 =	simm.s32 @!p1 $0x0  }
0x14: {  	s2 =	sld [smem:$0x3F9D];
	s0 =	simm.s32 @p1 $0x1  }
0x15: {  	[smem:$0x3FBA] =	sst s0;
	s0 =	simm.s32 @!p2 $0x0  }
0x16: {  	s3 =	sld [smem:$0x3FDB];
	s0 =	simm.s32 @p2 $0x1  }
0x17: {  	s4 =	simm.s32 $0x1BF5;
	[smem:$0x3FBC] =	sst s0  }
0x18: {  	s0 =	sld [smem:$0x3F9F];
	_ =	swait.ge [sflag:s4], $0x0  }
0x19: {  	s7 =	sld [smem:$0x3FA0]  }
0x1a: {  	s8 =	sadd.s32 $0xFFFFE003, lr  }
0x1b: {  	s9 =	sadd.s32 $0xFFFFFEF7, lr;
	s5 =	simm.s32 $0xFFFFFFFF;
	p2 =	slt.u32 s8, $0xFFFFF086  }
0x1c: {  	p1 =	slt.u32 s9, $0xF7A;
	s5 =	simm.s32 @!p2 $0x0  }
0x1d: {  	s5 =	simm.s32 @p1 $0x1;
	p0 =	seq.s32 s7, s2  }
0x1e: {  	s7 =	smul.u32 @!p0 $0xF7A, s2;
	p2 =	seq.s32 @!p0 s5, $0x0  }
0x1f: {  	s9 =	smul.u32 $0xF7A, s1;
	s8 =	simm.s32 @!p0 $0x1BF5;
	p2 =	por !p2, p0  }
0x20: {  	[sflag:s8] =	ssyncset.s32 @!p0 $0xFFFFF086;
	s6 =	sadd.s32 @!p0 s3, s7;
	s7 =	simm.s32 @!p0 $0x108  }
0x21: {  	s3 =	sadd.s32 s3, s9;
	s6 =	sadd.s32 @!p0 $0x88, s6;
	s7 =	simm.s32 @p2 $0x1082  }
0x22: {  	[simem:s7], [sflag:s8] =	dma.local @!p0 [hbm:s6], $0xF7A  }
0x23: {  	s9 =	sor.u32 $0xD0000000, s2;
	s6 =	simm.s32 $0x108;
	_ =	swait.ge @!p0 [sflag:s8], $0x0  }
0x24: {  	s3 =	sadd.s32 $0x88, s3;
	s6 =	simm.s32 @!p1 $0x1082;
	[sflag:s4] =	ssyncset.s32 $0xFFFFF086  }
0x25: {  	[simem:s6], [sflag:s4] =	dma.local [hbm:s3], $0xF7A  }
0x26: {  	[smem:$0x3FA0] =	sst s1;
	(tag) =	ssettag s2;
	_ =	strace s9  }
0x27: {  	s1 =	sld [smem:$0x3FB0]  }
0x28: {  	s2 =	sld [smem:$0x3FB1]  }
0x29: {  	s4 =	sld [smem:$0x3FB3]  }
0x2a: {  	p0 =	seq.s32 s5, $0x0;
	s5 =	sld [smem:$0x3FB4]  }
0x2b: {  	s6 =	sld [smem:$0x3FB5]  }
0x2c: {  	s7 =	sld [smem:$0x3FB6]  }
0x2d: {  	s3 =	simm.s32 $0x108;
	s8 =	sld [smem:$0x3FB7]  }
0x2e: {  	s3 =	simm.s32 @!p0 $0x1082;
	s9 =	sld [smem:$0x3FB8]  }
0x2f: {  	lr =	sadd.s32 s0, s3;
	s0 =	sld [smem:$0x3FAF]  }
0x30: {  	s3 =	sld [smem:$0x3FB2]  }
0x31: {  	[smem:$0x3FBB] =	sst s10  }
0x32: {  	s10 =	sld [smem:$0x3FB9];
	_ =	sdelay $0x3  }
0x33: {  	p0 =	seq.s32 s10, $0x1;
	s10 =	sld [smem:$0x3FBB];
	_ =	sdelay $0x3  }
0x34: {  	[smem:$0x3FBB] =	sst s10  }
0x35: {  	s10 =	sld [smem:$0x3FBA];
	_ =	sdelay $0x3  }
0x36: {  	p1 =	seq.s32 s10, $0x1;
	s10 =	sld [smem:$0x3FBB];
	_ =	sdelay $0x3  }
0x37: {  	[smem:$0x3FBB] =	sst s10  }
0x38: {  	s10 =	sld [smem:$0x3FBC]  }
0x39: {  	_ = 	snop;
	(pc) =	sbr.ind lr, $3  }
0x3a: {  	_ = 	snop  }
0x3b: {  	_ = 	snop  }
0x3c: {  	p2 =	seq.s32 s10, $0x1;
	s10 =	sld [smem:$0x3FBB]  }
0x3d: {  	_ =	shalt  }
0x3e: {  	_ =	shalt  }
0x3f: {  	_ =	shalt  }
0x40: {  	_ =	shalt  }
0x41: {  	_ =	shalt  }
0x42: {  	_ =	shalt  }
0x43: {  	_ =	shalt  }
0x44: {  	_ =	shalt  }
0x45: {  	_ =	shalt  }
0x46: {  	_ =	shalt  }
0x47: {  	_ =	shalt  }
0x48: {  	_ =	shalt  }
0x49: {  	_ =	shalt  }
0x4a: {  	_ =	shalt  }
0x4b: {  	_ =	shalt  }
0x4c: {  	_ =	shalt  }
0x4d: {  	_ =	shalt  }
0x4e: {  	_ =	shalt  }
0x4f: {  	_ =	shalt  }
0x50: {  	_ =	shalt  }
0x51: {  	_ =	shalt  }
0x52: {  	_ =	shalt  }
0x53: {  	_ =	shalt  }
0x54: {  	_ =	shalt  }
0x55: {  	_ =	shalt  }
0x56: {  	_ =	shalt  }
0x57: {  	_ =	shalt  }
0x58: {  	_ =	shalt  }
0x59: {  	_ =	shalt  }
0x5a: {  	_ =	shalt  }
0x5b: {  	_ =	shalt  }
0x5c: {  	_ =	shalt  }
0x5d: {  	_ =	shalt  }
0x5e: {  	_ =	shalt  }
0x5f: {  	_ =	shalt  }
0x60: {  	_ =	shalt  }
0x61: {  	_ =	shalt  }
0x62: {  	_ =	shalt  }
0x63: {  	_ =	shalt  }
0x64: {  	_ =	shalt  }
0x65: {  	_ =	shalt  }
0x66: {  	_ =	shalt  }
0x67: {  	_ =	shalt  }
0x68: {  	_ =	shalt  }
0x69: {  	_ =	shalt  }
0x6a: {  	_ =	shalt  }
0x6b: {  	_ =	shalt  }
0x6c: {  	_ =	shalt  }
0x6d: {  	_ =	shalt  }
0x6e: {  	_ =	shalt  }
0x6f: {  	_ =	shalt  }
0x70: {  	_ =	shalt  }
0x71: {  	_ =	shalt  }
0x72: {  	_ =	shalt  }
0x73: {  	_ =	shalt  }
0x74: {  	_ =	shalt  }
0x75: {  	_ =	shalt  }
0x76: {  	_ =	shalt  }
0x77: {  	_ =	shalt  }
0x78: {  	_ =	shalt  }
0x79: {  	_ =	shalt  }
0x7a: {  	_ =	shalt  }
0x7b: {  	_ =	shalt  }
0x7c: {  	_ =	shalt  }
0x7d: {  	_ =	shalt  }
0x7e: {  	_ =	shalt  }
0x7f: {  	_ =	shalt  }
0x80: {  	_ =	shalt  }
0x81: {  	_ =	shalt  }
0x82: {  	_ =	shalt  }
0x83: {  	_ =	shalt  }
0x84: {  	_ =	shalt  }
0x85: {  	_ =	shalt  }
0x86: {  	_ =	shalt  }
0x87: {  	_ =	shalt  }
.Lfunc_end0:
.L_simem_size_0:
called_computation_lowered:
.L_overlay_start_0:
0x88: {  	s2 =	sld [smem:$0x3FD9]  }
0x89: {  	s3 =	sld [smem:$0x3FFE];
	_ =	sdelay $0x1  }
0x8a: {  	s1 =	srdreg.scid  }
0x8b: {  	s0 =	sand.u32 $0x1, s1  }
0x8c: {  	s18 =	sshll.u32 s0, $0xA;
	s2 =	sadd.s32 s3, s2  }
0x8d: {  	s2 =	sadd.s32 s2, s18  }
0x8e: {  	[smem:$0x3FC7] =	sst s2  }
0x8f: {  	_ = 	snop  }
0x90: {  	s2 =	sld [smem:$0x3FC9]  }
0x91: {  	s19 =	sld [smem:$0x3FD0];
	(tm) =	ssettm $0x1  }
0x92: {  	s4 =	sld [smem:$0x3FFB];
	_ =	sdelay $0x3  }
0x93: {  	_ =	strace s4  }
0x94: {  	s4 =	sld [smem:$0x3FFC];
	_ =	sdelay $0x3  }
0x95: {  	_ =	strace s4  }
0x96: {  	s4 =	sld [smem:$0x3FFD];
	_ =	sdelay $0x3  }
0x97: {  	_ =	strace s4  }
0x98: {  	_ =	strace $0x8FFFFFFF  }
0x99: {  	s20 =	sld [smem:$0x3FDB];
	_ =	sdelay $0x1  }
0x9a: {  	s5 =	simm.s32 $_scs_section_size  }
0x9b: {  	s6 =	simm.s32 $_size__tile_overlayer_lowered;
	s7 =	simm.s32 $_tile_overlayer_lowered  }
0x9c: {  	s23 =	simm.s32 $0x1BFF;
	s22 =	sshll.u32 s7, $0x1;
	s4 =	sadd.s32 s5, s20  }
0x9d: {  	s8 =	simm.s32 $0x0;
	s21 =	sshll.u32 s6, $0x1;
	s6 =	sadd.s32 s22, s4  }
0x9e: {  	[timem:s8], [sflag:s23] =	dma.local [hbm:s6], s21  }
0x9f: {  	_ =	swait.ge [sflag:s23], s21  }
0xa0: {  	s5 =	ssub.s32 $0x0, s21;
	[sflag:s23] =	ssyncset.done $0x0  }
0xa1: {  	[sflag:s23] =	ssyncadd.s32 s5;
	_ =	sdelay $0x1  }
0xa2: {  	s24 =	simm.s32 $0x1B8B  }
0xa3: {  	_ =	swait.ge [sflag:s24], $0x1  }
0xa4: {  	[sflag:s24] =	ssyncset.done $0x0  }
0xa5: {  	s25 =	simm.s32 $0x1B8E;
	[sflag:s24] =	ssyncadd.s32 $0xFFFFFFFF  }
0xa6: {  	s26 =	simm.s32 $execute0_lowered;
	[smem:$0x3FD2] =	sst s25  }
0xa7: {  	s5 =	sshll.u32 s26, $0x1;
	_ =	strace $0x80000046;
	[dreg:$0x1] =	wrdreg $0xFFFFFFFF  }
0xa8: {  	s28 =	simm.s32 $_size_execute0_lowered;
	s4 =	sadd.s32 s4, s5;
	[dreg:$0x0] =	wrdreg $0x0  }
0xa9: {  	s5 =	sshll.u32 s28, $0x1;
	[dreg:$0x2] =	wrdreg s4  }
0xaa: {  	[dreg:$0x3] =	wrdreg s5  }
0xab: {  	[dreg:$0x4] =	wrdreg $0xC0  }
0xac: {  	_ =	task [dreg:s8], $0x5FFFF  }
0xad: {  	[dreg:$0x1] =	wrdreg $0xFFFFFFFF  }
0xae: {  	[dreg:$0x0] =	wrdreg $0x60  }
0xaf: {  	[dreg:$0x2] =	wrdreg s2  }
0xb0: {  	[dreg:$0x3] =	wrdreg s19  }
0xb1: {  	[dreg:$0x4] =	wrdreg $0x9  }
0xb2: {  	_ =	task.clear_ibuf [dreg:s8], $0x5FFFF;
	_ =	strace $0x90000046  }
0xb3: {  	s29 =	simm.s32 $0x9;
	_ =	strace $0x80000048  }
0xb4: {  	_ =	swait.ge [sflag:s29], $0x1  }
0xb5: {  	[sflag:s29] =	ssyncadd.s32 $0xFFFFFFFF  }
0xb6: {  	_ =	strace $0x90000048  }
0xb7: {  	_ =	sfence  }
0xb8: {  	s30 =	sld [smem:$0x0];
	_ =	sdelay $0x2  }
0xb9: {  	s31 =	sshll.u32 s1, $0xD;
	s1 =	sshrl.u32 s1, $0x2  }
0xba: {  	s3 =	sand.u32 $0x4000, s31;
	s1 =	sadd.s32 s1, s30  }
0xbb: {  	s0 =	sor.u32 s3, s0;
	s1 =	sshll.u32 s1, $0x11  }
0xbc: {  	s0 =	sor.u32 s1, s0  }
0xbd: {  	s0 =	sadd.s32 $0x8F2B, s0  }
0xbe: {  	[sflag:s0] =	ssyncadd.remote.s32 $0x1  }
0xbf: {  	_ =	sfence.sel $0xFFFF  }
0xc0: {  	[dreg:$0x0] =	wrdreg $0xFFFFFFFF;
	(pc) =	sbr.abs _section_cstart, $3  }
0xc1: {  	[dreg:$0x1] =	wrdreg $0xFFFFFFFF  }
0xc2: {  	_ =	task.clear_ibuf [dreg:s8], $0x2FFFF;
	_ =	strace $0x9FFFFFFF  }
0xc3: {  	(tm) =	ssettm $0x7FFFFFFF  }
tec
execute0_lowered:
.L_overlay_start_1:
0x0: {  	(tag) =	ssettag $0x1  }
0x1: {  	s0 =	rddreg [dreg:$0x0]  }
0x2: {  	s1 =	rddreg [dreg:$0x1]  }
0x3: {  	s3 =	srdreg.scid;
	s4 =	stileid.u32  }
0x4: {  	s2 =	simm.s32 $0x0;
	s3 =	sand.u32 $0x1, s3;
	s4 =	sshll.u32 s4, $0x1  }
0x5: {  	[smem:$0x7FF] =	sst s2;
	s16 =	sadd.s32 $0x2000, s0;
	s4 =	sor.u32 s3, s4  }
0x6: {  	_ =	strace $0x80000047;
	s6 =	ssub.s32 $0x2, s3;
	s3 =	sshll.u32 s3, $0x9  }
0x7: {  	s5 =	sshll.u32 s4, $0x11;
	s8 =	sshrl.u32 s6, $0x1;
	s22 =	sor.u32 $0x80, s3  }
0x8: {  	s12 =	sor.u32 $0x100, s3;
	s4 =	sshll.u32 s4, $0x4;
	s7 =	sand.u32 $0x3C0000, s5  }
0x9: {  	s10 =	sor.u32 s3, s5;
	s6 =	ssub.s32 s6, s8;
	s8 =	sor.u32 s22, s5  }
0xa: {  	s30 =	sadd.s32 s1, s4;
	s9 =	sor.u32 s3, s7;
	s18 =	sshrl.u32 s10, $0x3  }
0xb: {  	s23 =	sor.u32 s22, s7;
	s25 =	sshrl.u32 s8, $0x3;
	s26 =	sor.u32 s12, s7  }
0xc: {  	s12 =	sor.u32 s12, s5;
	s3 =	sor.u32 $0x180, s3;
	[dreg:$0xd] =	wrdreg s30  }
0xd: {  	s31 =	smax.u32 s6, $0x1;
	s17 =	sshrl.u32 s9, $0x3;
	s10 =	sor.u32 $0x4000, s18  }
0xe: {  	s9 =	sor.u32 $0x6000, s18;
	s24 =	sshrl.u32 s23, $0x3;
	s11 =	sor.u32 $0x4000, s25  }
0xf: {  	s13 =	sshrl.u32 s26, $0x3;
	s14 =	sshrl.u32 s12, $0x3;
	s7 =	sor.u32 s3, s7  }
0x10: {  	s3 =	sor.u32 s3, s5;
	[dreg:$0xe] =	wrdreg s31;
	s19 =	sadd.s32 s0, s17  }
0x11: {  	s20 =	sadd.s32 s17, s16;
	s21 =	sadd.s32 s0, s10;
	s22 =	sadd.s32 s0, s9  }
0x12: {  	s8 =	sadd.s32 s0, s24;
	s9 =	sadd.s32 s24, s16;
	[dreg:$0x3] =	wrdreg s19  }
0x13: {  	s23 =	sadd.s32 s0, s11;
	s10 =	sor.u32 $0x6000, s25;
	[dreg:$0x4] =	wrdreg s20  }
0x14: {  	s11 =	sadd.s32 s0, s13;
	s12 =	sadd.s32 s13, s16;
	[dreg:$0x5] =	wrdreg s21  }
0x15: {  	s28 =	sor.u32 $0x4000, s14;
	s14 =	sor.u32 $0x6000, s14;
	[dreg:$0x6] =	wrdreg s22  }
0x16: {  	s7 =	sshrl.u32 s7, $0x3;
	s3 =	sshrl.u32 s3, $0x3;
	[dreg:$0x7] =	wrdreg s8  }
0x17: {  	s10 =	sadd.s32 s0, s10;
	s13 =	sadd.s32 s0, s28;
	[dreg:$0x8] =	wrdreg s9  }
0x18: {  	s14 =	sadd.s32 s0, s14;
	s15 =	sadd.s32 s0, s7;
	[dreg:$0x9] =	wrdreg s23  }
0x19: {  	s16 =	sadd.s32 s7, s16;
	s29 =	sor.u32 $0x4000, s3;
	[dreg:$0xb] =	wrdreg s11  }
0x1a: {  	s3 =	sor.u32 $0x6000, s3;
	[dreg:$0xc] =	wrdreg s12;
	s17 =	sadd.s32 s0, s29  }
0x1b: {  	s18 =	sadd.s32 s0, s3;
	s3 =	simm.s32 $0x0;
	[dreg:$0xa] =	wrdreg s10  }
.LBB2_1:
0x1c: {  	[dreg:$0xf] =	wrdreg s3;
	s0 =	simm.s32 $0x80  }
0x1d: {  	s4 =	sadd.s32 $0x0, s19;
	s1 =	simm.s32 $0x100;
	s3 =	simm.s32 $0x0  }
.LBB2_2:
0x1e: {  	[tilespmem:s3], [sflag:$0x1] =	stream.linear.gather [hbm4b:s4+s2], $0x80, $0x38;
	[tilespmem:$0x10080] =	vst v63  }
0x1f: {  	s4 =	smov.u32 s0;
	s3 =	smov.u32 s1;
	p0 =	sne.s32 s0, $0x1F80  }
.Ltmp0:
0x20: {  	s0 =	sadd.s32 $0x80, s0;
	(pc) =	sbr.rel @p0 .LBB2_2-.Ltmp0, $2  }
0x21: {  	_ =	sdelay $0x2  }
0x22: {  	s1 =	sadd.s32 $0x100, s1;
	s4 =	sadd.s32 s4, s19  }
0x23: {  	[tilespmem:s3], [sflag:$0x1] =	stream.linear.gather [hbm4b:s4+s2], $0x80, $0x38;
	[tilespmem:$0x10080] =	vst v63  }
0x24: {  	s0 =	simm.s32 $0x4000  }
0x25: {  	s1 =	simm.s32 $0x80;
	s4 =	sadd.s32 $0x0, s20;
	s3 =	simm.s32 $0x4100  }
.LBB2_4:
0x26: {  	[tilespmem:s0], [sflag:$0x1] =	stream.linear.gather [hbm4b:s4+s2], $0x80, $0x38;
	[tilespmem:$0x10080] =	vst v63  }
0x27: {  	s4 =	smov.u32 s1;
	s0 =	smov.u32 s3;
	p0 =	sne.s32 s1, $0x1F80  }
.Ltmp1:
0x28: {  	s1 =	sadd.s32 $0x80, s1;
	(pc) =	sbr.rel @p0 .LBB2_4-.Ltmp1, $2  }
0x29: {  	_ =	sdelay $0x2  }
0x2a: {  	s3 =	sadd.s32 $0x100, s3;
	s4 =	sadd.s32 s4, s20  }
0x2b: {  	[tilespmem:s0], [sflag:$0x1] =	stream.linear.gather [hbm4b:s4+s2], $0x80, $0x38;
	[tilespmem:$0x10080] =	vst v63  }
0x2c: {  	s0 =	simm.s32 $0x8000  }
0x2d: {  	s1 =	simm.s32 $0x80;
	s4 =	sadd.s32 $0x0, s21;
	s3 =	simm.s32 $0x8100  }
.LBB2_6:
0x2e: {  	[tilespmem:s0], [sflag:$0x1] =	stream.linear.gather [hbm4b:s4+s2], $0x80, $0x38;
	[tilespmem:$0x10080] =	vst v63  }
0x2f: {  	s4 =	smov.u32 s1;
	s0 =	smov.u32 s3;
	p0 =	sne.s32 s1, $0x1F80  }
.Ltmp2:
0x30: {  	s1 =	sadd.s32 $0x80, s1;
	(pc) =	sbr.rel @p0 .LBB2_6-.Ltmp2, $2  }
0x31: {  	_ =	sdelay $0x2  }
0x32: {  	s3 =	sadd.s32 $0x100, s3;
	s4 =	sadd.s32 s4, s21  }
0x33: {  	[tilespmem:s0], [sflag:$0x1] =	stream.linear.gather [hbm4b:s4+s2], $0x80, $0x38;
	[tilespmem:$0x10080] =	vst v63  }
0x34: {  	s0 =	simm.s32 $0xC000  }
0x35: {  	s1 =	simm.s32 $0x80;
	s4 =	sadd.s32 $0x0, s22;
	s3 =	simm.s32 $0xC100  }
.LBB2_8:
0x36: {  	[tilespmem:s0], [sflag:$0x1] =	stream.linear.gather [hbm4b:s4+s2], $0x80, $0x38;
	[tilespmem:$0x10080] =	vst v63  }
0x37: {  	s4 =	smov.u32 s1;
	s0 =	smov.u32 s3;
	p0 =	sne.s32 s1, $0x1F80  }
.Ltmp3:
0x38: {  	s1 =	sadd.s32 $0x80, s1;
	(pc) =	sbr.rel @p0 .LBB2_8-.Ltmp3, $2  }
0x39: {  	_ =	sdelay $0x2  }
0x3a: {  	s3 =	sadd.s32 $0x100, s3;
	s4 =	sadd.s32 s4, s22  }
0x3b: {  	[tilespmem:s0], [sflag:$0x1] =	stream.linear.gather [hbm4b:s4+s2], $0x80, $0x38;
	[tilespmem:$0x10080] =	vst v63  }
0x3c: {  	s0 =	simm.s32 $0x80  }
0x3d: {  	s1 =	simm.s32 $0x80;
	s4 =	sadd.s32 $0x0, s8;
	s3 =	simm.s32 $0x180  }
.LBB2_10:
0x3e: {  	[tilespmem:s0], [sflag:$0x2] =	stream.linear.gather [hbm4b:s4+s2], $0x80, $0x38;
	[tilespmem:$0x10080] =	vst v63  }
0x3f: {  	s4 =	smov.u32 s1;
	s0 =	smov.u32 s3;
	p0 =	sne.s32 s1, $0x1F80  }
.Ltmp4:
0x40: {  	s1 =	sadd.s32 $0x80, s1;
	(pc) =	sbr.rel @p0 .LBB2_10-.Ltmp4, $2  }
0x41: {  	_ =	sdelay $0x2  }
0x42: {  	s3 =	sadd.s32 $0x100, s3;
	s4 =	sadd.s32 s4, s8  }
0x43: {  	[tilespmem:s0], [sflag:$0x2] =	stream.linear.gather [hbm4b:s4+s2], $0x80, $0x38;
	[tilespmem:$0x10080] =	vst v63  }
0x44: {  	s0 =	simm.s32 $0x4080  }
0x45: {  	s1 =	simm.s32 $0x80;
	s4 =	sadd.s32 $0x0, s9;
	s3 =	simm.s32 $0x4180  }
.LBB2_12:
0x46: {  	[tilespmem:s0], [sflag:$0x2] =	stream.linear.gather [hbm4b:s4+s2], $0x80, $0x38;
	[tilespmem:$0x10080] =	vst v63  }
0x47: {  	s4 =	smov.u32 s1;
	s0 =	smov.u32 s3;
	p0 =	sne.s32 s1, $0x1F80  }
.Ltmp5:
0x48: {  	s1 =	sadd.s32 $0x80, s1;
	(pc) =	sbr.rel @p0 .LBB2_12-.Ltmp5, $2  }
0x49: {  	_ =	sdelay $0x2  }
0x4a: {  	s3 =	sadd.s32 $0x100, s3;
	s4 =	sadd.s32 s4, s9  }
0x4b: {  	[tilespmem:s0], [sflag:$0x2] =	stream.linear.gather [hbm4b:s4+s2], $0x80, $0x38;
	[tilespmem:$0x10080] =	vst v63  }
0x4c: {  	s0 =	simm.s32 $0x8080  }
0x4d: {  	s1 =	simm.s32 $0x80;
	s4 =	sadd.s32 $0x0, s23;
	s3 =	simm.s32 $0x8180  }
.LBB2_14:
0x4e: {  	[tilespmem:s0], [sflag:$0x2] =	stream.linear.gather [hbm4b:s4+s2], $0x80, $0x38;
	[tilespmem:$0x10080] =	vst v63  }
0x4f: {  	s4 =	smov.u32 s1;
	s0 =	smov.u32 s3;
	p0 =	sne.s32 s1, $0x1F80  }
.Ltmp6:
0x50: {  	s1 =	sadd.s32 $0x80, s1;
	(pc) =	sbr.rel @p0 .LBB2_14-.Ltmp6, $2  }
0x51: {  	_ =	sdelay $0x2  }
0x52: {  	s3 =	sadd.s32 $0x100, s3;
	s4 =	sadd.s32 s4, s23  }
0x53: {  	[tilespmem:s0], [sflag:$0x2] =	stream.linear.gather [hbm4b:s4+s2], $0x80, $0x38;
	[tilespmem:$0x10080] =	vst v63  }
0x54: {  	s0 =	simm.s32 $0xC080  }
0x55: {  	s1 =	simm.s32 $0x80;
	s4 =	sadd.s32 $0x0, s10;
	s3 =	simm.s32 $0xC180  }
.LBB2_16:
0x56: {  	[tilespmem:s0], [sflag:$0x2] =	stream.linear.gather [hbm4b:s4+s2], $0x80, $0x38;
	[tilespmem:$0x10080] =	vst v63  }
0x57: {  	s4 =	smov.u32 s1;
	s0 =	smov.u32 s3;
	p0 =	sne.s32 s1, $0x1F80  }
.Ltmp7:
0x58: {  	s1 =	sadd.s32 $0x80, s1;
	(pc) =	sbr.rel @p0 .LBB2_16-.Ltmp7, $2  }
0x59: {  	_ =	sdelay $0x2  }
0x5a: {  	s3 =	sadd.s32 $0x100, s3;
	s4 =	sadd.s32 s4, s10  }
0x5b: {  	[tilespmem:s0], [sflag:$0x2] =	stream.linear.gather [hbm4b:s4+s2], $0x80, $0x38;
	[tilespmem:$0x10080] =	vst v63  }
0x5c: {  	s3 =	simm.s32 $0x1  }
0x5d: {  	_ =	swait.ge [sflag:s3], $0x2000  }
0x5e: {  	[sflag:s3] =	ssyncset.done $0x0  }
0x5f: {  	[sflag:s3] =	ssyncadd.s32 $0xFFFFE000  }
0x60: {  	_ =	swait.ge [sflag:s3], $0x2000  }
0x61: {  	[sflag:s3] =	ssyncset.done $0x0  }
0x62: {  	[sflag:s3] =	ssyncadd.s32 $0xFFFFE000  }
0x63: {  	_ =	swait.ge [sflag:s3], $0x2000  }
0x64: {  	[sflag:s3] =	ssyncset.done $0x0  }
0x65: {  	[sflag:s3] =	ssyncadd.s32 $0xFFFFE000  }
0x66: {  	s1 =	simm.s32 $0x30;
	s19 =	simm.s32 $0x0;
	_ =	swait.ge [sflag:s3], $0x2000  }
0x67: {  	s25 =	sand.u32 $0x1F00, s19;
	s0 =	sand.u32 $0x70, s1;
	[sflag:s3] =	ssyncset.done $0x0  }
0x68: {  	s6 =	sor.u32 $0x2000, s25;
	s10 =	sor.u32 s0, s25;
	[sflag:s3] =	ssyncadd.s32 $0xFFFFE000  }
0x69: {  	s7 =	sor.u32 $0x4000, s25;
	s20 =	sor.u32 s0, s6;
	v1 =	vld [tilespmem:s10+$0x0]  }
0x6a: {  	s26 =	simm.s32 $0x10;
	s5 =	sor.u32 $0x6000, s25;
	s21 =	sor.u32 s0, s7;
	v2 =	vld [tilespmem:s20+$0x0]  }
0x6b: {  	s4 =	sand.u32 $0x50, s26;
	s22 =	sor.u32 s0, s5;
	v6 =	vld [tilespmem:s21+$0x0];
	s20 =	simm.s32 $0x0  }
0x6c: {  	s30 =	sor.u32 s4, s25;
	v8 =	vld [tilespmem:s22+$0x0];
	s21 =	sand.u32 $0x40, s20  }
0x6d: {  	v11 =	vld [tilespmem:s30+$0x0];
	s24 =	sor.u32 s21, s25  }
0x6e: {  	s22 =	sor.u32 s21, s6;
	v3 =	vld [tilespmem:s24+$0x0]  }
0x6f: {  	s10 =	sor.u32 s21, s7;
	v7 =	vld [tilespmem:s22+$0x0]  }
0x70: {  	s20 =	sor.u32 s21, s5;
	v24 =	vld [tilespmem:s10+$0x0]  }
0x71: {  	s29 =	simm.s32 $0x20;
	s31 =	sor.u32 s4, s6;
	s3 =	sor.u32 $0x8000, s25;
	v25 =	vld [tilespmem:s20+$0x0]  }
0x72: {  	s28 =	sand.u32 $0x60, s29;
	v12 =	vld [tilespmem:s31+$0x0];
	s22 =	sor.u32 s21, s3  }
0x73: {  	v10 =	vimm.f32 $-Inf;
	v5 =	vimm.s32 $0x0;
	s8 =	sor.u32 s28, s25;
	s26 =	sor.u32 $0xA000, s25;
	v26 =	vld [tilespmem:s22+$0x0]  }
0x74: {  	v22 =	vimm.f32 $-Inf;
	v21 =	vimm.f32 $-Inf;
	v20 =	vimm.f32 $-Inf;
	s9 =	sor.u32 s0, s26;
	v13 =	vld [tilespmem:s8+$0x0]  }
0x75: {  	v17 =	vimm.s32 $0x0;
	v4 =	vld [tilespmem:s9+$0x0];
	s6 =	sor.u32 s28, s6;
	vm0 =	vgt.f32 v3, v10;
	vm1 =	vgt.f32 v7, v10  }
0x76: {  	s23 =	sor.u32 s0, s3;
	v14 =	vld [tilespmem:s6+$0x0];
	vm2 =	vgt.f32 v24, v10;
	vm12 =	vgt.f32 v25, v10;
	v3 =	vsel vm0, v3, v10  }
0x77: {  	s29 =	sor.u32 s4, s3;
	v9 =	vld [tilespmem:s23+$0x0];
	v7 =	vsel vm1, v7, v10;
	v15 =	vsel vm1, s19, v5;
	v16 =	vsel vm0, s19, v5  }
0x78: {  	s30 =	sor.u32 s28, s26;
	v31 =	vld [tilespmem:s29+$0x0];
	s20 =	simm.s32 $0x1;
	vm3 =	vgt.f32 v26, v10;
	vm1 =	vgt.f32 v11, v3;
	vm0 =	vgt.f32 v12, v7  }
0x79: {  	s31 =	sor.u32 s4, s26;
	v27 =	vld [tilespmem:s30+$0x0];
	v3 =	vsel vm1, v11, v3;
	v7 =	vsel vm0, v12, v7;
	v11 =	vsel vm0, s20, v15  }
0x7a: {  	s23 =	sor.u32 s28, s7;
	v33 =	vld [tilespmem:s31+$0x0];
	v12 =	vsel vm1, s20, v16;
	v15 =	vimm.f32 $-Inf;
	vm0 =	vgt.f32 v13, v3  }
0x7b: {  	v18 =	vld [tilespmem:s23+$0x0];
	s23 =	simm.s32 $0x2;
	s7 =	sor.u32 s4, s7;
	v16 =	vimm.s32 $0x0;
	vm1 =	vgt.f32 v14, v7;
	v3 =	vsel vm0, v13, v3  }
0x7c: {  	s24 =	sor.u32 s28, s5;
	v23 =	vld [tilespmem:s7+$0x0];
	v7 =	vsel vm1, v14, v7;
	v11 =	vsel vm1, s23, v11;
	v12 =	vsel vm0, s23, v12  }
0x7d: {  	s5 =	sor.u32 s4, s5;
	v19 =	vld [tilespmem:s24+$0x0];
	v14 =	vimm.f32 $-Inf;
	vm1 =	vgt.f32 v1, v3;
	vm0 =	vgt.f32 v2, v7  }
0x7e: {  	s3 =	sor.u32 s28, s3;
	s6 =	sor.u32 s21, s26;
	s24 =	simm.s32 $0x3;
	v29 =	vld [tilespmem:s5+$0x0];
	v13 =	vimm.s32 $0x0;
	v1 =	vsel vm1, v1, v3;
	v2 =	vsel vm0, v2, v7  }
0x7f: {  	s26 =	simm.s32 $0x0;
	v28 =	vld [tilespmem:s3+$0x0];
	s5 =	sor.u32 $0xC000, s25;
	s3 =	simm.s32 $0x4;
	v3 =	vsel vm0, s24, v11;
	v11 =	vimm.s32 $0x0;
	v7 =	vimm.s32 $0x0  }
.LBB2_18:
0x80: {  	v0 =	vimm.s32 $0x0  }
0x81: {  	v0 =	vsel vm2, $0xFFFFFFFF, v0  }
0x82: {  	[tilespmem:$0x1FF70] =	vst v0;
	v0 =	vimm.s32 $0x0  }
0x83: {  	v0 =	vsel vm3, $0xFFFFFFFF, v0  }
0x84: {  	[tilespmem:$0x1FF80] =	vst v0;
	v0 =	vimm.s32 $0x0  }
0x85: {  	v10 =	vsel vm2, v24, v10;
	v0 =	vsel vm1, $0xFFFFFFFF, v0  }
0x86: {  	vm0 =	vgt.f32 v23, v10;
	[tilespmem:$0x1FFF0] =	vst v0;
	v0 =	vimm.s32 $0x0  }
0x87: {  	v14 =	vsel vm12, v25, v14;
	v0 =	vsel vm0, $0xFFFFFFFF, v0  }
0x88: {  	vm4 =	vgt.f32 v29, v14;
	[tilespmem:$0x1FF90] =	vst v0;
	v0 =	vimm.s32 $0x0  }
0x89: {  	v15 =	vsel vm3, v26, v15;
	v0 =	vsel vm4, $0xFFFFFFFF, v0  }
0x8a: {  	vm5 =	vgt.f32 v31, v15;
	[tilespmem:$0x1FFA0] =	vst v0;
	v0 =	vimm.s32 $0x0  }
0x8b: {  	v10 =	vsel vm0, v23, v10;
	v0 =	vsel vm5, $0xFFFFFFFF, v0  }
0x8c: {  	vm0 =	vgt.f32 v18, v10;
	[tilespmem:$0x1FFB0] =	vst v0;
	v0 =	vimm.s32 $0x0  }
0x8d: {  	v24 =	vld [tilespmem:s6+$0x0];
	s10 =	sor.u32 s21, s5;
	v14 =	vsel vm4, v29, v14;
	v0 =	vsel vm0, $0xFFFFFFFF, v0  }
0x8e: {  	v25 =	vld [tilespmem:s10+$0x0];
	vm4 =	vgt.f32 v19, v14;
	[tilespmem:$0x1FFC0] =	vst v0;
	v0 =	vimm.s32 $0x0  }
0x8f: {  	v15 =	vsel vm5, v31, v15;
	v0 =	vsel vm4, $0xFFFFFFFF, v0  }
0x90: {  	s7 =	sor.u32 $0xE000, s25;
	s25 =	sor.u32 s4, s5;
	vm5 =	vgt.f32 v28, v15;
	[tilespmem:$0x1FFD0] =	vst v0;
	v0 =	vimm.s32 $0x0  }
0x91: {  	v23 =	vld [tilespmem:s25+$0x0];
	v0 =	vsel vm5, $0xFFFFFFFF, v0  }
0x92: {  	[tilespmem:$0x1FFE0] =	vst v0;
	v0 =	vld [tilespmem:$0x1FF70]  }
0x93: {  	vm1 =	vgt.f32 v24, v22;
	vm2 =	vgt.f32 v25, v21;
	v14 =	vsel vm4, v19, v14  }
0x94: {  	v17 =	vsel vm2, s26, v17;
	v10 =	vsel vm0, v18, v10;
	vm14 =	vgt.f32 v8, v14  }
0x95: {  	vm13 =	vgt.f32 v6, v10;
	v14 =	vsel vm14, v8, v14;
	v8 =	vsel vm2, v25, v21  }
0x96: {  	v10 =	vsel vm13, v6, v10;
	v6 =	vsel vm1, v24, v22;
	vm0 =	vgt.f32 v23, v8  }
0x97: {  	v22 =	vsel vm0, v23, v8;
	v17 =	vsel vm0, s20, v17;
	vm0 =	vnez.u8 v0;
	v0 =	vld [tilespmem:$0x1FF80];
	_ =	sdelay $0x4  }
0x98: {  	v13 =	vsel vm0, s26, v13;
	vm0 =	vnez.u8 v0;
	v0 =	vld [tilespmem:$0x1FF90];
	_ =	sdelay $0x4  }
0x99: {  	s30 =	sor.u32 s28, s5;
	s5 =	sor.u32 s0, s5;
	s1 =	sadd.s32 $0x40, s1;
	v7 =	vsel vm0, s26, v7;
	vm0 =	vnez.u8 v0;
	v0 =	vld [tilespmem:$0x1FFA0]  }
0x9a: {  	s19 =	sadd.s32 $0x80, s19;
	s22 =	sor.u32 s21, s7;
	s29 =	sor.u32 s4, s7  }
0x9b: {  	s6 =	sor.u32 s0, s7;
	s0 =	sand.u32 $0x70, s1;
	v26 =	vld [tilespmem:s22+$0x0];
	s25 =	sand.u32 $0x1F00, s19  }
0x9c: {  	v29 =	vld [tilespmem:s29+$0x0];
	s8 =	sor.u32 s0, s25  }
0x9d: {  	v30 =	vld [tilespmem:s8+$0x0]  }
0x9e: {  	s31 =	sor.u32 s28, s7;
	s7 =	sor.u32 $0x2000, s25;
	v13 =	vsel vm0, s20, v13;
	vm0 =	vnez.u8 v0;
	v0 =	vld [tilespmem:$0x1FFB0]  }
0x9f: {  	s9 =	sor.u32 s0, s7;
	v18 =	vld [tilespmem:s30+$0x0]  }
0xa0: {  	v32 =	vld [tilespmem:s9+$0x0]  }
0xa1: {  	v19 =	vld [tilespmem:s31+$0x0]  }
0xa2: {  	v11 =	vsel vm12, s26, v11;
	vm3 =	vgt.f32 v26, v20;
	v15 =	vsel vm5, v28, v15;
	v28 =	vld [tilespmem:s5+$0x0]  }
0xa3: {  	s29 =	sor.u32 $0x6000, s25;
	vm15 =	vgt.f32 v9, v15;
	v11 =	vsel vm0, s20, v11;
	vm0 =	vnez.u8 v0;
	v0 =	vld [tilespmem:$0x1FFC0]  }
0xa4: {  	s21 =	sor.u32 s0, s29;
	s9 =	sadd.s32 $0xFFFFFFD0, s1;
	v15 =	vsel vm15, v9, v15;
	v9 =	vsel vm3, v26, v20;
	v20 =	vld [tilespmem:s6+$0x0];
	s6 =	sor.u32 $0x4000, s25;
	vm4 =	vgt.f32 v33, v6  }
0xa5: {  	v8 =	vld [tilespmem:s21+$0x0];
	s21 =	sand.u32 $0x40, s9;
	s10 =	sor.u32 s0, s6;
	v21 =	vsel vm4, v33, v6  }
0xa6: {  	s9 =	sor.u32 s21, s7;
	v6 =	vld [tilespmem:s10+$0x0];
	vm5 =	vgt.f32 v29, v9;
	vm6 =	vgt.f32 v27, v21  }
0xa7: {  	s22 =	sor.u32 $0x8000, s25;
	vm8 =	vgt.f32 v18, v22;
	v25 =	vld [tilespmem:s9+$0x0];
	v9 =	vsel vm5, v29, v9;
	v21 =	vsel vm6, v27, v21  }
0xa8: {  	s30 =	sadd.s32 $0xFFFFFFF0, s1;
	s31 =	sor.u32 s0, s22;
	s5 =	sor.u32 $0xA000, s25;
	vm9 =	vgt.f32 v19, v9;
	v7 =	vsel vm0, s20, v7;
	vm0 =	vnez.u8 v0;
	v0 =	vld [tilespmem:$0x1FFD0]  }
0xa9: {  	s28 =	sand.u32 $0x60, s30;
	s8 =	sor.u32 s0, s5;
	v18 =	vsel vm8, v18, v22;
	vm7 =	vgt.f32 v4, v21;
	v19 =	vsel vm9, v19, v9;
	v9 =	vld [tilespmem:s31+$0x0]  }
0xaa: {  	s10 =	sor.u32 s28, s7;
	vm10 =	vgt.f32 v28, v18;
	v22 =	vsel vm7, v4, v21;
	v4 =	vld [tilespmem:s8+$0x0]  }
0xab: {  	v21 =	vsel vm10, v28, v18;
	s8 =	sor.u32 s21, s25;
	v28 =	vld [tilespmem:s10+$0x0]  }
0xac: {  	v5 =	vsel vm1, s26, v5;
	s31 =	sadd.s32 $0xFFFFFFE0, s1;
	v24 =	vld [tilespmem:s8+$0x0]  }
0xad: {  	s9 =	sor.u32 s21, s29;
	s4 =	sand.u32 $0x50, s31;
	vm1 =	vgt.f32 v25, v2;
	v13 =	vsel vm0, s23, v13;
	vm0 =	vnez.u8 v0;
	v0 =	vld [tilespmem:$0x1FFE0]  }
0xae: {  	s10 =	sor.u32 s4, s25;
	v2 =	vsel vm1, v25, v2;
	v25 =	vld [tilespmem:s9+$0x0]  }
0xaf: {  	s7 =	sor.u32 s4, s7;
	v29 =	vld [tilespmem:s10+$0x0]  }
0xb0: {  	v16 =	vsel vm3, s26, v16;
	v31 =	vld [tilespmem:s7+$0x0];
	s10 =	sor.u32 s21, s22  }
0xb1: {  	v5 =	vsel vm4, s20, v5;
	v17 =	vsel vm8, s23, v17;
	v16 =	vsel vm5, s20, v16;
	v26 =	vld [tilespmem:s10+$0x0]  }
0xb2: {  	v5 =	vsel vm6, s23, v5;
	v11 =	vsel vm0, s23, v11;
	vm0 =	vnez.u8 v0;
	v0 =	vld [tilespmem:$0x1FFF0]  }
0xb3: {  	v17 =	vsel vm10, s24, v17;
	v16 =	vsel vm9, s23, v16;
	vm11 =	vgt.f32 v20, v19  }
0xb4: {  	s30 =	sor.u32 s28, s25;
	v5 =	vsel vm7, s24, v5;
	v20 =	vsel vm11, v20, v19;
	v16 =	vsel vm11, s24, v16  }
0xb5: {  	v27 =	vld [tilespmem:s30+$0x0];
	s30 =	sor.u32 s28, s6;
	v3 =	vsel vm1, s3, v3;
	vm12 =	vgt.f32 v25, v14;
	vm1 =	vgt.f32 v31, v2  }
0xb6: {  	v18 =	vld [tilespmem:s30+$0x0];
	s8 =	sor.u32 s4, s6;
	s6 =	sor.u32 s21, s6;
	v2 =	vsel vm1, v31, v2;
	v7 =	vsel vm0, s23, v7;
	vm0 =	vgt.f32 v24, v1  }
0xb7: {  	s31 =	sor.u32 s28, s29;
	vm3 =	vgt.f32 v26, v15;
	s20 =	sadd.s32 $0x1, s3;
	v1 =	vsel vm0, v24, v1;
	v24 =	vld [tilespmem:s6+$0x0];
	vm2 =	vnez.u8 v0  }
0xb8: {  	v19 =	vld [tilespmem:s31+$0x0];
	v3 =	vsel vm1, s20, v3;
	vm1 =	vgt.f32 v28, v2;
	v12 =	vsel vm2, s24, v12  }
0xb9: {  	p0 =	slt.u32 s3, $0xFC;
	s31 =	sor.u32 s4, s5;
	v23 =	vld [tilespmem:s8+$0x0];
	v2 =	vsel vm1, v28, v2;
	v12 =	vsel vm0, s3, v12;
	vm0 =	vgt.f32 v29, v1  }
.Ltmp8:
0xba: {  	v33 =	vld [tilespmem:s31+$0x0];
	v13 =	vsel vm13, s24, v13;
	v11 =	vsel vm14, s24, v11;
	s23 =	sor.u32 s4, s29;
	v1 =	vsel vm0, v29, v1;
	(pc) =	sbr.rel @p0 .LBB2_18-.Ltmp8, $4  }
0xbb: {  	s29 =	sor.u32 s28, s22;
	v7 =	vsel vm15, s24, v7;
	v12 =	vsel vm0, s20, v12;
	v29 =	vld [tilespmem:s23+$0x0];
	s23 =	sadd.s32 $0x2, s3;
	vm0 =	vgt.f32 v27, v1  }
0xbc: {  	v28 =	vld [tilespmem:s29+$0x0];
	s24 =	sor.u32 s4, s22;
	vm2 =	vgt.f32 v24, v10;
	v3 =	vsel vm1, s23, v3;
	v1 =	vsel vm0, v27, v1  }
0xbd: {  	s30 =	sor.u32 s28, s5;
	s26 =	smov.u32 s3;
	v31 =	vld [tilespmem:s24+$0x0];
	s24 =	sadd.s32 $0x3, s3;
	v12 =	vsel vm0, s23, v12;
	vm0 =	vgt.f32 v32, v2;
	vm1 =	vgt.f32 v30, v1  }
0xbe: {  	s6 =	sor.u32 s21, s5;
	s5 =	sor.u32 $0xC000, s25;
	s3 =	sadd.s32 $0x4, s3;
	v27 =	vld [tilespmem:s30+$0x0];
	v2 =	vsel vm0, v32, v2;
	v3 =	vsel vm0, s24, v3;
	v1 =	vsel vm1, v30, v1  }
0xbf: {  	v30 =	vld [tilespmem:s6+$0x0];
	s1 =	sor.u32 s21, s5;
	s3 =	sor.u32 $0xE000, s25  }
0xc0: {  	v32 =	vld [tilespmem:s1+$0x0];
	s19 =	sor.u32 s21, s3  }
0xc1: {  	v34 =	vld [tilespmem:s19+$0x0]  }
0xc2: {  	s21 =	sor.u32 s4, s5  }
0xc3: {  	v35 =	vld [tilespmem:s21+$0x0]  }
0xc4: {  	v63 =	vsel vm12, v25, v14;
	s22 =	sor.u32 s4, s3;
	vm0 =	vgt.f32 v30, v22  }
0xc5: {  	v11 =	vsel vm12, s26, v11;
	v36 =	vld [tilespmem:s22+$0x0];
	v22 =	vsel vm0, v30, v22;
	vm7 =	vgt.f32 v32, v21  }
0xc6: {  	s25 =	sor.u32 s28, s5;
	v5 =	vsel vm0, s26, v5;
	v21 =	vsel vm7, v32, v21;
	vm8 =	vgt.f32 v34, v20  }
0xc7: {  	v59 =	vld [tilespmem:s25+$0x0];
	s29 =	sor.u32 s28, s3;
	v17 =	vsel vm7, s26, v17;
	vm9 =	vgt.f32 v33, v22;
	v20 =	vsel vm8, v34, v20  }
0xc8: {  	v60 =	vld [tilespmem:s29+$0x0];
	v16 =	vsel vm8, s26, v16;
	v22 =	vsel vm9, v33, v22;
	vm10 =	vgt.f32 v35, v21  }
0xc9: {  	s31 =	sor.u32 s0, s3;
	v5 =	vsel vm9, s20, v5;
	vm8 =	vgt.f32 v29, v63;
	v21 =	vsel vm10, v35, v21  }
0xca: {  	s30 =	sor.u32 s0, s5;
	v62 =	vld [tilespmem:s31+$0x0];
	v17 =	vsel vm10, s20, v17;
	vm11 =	vgt.f32 v36, v20;
	vm13 =	vgt.f32 v27, v22  }
0xcb: {  	v61 =	vld [tilespmem:s30+$0x0];
	v11 =	vsel vm8, s20, v11;
	v20 =	vsel vm11, v36, v20;
	v16 =	vsel vm11, s20, v16  }
0xcc: {  	v22 =	vsel vm13, v27, v22;
	v5 =	vsel vm13, s23, v5;
	vm14 =	vgt.f32 v59, v21  }
0xcd: {  	v21 =	vsel vm14, v59, v21;
	vm15 =	vgt.f32 v60, v20;
	vm4 =	vgt.f32 v4, v22  }
0xce: {  	v17 =	vsel vm14, s23, v17;
	v20 =	vsel vm15, v60, v20;
	v0 =	vsel vm4, v4, v22  }
0xcf: {  	v16 =	vsel vm15, s23, v16;
	[tilespmem:$0x1FEC0] =	vst v0;
	v0 =	vsel vm4, s24, v5;
	vm6 =	vgt.f32 v62, v20  }
0xd0: {  	vm5 =	vgt.f32 v61, v21;
	v5 =	vsel vm2, s26, v13;
	[tilespmem:$0x1FED0] =	vst v0;
	v4 =	vsel vm6, s24, v16  }
0xd1: {  	v13 =	vsel vm3, v26, v15;
	v0 =	vsel vm5, v61, v21;
	[tilespmem:$0x1FF00] =	vst v4;
	v4 =	vsel vm2, v24, v10  }
0xd2: {  	vm9 =	vgt.f32 v31, v13;
	[tilespmem:$0x1FEE0] =	vst v0;
	v0 =	vsel vm5, s24, v17;
	vm7 =	vgt.f32 v23, v4  }
0xd3: {  	v10 =	vsel vm8, v29, v63;
	v13 =	vsel vm9, v31, v13;
	v4 =	vsel vm7, v23, v4  }
0xd4: {  	vm11 =	vgt.f32 v19, v10;
	vm12 =	vgt.f32 v28, v13;
	vm10 =	vgt.f32 v18, v4  }
0xd5: {  	v5 =	vsel vm7, s20, v5;
	v10 =	vsel vm11, v19, v10;
	v4 =	vsel vm10, v18, v4  }
0xd6: {  	v15 =	vsel vm12, v28, v13;
	v5 =	vsel vm10, s23, v5;
	vm13 =	vgt.f32 v6, v4  }
0xd7: {  	[tilespmem:$0x1FEF0] =	vst v0;
	vm14 =	vgt.f32 v8, v10;
	v13 =	vsel vm13, v6, v4;
	v4 =	vsel vm13, s24, v5  }
0xd8: {  	v7 =	vsel vm3, s26, v7;
	v14 =	vsel vm11, s23, v11;
	[tilespmem:$0x1FF10] =	vst v4;
	v4 =	vsel vm14, v8, v10  }
0xd9: {  	v7 =	vsel vm9, s20, v7;
	vm15 =	vgt.f32 v9, v15;
	[tilespmem:$0x1FF20] =	vst v4;
	v4 =	vsel vm14, s24, v14  }
0xda: {  	v7 =	vsel vm12, s23, v7;
	[tilespmem:$0x1FF30] =	vst v4;
	v4 =	vsel vm15, v9, v15  }
0xdb: {  	[tilespmem:$0x1FF40] =	vst v4;
	v4 =	vsel vm15, s24, v7  }
0xdc: {  	s0 =	simm.s32 $0x0;
	[tilespmem:$0x1FF50] =	vst v4;
	v4 =	vsel vm1, s24, v12  }
0xdd: {  	s1 =	simm.s32 $0x80;
	s4 =	sadd.s32 $0x0, s11;
	s3 =	simm.s32 $0x100;
	v0 =	vsel vm6, v62, v20;
	[tilespmem:$0x1FF60] =	vst v4  }
.LBB2_20:
0xde: {  	[tilespmem:s0], [sflag:$0x1] =	stream.linear.gather [hbm4b:s4+s2], $0x80, $0x38;
	[tilespmem:$0x10080] =	vst v63  }
0xdf: {  	s4 =	smov.u32 s1;
	s0 =	smov.u32 s3;
	p0 =	sne.s32 s1, $0x1F80  }
.Ltmp9:
0xe0: {  	s1 =	sadd.s32 $0x80, s1;
	(pc) =	sbr.rel @p0 .LBB2_20-.Ltmp9, $2  }
0xe1: {  	_ =	sdelay $0x2  }
0xe2: {  	s3 =	sadd.s32 $0x100, s3;
	s4 =	sadd.s32 s4, s11  }
0xe3: {  	[tilespmem:s0], [sflag:$0x1] =	stream.linear.gather [hbm4b:s4+s2], $0x80, $0x38;
	[tilespmem:$0x10080] =	vst v63  }
0xe4: {  	s0 =	simm.s32 $0x4000  }
0xe5: {  	s1 =	simm.s32 $0x80;
	s4 =	sadd.s32 $0x0, s12;
	s3 =	simm.s32 $0x4100  }
.LBB2_22:
0xe6: {  	[tilespmem:s0], [sflag:$0x1] =	stream.linear.gather [hbm4b:s4+s2], $0x80, $0x38;
	[tilespmem:$0x10080] =	vst v63  }
0xe7: {  	s4 =	smov.u32 s1;
	s0 =	smov.u32 s3;
	p0 =	sne.s32 s1, $0x1F80  }
.Ltmp10:
0xe8: {  	s1 =	sadd.s32 $0x80, s1;
	(pc) =	sbr.rel @p0 .LBB2_22-.Ltmp10, $2  }
0xe9: {  	_ =	sdelay $0x2  }
0xea: {  	s3 =	sadd.s32 $0x100, s3;
	s4 =	sadd.s32 s4, s12  }
0xeb: {  	[tilespmem:s0], [sflag:$0x1] =	stream.linear.gather [hbm4b:s4+s2], $0x80, $0x38;
	[tilespmem:$0x10080] =	vst v63  }
0xec: {  	s0 =	simm.s32 $0x8000  }
0xed: {  	s1 =	simm.s32 $0x80;
	s4 =	sadd.s32 $0x0, s13;
	s3 =	simm.s32 $0x8100  }
.LBB2_24:
0xee: {  	[tilespmem:s0], [sflag:$0x1] =	stream.linear.gather [hbm4b:s4+s2], $0x80, $0x38;
	[tilespmem:$0x10080] =	vst v63  }
0xef: {  	s4 =	smov.u32 s1;
	s0 =	smov.u32 s3;
	p0 =	sne.s32 s1, $0x1F80  }
.Ltmp11:
0xf0: {  	s1 =	sadd.s32 $0x80, s1;
	(pc) =	sbr.rel @p0 .LBB2_24-.Ltmp11, $2  }
0xf1: {  	_ =	sdelay $0x2  }
0xf2: {  	s3 =	sadd.s32 $0x100, s3;
	s4 =	sadd.s32 s4, s13  }
0xf3: {  	[tilespmem:s0], [sflag:$0x1] =	stream.linear.gather [hbm4b:s4+s2], $0x80, $0x38;
	[tilespmem:$0x10080] =	vst v63  }
0xf4: {  	s0 =	simm.s32 $0xC000  }
0xf5: {  	s1 =	simm.s32 $0x80;
	s4 =	sadd.s32 $0x0, s14;
	s3 =	simm.s32 $0xC100  }
.LBB2_26:
0xf6: {  	[tilespmem:s0], [sflag:$0x1] =	stream.linear.gather [hbm4b:s4+s2], $0x80, $0x38;
	[tilespmem:$0x10080] =	vst v63  }
0xf7: {  	s4 =	smov.u32 s1;
	s0 =	smov.u32 s3;
	p0 =	sne.s32 s1, $0x1F80  }
.Ltmp12:
0xf8: {  	s1 =	sadd.s32 $0x80, s1;
	(pc) =	sbr.rel @p0 .LBB2_26-.Ltmp12, $2  }
0xf9: {  	_ =	sdelay $0x2  }
0xfa: {  	s3 =	sadd.s32 $0x100, s3;
	s4 =	sadd.s32 s4, s14  }
0xfb: {  	[tilespmem:s0], [sflag:$0x1] =	stream.linear.gather [hbm4b:s4+s2], $0x80, $0x38;
	[tilespmem:$0x10080] =	vst v63  }
0xfc: {  	s11 =	simm.s32 $0x2  }
0xfd: {  	_ =	swait.ge [sflag:s11], $0x2000  }
0xfe: {  	[sflag:s11] =	ssyncset.done $0x0  }
0xff: {  	[sflag:s11] =	ssyncadd.s32 $0xFFFFE000  }
0x100: {  	_ =	swait.ge [sflag:s11], $0x2000  }
0x101: {  	[sflag:s11] =	ssyncset.done $0x0  }
0x102: {  	[sflag:s11] =	ssyncadd.s32 $0xFFFFE000  }
0x103: {  	s1 =	simm.s32 $0x0;
	_ =	swait.ge [sflag:s11], $0x2000  }
0x104: {  	s19 =	simm.s32 $0x30;
	p0 =	por $0x0, $0x0;
	[sflag:s11] =	ssyncset.done $0x0  }
0x105: {  	s22 =	simm.s32 $0x1;
	s25 =	simm.s32 $0x10;
	[sflag:s11] =	ssyncadd.s32 $0xFFFFE000  }
0x106: {  	s9 =	simm.s32 $0x0;
	s23 =	sand.u32 $0x1F00, s1;
	_ =	swait.ge [sflag:s11], $0x2000  }
0x107: {  	s0 =	sand.u32 $0x70, s19;
	s7 =	sor.u32 $0x2080, s23;
	[sflag:s11] =	ssyncset.done $0x0  }
0x108: {  	s6 =	sor.u32 $0x4080, s23;
	s3 =	sor.u32 s0, s7;
	[sflag:s11] =	ssyncadd.s32 $0xFFFFE000  }
0x109: {  	s26 =	sand.u32 $0x3, s1;
	s5 =	sor.u32 $0x6080, s23;
	s20 =	sor.u32 s0, s6;
	v4 =	vld [tilespmem:s3+$0x0]  }
0x10a: {  	s22 =	simm.s32 @!p0 $0x0;
	s4 =	sor.u32 $0x8080, s23;
	s21 =	sor.u32 s0, s5;
	v6 =	vld [tilespmem:s20+$0x0]  }
0x10b: {  	s29 =	sor.u32 $0xA080, s23;
	s22 =	sshll.u32 s22, $0x6;
	s12 =	sor.u32 s0, s4;
	v8 =	vld [tilespmem:s21+$0x0]  }
0x10c: {  	s31 =	sand.u32 $0x50, s25;
	s24 =	sor.u32 s0, s29;
	s22 =	sadd.s32 $0x0, s22;
	v9 =	vld [tilespmem:s12+$0x0]  }
0x10d: {  	s8 =	sand.u32 $0x7, s1;
	s25 =	sor.u32 s31, s7;
	s22 =	sor.u32 $0x80, s22;
	v12 =	vld [tilespmem:s24+$0x0]  }
0x10e: {  	s21 =	sshll.u32 s8, $0x4;
	s3 =	sand.u32 $0x40, s9;
	s20 =	sshll.u32 s26, $0x5;
	v7 =	vld [tilespmem:s22+$0x0]  }
0x10f: {  	s12 =	simm.s32 $0x20;
	v17 =	vld [tilespmem:s25+$0x0];
	s21 =	sadd.s32 $0x0, s21;
	s10 =	sor.u32 s3, s7  }
0x110: {  	s28 =	sand.u32 $0x60, s12;
	s12 =	sor.u32 s3, s5;
	s11 =	sadd.s32 $0x10, s21;
	v10 =	vld [tilespmem:s10+$0x0]  }
0x111: {  	s20 =	sadd.s32 $0x0, s20;
	v34 =	vld [tilespmem:s12+$0x0];
	s22 =	sor.u32 $0x80, s11  }
0x112: {  	s20 =	sadd.s32 $0x20, s20;
	s7 =	sor.u32 s28, s7;
	v14 =	vld [tilespmem:s22+$0x0]  }
0x113: {  	v15 =	vimm.f32 $-Inf;
	v16 =	vimm.s32 $0x0;
	s20 =	sor.u32 $0x80, s20;
	v19 =	vld [tilespmem:s7+$0x0]  }
0x114: {  	v27 =	vimm.f32 $-Inf;
	v28 =	vimm.f32 $-Inf;
	v29 =	vimm.s32 $0x0;
	s26 =	sadd.s32 $0x30, s21;
	s9 =	sor.u32 s28, s6;
	v18 =	vld [tilespmem:s20+$0x0]  }
0x115: {  	v26 =	vimm.s32 $0x0;
	s8 =	sor.u32 $0x80, s26;
	v23 =	vld [tilespmem:s9+$0x0];
	vm0 =	vgt.f32 v7, v15;
	vm1 =	vgt.f32 v10, v15  }
0x116: {  	v24 =	vimm.s32 $0x0;
	s10 =	sor.u32 s28, s5;
	v20 =	vld [tilespmem:s8+$0x0];
	v7 =	vsel vm0, v7, v15;
	v10 =	vsel vm1, v10, v15  }
0x117: {  	s21 =	sor.u32 s3, s4;
	v30 =	vld [tilespmem:s10+$0x0];
	v22 =	vsel vm0, s1, v16;
	vm7 =	vgt.f32 v14, v7;
	vm8 =	vgt.f32 v17, v10  }
0x118: {  	s5 =	sor.u32 s31, s5;
	v36 =	vld [tilespmem:s21+$0x0];
	s20 =	simm.s32 $0x1;
	v21 =	vsel vm1, s1, v16;
	v7 =	vsel vm7, v14, v7;
	v10 =	vsel vm8, v17, v10  }
0x119: {  	s11 =	sor.u32 s31, s6;
	s6 =	sor.u32 s3, s6;
	v35 =	vld [tilespmem:s5+$0x0];
	v14 =	vsel vm8, s20, v21;
	v17 =	vsel vm7, s20, v22;
	vm9 =	vgt.f32 v18, v7  }
0x11a: {  	s24 =	simm.s32 $0x2;
	v31 =	vld [tilespmem:s6+$0x0];
	v21 =	vimm.f32 $-Inf;
	vm10 =	vgt.f32 v19, v10;
	v7 =	vsel vm9, v18, v7  }
0x11b: {  	s26 =	sor.u32 s28, s29;
	v25 =	vld [tilespmem:s11+$0x0];
	v10 =	vsel vm10, v19, v10;
	v19 =	vsel vm10, s24, v14;
	vm12 =	vgt.f32 v20, v7  }
0x11c: {  	s25 =	simm.s32 $0x3;
	s22 =	sor.u32 s31, s4;
	v32 =	vld [tilespmem:s26+$0x0];
	v14 =	vsel vm9, s24, v17;
	vm11 =	vgt.f32 v4, v10;
	v17 =	vsel vm12, v20, v7  }
0x11d: {  	s30 =	simm.s32 $0x4;
	s21 =	simm.s32 $0x0;
	s4 =	sor.u32 s28, s4;
	v37 =	vld [tilespmem:s22+$0x0];
	v18 =	vsel vm11, v4, v10;
	v19 =	vsel vm11, s25, v19;
	v10 =	vimm.f32 $-Inf  }
0x11e: {  	s26 =	simm.s32 $0x0;
	v33 =	vld [tilespmem:s4+$0x0];
	s4 =	sor.u32 s31, s29;
	s22 =	simm.s32 $0x0;
	v20 =	vimm.f32 $-Inf;
	v7 =	vimm.s32 $0x0;
	v4 =	vimm.s32 $0x0  }
.LBB2_28:
0x11f: {  	v5 =	vimm.s32 $0x0;
	vm0 =	vgt.f32 v31, v15  }
0x120: {  	v5 =	vsel vm0, $0xFFFFFFFF, v5  }
0x121: {  	vm2 =	vgt.f32 v34, v27;
	[tilespmem:$0x1FE30] =	vst v5;
	v5 =	vimm.s32 $0x0  }
0x122: {  	v5 =	vsel vm2, $0xFFFFFFFF, v5  }
0x123: {  	vm3 =	vgt.f32 v36, v28;
	[tilespmem:$0x1FE40] =	vst v5;
	v5 =	vimm.s32 $0x0  }
0x124: {  	v15 =	vsel vm0, v31, v15;
	v5 =	vsel vm3, $0xFFFFFFFF, v5  }
0x125: {  	vm0 =	vgt.f32 v25, v15;
	[tilespmem:$0x1FE50] =	vst v5;
	v5 =	vimm.s32 $0x0  }
0x126: {  	s5 =	sor.u32 s3, s29;
	v22 =	vsel vm2, v34, v27;
	v5 =	vsel vm0, $0xFFFFFFFF, v5  }
0x127: {  	v31 =	vld [tilespmem:s5+$0x0];
	vm2 =	vgt.f32 v35, v22;
	[tilespmem:$0x1FE60] =	vst v5;
	v5 =	vimm.s32 $0x0  }
0x128: {  	v27 =	vsel vm3, v36, v28;
	v15 =	vsel vm0, v25, v15;
	v5 =	vsel vm2, $0xFFFFFFFF, v5  }
0x129: {  	v38 =	vld [tilespmem:s4+$0x0];
	v22 =	vsel vm2, v35, v22;
	vm3 =	vgt.f32 v37, v27;
	[tilespmem:$0x1FE70] =	vst v5;
	v5 =	vimm.s32 $0x0  }
0x12a: {  	v25 =	vsel vm3, v37, v27;
	vm2 =	vgt.f32 v30, v22;
	v5 =	vsel vm3, $0xFFFFFFFF, v5  }
0x12b: {  	vm0 =	vgt.f32 v23, v15;
	v22 =	vsel vm2, v30, v22;
	[tilespmem:$0x1FE80] =	vst v5;
	v5 =	vimm.s32 $0x0  }
0x12c: {  	vm11 =	vgt.f32 v31, v21;
	vm15 =	vgt.f32 v8, v22;
	v5 =	vsel vm0, $0xFFFFFFFF, v5  }
0x12d: {  	v27 =	vsel vm15, v8, v22;
	v8 =	vsel vm11, v31, v21;
	[tilespmem:$0x1FE90] =	vst v5;
	v5 =	vimm.s32 $0x0  }
0x12e: {  	v15 =	vsel vm0, v23, v15;
	vm7 =	vgt.f32 v38, v8;
	v5 =	vsel vm2, $0xFFFFFFFF, v5  }
0x12f: {  	s6 =	sor.u32 $0xC080, s23;
	vm3 =	vgt.f32 v33, v25;
	v21 =	vsel vm7, v38, v8;
	[tilespmem:$0x1FEA0] =	vst v5;
	v5 =	vimm.s32 $0x0  }
0x130: {  	s11 =	sor.u32 s3, s6;
	v23 =	vsel vm3, v33, v25;
	v5 =	vsel vm3, $0xFFFFFFFF, v5;
	vm3 =	vgt.f32 v32, v21  }
0x131: {  	v54 =	vld [tilespmem:s11+$0x0];
	v21 =	vsel vm3, v32, v21  }
0x132: {  	s12 =	sor.u32 $0xE080, s23;
	s4 =	sor.u32 s31, s6;
	vm0 =	vgt.f32 v12, v21  }
0x133: {  	s23 =	sor.u32 s3, s12;
	v56 =	vld [tilespmem:s4+$0x0];
	v21 =	vsel vm0, v12, v21;
	v12 =	vsel vm11, s26, v16  }
0x134: {  	s8 =	sor.u32 s28, s6;
	v55 =	vld [tilespmem:s23+$0x0];
	v11 =	vsel vm7, s20, v12  }
0x135: {  	v25 =	vld [tilespmem:s8+$0x0];
	[tilespmem:$0x1FEB0] =	vst v5;
	v5 =	vsel vm3, s24, v11  }
0x136: {  	vm9 =	vgt.f32 v54, v10;
	vm13 =	vgt.f32 v9, v23;
	v16 =	vsel vm0, s25, v5;
	v5 =	vld [tilespmem:$0x1FE30]  }
0x137: {  	s7 =	sor.u32 s31, s12;
	v28 =	vsel vm13, v9, v23;
	v9 =	vsel vm9, v54, v10  }
0x138: {  	v57 =	vld [tilespmem:s7+$0x0];
	vm8 =	vgt.f32 v56, v9  }
0x139: {  	s9 =	sor.u32 s28, s12;
	v7 =	vsel vm9, s26, v7;
	v31 =	vsel vm8, v56, v9  }
0x13a: {  	vm10 =	vgt.f32 v55, v20;
	v30 =	vld [tilespmem:s9+$0x0];
	v7 =	vsel vm8, s20, v7;
	vm4 =	vgt.f32 v25, v31  }
0x13b: {  	v25 =	vsel vm4, v25, v31;
	v7 =	vsel vm4, s24, v7;
	vm4 =	vnez.u8 v5;
	v5 =	vld [tilespmem:$0x1FE40]  }
0x13c: {  	v10 =	vsel vm10, v55, v20  }
0x13d: {  	vm6 =	vgt.f32 v57, v10  }
0x13e: {  	v4 =	vsel vm10, s26, v4;
	v10 =	vsel vm6, v57, v10  }
0x13f: {  	v4 =	vsel vm6, s20, v4;
	vm5 =	vgt.f32 v30, v10  }
0x140: {  	v30 =	vsel vm5, v30, v10;
	v4 =	vsel vm5, s24, v4;
	vm5 =	vnez.u8 v5;
	v5 =	vld [tilespmem:$0x1FE50];
	_ =	sdelay $0x4  }
0x141: {  	vm6 =	vnez.u8 v5;
	v5 =	vld [tilespmem:$0x1FE60];
	_ =	sdelay $0x4  }
0x142: {  	vm7 =	vnez.u8 v5;
	v5 =	vld [tilespmem:$0x1FE70];
	_ =	sdelay $0x2  }
0x143: {  	s1 =	sadd.s32 $0x80, s1  }
0x144: {  	s19 =	sadd.s32 $0x40, s19;
	s10 =	sor.u32 s0, s6;
	s23 =	sand.u32 $0x1F00, s1  }
0x145: {  	s11 =	sor.u32 s0, s12;
	s0 =	sand.u32 $0x70, s19;
	s7 =	sor.u32 $0x2080, s23;
	vm8 =	vnez.u8 v5;
	v5 =	vld [tilespmem:$0x1FE80]  }
0x146: {  	s12 =	sor.u32 s0, s7  }
0x147: {  	p0 =	por !p0, !p0;
	s3 =	simm.s32 $0x1;
	v22 =	vld [tilespmem:s12+$0x0]  }
0x148: {  	s3 =	simm.s32 @!p0 $0x0;
	v23 =	vld [tilespmem:s10+$0x0]  }
0x149: {  	s5 =	sor.u32 $0x6080, s23;
	s12 =	sshll.u32 s3, $0x6;
	v20 =	vld [tilespmem:s11+$0x0]  }
0x14a: {  	s9 =	sor.u32 s0, s5;
	s12 =	sadd.s32 s12, s1;
	vm9 =	vnez.u8 v5;
	v5 =	vld [tilespmem:$0x1FE90]  }
0x14b: {  	s4 =	sor.u32 $0x8080, s23;
	v8 =	vld [tilespmem:s9+$0x0];
	s12 =	sor.u32 $0x80, s12  }
0x14c: {  	s29 =	sor.u32 $0xA080, s23;
	s10 =	sor.u32 s0, s4;
	v60 =	vld [tilespmem:s12+$0x0]  }
0x14d: {  	s28 =	sadd.s32 $0xFFFFFFF0, s19;
	s11 =	sor.u32 s0, s29;
	v9 =	vld [tilespmem:s10+$0x0]  }
0x14e: {  	s21 =	sadd.s32 $0x4, s21;
	s28 =	sand.u32 $0x60, s28;
	v31 =	vld [tilespmem:s11+$0x0]  }
0x14f: {  	s6 =	sor.u32 $0x4080, s23;
	s10 =	sor.u32 s28, s7;
	s11 =	sadd.s32 $0xFFFFFFD0, s19;
	vm10 =	vnez.u8 v5;
	v5 =	vld [tilespmem:$0x1FEA0]  }
0x150: {  	s31 =	sand.u32 $0x7, s21;
	v58 =	vld [tilespmem:s10+$0x0];
	s10 =	sor.u32 s28, s6;
	vm1 =	vgt.f32 v23, v25;
	s3 =	sand.u32 $0x40, s11  }
0x151: {  	s11 =	sshll.u32 s31, $0x4;
	v10 =	vsel vm1, v23, v25;
	v23 =	vld [tilespmem:s10+$0x0];
	s31 =	sor.u32 s3, s7  }
0x152: {  	vm2 =	vgt.f32 v20, v30;
	s10 =	sor.u32 s28, s5;
	v59 =	vld [tilespmem:s31+$0x0]  }
0x153: {  	s22 =	sadd.s32 $0x2, s22;
	s9 =	sadd.s32 $0xFFFFFFE0, s19;
	v20 =	vsel vm2, v20, v30;
	v30 =	vld [tilespmem:s10+$0x0]  }
0x154: {  	vm14 =	vgt.f32 v6, v15;
	s8 =	sor.u32 s0, s6;
	s10 =	sadd.s32 s1, s11;
	s31 =	sand.u32 $0x50, s9;
	vm11 =	vnez.u8 v5;
	v5 =	vld [tilespmem:$0x1FEB0]  }
0x155: {  	v15 =	vsel vm14, v6, v15;
	v6 =	vld [tilespmem:s8+$0x0];
	s8 =	sand.u32 $0x3, s22;
	s11 =	sadd.s32 $0x10, s10;
	s7 =	sor.u32 s31, s7  }
0x156: {  	v14 =	vsel vm12, s25, v14;
	s8 =	sshll.u32 s8, $0x5;
	v7 =	vsel vm1, s25, v7;
	s9 =	sor.u32 $0x80, s11;
	v61 =	vld [tilespmem:s7+$0x0];
	v25 =	vsel vm4, s26, v29  }
0x157: {  	s8 =	sadd.s32 s1, s8;
	v62 =	vld [tilespmem:s9+$0x0];
	v26 =	vsel vm5, s26, v26;
	v24 =	vsel vm6, s26, v24;
	vm6 =	vgt.f32 v59, v18  }
0x158: {  	s8 =	sadd.s32 $0x20, s8;
	s12 =	sor.u32 s31, s6;
	s6 =	sor.u32 s3, s6;
	vm5 =	vgt.f32 v60, v17;
	v18 =	vsel vm6, v59, v18;
	v29 =	vsel vm7, s20, v25  }
0x159: {  	v12 =	vmovc v31;
	v31 =	vld [tilespmem:s6+$0x0];
	v26 =	vsel vm8, s20, v26;
	v24 =	vsel vm9, s20, v24;
	s20 =	sor.u32 $0x80, s8;
	vm4 =	vnez.u8 v5  }
0x15a: {  	s11 =	sor.u32 s31, s4;
	v63 =	vld [tilespmem:s20+$0x0];
	v29 =	vsel vm10, s24, v29;
	v26 =	vsel vm11, s24, v26;
	v24 =	vsel vm4, s24, v24;
	s24 =	sadd.s32 $0x30, s10  }
0x15b: {  	v4 =	vsel vm2, s25, v4;
	v37 =	vld [tilespmem:s11+$0x0];
	v17 =	vsel vm5, v60, v17;
	vm8 =	vgt.f32 v61, v18;
	s8 =	sor.u32 $0x80, s24  }
0x15c: {  	s9 =	sor.u32 s3, s5;
	v14 =	vsel vm5, s30, v14;
	vm7 =	vgt.f32 v62, v17;
	v18 =	vsel vm8, v61, v18;
	v39 =	vld [tilespmem:s8+$0x0]  }
0x15d: {  	p1 =	slt.u32 s30, $0xFC;
	s5 =	sor.u32 s31, s5;
	v34 =	vld [tilespmem:s9+$0x0];
	v19 =	vsel vm6, s30, v19;
	v17 =	vsel vm7, v62, v17;
	s20 =	sadd.s32 $0x1, s30;
	vm10 =	vgt.f32 v58, v18  }
.Ltmp13:
0x15e: {  	v35 =	vld [tilespmem:s5+$0x0];
	v19 =	vsel vm8, s20, v19;
	v14 =	vsel vm7, s20, v14;
	v18 =	vsel vm10, v58, v18;
	(pc) =	sbr.rel @p1 .LBB2_28-.Ltmp13, $4  }
0x15f: {  	v25 =	vld [tilespmem:s12+$0x0];
	s12 =	sor.u32 s28, s29;
	v29 =	vsel vm14, s25, v29;
	vm9 =	vgt.f32 v63, v17;
	vm11 =	vgt.f32 v22, v18  }
0x160: {  	v32 =	vld [tilespmem:s12+$0x0];
	v17 =	vsel vm9, v63, v17;
	v26 =	vsel vm15, s25, v26;
	v18 =	vsel vm11, v22, v18;
	s10 =	sor.u32 s3, s4;
	s24 =	sadd.s32 $0x2, s30  }
0x161: {  	s4 =	sor.u32 s28, s4;
	v24 =	vsel vm13, s25, v24;
	v36 =	vld [tilespmem:s10+$0x0];
	s25 =	sadd.s32 $0x3, s30;
	v19 =	vsel vm10, s24, v19;
	vm12 =	vgt.f32 v39, v17  }
0x162: {  	s26 =	smov.u32 s30;
	v33 =	vld [tilespmem:s4+$0x0];
	s4 =	sor.u32 s31, s29;
	s30 =	sadd.s32 $0x4, s30;
	v14 =	vsel vm9, s24, v14;
	v19 =	vsel vm11, s25, v19;
	v17 =	vsel vm12, v39, v17  }
0x163: {  	s1 =	sor.u32 s3, s29;
	s5 =	sor.u32 $0xC080, s23  }
0x164: {  	s6 =	sor.u32 $0xE080, s23;
	v22 =	vld [tilespmem:s1+$0x0];
	s12 =	sor.u32 s3, s5  }
0x165: {  	s19 =	sor.u32 s3, s6;
	v38 =	vld [tilespmem:s12+$0x0]  }
0x166: {  	v39 =	vld [tilespmem:s19+$0x0];
	_ =	sdelay $0x1  }
0x167: {  	v40 =	vld [tilespmem:s4+$0x0];
	s21 =	sor.u32 s31, s5  }
0x168: {  	s22 =	sor.u32 s31, s6;
	v41 =	vld [tilespmem:s21+$0x0];
	vm0 =	vgt.f32 v22, v21  }
0x169: {  	v42 =	vld [tilespmem:s22+$0x0];
	v21 =	vsel vm0, v22, v21;
	vm15 =	vgt.f32 v38, v10  }
0x16a: {  	v16 =	vsel vm0, s26, v16;
	vm4 =	vgt.f32 v39, v20;
	v10 =	vsel vm15, v38, v10  }
0x16b: {  	s23 =	sor.u32 s28, s5;
	v7 =	vsel vm15, s26, v7;
	v20 =	vsel vm4, v39, v20;
	v4 =	vsel vm4, s26, v4  }
0x16c: {  	s29 =	sor.u32 s28, s6;
	v58 =	vld [tilespmem:s23+$0x0];
	vm5 =	vgt.f32 v40, v21;
	vm15 =	vgt.f32 v31, v15;
	vm4 =	vgt.f32 v34, v27  }
0x16d: {  	v59 =	vld [tilespmem:s29+$0x0];
	v21 =	vsel vm5, v40, v21;
	v16 =	vsel vm5, s20, v16;
	vm6 =	vgt.f32 v41, v10  }
0x16e: {  	s30 =	sor.u32 s0, s5;
	vm7 =	vgt.f32 v42, v20;
	v62 =	vsel vm15, s26, v29;
	v63 =	vsel vm4, v34, v27  }
0x16f: {  	s31 =	sor.u32 s0, s6;
	v60 =	vld [tilespmem:s30+$0x0];
	vm5 =	vgt.f32 v36, v28;
	v10 =	vsel vm6, v41, v10;
	v7 =	vsel vm6, s20, v7  }
0x170: {  	v61 =	vld [tilespmem:s31+$0x0];
	v20 =	vsel vm7, v42, v20;
	v4 =	vsel vm7, s20, v4;
	vm8 =	vgt.f32 v32, v21  }
0x171: {  	vm7 =	vgt.f32 v35, v63;
	v21 =	vsel vm8, v32, v21;
	vm9 =	vgt.f32 v58, v10  }
0x172: {  	v16 =	vsel vm8, s24, v16;
	vm10 =	vgt.f32 v59, v20;
	v10 =	vsel vm9, v58, v10  }
0x173: {  	v7 =	vsel vm9, s24, v7;
	v20 =	vsel vm10, v59, v20;
	vm11 =	vgt.f32 v12, v21  }
0x174: {  	v4 =	vsel vm10, s24, v4;
	v5 =	vsel vm11, v12, v21;
	vm13 =	vgt.f32 v60, v10  }
0x175: {  	vm14 =	vgt.f32 v61, v20;
	v12 =	vsel vm4, s26, v26;
	[tilespmem:$0x1FD70] =	vst v5;
	v5 =	vsel vm11, s25, v16  }
0x176: {  	v4 =	vsel vm14, s25, v4;
	v16 =	vsel vm5, s26, v24;
	v12 =	vsel vm7, s20, v12;
	[tilespmem:$0x1FD80] =	vst v5  }
0x177: {  	v5 =	vsel vm13, v60, v10;
	[tilespmem:$0x1FDC0] =	vst v4;
	v4 =	vsel vm15, v31, v15;
	v15 =	vsel vm5, v36, v28  }
0x178: {  	v10 =	vsel vm7, v35, v63;
	[tilespmem:$0x1FD90] =	vst v5;
	v5 =	vsel vm13, s25, v7;
	vm6 =	vgt.f32 v25, v4  }
0x179: {  	vm8 =	vgt.f32 v37, v15;
	vm10 =	vgt.f32 v30, v10;
	v4 =	vsel vm6, v25, v4  }
0x17a: {  	[tilespmem:$0x1FDA0] =	vst v5;
	v5 =	vsel vm14, v61, v20;
	v7 =	vsel vm6, s20, v62;
	vm9 =	vgt.f32 v23, v4  }
0x17b: {  	v15 =	vsel vm8, v37, v15;
	v10 =	vsel vm10, v30, v10;
	v4 =	vsel vm9, v23, v4  }
0x17c: {  	vm11 =	vgt.f32 v33, v15;
	v7 =	vsel vm9, s24, v7;
	vm13 =	vgt.f32 v6, v4  }
0x17d: {  	[tilespmem:$0x1FDB0] =	vst v5;
	vm14 =	vgt.f32 v8, v10;
	v28 =	vsel vm13, v6, v4;
	v4 =	vsel vm13, s25, v7  }
0x17e: {  	v12 =	vsel vm10, s24, v12;
	v15 =	vsel vm11, v33, v15;
	[tilespmem:$0x1FDD0] =	vst v4;
	v4 =	vsel vm14, v8, v10  }
0x17f: {  	v16 =	vsel vm8, s20, v16;
	vm15 =	vgt.f32 v9, v15;
	[tilespmem:$0x1FDE0] =	vst v4;
	v4 =	vsel vm14, s25, v12  }
0x180: {  	v16 =	vsel vm11, s24, v16;
	[tilespmem:$0x1FDF0] =	vst v4;
	v4 =	vsel vm15, v9, v15  }
0x181: {  	[tilespmem:$0x1FE00] =	vst v4;
	v4 =	vsel vm15, s25, v16  }
0x182: {  	s4 =	sadd.s32 $0x0, s15;
	[tilespmem:$0x1FE10] =	vst v4;
	v4 =	vsel vm12, s25, v14  }
0x183: {  	s0 =	simm.s32 $0x80;
	s1 =	simm.s32 $0x80;
	s3 =	simm.s32 $0x180;
	[tilespmem:$0x1FE20] =	vst v4  }
.LBB2_30:
0x184: {  	[tilespmem:s0], [sflag:$0x2] =	stream.linear.gather [hbm4b:s4+s2], $0x80, $0x38;
	[tilespmem:$0x10080] =	vst v63  }
0x185: {  	s4 =	smov.u32 s1;
	s0 =	smov.u32 s3;
	p0 =	sne.s32 s1, $0x1F80  }
.Ltmp14:
0x186: {  	s1 =	sadd.s32 $0x80, s1;
	(pc) =	sbr.rel @p0 .LBB2_30-.Ltmp14, $2  }
0x187: {  	_ =	sdelay $0x2  }
0x188: {  	s3 =	sadd.s32 $0x100, s3;
	s4 =	sadd.s32 s4, s15  }
0x189: {  	[tilespmem:s0], [sflag:$0x2] =	stream.linear.gather [hbm4b:s4+s2], $0x80, $0x38;
	[tilespmem:$0x10080] =	vst v63  }
0x18a: {  	s0 =	simm.s32 $0x4080  }
0x18b: {  	s1 =	simm.s32 $0x80;
	s4 =	sadd.s32 $0x0, s16;
	s3 =	simm.s32 $0x4180  }
.LBB2_32:
0x18c: {  	[tilespmem:s0], [sflag:$0x2] =	stream.linear.gather [hbm4b:s4+s2], $0x80, $0x38;
	[tilespmem:$0x10080] =	vst v63  }
0x18d: {  	s4 =	smov.u32 s1;
	s0 =	smov.u32 s3;
	p0 =	sne.s32 s1, $0x1F80  }
.Ltmp15:
0x18e: {  	s1 =	sadd.s32 $0x80, s1;
	(pc) =	sbr.rel @p0 .LBB2_32-.Ltmp15, $2  }
0x18f: {  	_ =	sdelay $0x2  }
0x190: {  	s3 =	sadd.s32 $0x100, s3;
	s4 =	sadd.s32 s4, s16  }
0x191: {  	[tilespmem:s0], [sflag:$0x2] =	stream.linear.gather [hbm4b:s4+s2], $0x80, $0x38;
	[tilespmem:$0x10080] =	vst v63  }
0x192: {  	s0 =	simm.s32 $0x8080  }
0x193: {  	s1 =	simm.s32 $0x80;
	s4 =	sadd.s32 $0x0, s17;
	s3 =	simm.s32 $0x8180  }
.LBB2_34:
0x194: {  	[tilespmem:s0], [sflag:$0x2] =	stream.linear.gather [hbm4b:s4+s2], $0x80, $0x38;
	[tilespmem:$0x10080] =	vst v63  }
0x195: {  	s4 =	smov.u32 s1;
	s0 =	smov.u32 s3;
	p0 =	sne.s32 s1, $0x1F80  }
.Ltmp16:
0x196: {  	s1 =	sadd.s32 $0x80, s1;
	(pc) =	sbr.rel @p0 .LBB2_34-.Ltmp16, $2  }
0x197: {  	_ =	sdelay $0x2  }
0x198: {  	s3 =	sadd.s32 $0x100, s3;
	s4 =	sadd.s32 s4, s17  }
0x199: {  	[tilespmem:s0], [sflag:$0x2] =	stream.linear.gather [hbm4b:s4+s2], $0x80, $0x38;
	[tilespmem:$0x10080] =	vst v63  }
0x19a: {  	s0 =	simm.s32 $0xC080  }
0x19b: {  	s1 =	simm.s32 $0x80;
	s4 =	sadd.s32 $0x0, s18;
	s3 =	simm.s32 $0xC180  }
.LBB2_36:
0x19c: {  	[tilespmem:s0], [sflag:$0x2] =	stream.linear.gather [hbm4b:s4+s2], $0x80, $0x38;
	[tilespmem:$0x10080] =	vst v63  }
0x19d: {  	s4 =	smov.u32 s1;
	s0 =	smov.u32 s3;
	p0 =	sne.s32 s1, $0x1F80  }
.Ltmp17:
0x19e: {  	s1 =	sadd.s32 $0x80, s1;
	(pc) =	sbr.rel @p0 .LBB2_36-.Ltmp17, $2  }
0x19f: {  	_ =	sdelay $0x2  }
0x1a0: {  	s3 =	sadd.s32 $0x100, s3;
	s4 =	sadd.s32 s4, s18  }
0x1a1: {  	[tilespmem:s0], [sflag:$0x2] =	stream.linear.gather [hbm4b:s4+s2], $0x80, $0x38;
	[tilespmem:$0x10080] =	vst v63  }
0x1a2: {  	s6 =	simm.s32 $0x1  }
0x1a3: {  	_ =	swait.ge [sflag:s6], $0x2000  }
0x1a4: {  	[sflag:s6] =	ssyncset.done $0x0  }
0x1a5: {  	[sflag:s6] =	ssyncadd.s32 $0xFFFFE000  }
0x1a6: {  	_ =	swait.ge [sflag:s6], $0x2000  }
0x1a7: {  	[sflag:s6] =	ssyncset.done $0x0  }
0x1a8: {  	[sflag:s6] =	ssyncadd.s32 $0xFFFFE000  }
0x1a9: {  	_ =	swait.ge [sflag:s6], $0x2000  }
0x1aa: {  	[sflag:s6] =	ssyncset.done $0x0  }
0x1ab: {  	[sflag:s6] =	ssyncadd.s32 $0xFFFFE000  }
0x1ac: {  	s23 =	simm.s32 $0x30;
	s24 =	simm.s32 $0x0;
	_ =	swait.ge [sflag:s6], $0x2000  }
0x1ad: {  	s25 =	sand.u32 $0x1F00, s24;
	s19 =	sand.u32 $0x70, s23;
	[sflag:s6] =	ssyncset.done $0x0  }
0x1ae: {  	s1 =	sor.u32 $0x2000, s25;
	s7 =	sor.u32 s19, s25;
	[sflag:s6] =	ssyncadd.s32 $0xFFFFE000  }
0x1af: {  	s5 =	sor.u32 $0x4000, s25;
	s3 =	sor.u32 s19, s1;
	v4 =	vld [tilespmem:s7+$0x0]  }
0x1b0: {  	s12 =	simm.s32 $0x10;
	s0 =	sor.u32 $0x6000, s25;
	s8 =	sor.u32 s19, s5;
	v23 =	vld [tilespmem:s3+$0x0]  }
0x1b1: {  	s4 =	sand.u32 $0x50, s12;
	s9 =	sor.u32 s19, s0;
	v6 =	vld [tilespmem:s8+$0x0]  }
0x1b2: {  	s22 =	sor.u32 s4, s25;
	s6 =	simm.s32 $0x0;
	v8 =	vld [tilespmem:s9+$0x0]  }
0x1b3: {  	s29 =	sor.u32 s4, s1;
	s21 =	sand.u32 $0x40, s6;
	v12 =	vld [tilespmem:s22+$0x0]  }
0x1b4: {  	v24 =	vld [tilespmem:s29+$0x0];
	s11 =	sor.u32 s21, s25  }
0x1b5: {  	s7 =	sor.u32 s21, s1;
	v7 =	vld [tilespmem:s11+$0x0]  }
0x1b6: {  	s8 =	sor.u32 s21, s5;
	v10 =	vld [tilespmem:s7+$0x0]  }
0x1b7: {  	s3 =	sor.u32 $0x8000, s25;
	s9 =	sor.u32 s21, s0;
	v42 =	vld [tilespmem:s8+$0x0]  }
0x1b8: {  	s20 =	simm.s32 $0x20;
	s10 =	sor.u32 s19, s3;
	v43 =	vld [tilespmem:s9+$0x0]  }
0x1b9: {  	s26 =	sand.u32 $0x60, s20;
	v9 =	vld [tilespmem:s10+$0x0];
	s10 =	sor.u32 s21, s3  }
0x1ba: {  	v15 =	vimm.f32 $-Inf;
	v16 =	vimm.s32 $0x0;
	s30 =	sor.u32 s26, s25;
	v44 =	vld [tilespmem:s10+$0x0]  }
0x1bb: {  	v38 =	vimm.f32 $-Inf;
	v32 =	vimm.f32 $-Inf;
	v37 =	vimm.s32 $0x0;
	v25 =	vld [tilespmem:s30+$0x0];
	s1 =	sor.u32 s26, s1  }
0x1bc: {  	v29 =	vld [tilespmem:s1+$0x0];
	vm0 =	vgt.f32 v7, v15;
	vm1 =	vgt.f32 v10, v15;
	vm12 =	vgt.f32 v42, v15  }
0x1bd: {  	s6 =	sor.u32 $0xA000, s25;
	s22 =	sor.u32 s4, s0;
	vm13 =	vgt.f32 v43, v15;
	v7 =	vsel vm0, v7, v15;
	v10 =	vsel vm1, v10, v15  }
0x1be: {  	s31 =	sor.u32 s19, s6;
	v45 =	vld [tilespmem:s22+$0x0];
	v30 =	vsel vm1, s24, v16;
	v31 =	vsel vm0, s24, v16;
	vm1 =	vgt.f32 v12, v7  }
0x1bf: {  	s20 =	simm.s32 $0x1;
	s29 =	sor.u32 s4, s3;
	v14 =	vld [tilespmem:s31+$0x0];
	vm3 =	vgt.f32 v44, v15;
	vm0 =	vgt.f32 v24, v10;
	v12 =	vsel vm1, v12, v7  }
0x1c0: {  	s30 =	sor.u32 s26, s6;
	v46 =	vld [tilespmem:s29+$0x0];
	v24 =	vsel vm0, v24, v10;
	v30 =	vsel vm0, s20, v30;
	vm0 =	vgt.f32 v25, v12  }
0x1c1: {  	s11 =	sor.u32 s26, s5;
	s1 =	simm.s32 $0x2;
	s5 =	sor.u32 s4, s5;
	v36 =	vld [tilespmem:s30+$0x0];
	v31 =	vsel vm1, s20, v31;
	vm1 =	vgt.f32 v29, v24;
	v25 =	vsel vm0, v25, v12  }
0x1c2: {  	s3 =	sor.u32 s26, s3;
	v41 =	vld [tilespmem:s5+$0x0];
	v24 =	vsel vm1, v29, v24;
	v29 =	vsel vm1, s1, v30;
	v12 =	vsel vm0, s1, v31  }
0x1c3: {  	s31 =	sor.u32 s4, s6;
	v40 =	vld [tilespmem:s3+$0x0];
	v31 =	vimm.f32 $-Inf;
	vm2 =	vgt.f32 v4, v25;
	vm0 =	vgt.f32 v23, v24  }
0x1c4: {  	s12 =	sor.u32 s26, s0;
	s0 =	simm.s32 $0x3;
	v48 =	vld [tilespmem:s31+$0x0];
	v30 =	vimm.f32 $-Inf;
	v33 =	vsel vm2, v4, v25;
	v34 =	vsel vm0, v23, v24  }
0x1c5: {  	s28 =	simm.s32 $0x0;
	v7 =	vld [tilespmem:s11+$0x0];
	v35 =	vsel vm0, s0, v29;
	v4 =	vimm.f32 $-Inf;
	v29 =	vimm.s32 $0x0  }
0x1c6: {  	s6 =	sor.u32 s21, s6;
	s5 =	sor.u32 $0xC000, s25;
	s3 =	simm.s32 $0x4;
	v10 =	vld [tilespmem:s12+$0x0];
	v25 =	vimm.s32 $0x0;
	v24 =	vimm.s32 $0x0;
	v23 =	vimm.s32 $0x0  }
.LBB2_38:
0x1c7: {  	v5 =	vimm.s32 $0x0  }
0x1c8: {  	v5 =	vsel vm2, $0xFFFFFFFF, v5  }
0x1c9: {  	v15 =	vsel vm12, v42, v15;
	v4 =	vsel vm13, v43, v4;
	v39 =	vld [tilespmem:s6+$0x0];
	s12 =	sor.u32 s21, s5;
	s7 =	sor.u32 $0xE000, s25;
	[tilespmem:$0x1FD60] =	vst v5;
	v5 =	vimm.s32 $0x0  }
0x1ca: {  	v38 =	vsel vm3, v44, v38;
	v63 =	vld [tilespmem:s12+$0x0];
	s21 =	sor.u32 s21, s7;
	v5 =	vsel vm3, $0xFFFFFFFF, v5;
	vm0 =	vgt.f32 v41, v15  }
0x1cb: {  	v49 =	vld [tilespmem:s21+$0x0];
	[tilespmem:$0x1FCE0] =	vst v5;
	v5 =	vimm.s32 $0x0;
	vm1 =	vgt.f32 v45, v4;
	vm6 =	vgt.f32 v46, v38  }
0x1cc: {  	v15 =	vsel vm0, v41, v15;
	v5 =	vsel vm0, $0xFFFFFFFF, v5;
	v4 =	vsel vm1, v45, v4  }
0x1cd: {  	v38 =	vsel vm6, v46, v38;
	vm0 =	vgt.f32 v7, v15;
	[tilespmem:$0x1FCF0] =	vst v5;
	v5 =	vimm.s32 $0x0  }
0x1ce: {  	s22 =	sor.u32 s4, s5;
	vm10 =	vgt.f32 v39, v31;
	v7 =	vsel vm0, v7, v15;
	v5 =	vsel vm1, $0xFFFFFFFF, v5  }
0x1cf: {  	v50 =	vld [tilespmem:s22+$0x0];
	vm11 =	vgt.f32 v63, v30;
	vm1 =	vgt.f32 v10, v4;
	[tilespmem:$0x1FD00] =	vst v5;
	v5 =	vimm.s32 $0x0  }
0x1d0: {  	s25 =	sor.u32 s4, s7;
	vm3 =	vgt.f32 v49, v32;
	v4 =	vsel vm1, v10, v4;
	v5 =	vsel vm6, $0xFFFFFFFF, v5  }
0x1d1: {  	v51 =	vld [tilespmem:s25+$0x0];
	vm6 =	vgt.f32 v40, v38;
	vm14 =	vgt.f32 v8, v4;
	[tilespmem:$0x1FD10] =	vst v5;
	v5 =	vimm.s32 $0x0  }
0x1d2: {  	s30 =	sor.u32 s26, s7;
	v10 =	vsel vm6, v40, v38;
	v4 =	vsel vm14, v8, v4;
	v5 =	vsel vm0, $0xFFFFFFFF, v5  }
0x1d3: {  	s29 =	sor.u32 s26, s5;
	v53 =	vld [tilespmem:s30+$0x0];
	v8 =	vsel vm11, v63, v30;
	vm0 =	vgt.f32 v6, v7;
	[tilespmem:$0x1FD20] =	vst v5;
	v5 =	vimm.s32 $0x0  }
0x1d4: {  	s31 =	sor.u32 s19, s5;
	v52 =	vld [tilespmem:s29+$0x0];
	s5 =	sor.u32 s19, s7;
	vm15 =	vgt.f32 v9, v10;
	vm5 =	vgt.f32 v50, v8;
	v5 =	vsel vm1, $0xFFFFFFFF, v5  }
0x1d5: {  	v38 =	vsel vm15, v9, v10;
	v9 =	vsel vm3, v49, v32;
	v10 =	vld [tilespmem:s5+$0x0];
	[tilespmem:$0x1FD30] =	vst v5;
	v5 =	vimm.s32 $0x0  }
0x1d6: {  	v15 =	vsel vm0, v6, v7;
	v5 =	vsel vm6, $0xFFFFFFFF, v5;
	vm6 =	vgt.f32 v51, v9  }
0x1d7: {  	v6 =	vsel vm10, v39, v31;
	[tilespmem:$0x1FD40] =	vst v5;
	v5 =	vimm.s32 $0x0;
	v9 =	vsel vm6, v51, v9  }
0x1d8: {  	v7 =	vld [tilespmem:s31+$0x0];
	vm4 =	vgt.f32 v48, v6;
	v5 =	vsel vm0, $0xFFFFFFFF, v5;
	vm8 =	vgt.f32 v53, v9  }
0x1d9: {  	v31 =	vsel vm5, v50, v8;
	v30 =	vsel vm4, v48, v6;
	[tilespmem:$0x1FD50] =	vst v5;
	v56 =	vsel vm8, v53, v9;
	v5 =	vld [tilespmem:$0x1FCE0]  }
0x1da: {  	vm7 =	vgt.f32 v52, v31;
	vm2 =	vgt.f32 v36, v30;
	vm1 =	vgt.f32 v10, v56  }
0x1db: {  	v30 =	vsel vm2, v36, v30;
	v32 =	vsel vm1, v10, v56;
	v10 =	vsel vm11, s28, v29  }
0x1dc: {  	v55 =	vsel vm7, v52, v31;
	vm9 =	vgt.f32 v14, v30;
	v10 =	vsel vm5, s20, v10  }
0x1dd: {  	vm0 =	vgt.f32 v7, v55;
	v31 =	vsel vm9, v14, v30;
	v10 =	vsel vm7, s1, v10  }
0x1de: {  	v30 =	vsel vm0, v7, v55;
	v29 =	vsel vm0, s0, v10;
	vm0 =	vnez.u8 v5;
	v5 =	vld [tilespmem:$0x1FCF0];
	_ =	sdelay $0x4  }
0x1df: {  	v23 =	vsel vm0, s28, v23;
	vm0 =	vnez.u8 v5;
	v5 =	vld [tilespmem:$0x1FD00]  }
0x1e0: {  	v7 =	vsel vm10, s28, v16  }
0x1e1: {  	v16 =	vsel vm3, s28, v25;
	v7 =	vsel vm4, s20, v7  }
0x1e2: {  	v16 =	vsel vm6, s20, v16;
	v7 =	vsel vm2, s1, v7  }
0x1e3: {  	v25 =	vsel vm8, s1, v16;
	v16 =	vsel vm9, s0, v7;
	v7 =	vsel vm12, s28, v37  }
0x1e4: {  	v10 =	vsel vm13, s28, v24;
	v24 =	vsel vm0, s20, v7;
	vm0 =	vnez.u8 v5;
	v5 =	vld [tilespmem:$0x1FD10];
	_ =	sdelay $0x4  }
0x1e5: {  	v10 =	vsel vm0, s20, v10;
	vm0 =	vnez.u8 v5;
	v5 =	vld [tilespmem:$0x1FD20];
	_ =	sdelay $0x2  }
0x1e6: {  	s24 =	sadd.s32 $0x80, s24  }
0x1e7: {  	s23 =	sadd.s32 $0x40, s23;
	s25 =	sand.u32 $0x1F00, s24  }
0x1e8: {  	s19 =	sand.u32 $0x70, s23;
	s7 =	sor.u32 $0x2000, s25;
	v23 =	vsel vm0, s20, v23;
	vm0 =	vnez.u8 v5;
	v5 =	vld [tilespmem:$0x1FD30]  }
0x1e9: {  	s21 =	sadd.s32 $0xFFFFFFD0, s23;
	s8 =	sor.u32 s19, s7  }
0x1ea: {  	s6 =	sor.u32 s19, s25;
	s21 =	sand.u32 $0x40, s21;
	v47 =	vld [tilespmem:s8+$0x0];
	s8 =	sadd.s32 $0xFFFFFFF0, s23  }
0x1eb: {  	v54 =	vld [tilespmem:s6+$0x0];
	s26 =	sand.u32 $0x60, s8;
	s8 =	sor.u32 s21, s25  }
0x1ec: {  	v59 =	vld [tilespmem:s8+$0x0]  }
0x1ed: {  	s29 =	sor.u32 $0x4000, s25;
	s30 =	sor.u32 s26, s7;
	v24 =	vsel vm0, s1, v24;
	vm0 =	vnez.u8 v5;
	v5 =	vld [tilespmem:$0x1FD40]  }
0x1ee: {  	s6 =	sor.u32 $0x6000, s25;
	s8 =	sor.u32 s21, s29;
	v58 =	vld [tilespmem:s30+$0x0]  }
0x1ef: {  	s10 =	sor.u32 s19, s6;
	v42 =	vld [tilespmem:s8+$0x0]  }
0x1f0: {  	v8 =	vld [tilespmem:s10+$0x0];
	s10 =	sor.u32 s21, s7  }
0x1f1: {  	v60 =	vld [tilespmem:s10+$0x0]  }
0x1f2: {  	s22 =	sor.u32 $0x8000, s25;
	s9 =	sor.u32 s19, s29;
	s31 =	sadd.s32 $0xFFFFFFE0, s23;
	v63 =	vsel vm0, s1, v10;
	vm0 =	vnez.u8 v5;
	v5 =	vld [tilespmem:$0x1FD50]  }
0x1f3: {  	s4 =	sand.u32 $0x50, s31;
	s10 =	sor.u32 s21, s22;
	v6 =	vld [tilespmem:s9+$0x0]  }
0x1f4: {  	s7 =	sor.u32 s4, s7;
	v44 =	vld [tilespmem:s10+$0x0]  }
0x1f5: {  	s9 =	sor.u32 s26, s25;
	v62 =	vld [tilespmem:s7+$0x0]  }
0x1f6: {  	v57 =	vld [tilespmem:s9+$0x0]  }
0x1f7: {  	s11 =	sor.u32 s19, s22;
	v23 =	vsel vm0, s1, v23;
	vm0 =	vnez.u8 v5;
	v5 =	vld [tilespmem:$0x1FD60]  }
0x1f8: {  	v9 =	vld [tilespmem:s11+$0x0];
	s11 =	sor.u32 s4, s25;
	v25 =	vsel vm1, s0, v25;
	vm1 =	vgt.f32 v60, v34  }
0x1f9: {  	s9 =	sor.u32 s21, s6;
	v61 =	vld [tilespmem:s11+$0x0];
	v34 =	vsel vm1, v60, v34  }
0x1fa: {  	s5 =	sor.u32 $0xA000, s25;
	s31 =	sor.u32 s4, s29;
	v43 =	vld [tilespmem:s9+$0x0];
	v35 =	vsel vm1, s3, v35;
	vm1 =	vgt.f32 v62, v34  }
0x1fb: {  	v41 =	vld [tilespmem:s31+$0x0];
	s31 =	sor.u32 s4, s5;
	vm3 =	vgt.f32 v44, v38;
	vm12 =	vgt.f32 v42, v15;
	v34 =	vsel vm1, v62, v34  }
0x1fc: {  	s12 =	sor.u32 s19, s5;
	v48 =	vld [tilespmem:s31+$0x0];
	s20 =	sadd.s32 $0x1, s3;
	v37 =	vsel vm0, s0, v24;
	vm0 =	vgt.f32 v59, v33;
	vm2 =	vnez.u8 v5  }
0x1fd: {  	v14 =	vld [tilespmem:s12+$0x0];
	s12 =	sor.u32 s26, s29;
	s29 =	sor.u32 s26, s22;
	v35 =	vsel vm1, s20, v35;
	v33 =	vsel vm0, v59, v33;
	v12 =	vsel vm2, s0, v12  }
0x1fe: {  	p0 =	slt.u32 s3, $0xFC;
	s11 =	sor.u32 s4, s6;
	v40 =	vld [tilespmem:s29+$0x0];
	vm1 =	vgt.f32 v58, v34;
	v12 =	vsel vm0, s3, v12;
	vm0 =	vgt.f32 v61, v33  }
.Ltmp18:
0x1ff: {  	v45 =	vld [tilespmem:s11+$0x0];
	vm13 =	vgt.f32 v43, v4;
	v34 =	vsel vm1, v58, v34;
	v33 =	vsel vm0, v61, v33;
	(pc) =	sbr.rel @p0 .LBB2_38-.Ltmp18, $4  }
0x200: {  	v7 =	vld [tilespmem:s12+$0x0];
	s12 =	sor.u32 s4, s22;
	s1 =	sadd.s32 $0x2, s3;
	v23 =	vsel vm15, s0, v23;
	v12 =	vsel vm0, s20, v12;
	vm0 =	vgt.f32 v57, v33  }
0x201: {  	s30 =	sor.u32 s26, s6;
	v46 =	vld [tilespmem:s12+$0x0];
	v35 =	vsel vm1, s1, v35;
	v24 =	vsel vm14, s0, v63;
	v33 =	vsel vm0, v57, v33  }
0x202: {  	s6 =	sor.u32 s21, s5;
	v10 =	vld [tilespmem:s30+$0x0];
	s30 =	sor.u32 s26, s5;
	s0 =	sadd.s32 $0x3, s3;
	v12 =	vsel vm0, s1, v12;
	vm0 =	vgt.f32 v47, v34;
	vm2 =	vgt.f32 v54, v33  }
0x203: {  	s28 =	smov.u32 s3;
	s5 =	sor.u32 $0xC000, s25;
	v36 =	vld [tilespmem:s30+$0x0];
	s3 =	sadd.s32 $0x4, s3;
	v34 =	vsel vm0, v47, v34;
	v35 =	vsel vm0, s0, v35;
	v33 =	vsel vm2, v54, v33  }
0x204: {  	v39 =	vld [tilespmem:s6+$0x0];
	s3 =	sor.u32 s21, s5  }
0x205: {  	s7 =	sor.u32 s4, s5;
	v47 =	vld [tilespmem:s3+$0x0]  }
0x206: {  	s9 =	sor.u32 s26, s5;
	v50 =	vld [tilespmem:s7+$0x0]  }
0x207: {  	s24 =	sor.u32 $0xE000, s25;
	s11 =	sor.u32 s19, s5;
	v52 =	vld [tilespmem:s9+$0x0]  }
0x208: {  	s25 =	sor.u32 s21, s24;
	v54 =	vld [tilespmem:s11+$0x0]  }
0x209: {  	s8 =	sor.u32 s4, s24;
	v49 =	vld [tilespmem:s25+$0x0]  }
0x20a: {  	v4 =	vsel vm13, v43, v4;
	v24 =	vsel vm13, s28, v24;
	s10 =	sor.u32 s26, s24;
	v51 =	vld [tilespmem:s8+$0x0]  }
0x20b: {  	v23 =	vsel vm3, s28, v23;
	v62 =	vsel vm2, s0, v12;
	s12 =	sor.u32 s19, s24;
	s19 =	simm.s32 $0x2;
	vm10 =	vgt.f32 v45, v4;
	v53 =	vld [tilespmem:s10+$0x0]  }
0x20c: {  	v63 =	vimm.f32 $-Inf;
	v55 =	vld [tilespmem:s12+$0x0];
	_ =	swait.ge [sflag:s19], $0x2000;
	v4 =	vsel vm10, v45, v4;
	vm0 =	vgt.f32 v39, v31  }
0x20d: {  	v24 =	vsel vm10, s20, v24;
	[sflag:s19] =	ssyncset.done $0x0;
	vm1 =	vgt.f32 v47, v30;
	v31 =	vsel vm0, v39, v31  }
0x20e: {  	[sflag:s19] =	ssyncadd.s32 $0xFFFFE000;
	v16 =	vsel vm0, s28, v16;
	vm11 =	vgt.f32 v49, v32;
	v30 =	vsel vm1, v47, v30  }
0x20f: {  	_ =	swait.ge [sflag:s19], $0x2000;
	v29 =	vsel vm1, s28, v29;
	vm14 =	vgt.f32 v48, v31;
	v32 =	vsel vm11, v49, v32  }
0x210: {  	[sflag:s19] =	ssyncset.done $0x0;
	v25 =	vsel vm11, s28, v25;
	vm15 =	vgt.f32 v50, v30;
	v31 =	vsel vm14, v48, v31  }
0x211: {  	[sflag:s19] =	ssyncadd.s32 $0xFFFFE000;
	v16 =	vsel vm14, s20, v16;
	vm14 =	vgt.f32 v10, v4;
	vm4 =	vgt.f32 v51, v32  }
0x212: {  	p0 =	por $0x0, $0x0;
	_ =	swait.ge [sflag:s19], $0x2000;
	v30 =	vsel vm15, v50, v30;
	v29 =	vsel vm15, s20, v29;
	vm5 =	vgt.f32 v36, v31  }
0x213: {  	s22 =	simm.s32 $0x0;
	s24 =	simm.s32 $0x0;
	[sflag:s19] =	ssyncset.done $0x0;
	v4 =	vsel vm14, v10, v4;
	v50 =	vimm.s32 $0x0;
	v32 =	vsel vm4, v51, v32  }
0x214: {  	s25 =	simm.s32 $0x30;
	s31 =	sand.u32 $0x1F00, s24;
	v25 =	vsel vm4, s20, v25;
	vm6 =	vgt.f32 v52, v30;
	v31 =	vsel vm5, v36, v31;
	[sflag:s19] =	ssyncadd.s32 $0xFFFFE000  }
0x215: {  	s12 =	simm.s32 $0x1;
	s21 =	sand.u32 $0x7, s24;
	v16 =	vsel vm5, s1, v16;
	vm7 =	vgt.f32 v53, v32;
	v30 =	vsel vm6, v52, v30;
	_ =	swait.ge [sflag:s19], $0x2000  }
0x216: {  	s6 =	sor.u32 $0x2080, s31;
	s26 =	sand.u32 $0x70, s25;
	v29 =	vsel vm6, s1, v29;
	vm8 =	vgt.f32 v14, v31;
	vm6 =	vgt.f32 v8, v4;
	[sflag:s19] =	ssyncset.done $0x0  }
0x217: {  	s5 =	sor.u32 $0x4080, s31;
	s7 =	sor.u32 s26, s6;
	v52 =	vimm.s32 $0x0;
	v39 =	vsel vm8, v14, v31;
	v14 =	vsel vm12, v42, v15;
	[sflag:s19] =	ssyncadd.s32 $0xFFFFE000  }
0x218: {  	s4 =	sor.u32 $0x6080, s31;
	s3 =	sor.u32 $0x8080, s31;
	s8 =	sor.u32 s26, s5;
	v32 =	vsel vm7, v53, v32;
	v25 =	vsel vm7, s1, v25;
	vm9 =	vgt.f32 v41, v14;
	v51 =	vld [tilespmem:s7+$0x0]  }
0x219: {  	s23 =	sor.u32 $0xA080, s31;
	s12 =	simm.s32 @!p0 $0x0;
	s9 =	sor.u32 s26, s4;
	v5 =	vsel vm8, s0, v16;
	v16 =	vsel vm3, v44, v38;
	v14 =	vsel vm9, v41, v14;
	v41 =	vld [tilespmem:s8+$0x0]  }
0x21a: {  	s10 =	sor.u32 s26, s3;
	s11 =	sor.u32 s26, s23;
	s12 =	sshll.u32 s12, $0x6;
	v15 =	vsel vm12, s28, v37;
	vm12 =	vgt.f32 v54, v30;
	vm11 =	vgt.f32 v46, v16;
	v43 =	vld [tilespmem:s9+$0x0]  }
0x21b: {  	v60 =	vsel vm6, v8, v4;
	s19 =	sand.u32 $0x40, s22;
	v15 =	vsel vm9, s20, v15;
	s8 =	sand.u32 $0x3, s24;
	v23 =	vsel vm11, s20, v23;
	v44 =	vld [tilespmem:s10+$0x0];
	s20 =	simm.s32 $0x10  }
0x21c: {  	v53 =	vimm.s32 $0x0;
	v16 =	vsel vm11, v46, v16;
	v37 =	vld [tilespmem:s11+$0x0];
	s9 =	sshll.u32 s21, $0x4;
	s21 =	sadd.s32 $0x0, s12;
	s22 =	sor.u32 s19, s6;
	vm13 =	vgt.f32 v7, v14  }
0x21d: {  	v45 =	vsel vm12, v54, v30;
	vm15 =	vgt.f32 v40, v16;
	v10 =	vld [tilespmem:s22+$0x0];
	s9 =	sadd.s32 $0x0, s9;
	s11 =	sor.u32 $0x80, s21;
	s8 =	sshll.u32 s8, $0x5;
	v7 =	vsel vm13, v7, v14  }
0x21e: {  	s20 =	sand.u32 $0x50, s20;
	v14 =	vsel vm13, s1, v15;
	v15 =	vsel vm15, v40, v16;
	v16 =	vsel vm14, s1, v24;
	v24 =	vld [tilespmem:s11+$0x0];
	s21 =	sadd.s32 $0x0, s8;
	s8 =	sor.u32 s19, s5  }
0x21f: {  	v38 =	vsel vm12, s0, v29;
	vm4 =	vgt.f32 v55, v32;
	s7 =	simm.s32 $0x20;
	s11 =	sadd.s32 $0x10, s9;
	s12 =	sor.u32 s20, s6;
	vm5 =	vgt.f32 v6, v7;
	v29 =	vld [tilespmem:s8+$0x0]  }
0x220: {  	[tilespmem:$0x1FCC0] =	vst v5;
	v5 =	vimm.s32 $0x0;
	v23 =	vsel vm15, s1, v23;
	s1 =	sand.u32 $0x60, s7;
	s22 =	sor.u32 $0x80, s11;
	v59 =	vsel vm5, v6, v7;
	v7 =	vld [tilespmem:s12+$0x0]  }
0x221: {  	v54 =	vimm.s32 $0x0;
	v55 =	vsel vm4, v55, v32;
	v42 =	vsel vm4, s0, v25;
	s6 =	sor.u32 s1, s6;
	s7 =	sadd.s32 $0x20, s21;
	v4 =	vld [tilespmem:s22+$0x0]  }
0x222: {  	v40 =	vimm.s32 $0x0;
	vm7 =	vgt.f32 v9, v15;
	v57 =	vsel vm6, s0, v16;
	v8 =	vld [tilespmem:s6+$0x0];
	s10 =	sor.u32 $0x80, s7  }
0x223: {  	s11 =	sor.u32 s1, s5;
	v58 =	vsel vm5, s0, v14;
	v61 =	vsel vm7, v9, v15;
	v6 =	vimm.f32 $-Inf;
	v9 =	vld [tilespmem:s10+$0x0]  }
0x224: {  	v56 =	vsel vm7, s0, v23;
	s12 =	sadd.s32 $0x30, s9;
	v12 =	vld [tilespmem:s11+$0x0];
	s22 =	sor.u32 s1, s4;
	vm8 =	vgt.f32 v10, v6;
	vm9 =	vgt.f32 v24, v6  }
0x225: {  	s21 =	sor.u32 $0x80, s12;
	v14 =	vld [tilespmem:s22+$0x0];
	v10 =	vsel vm8, v10, v6;
	v16 =	vsel vm8, s24, v40;
	v15 =	vsel vm9, v24, v6  }
0x226: {  	s28 =	simm.s32 $0x1;
	s9 =	sor.u32 s19, s4;
	v23 =	vld [tilespmem:s21+$0x0];
	v25 =	vsel vm9, s24, v40;
	vm10 =	vgt.f32 v7, v10;
	vm11 =	vgt.f32 v4, v15  }
0x227: {  	s11 =	sor.u32 s20, s4;
	v31 =	vld [tilespmem:s9+$0x0];
	v7 =	vsel vm10, v7, v10;
	v4 =	vsel vm11, v4, v15;
	v10 =	vsel vm10, s28, v16  }
0x228: {  	s10 =	sor.u32 s19, s3;
	v30 =	vld [tilespmem:s11+$0x0];
	v15 =	vsel vm11, s28, v25;
	vm12 =	vgt.f32 v8, v7;
	vm13 =	vgt.f32 v9, v4  }
0x229: {  	s29 =	simm.s32 $0x2;
	s7 =	sor.u32 s20, s5;
	v32 =	vld [tilespmem:s10+$0x0];
	v16 =	vimm.f32 $-Inf;
	v7 =	vsel vm12, v8, v7;
	v4 =	vsel vm13, v9, v4  }
0x22a: {  	s21 =	sor.u32 s1, s3;
	v24 =	vld [tilespmem:s7+$0x0];
	v8 =	vsel vm12, s29, v10;
	v46 =	vsel vm13, s29, v15;
	v15 =	vimm.f32 $-Inf  }
0x22b: {  	s30 =	simm.s32 $0x3;
	s12 =	sor.u32 s20, s3;
	v25 =	vld [tilespmem:s21+$0x0];
	v9 =	vimm.f32 $-Inf;
	vm14 =	vgt.f32 v51, v7;
	vm15 =	vgt.f32 v23, v4  }
0x22c: {  	s4 =	sor.u32 s20, s23;
	s0 =	simm.s32 $0x0;
	s22 =	sor.u32 s1, s23;
	v10 =	vld [tilespmem:s12+$0x0];
	v48 =	vsel vm14, v51, v7;
	v49 =	vsel vm14, s30, v8;
	v5 =	vsel vm15, $0xFFFFFFFF, v5  }
0x22d: {  	s3 =	simm.s32 $0x0;
	s21 =	simm.s32 $0x4;
	v47 =	vsel vm15, v23, v4;
	v8 =	vimm.f32 $-Inf;
	v51 =	vimm.s32 $0x0;
	v23 =	vld [tilespmem:s22+$0x0];
	s22 =	simm.s32 $0x0;
	[tilespmem:$0x1FCD0] =	vst v5  }
.LBB2_40:
0x22e: {  	s11 =	sor.u32 $0xE080, s31  }
0x22f: {  	s12 =	sor.u32 s19, s11  }
0x230: {  	v4 =	vimm.s32 $0x0;
	v36 =	vld [tilespmem:s12+$0x0];
	vm0 =	vgt.f32 v29, v6  }
0x231: {  	v4 =	vsel vm0, $0xFFFFFFFF, v4  }
0x232: {  	vm1 =	vgt.f32 v31, v15;
	[tilespmem:$0x1FC40] =	vst v4;
	v4 =	vimm.s32 $0x0  }
0x233: {  	v4 =	vsel vm1, $0xFFFFFFFF, v4  }
0x234: {  	vm2 =	vgt.f32 v32, v16;
	[tilespmem:$0x1FC50] =	vst v4;
	v4 =	vimm.s32 $0x0  }
0x235: {  	v5 =	vimm.s32 $0x0;
	vm10 =	vgt.f32 v36, v8;
	v4 =	vsel vm2, $0xFFFFFFFF, v4  }
0x236: {  	s5 =	sor.u32 s19, s23;
	s6 =	sor.u32 $0xC080, s31;
	v8 =	vsel vm10, v36, v8;
	[tilespmem:$0x1FC60] =	vst v4;
	v4 =	vsel vm0, v29, v6;
	v6 =	vsel vm1, v31, v15  }
0x237: {  	s10 =	sor.u32 s19, s6;
	v15 =	vsel vm2, v32, v16;
	v29 =	vld [tilespmem:s5+$0x0];
	vm0 =	vgt.f32 v24, v4;
	vm1 =	vgt.f32 v30, v6  }
0x238: {  	v31 =	vld [tilespmem:s10+$0x0];
	vm2 =	vgt.f32 v10, v15;
	v5 =	vsel vm0, $0xFFFFFFFF, v5;
	v4 =	vsel vm0, v24, v4  }
0x239: {  	v7 =	vld [tilespmem:s4+$0x0];
	s19 =	sor.u32 s20, s6;
	v6 =	vsel vm1, v30, v6;
	v10 =	vsel vm2, v10, v15;
	[tilespmem:$0x1FC70] =	vst v5;
	v5 =	vimm.s32 $0x0  }
0x23a: {  	s20 =	sor.u32 s20, s11;
	v24 =	vld [tilespmem:s19+$0x0];
	vm0 =	vgt.f32 v12, v4;
	vm13 =	vgt.f32 v25, v10;
	v5 =	vsel vm1, $0xFFFFFFFF, v5  }
0x23b: {  	s7 =	sor.u32 s1, s11;
	v30 =	vld [tilespmem:s20+$0x0];
	vm1 =	vgt.f32 v14, v6;
	v4 =	vsel vm0, v12, v4;
	v10 =	vsel vm13, v25, v10  }
0x23c: {  	v25 =	vld [tilespmem:s7+$0x0];
	[tilespmem:$0x1FC80] =	vst v5;
	v5 =	vimm.s32 $0x0;
	v12 =	vsel vm1, v14, v6;
	vm12 =	vgt.f32 v41, v4  }
0x23d: {  	s24 =	sadd.s32 $0x80, s24;
	s23 =	sor.u32 s1, s6;
	v11 =	vld [tilespmem:$0x1FC70];
	vm15 =	vgt.f32 v44, v10;
	vm11 =	vgt.f32 v29, v9;
	vm9 =	vgt.f32 v31, v63  }
0x23e: {  	s25 =	sadd.s32 $0x40, s25;
	s31 =	sand.u32 $0x1F00, s24;
	s8 =	sor.u32 s26, s6;
	v14 =	vld [tilespmem:s23+$0x0];
	v5 =	vsel vm2, $0xFFFFFFFF, v5;
	vm14 =	vgt.f32 v43, v12;
	v6 =	vsel vm12, v41, v4  }
0x23f: {  	s9 =	sor.u32 s26, s11;
	s26 =	sand.u32 $0x70, s25;
	s7 =	sor.u32 $0x2080, s31;
	v16 =	vsel vm15, v44, v10;
	v10 =	vld [tilespmem:s8+$0x0];
	v9 =	vsel vm11, v29, v9;
	[tilespmem:$0x1FC90] =	vst v5;
	v5 =	vimm.s32 $0x0  }
0x240: {  	s10 =	sor.u32 s26, s7;
	v29 =	vld [tilespmem:s9+$0x0];
	v15 =	vsel vm14, v43, v12;
	v12 =	vsel vm9, v31, v63;
	vm7 =	vgt.f32 v7, v9  }
0x241: {  	s6 =	sor.u32 $0x4080, s31;
	v4 =	vld [tilespmem:s10+$0x0];
	v5 =	vsel vm0, $0xFFFFFFFF, v5;
	vm8 =	vgt.f32 v24, v12;
	v7 =	vsel vm7, v7, v9  }
0x242: {  	s11 =	sor.u32 s26, s6;
	s5 =	sor.u32 $0x6080, s31;
	v9 =	vsel vm8, v24, v12;
	v24 =	vsel vm10, s0, v51;
	vm10 =	vnez.u8 v11;
	v11 =	vld [tilespmem:$0x1FC80]  }
0x243: {  	s12 =	sor.u32 s26, s5;
	v41 =	vld [tilespmem:s11+$0x0];
	[tilespmem:$0x1FCA0] =	vst v5;
	v5 =	vimm.s32 $0x0  }
0x244: {  	s4 =	sor.u32 $0x8080, s31;
	v43 =	vld [tilespmem:s12+$0x0];
	vm3 =	vgt.f32 v23, v7;
	v5 =	vsel vm1, $0xFFFFFFFF, v5  }
0x245: {  	p0 =	por !p0, !p0;
	s8 =	sadd.s32 $0xFFFFFFF0, s25;
	s9 =	sor.u32 s26, s4;
	vm6 =	vgt.f32 v30, v8;
	vm4 =	vgt.f32 v14, v9;
	v7 =	vsel vm3, v23, v7;
	[tilespmem:$0x1FCB0] =	vst v5;
	v5 =	vld [tilespmem:$0x1FC40]  }
0x246: {  	s23 =	sor.u32 $0xA080, s31;
	s1 =	sand.u32 $0x60, s8;
	v44 =	vld [tilespmem:s9+$0x0];
	s8 =	simm.s32 $0x1;
	v8 =	vsel vm6, v30, v8;
	v12 =	vsel vm4, v14, v9;
	vm0 =	vgt.f32 v37, v7  }
0x247: {  	s19 =	sor.u32 s26, s23;
	s8 =	simm.s32 @!p0 $0x0;
	v9 =	vsel vm0, v37, v7;
	v7 =	vsel vm11, s0, v40;
	vm11 =	vnez.u8 v11;
	v11 =	vld [tilespmem:$0x1FC90]  }
0x248: {  	s12 =	sor.u32 s1, s7;
	vm5 =	vgt.f32 v25, v8;
	s8 =	sshll.u32 s8, $0x6;
	v23 =	vld [tilespmem:s19+$0x0];
	vm1 =	vgt.f32 v10, v12  }
0x249: {  	v8 =	vsel vm5, v25, v8;
	v25 =	vld [tilespmem:s12+$0x0];
	s8 =	sadd.s32 s8, s24;
	v63 =	vsel vm1, v10, v12  }
0x24a: {  	s8 =	sor.u32 $0x80, s8;
	v10 =	vsel vm9, s0, v50;
	v7 =	vsel vm7, s28, v7;
	vm7 =	vnez.u8 v5;
	v5 =	vld [tilespmem:$0x1FC50]  }
0x24b: {  	s19 =	sadd.s32 $0xFFFFFFD0, s25;
	v31 =	vld [tilespmem:s8+$0x0];
	v10 =	vsel vm8, s28, v10  }
0x24c: {  	s20 =	sor.u32 s1, s6;
	s19 =	sand.u32 $0x40, s19;
	v10 =	vsel vm4, s29, v10;
	vm4 =	vnez.u8 v11;
	v11 =	vld [tilespmem:$0x1FCA0]  }
0x24d: {  	v12 =	vld [tilespmem:s20+$0x0];
	s20 =	sor.u32 s19, s7  }
0x24e: {  	s22 =	sadd.s32 $0x4, s22;
	v30 =	vld [tilespmem:s20+$0x0]  }
0x24f: {  	s11 =	sadd.s32 $0xFFFFFFE0, s25;
	s9 =	sand.u32 $0x7, s22;
	s12 =	sor.u32 s1, s5;
	v24 =	vsel vm6, s28, v24;
	vm2 =	vgt.f32 v29, v8;
	vm8 =	vnez.u8 v5;
	v5 =	vld [tilespmem:$0x1FC60]  }
0x250: {  	s3 =	sadd.s32 $0x2, s3;
	v20 =	vimm.s32 $0x0;
	s9 =	sshll.u32 s9, $0x4;
	v14 =	vld [tilespmem:s12+$0x0];
	v24 =	vsel vm5, s29, v24;
	v8 =	vsel vm2, v29, v8;
	s20 =	sand.u32 $0x50, s11  }
0x251: {  	s10 =	sand.u32 $0x3, s3;
	s9 =	sadd.s32 s24, s9;
	v51 =	vsel vm2, s30, v24;
	v7 =	vsel vm3, s29, v7;
	s7 =	sor.u32 s20, s7;
	vm5 =	vnez.u8 v11;
	v11 =	vld [tilespmem:$0x1FCB0]  }
0x252: {  	s10 =	sshll.u32 s10, $0x5;
	s12 =	sadd.s32 $0x10, s9;
	v40 =	vsel vm0, s30, v7;
	v50 =	vsel vm1, s30, v10;
	v7 =	vld [tilespmem:s7+$0x0];
	v10 =	vsel vm7, s0, v54  }
0x253: {  	s10 =	sadd.s32 s24, s10;
	s8 =	sor.u32 $0x80, s12;
	v37 =	vmovc v23;
	vm7 =	vgt.f32 v31, v47;
	v10 =	vsel vm10, s28, v10;
	v23 =	vsel vm8, s0, v52  }
0x254: {  	s10 =	sadd.s32 $0x20, s10;
	vm8 =	vgt.f32 v30, v48;
	v10 =	vsel vm5, s29, v10;
	vm9 =	vnez.u8 v5;
	v5 =	vld [tilespmem:s8+$0x0]  }
0x255: {  	s11 =	sor.u32 $0x80, s10;
	v23 =	vsel vm11, s28, v23;
	v30 =	vsel vm8, v30, v48;
	v54 =	vsel vm12, s30, v10;
	v10 =	vld [tilespmem:$0x1FCD0]  }
0x256: {  	s12 =	sadd.s32 $0x30, s9;
	v36 =	vsel vm8, s21, v49;
	s8 =	sor.u32 s20, s6;
	v24 =	vsel vm9, s0, v53;
	vm6 =	vnez.u8 v11;
	v11 =	vld [tilespmem:s11+$0x0]  }
0x257: {  	vm11 =	vgt.f32 v7, v30;
	v29 =	vsel vm4, s28, v24;
	v24 =	vld [tilespmem:s8+$0x0];
	s8 =	sor.u32 $0x80, s12;
	v23 =	vsel vm6, s29, v23  }
0x258: {  	s10 =	sor.u32 s19, s4;
	v7 =	vsel vm11, v7, v30;
	v48 =	vld [tilespmem:s8+$0x0];
	v52 =	vsel vm14, s30, v23;
	v23 =	vsel vm7, v31, v47  }
0x259: {  	s9 =	sor.u32 s19, s5;
	v32 =	vld [tilespmem:s10+$0x0];
	s5 =	sor.u32 s20, s5;
	v29 =	vsel vm13, s29, v29;
	vm13 =	vgt.f32 v25, v7;
	vm10 =	vgt.f32 v5, v23  }
0x25a: {  	p1 =	slt.u32 s21, $0xFC;
	v30 =	vld [tilespmem:s5+$0x0];
	s6 =	sor.u32 s19, s6;
	v53 =	vsel vm15, s30, v29;
	vm9 =	vnez.u8 v10;
	v5 =	vsel vm10, v5, v23  }
.Ltmp19:
0x25b: {  	s11 =	sor.u32 s20, s4;
	s4 =	sor.u32 s1, s4;
	v29 =	vld [tilespmem:s6+$0x0];
	v7 =	vsel vm13, v25, v7;
	v10 =	vsel vm9, s30, v46;
	vm12 =	vgt.f32 v11, v5;
	(pc) =	sbr.rel @p1 .LBB2_40-.Ltmp19, $4  }
0x25c: {  	s28 =	sadd.s32 $0x1, s21;
	v25 =	vld [tilespmem:s4+$0x0];
	vm15 =	vgt.f32 v4, v7;
	v10 =	vsel vm7, s21, v10;
	v5 =	vsel vm12, v11, v5  }
0x25d: {  	s29 =	sadd.s32 $0x2, s21;
	v31 =	vld [tilespmem:s9+$0x0];
	v23 =	vsel vm11, s28, v36;
	v49 =	vsel vm10, s28, v10;
	vm14 =	vgt.f32 v48, v5  }
0x25e: {  	s12 =	sor.u32 s1, s23;
	s30 =	sadd.s32 $0x3, s21;
	v10 =	vld [tilespmem:s11+$0x0];
	v11 =	vsel vm13, s29, v23;
	v46 =	vsel vm12, s29, v49;
	v20 =	vsel vm14, $0xFFFFFFFF, v20  }
0x25f: {  	s0 =	smov.u32 s21;
	s4 =	sor.u32 s20, s23;
	s21 =	sadd.s32 $0x4, s21;
	v23 =	vld [tilespmem:s12+$0x0];
	v49 =	vsel vm15, s30, v11;
	v47 =	vsel vm14, v48, v5;
	v48 =	vsel vm15, v4, v7;
	[tilespmem:$0x1FCD0] =	vst v20  }
0x260: {  	v11 =	vld [tilespmem:$0x1FF20]  }
0x261: {  	v22 =	vld [tilespmem:$0x1FF40]  }
0x262: {  	v20 =	vld [tilespmem:$0x1FEC0]  }
0x263: {  	v4 =	vmax.f32 v1, v2;
	v21 =	vld [tilespmem:$0x1FEE0]  }
0x264: {  	v4 =	vmax.f32 v4, v13  }
0x265: {  	v4 =	vmax.f32 v4, v11  }
0x266: {  	v4 =	vmax.f32 v4, v22  }
0x267: {  	v4 =	vmax.f32 v4, v20  }
0x268: {  	v4 =	vmax.f32 v4, v21  }
0x269: {  	v4 =	vmax.f32 v4, v0  }
0x26a: {  	(xrf0) =	vmax.scan.msk.f32 $0xffff, v4;
	_ =	sdelay $0x3  }
0x26b: {  	v36 =	vld [tilespmem:$0x1FF60];
	_ =	sdelay $0x1  }
0x26c: {  	v4, _, _ =	vpop (xrf0)  }
0x26d: {  	v26 =	vlaneseq.u32;
	v5 =	vbroadcast v4, $0xF;
	v4 =	vld [tilespmem:$0x1FF10]  }
0x26e: {  	v3 =	vshll.u32 v3, $0x4;
	v7 =	vor.u32 $0x1000, v26  }
0x26f: {  	v3 =	vadd.s32 v7, v3;
	vm0 =	veq.f32 v2, v5;
	v2 =	vshll.u32 v36, $0x4  }
0x270: {  	v27 =	vld [tilespmem:$0x1FF30];
	v2 =	vor.u32 v26, v2;
	v3 =	vnsel vm0, $0x7FFFFFFF, v3  }
0x271: {  	vm9 =	veq.f32 v1, v5;
	vm1 =	vlt.s32 v2, v3  }
0x272: {  	v1 =	vshll.u32 v4, $0x4;
	v2 =	vsel vm1, v2, v3;
	v4 =	vor.u32 $0x2000, v26  }
0x273: {  	v2 =	vsel vm9, v2, v3;
	v1 =	vadd.s32 v4, v1  }
0x274: {  	vm10 =	veq.f32 v13, v5;
	vm11 =	vlt.s32 v2, v1  }
0x275: {  	v13 =	vor.u32 $0x3000, v26;
	v3 =	vshll.u32 v27, $0x4;
	v27 =	vld [tilespmem:$0x1FF50];
	v1 =	vsel vm11, v2, v1  }
0x276: {  	v36 =	vadd.s32 v13, v3;
	v1 =	vsel vm10, v1, v2  }
0x277: {  	vm13 =	vlt.s32 v1, v36  }
0x278: {  	v2 =	vsel vm13, v1, v36;
	v36 =	vld [tilespmem:$0x1FED0];
	_ =	sdelay $0x1  }
0x279: {  	vm12 =	veq.f32 v11, v5;
	v11 =	vor.u32 $0x4000, v26;
	v3 =	vshll.u32 v27, $0x4  }
0x27a: {  	vm14 =	veq.f32 v22, v5;
	v22 =	vld [tilespmem:$0x1FEF0];
	v1 =	vsel vm12, v2, v1;
	v2 =	vadd.s32 v11, v3  }
0x27b: {  	vm15 =	vlt.s32 v1, v2  }
0x27c: {  	v27 =	vmovc v0;
	v3 =	vor.u32 $0x5000, v26;
	v2 =	vsel vm15, v1, v2;
	v0 =	vshll.u32 v36, $0x4  }
0x27d: {  	v2 =	vsel vm14, v2, v1;
	v0 =	vadd.s32 v3, v0  }
0x27e: {  	vm4 =	veq.f32 v20, v5;
	vm5 =	vlt.s32 v2, v0  }
0x27f: {  	v1 =	vor.u32 $0x6000, v26;
	v36 =	vshll.u32 v22, $0x4;
	v0 =	vsel vm5, v2, v0  }
0x280: {  	v0 =	vsel vm4, v0, v2;
	v2 =	vadd.s32 v1, v36;
	v36 =	vld [tilespmem:$0x1FF00];
	_ =	sdelay $0x4  }
0x281: {  	v20 =	vshll.u32 v36, $0x4;
	v36 =	vmax.f32 v17, v18  }
0x282: {  	vm7 =	vlt.s32 v0, v2  }
0x283: {  	vm6 =	veq.f32 v21, v5;
	v21 =	vsel vm7, v0, v2  }
0x284: {  	v0 =	vsel vm6, v21, v0;
	v21 =	vmax.f32 v36, v28;
	v36 =	vmov v28;
	v28 =	vld [tilespmem:$0x1FDE0]  }
0x285: {  	vm8 =	veq.f32 v27, v5;
	v27 =	vld [tilespmem:$0x1FE00]  }
0x286: {  	v22 =	vld [tilespmem:$0x1FD70]  }
0x287: {  	v2 =	vor.u32 $0x7000, v26  }
0x288: {  	v20 =	vadd.s32 v2, v20  }
0x289: {  	vm0 =	vlt.s32 v0, v20;
	v21 =	vmax.f32 v21, v28  }
0x28a: {  	v5 =	vsel vm0, v0, v20;
	v20 =	vmax.f32 v21, v27  }
0x28b: {  	v0 =	vsel vm8, v5, v0;
	v5 =	vmax.f32 v20, v22;
	v20 =	vld [tilespmem:$0x1FD90]  }
0x28c: {  	v21 =	vld [tilespmem:$0x1FDB0];
	_ =	sdelay $0x3  }
0x28d: {  	v0 =	vxor.u32 $0x80000000, v0;
	v5 =	vmax.f32 v5, v20  }
0x28e: {  	(xrf0) =	vmin.scan.msk.u32 $0xffff, v0;
	v5 =	vmax.f32 v5, v21  }
0x28f: {  	(xrf0) =	vmax.scan.msk.f32 $0xffff, v5;
	_ =	sdelay $0x4  }
0x290: {  	v5, _, _ =	vpop (xrf0)  }
0x291: {  	v0, _, _ =	vpop (xrf0)  }
0x292: {  	v0 =	vbroadcast v0, $0xF;
	_ =	sdelay $0x1  }
0x293: {  	vm9 =	veq.f32 v18, v0;
	v18 =	vld [tilespmem:$0x1FE20];
	_ =	sdelay $0x3  }
0x294: {  	v19 =	vshll.u32 v19, $0x4  }
0x295: {  	v19 =	vadd.s32 v7, v19;
	v18 =	vshll.u32 v18, $0x4  }
0x296: {  	v19 =	vnsel vm9, $0x7FFFFFFF, v19;
	v18 =	vor.u32 v26, v18  }
0x297: {  	vm0 =	vlt.s32 v18, v19  }
0x298: {  	vm10 =	veq.f32 v17, v0;
	v17 =	vsel vm0, v18, v19;
	v18 =	vld [tilespmem:$0x1FDD0];
	_ =	sdelay $0x2  }
0x299: {  	vm12 =	veq.f32 v36, v0;
	v36 =	vld [tilespmem:$0x1FDF0];
	_ =	sdelay $0x1  }
0x29a: {  	v18 =	vshll.u32 v18, $0x4  }
0x29b: {  	v17 =	vsel vm10, v17, v19;
	v18 =	vadd.s32 v4, v18  }
0x29c: {  	vm11 =	vlt.s32 v17, v18  }
0x29d: {  	v19 =	vshll.u32 v36, $0x4;
	v18 =	vsel vm11, v17, v18  }
0x29e: {  	v36 =	vadd.s32 v13, v19;
	v17 =	vsel vm12, v18, v17  }
0x29f: {  	vm13 =	vlt.s32 v17, v36  }
0x2a0: {  	v18 =	vsel vm13, v17, v36;
	v36 =	vld [tilespmem:$0x1FE10];
	_ =	sdelay $0x4  }
0x2a1: {  	vm14 =	veq.f32 v28, v0;
	v19 =	vshll.u32 v36, $0x4;
	v36 =	vld [tilespmem:$0x1FD80]  }
0x2a2: {  	v17 =	vsel vm14, v18, v17;
	v28 =	vadd.s32 v11, v19  }
0x2a3: {  	vm15 =	vlt.s32 v17, v28  }
0x2a4: {  	v18 =	vsel vm15, v17, v28;
	v28 =	vld [tilespmem:$0x1FDA0];
	_ =	sdelay $0x1  }
0x2a5: {  	vm4 =	veq.f32 v27, v0;
	v19 =	vshll.u32 v36, $0x4  }
0x2a6: {  	vm6 =	veq.f32 v22, v0;
	v22 =	vld [tilespmem:$0x1FDC0];
	v17 =	vsel vm4, v18, v17;
	v27 =	vadd.s32 v3, v19  }
0x2a7: {  	vm5 =	vlt.s32 v17, v27  }
0x2a8: {  	v18 =	vsel vm5, v17, v27;
	v19 =	vshll.u32 v28, $0x4  }
0x2a9: {  	v17 =	vsel vm6, v18, v17;
	v36 =	vadd.s32 v1, v19  }
0x2aa: {  	vm7 =	veq.f32 v20, v0;
	vm1 =	vlt.s32 v17, v36  }
0x2ab: {  	v27 =	vmax.f32 v33, v34;
	v19 =	vshll.u32 v22, $0x4;
	v18 =	vsel vm1, v17, v36  }
0x2ac: {  	v28 =	vadd.s32 v2, v19;
	v36 =	vmax.f32 v27, v59;
	v17 =	vsel vm7, v18, v17  }
0x2ad: {  	v19 =	vmax.f32 v36, v60;
	vm0 =	vlt.s32 v17, v28  }
0x2ae: {  	vm8 =	veq.f32 v21, v0;
	v22 =	vmax.f32 v19, v61;
	v21 =	vsel vm0, v17, v28  }
0x2af: {  	v27 =	vmax.f32 v22, v39;
	v0 =	vsel vm8, v21, v17  }
0x2b0: {  	v17 =	vmax.f32 v27, v45;
	v0 =	vxor.u32 $0x80000000, v0  }
0x2b1: {  	v28 =	vmax.f32 v17, v55;
	(xrf0) =	vmin.scan.msk.u32 $0xffff, v0  }
0x2b2: {  	(xrf0) =	vmax.scan.msk.f32 $0xffff, v28  }
0x2b3: {  	vm11 =	vgt.f32 v31, v15  }
0x2b4: {  	v35 =	vshll.u32 v35, $0x4;
	v15 =	vsel vm11, v31, v15;
	vm12 =	vgt.f32 v32, v16  }
0x2b5: {  	v20 =	vimm.s32 $0x0;
	v16 =	vsel vm12, v32, v16;
	vm15 =	vgt.f32 v30, v15  }
0x2b6: {  	v15 =	vsel vm15, v30, v15;
	v36 =	vshll.u32 v62, $0x4;
	v18 =	vadd.s32 v7, v35  }
0x2b7: {  	vm7 =	vgt.f32 v29, v6;
	v35 =	vimm.s32 $0x0;
	v19 =	vor.u32 v26, v36;
	v17, _, _ =	vpop (xrf0)  }
0x2b8: {  	v21 =	vsel vm7, v29, v6;
	v27 =	vshll.u32 v57, $0x4;
	vm8 =	vgt.f32 v10, v16;
	v0, _, _ =	vpop (xrf0)  }
0x2b9: {  	v29 =	vadd.s32 v13, v27;
	vm14 =	vgt.f32 v24, v21;
	v0 =	vbroadcast v0, $0xF  }
0x2ba: {  	v10 =	vsel vm8, v10, v16;
	v27 =	vshll.u32 v42, $0x4;
	v28 =	vimm.s32 $0x0  }
0x2bb: {  	vm9 =	veq.f32 v33, v0;
	vm10 =	veq.f32 v34, v0;
	vm3 =	veq.f32 v59, v0  }
0x2bc: {  	vm4 =	veq.f32 v60, v0;
	vm5 =	veq.f32 v61, v0;
	vm2 =	veq.f32 v39, v0  }
0x2bd: {  	v61 =	vshll.u32 v58, $0x4;
	vm1 =	veq.f32 v55, v0;
	v33 =	vimm.s32 $0x0  }
0x2be: {  	v34 =	vshll.u32 v56, $0x4;
	v39 =	vimm.s32 $0x0;
	v18 =	vnsel vm10, $0x7FFFFFFF, v18  }
0x2bf: {  	v55 =	vimm.s32 $0x0;
	v58 =	vimm.s32 $0x0;
	vm0 =	vlt.s32 v19, v18  }
0x2c0: {  	v62 =	vadd.s32 v4, v61;
	v36 =	vadd.s32 v11, v34;
	v19 =	vsel vm0, v19, v18  }
0x2c1: {  	v61 =	vshll.u32 v38, $0x4;
	vm10 =	vgt.f32 v25, v10;
	v18 =	vsel vm9, v19, v18  }
0x2c2: {  	v10 =	vsel vm10, v25, v10;
	vm0 =	veq.f32 v45, v0;
	vm6 =	vlt.s32 v18, v62  }
0x2c3: {  	v0 =	vsel vm7, $0xFFFFFFFF, v20;
	v45 =	vld [tilespmem:$0x1FCC0];
	v19 =	vsel vm12, $0xFFFFFFFF, v33;
	v22 =	vsel vm6, v18, v62  }
0x2c4: {  	[tilespmem:$0x1FBC0] =	vst v0;
	v0 =	vsel vm14, v24, v21;
	v21 =	vadd.s32 v2, v27;
	v6 =	vsel vm3, v22, v18  }
0x2c5: {  	v33 =	vmax.f32 v47, v48;
	[tilespmem:$0x1FBE0] =	vst v19;
	v18 =	vsel vm11, $0xFFFFFFFF, v28;
	vm13 =	vlt.s32 v6, v29  }
0x2c6: {  	v19 =	vsel vm15, $0xFFFFFFFF, v39;
	vm12 =	vgt.f32 v12, v0;
	[tilespmem:$0x1FBD0] =	vst v18;
	v18 =	vsel vm13, v6, v29  }
0x2c7: {  	v0 =	vsel vm12, v12, v0;
	v22 =	vimm.s32 $0x0;
	v6 =	vsel vm4, v18, v6  }
0x2c8: {  	s3 =	sor.u32 s19, s23;
	[tilespmem:$0x1FC00] =	vst v19;
	v19 =	vshll.u32 v45, $0x4;
	v18 =	vsel vm14, $0xFFFFFFFF, v35;
	vm7 =	vlt.s32 v6, v36  }
0x2c9: {  	v60 =	vld [tilespmem:s3+$0x0];
	v56 =	vadd.s32 v3, v19;
	v19 =	vsel vm10, $0xFFFFFFFF, v22;
	[tilespmem:$0x1FBF0] =	vst v18;
	v18 =	vsel vm7, v6, v36  }
0x2ca: {  	vm13 =	vgt.f32 v44, v10;
	vm4 =	vgt.f32 v14, v15;
	v6 =	vsel vm5, v18, v6  }
0x2cb: {  	s5 =	sor.u32 $0xC080, s31;
	v57 =	vld [tilespmem:s4+$0x0];
	vm14 =	vgt.f32 v41, v0;
	v10 =	vsel vm13, v44, v10;
	vm9 =	vlt.s32 v6, v56  }
0x2cc: {  	s7 =	sor.u32 $0xE080, s31;
	s6 =	sor.u32 s19, s5;
	v16 =	vsel vm4, $0xFFFFFFFF, v58;
	v18 =	vsel vm8, $0xFFFFFFFF, v55;
	v59 =	vsel vm9, v6, v56  }
0x2cd: {  	s8 =	sor.u32 s19, s7;
	v62 =	vld [tilespmem:s6+$0x0];
	v14 =	vsel vm4, v14, v15;
	[tilespmem:$0x1FC20] =	vst v18;
	v18 =	vadd.s32 v1, v61;
	v6 =	vsel vm2, v59, v6  }
0x2ce: {  	s9 =	sor.u32 s20, s5;
	v24 =	vld [tilespmem:s8+$0x0];
	v0 =	vsel vm14, v41, v0;
	vm4 =	vgt.f32 v60, v9;
	vm11 =	vlt.s32 v6, v18  }
0x2cf: {  	s10 =	sor.u32 s20, s7;
	v25 =	vld [tilespmem:s9+$0x0];
	vm15 =	vgt.f32 v43, v14;
	v9 =	vsel vm4, v60, v9;
	v18 =	vsel vm11, v6, v18  }
0x2d0: {  	s11 =	sor.u32 s1, s5;
	v28 =	vld [tilespmem:s10+$0x0];
	v34 =	vmax.f32 v33, v0;
	vm6 =	vgt.f32 v57, v9;
	v6 =	vsel vm0, v18, v6  }
0x2d1: {  	s12 =	sor.u32 s1, s7;
	v29 =	vld [tilespmem:s11+$0x0];
	v14 =	vsel vm15, v43, v14;
	v9 =	vsel vm6, v57, v9;
	vm0 =	vlt.s32 v6, v21  }
0x2d2: {  	s19 =	sor.u32 s26, s5;
	v30 =	vld [tilespmem:s12+$0x0];
	vm3 =	vgt.f32 v23, v9;
	v21 =	vsel vm0, v6, v21;
	vm0 =	vgt.f32 v62, v63  }
0x2d3: {  	s20 =	sor.u32 s26, s7;
	v31 =	vld [tilespmem:s19+$0x0];
	[tilespmem:$0x1FC10] =	vst v16;
	v6 =	vsel vm1, v21, v6;
	vm1 =	vgt.f32 v24, v8;
	v16 =	vsel vm0, v62, v63  }
0x2d4: {  	v32 =	vld [tilespmem:s20+$0x0];
	v9 =	vsel vm3, v23, v9;
	v8 =	vsel vm1, v24, v8;
	vm9 =	vgt.f32 v25, v16  }
0x2d5: {  	vm2 =	vgt.f32 v37, v9;
	vm11 =	vgt.f32 v28, v8;
	v16 =	vsel vm9, v25, v16  }
0x2d6: {  	v9 =	vsel vm2, v37, v9;
	v8 =	vsel vm11, v28, v8;
	vm7 =	vgt.f32 v29, v16  }
0x2d7: {  	v15 =	vsel vm7, v29, v16;
	vm10 =	vgt.f32 v30, v8;
	v16 =	vmax.f32 v34, v14  }
0x2d8: {  	v41 =	vld [tilespmem:$0x1FBC0];
	v8 =	vsel vm10, v30, v8;
	v16 =	vmax.f32 v16, v10;
	vm5 =	vgt.f32 v31, v15  }
0x2d9: {  	v43 =	vld [tilespmem:$0x1FBD0];
	v12 =	vsel vm5, v31, v15;
	v35 =	vmax.f32 v16, v9;
	vm8 =	vgt.f32 v32, v8  }
0x2da: {  	v6 =	vxor.u32 $0x80000000, v6;
	v8 =	vsel vm8, v32, v8;
	v15 =	vmax.f32 v35, v12  }
0x2db: {  	v44 =	vld [tilespmem:$0x1FBE0];
	(xrf0) =	vmin.scan.msk.u32 $0xffff, v6;
	v36 =	vmax.f32 v15, v8  }
0x2dc: {  	v45 =	vld [tilespmem:$0x1FBF0];
	(xrf0) =	vmax.scan.msk.f32 $0xffff, v36  }
0x2dd: {  	v37 =	vsel vm4, s0, v40;
	vm4 =	vnez.u8 v41  }
0x2de: {  	[tilespmem:$0x1FC30] =	vst v19;
	v19 =	vsel vm4, s0, v54;
	vm4 =	vnez.u8 v43;
	v39 =	vsel vm0, s0, v50;
	v50 =	vld [tilespmem:$0x1FCD0]  }
0x2df: {  	v21 =	vsel vm4, s0, v52;
	v52 =	vld [tilespmem:$0x1FC00]  }
0x2e0: {  	vm4 =	vnez.u8 v44;
	v40 =	vsel vm1, s0, v51  }
0x2e1: {  	v22 =	vsel vm4, s0, v53;
	vm4 =	vnez.u8 v45;
	v51 =	vshll.u32 v49, $0x4;
	v38, _, _ =	vpop (xrf0)  }
0x2e2: {  	v53 =	vld [tilespmem:$0x1FC10];
	v19 =	vsel vm4, s28, v19;
	v7 =	vadd.s32 v7, v51;
	v42, _, _ =	vpop (xrf0)  }
0x2e3: {  	v19 =	vsel vm12, s29, v19;
	vm4 =	vnez.u8 v50;
	v20 =	vbroadcast v42, $0xF  }
0x2e4: {  	v56 =	vld [tilespmem:$0x1FC30];
	v19 =	vsel vm14, s30, v19;
	vm12 =	vnez.u8 v52;
	v23 =	vsel vm4, s30, v46  }
0x2e5: {  	v54 =	vld [tilespmem:$0x1FC20];
	v19 =	vshll.u32 v19, $0x4;
	v23 =	vshll.u32 v23, $0x4;
	vm4 =	veq.f32 v48, v20  }
0x2e6: {  	v21 =	vsel vm12, s28, v21;
	v23 =	vor.u32 v26, v23;
	v7 =	vnsel vm4, $0x7FFFFFFF, v7  }
0x2e7: {  	vm14 =	vnez.u8 v53;
	v4 =	vadd.s32 v4, v19;
	vm4 =	vlt.s32 v23, v7  }
0x2e8: {  	v21 =	vsel vm14, s29, v21;
	vm12 =	veq.f32 v47, v20;
	v23 =	vsel vm4, v23, v7  }
0x2e9: {  	v21 =	vsel vm15, s30, v21;
	vm15 =	vnez.u8 v56;
	v7 =	vsel vm12, v23, v7  }
0x2ea: {  	v55 =	vshll.u32 v21, $0x4;
	vm4 =	vnez.u8 v54;
	vm12 =	vlt.s32 v7, v4  }
0x2eb: {  	vm14 =	veq.f32 v0, v20;
	v19 =	vsel vm4, s28, v22;
	v4 =	vsel vm12, v7, v4  }
0x2ec: {  	v0 =	vadd.s32 v13, v55;
	v19 =	vsel vm15, s29, v19;
	v4 =	vsel vm14, v4, v7  }
0x2ed: {  	v6 =	vsel vm6, s28, v37;
	v57 =	vsel vm13, s30, v19;
	vm0 =	vlt.s32 v4, v0  }
0x2ee: {  	vm4 =	veq.f32 v14, v20;
	v7 =	vshll.u32 v57, $0x4;
	v0 =	vsel vm0, v4, v0  }
0x2ef: {  	v6 =	vsel vm3, s29, v6;
	v58 =	vadd.s32 v11, v7;
	v0 =	vsel vm4, v0, v4  }
0x2f0: {  	v59 =	vsel vm9, s28, v39;
	v6 =	vsel vm2, s30, v6;
	vm0 =	vlt.s32 v0, v58  }
0x2f1: {  	v6 =	vshll.u32 v6, $0x4;
	vm6 =	veq.f32 v10, v20;
	v4 =	vsel vm0, v0, v58  }
0x2f2: {  	v3 =	vadd.s32 v3, v6;
	v7 =	vsel vm7, s29, v59;
	v0 =	vsel vm6, v4, v0  }
0x2f3: {  	v60 =	vsel vm11, s28, v40;
	v61 =	vsel vm5, s30, v7;
	vm0 =	vlt.s32 v0, v3  }
0x2f4: {  	vm9 =	veq.f32 v9, v20;
	v6 =	vshll.u32 v61, $0x4;
	v3 =	vsel vm0, v0, v3  }
0x2f5: {  	v1 =	vadd.s32 v1, v6;
	v4 =	vsel vm10, s29, v60;
	v0 =	vsel vm9, v3, v0  }
0x2f6: {  	v62 =	vsel vm8, s30, v4;
	vm0 =	vlt.s32 v0, v1  }
0x2f7: {  	vm10 =	veq.f32 v12, v20;
	v3 =	vshll.u32 v62, $0x4;
	v1 =	vsel vm0, v0, v1  }
0x2f8: {  	v2 =	vadd.s32 v2, v3;
	v0 =	vsel vm10, v1, v0  }
0x2f9: {  	vm0 =	vlt.s32 v0, v2  }
0x2fa: {  	vm11 =	veq.f32 v8, v20;
	v1 =	vsel vm0, v0, v2  }
0x2fb: {  	v0 =	vsel vm11, v1, v0  }
0x2fc: {  	v0 =	vxor.u32 $0x80000000, v0  }
0x2fd: {  	(xrf0) =	vmin.scan.msk.u32 $0xffff, v0;
	_ =	sdelay $0x2  }
0x2fe: {  	(v2sf) =	vpush v5, $0xF;
	_ =	sdelay $0x1  }
0x2ff: {  	(v2sf) =	vpush v17, $0xF  }
0x300: {  	(v2sf) =	vpush v38, $0xF;
	v0, _, _ =	vpop (xrf0)  }
0x301: {  	(v2sf) =	vpush v0, $0xF;
	_ =	sdelay $0xa  }
0x302: {  	s21 =	spop (v2sf)  }
0x303: {  	s0 =	sxor.u32 $0x80000000, s21  }
0x304: {  	s22 =	spop (v2sf);
	v63 =	vmov s0;
	vm12 =	vcmask $0x300  }
0x305: {  	s1 =	sxor.u32 $0x80000000, s22;
	s23 =	spop (v2sf);
	vm13 =	vcmask $0x704;
	v0 =	vnsel vm12, $0x0, v63  }
0x306: {  	s0 =	sxor.u32 $0x80000000, s23;
	vm14 =	vcmask $0xB08;
	v0 =	vsel vm13, s1, v0;
	s24 =	spop (v2sf)  }
0x307: {  	vm15 =	vcmask $0xF0C;
	v0 =	vsel vm14, s0, v0;
	s25 =	sxor.u32 $0x80000000, s24  }
0x308: {  	v0 =	vsel vm15, s25, v0  }
0x309: {  	s26 =	rddreg [dreg:$0xd];
	s28 =	simm.s32 $0x10000;
	s29 =	simm.s32 $0x3;
	[tilespmem:$0x10000] =	vst v0  }
0x30a: {  	[hbm4b:s26+s2] =	stream.linear.scatter [tilespmem:s28], [sflag:$0x3], $0x80, $0x38;
	[tilespmem:$0x10080] =	vst v63  }
0x30b: {  	_ =	swait.ge [sflag:s29], $0x80  }
0x30c: {  	s30 =	rddreg [dreg:$0xf]  }
0x30d: {  	s31 =	rddreg [dreg:$0xe]  }
0x30e: {  	s19 =	rddreg [dreg:$0x3]  }
0x30f: {  	s20 =	rddreg [dreg:$0x4]  }
0x310: {  	s21 =	rddreg [dreg:$0x5]  }
0x311: {  	s22 =	rddreg [dreg:$0x6];
	s3 =	sadd.s32 $0x1, s30  }
0x312: {  	s8 =	rddreg [dreg:$0x7];
	p0 =	sne.s32 s3, s31  }
.Ltmp20:
0x313: {  	s9 =	rddreg [dreg:$0x8];
	(pc) =	sbr.rel @p0 .LBB2_1-.Ltmp20, $4  }
0x314: {  	s23 =	rddreg [dreg:$0x9]  }
0x315: {  	s10 =	rddreg [dreg:$0xa]  }
0x316: {  	[sflag:s29] =	ssyncset.done $0x0;
	s11 =	rddreg [dreg:$0xb]  }
0x317: {  	s12 =	rddreg [dreg:$0xc];
	[sflag:s29] =	ssyncadd.s32 $0xFFFFFF80  }
0x318: {  	_ =	sfence.sel $0x180000  }
0x319: {  	[bflag:$0x0] =	sbarrier.arrive $0xFFFF  }
0x31a: {  	_ =	strace $0x90000047  }
0x31b: {  	s0 =	stileid.u32;
	[bflag:$0x2] =	sbarrier.arrive $0xFFFF  }
0x31c: {  	p0 =	sne.s32 s0, $0x0;
	s0 =	rddreg [dreg:$0x2]  }
0x31d: {  	s0 =	sadd.s32 @!p0 $0x100000, s0  }
0x31e: {  	[sflag:s0] =	ssyncadd.tile.s32 @!p0 $0x1;
	_ =	shalt  }
.Lfunc_end2:
_tile_overlayer_lowered:
.L_overlay_start_2:
0x31f: {  	(tag) =	ssettag $0x2  }
0x320: {  	s0 =	rddreg [dreg:$0x0];
	s2 =	stileid.u32  }
0x321: {  	s1 =	rddreg [dreg:$0x1];
	p0 =	sne.s32 s2, $0x0  }
0x322: {  	s3 =	rddreg [dreg:$0x2];
	[bflag:$0x3] =	sbarrier.arrive $0xFFFF;
	s2 =	simm.s32 @!p0 $0x1C03  }
0x323: {  	[timem:s3], [sflag:s2] =	dma.local @!p0 [hbm:s0], s1  }
0x324: {  	s0 =	simm.s32 @!p0 $0x3  }
0x325: {  	_ =	swait.ge @!p0 [sflag:s0], s1  }
0x326: {  	s1 =	ssub.s32 @!p0 $0x0, s1;
	[sflag:s0] =	ssyncset.done @!p0 $0x0  }
0x327: {  	[sflag:s0] =	ssyncadd.s32 @!p0 s1  }
0x328: {  	[bflag:$0x3] =	sbarrier.arrive $0xFFFF  }
0x329: {  	_ =	shalt  }

</sc_bundles>
